<compile_context>
chip_gen: v7x
topology: tpu7x:2x2x1
jax: 0.10.2.dev20260603
libtpu: 0.0.44.dev20260713+nightly
codegen_flags: <defaults>
</compile_context>

<pallas_src>
import jax
import jax.numpy as jnp
from jax import lax
from jax.experimental import pallas as pl
from jax.experimental.pallas import tpu as pltpu
from jax.experimental.pallas import tpu_sc as plsc


def _sc_body(thr_hbm, img_hbm, out_hbm, thr_v, buf_r, buf_g, buf_b, row_v,
             colacc, ymax):
    c = lax.axis_index("c")
    s = lax.axis_index("s")
    wid = s * 2 + c

    @pl.when(wid < 16)
    def _():
        img = wid
        pltpu.sync_copy(thr_hbm, thr_v)

        for cc in range(32):
            colacc[pl.ds(cc * 16, 16)] = jnp.zeros((16,), jnp.int32)
        ymax[...] = jnp.full((16,), -1, jnp.int32)

        def chunk_body(chunk, _):
            row0 = chunk * 16
            pltpu.sync_copy(img_hbm.at[img, 0, pl.ds(row0, 16), :], buf_r)
            pltpu.sync_copy(img_hbm.at[img, 1, pl.ds(row0, 16), :], buf_g)
            pltpu.sync_copy(img_hbm.at[img, 2, pl.ds(row0, 16), :], buf_b)

            for r in range(16):
                def col_body(ccd, _, r=r):
                    sl = pl.ds(ccd * 16, 16)
                    gray = (buf_r[r, sl] * 0.299 + buf_g[r, sl] * 0.587 +
                            buf_b[r, sl] * 0.114)
                    blk = gray < thr_v[...]
                    colacc[sl] = jnp.maximum(
                        colacc[sl], jnp.where(blk, jnp.int32(1), jnp.int32(0)))
                    yv = jnp.where(blk, row0 + r, jnp.int32(-1))
                    ymax[...] = jnp.maximum(ymax[...], yv)
                    return 0

                lax.fori_loop(0, 32, col_body, 0)

            pltpu.sync_copy(buf_r, out_hbm.at[img, 0, pl.ds(row0, 16), :])
            pltpu.sync_copy(buf_g, out_hbm.at[img, 1, pl.ds(row0, 16), :])
            pltpu.sync_copy(buf_b, out_hbm.at[img, 2, pl.ds(row0, 16), :])
            return 0

        lax.fori_loop(0, 32, chunk_body, 0)

        ymv = ymax[...]
        y1 = ymv[0]
        for k in range(1, 16):
            y1 = jnp.maximum(y1, ymv[k])

        x0v = jnp.full((16,), 512, jnp.int32)
        x1v = jnp.full((16,), -1, jnp.int32)
        for cc in range(32):
            sl = pl.ds(cc * 16, 16)
            idx = lax.iota(jnp.int32, 16) + cc * 16
            cav = colacc[sl] > 0
            x0v = jnp.minimum(x0v, jnp.where(cav, idx, jnp.int32(512)))
            x1v = jnp.maximum(x1v, jnp.where(cav, idx, jnp.int32(-1)))
        x0 = x0v[0]
        x1 = x1v[0]
        for k in range(1, 16):
            x0 = jnp.minimum(x0, x0v[k])
            x1 = jnp.maximum(x1, x1v[k])

        for j in range(3):
            rowi = y1 - 2 + j

            @pl.when((rowi >= 0) & (rowi <= y1))
            def _():
                for ch in range(3):
                    pltpu.sync_copy(img_hbm.at[img, ch, rowi, :], row_v)

                    def fix_body(ccd, _):
                        sl = pl.ds(ccd * 16, 16)
                        idx = lax.iota(jnp.int32, 16) + ccd * 16
                        keep = jnp.where((idx >= x0) & (idx < x1), 0.0, 1.0)
                        row_v[sl] = row_v[sl] * keep
                        return 0

                    lax.fori_loop(0, 32, fix_body, 0)
                    pltpu.sync_copy(row_v, out_hbm.at[img, ch, rowi, :])


def kernel(img_tensor, threshold):
    B, C, H, W = img_tensor.shape
    thr_arr = jnp.full((16,), threshold, jnp.float32)
    mesh = plsc.VectorSubcoreMesh(core_axis_name="c", subcore_axis_name="s")
    sc_kernel = pl.kernel(
        _sc_body,
        out_type=jax.ShapeDtypeStruct((B, C, H, W), img_tensor.dtype),
        mesh=mesh,
        scratch_types=[
            pltpu.VMEM((16,), jnp.float32),
            pltpu.VMEM((16, 512), jnp.float32),
            pltpu.VMEM((16, 512), jnp.float32),
            pltpu.VMEM((16, 512), jnp.float32),
            pltpu.VMEM((512,), jnp.float32),
            pltpu.VMEM((512,), jnp.int32),
            pltpu.VMEM((16,), jnp.int32),
        ],
    )
    return sc_kernel(thr_arr, img_tensor)

# --- scband reference (transcript-rebuilt; emitter-appended) ---
"""Pipeline reference for scband-underline-86234353369244 (READ-ONLY COPY).

The authoritative reference and input builder live on the scoring server;
editing this copy changes nothing except your own understanding.
"""

import jax, jax.numpy as jnp
import numpy as np


def setup_inputs(seed: int = 0) -> dict:
    key = jax.random.key(seed)
    img_tensor = jax.random.uniform(key, (16, 3, 512, 512), dtype=jnp.float32)
    threshold = jnp.asarray(0.5, dtype=jnp.float32)
    return {"img_tensor": img_tensor, "threshold": threshold}


def reference(img_tensor, threshold=0.5):
    # rgb_to_grayscale with ITU-R 601 weights (matches torchvision)
    B, C, H, W = img_tensor.shape
    w = jnp.array([0.299, 0.587, 0.114], dtype=img_tensor.dtype)
    gray = jnp.tensordot(w, img_tensor, axes=[[0], [1]])  # [B, H, W]

    black = gray < threshold  # [B, H, W]
    ys = jnp.arange(H)
    xs = jnp.arange(W)

    row_any = jnp.any(black, axis=2)  # [B, H]
    col_any = jnp.any(black, axis=1)  # [B, W]

    # y1 = max y index of a black pixel; x0/x1 = min/max x index
    y1 = jnp.max(jnp.where(row_any, ys[None, :], -1), axis=1)   # [B]
    x0 = jnp.min(jnp.where(col_any, xs[None, :], W), axis=1)    # [B]
    x1 = jnp.max(jnp.where(col_any, xs[None, :], -1), axis=1)   # [B]

    # torch loop: x in [x0, x1), y in {y1, y1-1, y1-2} -> scatter-write mask = 1
    ygrid = ys[None, :, None]  # [1, H, 1]
    xgrid = xs[None, None, :]  # [1, 1, W]
    mask = ((ygrid <= y1[:, None, None]) &
            (ygrid >= (y1 - 2)[:, None, None]) &
            (xgrid >= x0[:, None, None]) &
            (xgrid < x1[:, None, None]))  # [B, H, W]
    # if no black pixels exist, y1=-1/x1=-1/x0=W -> empty mask -> returns img unchanged,
    # matching the torch exception path.
    mask = mask[:, None, :, :].astype(img_tensor.dtype)  # broadcast over channels

    out = img_tensor * (1.0 - mask) + mask * 0.0
    return out

if __name__ == "__main__":
    import jax
    _d = setup_inputs()
    print(jax.jit(kernel)(*tuple(_d.values())))

</pallas_src>

<mosaic_0001>
#map = affine_map<(d0, d1) -> (0)>
#map1 = affine_map<(d0, d1) -> (0, 0, 0, 0)>
module attributes {stable_mosaic.version = 14 : i64} {
  func.func @_sc_body(%arg0: i32, %arg1: i32, %arg2: memref<16xf32, #tpu.memory_space<hbm>>, %arg3: memref<16x3x512x512xf32, #tpu.memory_space<hbm>>, %arg4: memref<16x3x512x512xf32, #tpu.memory_space<hbm>>, %arg5: memref<16xf32, #tpu.memory_space<vmem>>, %arg6: memref<16x512xf32, #tpu.memory_space<vmem>>, %arg7: memref<16x512xf32, #tpu.memory_space<vmem>>, %arg8: memref<16x512xf32, #tpu.memory_space<vmem>>, %arg9: memref<512xf32, #tpu.memory_space<vmem>>, %arg10: memref<512xi32, #tpu.memory_space<vmem>>, %arg11: memref<16xi32, #tpu.memory_space<vmem>>) attributes {dimension_semantics = [#tpu.dimension_semantics<core_parallel>, #tpu.dimension_semantics<subcore_parallel>], iteration_bounds = array<i64: 2, 16>, scalar_prefetch = 0 : i64, scratch_operands = 7 : i64, tpu.core_type = #tpu.core_type<sc_vector_subcore>, window_params = [{transform_indices = #map}, {transform_indices = #map1}, {transform_indices = #map1}]} {
    %mul3A = arith.constant 2 : i32
    %mul3A_0 = arith.muli %arg1, %mul3A : i32
    %add3A = arith.addi %mul3A_0, %arg0 : i32
    %lt3A = arith.constant 16 : i32
    %lt3A_1 = arith.cmpi slt, %add3A, %lt3A : i32
    %convert_element_type3A = arith.extui %lt3A_1 : i1 to i32
    %cond3A = arith.constant 0 : i32
    %cond3A_2 = arith.cmpi ne, %convert_element_type3A, %cond3A : i32
    scf.if %cond3A_2 {
      "tpu.region"() ({
        %run_scoped3A = tpu.sem_alloc : memref<!tpu.dma_semaphore, #tpu.memory_space<semaphore_mem>>
        tpu.enqueue_dma source(%arg2 : memref<16xf32, #tpu.memory_space<hbm>>) target(%arg5 : memref<16xf32, #tpu.memory_space<vmem>>) target_semaphore(%run_scoped3A : memref<!tpu.dma_semaphore, #tpu.memory_space<semaphore_mem>>)
        tpu.wait_dma2 semaphore(%run_scoped3A : memref<!tpu.dma_semaphore, #tpu.memory_space<semaphore_mem>>) src(%arg2 : memref<16xf32, #tpu.memory_space<hbm>>) dst(%arg5 : memref<16xf32, #tpu.memory_space<vmem>>)
        tpu.yield
      }) : () -> ()
      %broadcast_in_dim3A = arith.constant 0 : i32
      %broadcast_in_dim3A_3 = vector.broadcast %broadcast_in_dim3A : i32 to vector<16xi32>
      %swap3A = arith.constant 0 : index
      %swap3A_4 = tpu.vector_load %arg10[%swap3A] {strides = array<i32>} : memref<512xi32, #tpu.memory_space<vmem>>, vector<16xi32>,
      %swap3A_5 = vector.shape_cast %swap3A_4 : vector<16xi32> to vector<16xi32>
      %swap3A_6 = vector.shape_cast %broadcast_in_dim3A_3 : vector<16xi32> to vector<16xi32>
      tpu.vector_store %arg10[%swap3A], %swap3A_6 {strides = array<i32>} : memref<512xi32, #tpu.memory_space<vmem>>, vector<16xi32>,
      %broadcast_in_dim3A_7 = arith.constant 0 : i32
      %broadcast_in_dim3A_8 = vector.broadcast %broadcast_in_dim3A_7 : i32 to vector<16xi32>
      %swap3A_9 = arith.constant 16 : index
      %swap3A_10 = tpu.vector_load %arg10[%swap3A_9] {strides = array<i32>} : memref<512xi32, #tpu.memory_space<vmem>>, vector<16xi32>,
      %swap3A_11 = vector.shape_cast %swap3A_10 : vector<16xi32> to vector<16xi32>
      %swap3A_12 = vector.shape_cast %broadcast_in_dim3A_8 : vector<16xi32> to vector<16xi32>
      tpu.vector_store %arg10[%swap3A_9], %swap3A_12 {strides = array<i32>} : memref<512xi32, #tpu.memory_space<vmem>>, vector<16xi32>,
      %broadcast_in_dim3A_13 = arith.constant 0 : i32
      %broadcast_in_dim3A_14 = vector.broadcast %broadcast_in_dim3A_13 : i32 to vector<16xi32>
      %swap3A_15 = arith.constant 32 : index
      %swap3A_16 = tpu.vector_load %arg10[%swap3A_15] {strides = array<i32>} : memref<512xi32, #tpu.memory_space<vmem>>, vector<16xi32>,
      %swap3A_17 = vector.shape_cast %swap3A_16 : vector<16xi32> to vector<16xi32>
      %swap3A_18 = vector.shape_cast %broadcast_in_dim3A_14 : vector<16xi32> to vector<16xi32>
      tpu.vector_store %arg10[%swap3A_15], %swap3A_18 {strides = array<i32>} : memref<512xi32, #tpu.memory_space<vmem>>, vector<16xi32>,
      %broadcast_in_dim3A_19 = arith.constant 0 : i32
      %broadcast_in_dim3A_20 = vector.broadcast %broadcast_in_dim3A_19 : i32 to vector<16xi32>
      %swap3A_21 = arith.constant 48 : index
      %swap3A_22 = tpu.vector_load %arg10[%swap3A_21] {strides = array<i32>} : memref<512xi32, #tpu.memory_space<vmem>>, vector<16xi32>,
      %swap3A_23 = vector.shape_cast %swap3A_22 : vector<16xi32> to vector<16xi32>
      %swap3A_24 = vector.shape_cast %broadcast_in_dim3A_20 : vector<16xi32> to vector<16xi32>
      tpu.vector_store %arg10[%swap3A_21], %swap3A_24 {strides = array<i32>} : memref<512xi32, #tpu.memory_space<vmem>>, vector<16xi32>,
      %broadcast_in_dim3A_25 = arith.constant 0 : i32
      %broadcast_in_dim3A_26 = vector.broadcast %broadcast_in_dim3A_25 : i32 to vector<16xi32>
      %swap3A_27 = arith.constant 64 : index
      %swap3A_28 = tpu.vector_load %arg10[%swap3A_27] {strides = array<i32>} : memref<512xi32, #tpu.memory_space<vmem>>, vector<16xi32>,
      %swap3A_29 = vector.shape_cast %swap3A_28 : vector<16xi32> to vector<16xi32>
      %swap3A_30 = vector.shape_cast %broadcast_in_dim3A_26 : vector<16xi32> to vector<16xi32>
      tpu.vector_store %arg10[%swap3A_27], %swap3A_30 {strides = array<i32>} : memref<512xi32, #tpu.memory_space<vmem>>, vector<16xi32>,
      %broadcast_in_dim3A_31 = arith.constant 0 : i32
      %broadcast_in_dim3A_32 = vector.broadcast %broadcast_in_dim3A_31 : i32 to vector<16xi32>
      %swap3A_33 = arith.constant 80 : index
      %swap3A_34 = tpu.vector_load %arg10[%swap3A_33] {strides = array<i32>} : memref<512xi32, #tpu.memory_space<vmem>>, vector<16xi32>,
      %swap3A_35 = vector.shape_cast %swap3A_34 : vector<16xi32> to vector<16xi32>
      %swap3A_36 = vector.shape_cast %broadcast_in_dim3A_32 : vector<16xi32> to vector<16xi32>
      tpu.vector_store %arg10[%swap3A_33], %swap3A_36 {strides = array<i32>} : memref<512xi32, #tpu.memory_space<vmem>>, vector<16xi32>,
      %broadcast_in_dim3A_37 = arith.constant 0 : i32
      %broadcast_in_dim3A_38 = vector.broadcast %broadcast_in_dim3A_37 : i32 to vector<16xi32>
      %swap3A_39 = arith.constant 96 : index
      %swap3A_40 = tpu.vector_load %arg10[%swap3A_39] {strides = array<i32>} : memref<512xi32, #tpu.memory_space<vmem>>, vector<16xi32>,
      %swap3A_41 = vector.shape_cast %swap3A_40 : vector<16xi32> to vector<16xi32>
      %swap3A_42 = vector.shape_cast %broadcast_in_dim3A_38 : vector<16xi32> to vector<16xi32>
      tpu.vector_store %arg10[%swap3A_39], %swap3A_42 {strides = array<i32>} : memref<512xi32, #tpu.memory_space<vmem>>, vector<16xi32>,
      %broadcast_in_dim3A_43 = arith.constant 0 : i32
      %broadcast_in_dim3A_44 = vector.broadcast %broadcast_in_dim3A_43 : i32 to vector<16xi32>
      %swap3A_45 = arith.constant 112 : index
      %swap3A_46 = tpu.vector_load %arg10[%swap3A_45] {strides = array<i32>} : memref<512xi32, #tpu.memory_space<vmem>>, vector<16xi32>,
      %swap3A_47 = vector.shape_cast %swap3A_46 : vector<16xi32> to vector<16xi32>
      %swap3A_48 = vector.shape_cast %broadcast_in_dim3A_44 : vector<16xi32> to vector<16xi32>
      tpu.vector_store %arg10[%swap3A_45], %swap3A_48 {strides = array<i32>} : memref<512xi32, #tpu.memory_space<vmem>>, vector<16xi32>,
      %broadcast_in_dim3A_49 = arith.constant 0 : i32
      %broadcast_in_dim3A_50 = vector.broadcast %broadcast_in_dim3A_49 : i32 to vector<16xi32>
      %swap3A_51 = arith.constant 128 : index
      %swap3A_52 = tpu.vector_load %arg10[%swap3A_51] {strides = array<i32>} : memref<512xi32, #tpu.memory_space<vmem>>, vector<16xi32>,
      %swap3A_53 = vector.shape_cast %swap3A_52 : vector<16xi32> to vector<16xi32>
      %swap3A_54 = vector.shape_cast %broadcast_in_dim3A_50 : vector<16xi32> to vector<16xi32>
      tpu.vector_store %arg10[%swap3A_51], %swap3A_54 {strides = array<i32>} : memref<512xi32, #tpu.memory_space<vmem>>, vector<16xi32>,
      %broadcast_in_dim3A_55 = arith.constant 0 : i32
      %broadcast_in_dim3A_56 = vector.broadcast %broadcast_in_dim3A_55 : i32 to vector<16xi32>
      %swap3A_57 = arith.constant 144 : index
      %swap3A_58 = tpu.vector_load %arg10[%swap3A_57] {strides = array<i32>} : memref<512xi32, #tpu.memory_space<vmem>>, vector<16xi32>,
      %swap3A_59 = vector.shape_cast %swap3A_58 : vector<16xi32> to vector<16xi32>
      %swap3A_60 = vector.shape_cast %broadcast_in_dim3A_56 : vector<16xi32> to vector<16xi32>
      tpu.vector_store %arg10[%swap3A_57], %swap3A_60 {strides = array<i32>} : memref<512xi32, #tpu.memory_space<vmem>>, vector<16xi32>,
      %broadcast_in_dim3A_61 = arith.constant 0 : i32
      %broadcast_in_dim3A_62 = vector.broadcast %broadcast_in_dim3A_61 : i32 to vector<16xi32>
      %swap3A_63 = arith.constant 160 : index
      %swap3A_64 = tpu.vector_load %arg10[%swap3A_63] {strides = array<i32>} : memref<512xi32, #tpu.memory_space<vmem>>, vector<16xi32>,
      %swap3A_65 = vector.shape_cast %swap3A_64 : vector<16xi32> to vector<16xi32>
      %swap3A_66 = vector.shape_cast %broadcast_in_dim3A_62 : vector<16xi32> to vector<16xi32>
      tpu.vector_store %arg10[%swap3A_63], %swap3A_66 {strides = array<i32>} : memref<512xi32, #tpu.memory_space<vmem>>, vector<16xi32>,
      %broadcast_in_dim3A_67 = arith.constant 0 : i32
      %broadcast_in_dim3A_68 = vector.broadcast %broadcast_in_dim3A_67 : i32 to vector<16xi32>
      %swap3A_69 = arith.constant 176 : index
      %swap3A_70 = tpu.vector_load %arg10[%swap3A_69] {strides = array<i32>} : memref<512xi32, #tpu.memory_space<vmem>>, vector<16xi32>,
      %swap3A_71 = vector.shape_cast %swap3A_70 : vector<16xi32> to vector<16xi32>
      %swap3A_72 = vector.shape_cast %broadcast_in_dim3A_68 : vector<16xi32> to vector<16xi32>
      tpu.vector_store %arg10[%swap3A_69], %swap3A_72 {strides = array<i32>} : memref<512xi32, #tpu.memory_space<vmem>>, vector<16xi32>,
      %broadcast_in_dim3A_73 = arith.constant 0 : i32
      %broadcast_in_dim3A_74 = vector.broadcast %broadcast_in_dim3A_73 : i32 to vector<16xi32>
      %swap3A_75 = arith.constant 192 : index
      %swap3A_76 = tpu.vector_load %arg10[%swap3A_75] {strides = array<i32>} : memref<512xi32, #tpu.memory_space<vmem>>, vector<16xi32>,
      %swap3A_77 = vector.shape_cast %swap3A_76 : vector<16xi32> to vector<16xi32>
      %swap3A_78 = vector.shape_cast %broadcast_in_dim3A_74 : vector<16xi32> to vector<16xi32>
      tpu.vector_store %arg10[%swap3A_75], %swap3A_78 {strides = array<i32>} : memref<512xi32, #tpu.memory_space<vmem>>, vector<16xi32>,
      %broadcast_in_dim3A_79 = arith.constant 0 : i32
      %broadcast_in_dim3A_80 = vector.broadcast %broadcast_in_dim3A_79 : i32 to vector<16xi32>
      %swap3A_81 = arith.constant 208 : index
      %swap3A_82 = tpu.vector_load %arg10[%swap3A_81] {strides = array<i32>} : memref<512xi32, #tpu.memory_space<vmem>>, vector<16xi32>,
      %swap3A_83 = vector.shape_cast %swap3A_82 : vector<16xi32> to vector<16xi32>
      %swap3A_84 = vector.shape_cast %broadcast_in_dim3A_80 : vector<16xi32> to vector<16xi32>
      tpu.vector_store %arg10[%swap3A_81], %swap3A_84 {strides = array<i32>} : memref<512xi32, #tpu.memory_space<vmem>>, vector<16xi32>,
      %broadcast_in_dim3A_85 = arith.constant 0 : i32
      %broadcast_in_dim3A_86 = vector.broadcast %broadcast_in_dim3A_85 : i32 to vector<16xi32>
      %swap3A_87 = arith.constant 224 : index
      %swap3A_88 = tpu.vector_load %arg10[%swap3A_87] {strides = array<i32>} : memref<512xi32, #tpu.memory_space<vmem>>, vector<16xi32>,
      %swap3A_89 = vector.shape_cast %swap3A_88 : vector<16xi32> to vector<16xi32>
      %swap3A_90 = vector.shape_cast %broadcast_in_dim3A_86 : vector<16xi32> to vector<16xi32>
      tpu.vector_store %arg10[%swap3A_87], %swap3A_90 {strides = array<i32>} : memref<512xi32, #tpu.memory_space<vmem>>, vector<16xi32>,
      %broadcast_in_dim3A_91 = arith.constant 0 : i32
      %broadcast_in_dim3A_92 = vector.broadcast %broadcast_in_dim3A_91 : i32 to vector<16xi32>
      %swap3A_93 = arith.constant 240 : index
      %swap3A_94 = tpu.vector_load %arg10[%swap3A_93] {strides = array<i32>} : memref<512xi32, #tpu.memory_space<vmem>>, vector<16xi32>,
      %swap3A_95 = vector.shape_cast %swap3A_94 : vector<16xi32> to vector<16xi32>
      %swap3A_96 = vector.shape_cast %broadcast_in_dim3A_92 : vector<16xi32> to vector<16xi32>
      tpu.vector_store %arg10[%swap3A_93], %swap3A_96 {strides = array<i32>} : memref<512xi32, #tpu.memory_space<vmem>>, vector<16xi32>,
      %broadcast_in_dim3A_97 = arith.constant 0 : i32
      %broadcast_in_dim3A_98 = vector.broadcast %broadcast_in_dim3A_97 : i32 to vector<16xi32>
      %swap3A_99 = arith.constant 256 : index
      %swap3A_100 = tpu.vector_load %arg10[%swap3A_99] {strides = array<i32>} : memref<512xi32, #tpu.memory_space<vmem>>, vector<16xi32>,
      %swap3A_101 = vector.shape_cast %swap3A_100 : vector<16xi32> to vector<16xi32>
      %swap3A_102 = vector.shape_cast %broadcast_in_dim3A_98 : vector<16xi32> to vector<16xi32>
      tpu.vector_store %arg10[%swap3A_99], %swap3A_102 {strides = array<i32>} : memref<512xi32, #tpu.memory_space<vmem>>, vector<16xi32>,
      %broadcast_in_dim3A_103 = arith.constant 0 : i32
      %broadcast_in_dim3A_104 = vector.broadcast %broadcast_in_dim3A_103 : i32 to vector<16xi32>
      %swap3A_105 = arith.constant 272 : index
      %swap3A_106 = tpu.vector_load %arg10[%swap3A_105] {strides = array<i32>} : memref<512xi32, #tpu.memory_space<vmem>>, vector<16xi32>,
      %swap3A_107 = vector.shape_cast %swap3A_106 : vector<16xi32> to vector<16xi32>
      %swap3A_108 = vector.shape_cast %broadcast_in_dim3A_104 : vector<16xi32> to vector<16xi32>
      tpu.vector_store %arg10[%swap3A_105], %swap3A_108 {strides = array<i32>} : memref<512xi32, #tpu.memory_space<vmem>>, vector<16xi32>,
      %broadcast_in_dim3A_109 = arith.constant 0 : i32
      %broadcast_in_dim3A_110 = vector.broadcast %broadcast_in_dim3A_109 : i32 to vector<16xi32>
      %swap3A_111 = arith.constant 288 : index
      %swap3A_112 = tpu.vector_load %arg10[%swap3A_111] {strides = array<i32>} : memref<512xi32, #tpu.memory_space<vmem>>, vector<16xi32>,
      %swap3A_113 = vector.shape_cast %swap3A_112 : vector<16xi32> to vector<16xi32>
      %swap3A_114 = vector.shape_cast %broadcast_in_dim3A_110 : vector<16xi32> to vector<16xi32>
      tpu.vector_store %arg10[%swap3A_111], %swap3A_114 {strides = array<i32>} : memref<512xi32, #tpu.memory_space<vmem>>, vector<16xi32>,
      %broadcast_in_dim3A_115 = arith.constant 0 : i32
      %broadcast_in_dim3A_116 = vector.broadcast %broadcast_in_dim3A_115 : i32 to vector<16xi32>
      %swap3A_117 = arith.constant 304 : index
      %swap3A_118 = tpu.vector_load %arg10[%swap3A_117] {strides = array<i32>} : memref<512xi32, #tpu.memory_space<vmem>>, vector<16xi32>,
      %swap3A_119 = vector.shape_cast %swap3A_118 : vector<16xi32> to vector<16xi32>
      %swap3A_120 = vector.shape_cast %broadcast_in_dim3A_116 : vector<16xi32> to vector<16xi32>
      tpu.vector_store %arg10[%swap3A_117], %swap3A_120 {strides = array<i32>} : memref<512xi32, #tpu.memory_space<vmem>>, vector<16xi32>,
      %broadcast_in_dim3A_121 = arith.constant 0 : i32
      %broadcast_in_dim3A_122 = vector.broadcast %broadcast_in_dim3A_121 : i32 to vector<16xi32>
      %swap3A_123 = arith.constant 320 : index
      %swap3A_124 = tpu.vector_load %arg10[%swap3A_123] {strides = array<i32>} : memref<512xi32, #tpu.memory_space<vmem>>, vector<16xi32>,
      %swap3A_125 = vector.shape_cast %swap3A_124 : vector<16xi32> to vector<16xi32>
      %swap3A_126 = vector.shape_cast %broadcast_in_dim3A_122 : vector<16xi32> to vector<16xi32>
      tpu.vector_store %arg10[%swap3A_123], %swap3A_126 {strides = array<i32>} : memref<512xi32, #tpu.memory_space<vmem>>, vector<16xi32>,
      %broadcast_in_dim3A_127 = arith.constant 0 : i32
      %broadcast_in_dim3A_128 = vector.broadcast %broadcast_in_dim3A_127 : i32 to vector<16xi32>
      %swap3A_129 = arith.constant 336 : index
      %swap3A_130 = tpu.vector_load %arg10[%swap3A_129] {strides = array<i32>} : memref<512xi32, #tpu.memory_space<vmem>>, vector<16xi32>,
      %swap3A_131 = vector.shape_cast %swap3A_130 : vector<16xi32> to vector<16xi32>
      %swap3A_132 = vector.shape_cast %broadcast_in_dim3A_128 : vector<16xi32> to vector<16xi32>
      tpu.vector_store %arg10[%swap3A_129], %swap3A_132 {strides = array<i32>} : memref<512xi32, #tpu.memory_space<vmem>>, vector<16xi32>,
      %broadcast_in_dim3A_133 = arith.constant 0 : i32
      %broadcast_in_dim3A_134 = vector.broadcast %broadcast_in_dim3A_133 : i32 to vector<16xi32>
      %swap3A_135 = arith.constant 352 : index
      %swap3A_136 = tpu.vector_load %arg10[%swap3A_135] {strides = array<i32>} : memref<512xi32, #tpu.memory_space<vmem>>, vector<16xi32>,
      %swap3A_137 = vector.shape_cast %swap3A_136 : vector<16xi32> to vector<16xi32>
      %swap3A_138 = vector.shape_cast %broadcast_in_dim3A_134 : vector<16xi32> to vector<16xi32>
      tpu.vector_store %arg10[%swap3A_135], %swap3A_138 {strides = array<i32>} : memref<512xi32, #tpu.memory_space<vmem>>, vector<16xi32>,
      %broadcast_in_dim3A_139 = arith.constant 0 : i32
      %broadcast_in_dim3A_140 = vector.broadcast %broadcast_in_dim3A_139 : i32 to vector<16xi32>
      %swap3A_141 = arith.constant 368 : index
      %swap3A_142 = tpu.vector_load %arg10[%swap3A_141] {strides = array<i32>} : memref<512xi32, #tpu.memory_space<vmem>>, vector<16xi32>,
      %swap3A_143 = vector.shape_cast %swap3A_142 : vector<16xi32> to vector<16xi32>
      %swap3A_144 = vector.shape_cast %broadcast_in_dim3A_140 : vector<16xi32> to vector<16xi32>
      tpu.vector_store %arg10[%swap3A_141], %swap3A_144 {strides = array<i32>} : memref<512xi32, #tpu.memory_space<vmem>>, vector<16xi32>,
      %broadcast_in_dim3A_145 = arith.constant 0 : i32
      %broadcast_in_dim3A_146 = vector.broadcast %broadcast_in_dim3A_145 : i32 to vector<16xi32>
      %swap3A_147 = arith.constant 384 : index
      %swap3A_148 = tpu.vector_load %arg10[%swap3A_147] {strides = array<i32>} : memref<512xi32, #tpu.memory_space<vmem>>, vector<16xi32>,
      %swap3A_149 = vector.shape_cast %swap3A_148 : vector<16xi32> to vector<16xi32>
      %swap3A_150 = vector.shape_cast %broadcast_in_dim3A_146 : vector<16xi32> to vector<16xi32>
      tpu.vector_store %arg10[%swap3A_147], %swap3A_150 {strides = array<i32>} : memref<512xi32, #tpu.memory_space<vmem>>, vector<16xi32>,
      %broadcast_in_dim3A_151 = arith.constant 0 : i32
      %broadcast_in_dim3A_152 = vector.broadcast %broadcast_in_dim3A_151 : i32 to vector<16xi32>
      %swap3A_153 = arith.constant 400 : index
      %swap3A_154 = tpu.vector_load %arg10[%swap3A_153] {strides = array<i32>} : memref<512xi32, #tpu.memory_space<vmem>>, vector<16xi32>,
      %swap3A_155 = vector.shape_cast %swap3A_154 : vector<16xi32> to vector<16xi32>
      %swap3A_156 = vector.shape_cast %broadcast_in_dim3A_152 : vector<16xi32> to vector<16xi32>
      tpu.vector_store %arg10[%swap3A_153], %swap3A_156 {strides = array<i32>} : memref<512xi32, #tpu.memory_space<vmem>>, vector<16xi32>,
      %broadcast_in_dim3A_157 = arith.constant 0 : i32
      %broadcast_in_dim3A_158 = vector.broadcast %broadcast_in_dim3A_157 : i32 to vector<16xi32>
      %swap3A_159 = arith.constant 416 : index
      %swap3A_160 = tpu.vector_load %arg10[%swap3A_159] {strides = array<i32>} : memref<512xi32, #tpu.memory_space<vmem>>, vector<16xi32>,
      %swap3A_161 = vector.shape_cast %swap3A_160 : vector<16xi32> to vector<16xi32>
      %swap3A_162 = vector.shape_cast %broadcast_in_dim3A_158 : vector<16xi32> to vector<16xi32>
      tpu.vector_store %arg10[%swap3A_159], %swap3A_162 {strides = array<i32>} : memref<512xi32, #tpu.memory_space<vmem>>, vector<16xi32>,
      %broadcast_in_dim3A_163 = arith.constant 0 : i32
      %broadcast_in_dim3A_164 = vector.broadcast %broadcast_in_dim3A_163 : i32 to vector<16xi32>
      %swap3A_165 = arith.constant 432 : index
      %swap3A_166 = tpu.vector_load %arg10[%swap3A_165] {strides = array<i32>} : memref<512xi32, #tpu.memory_space<vmem>>, vector<16xi32>,
      %swap3A_167 = vector.shape_cast %swap3A_166 : vector<16xi32> to vector<16xi32>
      %swap3A_168 = vector.shape_cast %broadcast_in_dim3A_164 : vector<16xi32> to vector<16xi32>
      tpu.vector_store %arg10[%swap3A_165], %swap3A_168 {strides = array<i32>} : memref<512xi32, #tpu.memory_space<vmem>>, vector<16xi32>,
      %broadcast_in_dim3A_169 = arith.constant 0 : i32
      %broadcast_in_dim3A_170 = vector.broadcast %broadcast_in_dim3A_169 : i32 to vector<16xi32>
      %swap3A_171 = arith.constant 448 : index
      %swap3A_172 = tpu.vector_load %arg10[%swap3A_171] {strides = array<i32>} : memref<512xi32, #tpu.memory_space<vmem>>, vector<16xi32>,
      %swap3A_173 = vector.shape_cast %swap3A_172 : vector<16xi32> to vector<16xi32>
      %swap3A_174 = vector.shape_cast %broadcast_in_dim3A_170 : vector<16xi32> to vector<16xi32>
      tpu.vector_store %arg10[%swap3A_171], %swap3A_174 {strides = array<i32>} : memref<512xi32, #tpu.memory_space<vmem>>, vector<16xi32>,
      %broadcast_in_dim3A_175 = arith.constant 0 : i32
      %broadcast_in_dim3A_176 = vector.broadcast %broadcast_in_dim3A_175 : i32 to vector<16xi32>
      %swap3A_177 = arith.constant 464 : index
      %swap3A_178 = tpu.vector_load %arg10[%swap3A_177] {strides = array<i32>} : memref<512xi32, #tpu.memory_space<vmem>>, vector<16xi32>,
      %swap3A_179 = vector.shape_cast %swap3A_178 : vector<16xi32> to vector<16xi32>
      %swap3A_180 = vector.shape_cast %broadcast_in_dim3A_176 : vector<16xi32> to vector<16xi32>
      tpu.vector_store %arg10[%swap3A_177], %swap3A_180 {strides = array<i32>} : memref<512xi32, #tpu.memory_space<vmem>>, vector<16xi32>,
      %broadcast_in_dim3A_181 = arith.constant 0 : i32
      %broadcast_in_dim3A_182 = vector.broadcast %broadcast_in_dim3A_181 : i32 to vector<16xi32>
      %swap3A_183 = arith.constant 480 : index
      %swap3A_184 = tpu.vector_load %arg10[%swap3A_183] {strides = array<i32>} : memref<512xi32, #tpu.memory_space<vmem>>, vector<16xi32>,
      %swap3A_185 = vector.shape_cast %swap3A_184 : vector<16xi32> to vector<16xi32>
      %swap3A_186 = vector.shape_cast %broadcast_in_dim3A_182 : vector<16xi32> to vector<16xi32>
      tpu.vector_store %arg10[%swap3A_183], %swap3A_186 {strides = array<i32>} : memref<512xi32, #tpu.memory_space<vmem>>, vector<16xi32>,
      %broadcast_in_dim3A_187 = arith.constant 0 : i32
      %broadcast_in_dim3A_188 = vector.broadcast %broadcast_in_dim3A_187 : i32 to vector<16xi32>
      %swap3A_189 = arith.constant 496 : index
      %swap3A_190 = tpu.vector_load %arg10[%swap3A_189] {strides = array<i32>} : memref<512xi32, #tpu.memory_space<vmem>>, vector<16xi32>,
      %swap3A_191 = vector.shape_cast %swap3A_190 : vector<16xi32> to vector<16xi32>
      %swap3A_192 = vector.shape_cast %broadcast_in_dim3A_188 : vector<16xi32> to vector<16xi32>
      tpu.vector_store %arg10[%swap3A_189], %swap3A_192 {strides = array<i32>} : memref<512xi32, #tpu.memory_space<vmem>>, vector<16xi32>,
      %broadcast_in_dim3A_193 = arith.constant -1 : i32
      %broadcast_in_dim3A_194 = vector.broadcast %broadcast_in_dim3A_193 : i32 to vector<16xi32>
      %swap3A_195 = arith.constant 0 : index
      %swap3A_196 = tpu.vector_load %arg11[%swap3A_195] {strides = array<i32>} : memref<16xi32, #tpu.memory_space<vmem>>, vector<16xi32>,
      %swap3A_197 = vector.shape_cast %swap3A_196 : vector<16xi32> to vector<16xi32>
      %swap3A_198 = vector.shape_cast %broadcast_in_dim3A_194 : vector<16xi32> to vector<16xi32>
      tpu.vector_store %arg11[%swap3A_195], %swap3A_198 {strides = array<i32>} : memref<16xi32, #tpu.memory_space<vmem>>, vector<16xi32>,
      %scan3A = arith.constant 0 : i32
      %scan3A_199 = arith.constant 0 : i32
      %scan3A_200 = arith.constant 32 : i32
      %scan3A_201 = arith.addi %scan3A_199, %scan3A_200 : i32
      %scan3A_202 = arith.constant 1 : i32
      %scan3A_203 = scf.for %scan3A_949 = %scan3A_199 to %scan3A_201 step %scan3A_202 iter_args(%scan3A_950 = %scan3A) -> (i32)  : i32 {
        %mul3A_951 = arith.constant 16 : i32
        %mul3A_952 = arith.muli %scan3A_949, %mul3A_951 : i32
        %run_scoped3A = arith.constant 0 : i32
        "tpu.region"() ({
          %run_scoped3A_1071 = tpu.sem_alloc : memref<!tpu.dma_semaphore, #tpu.memory_space<semaphore_mem>>
          %dma_start3A = arith.constant 0 : i32
          %dma_start3A_1072 = tpu.memref_slice %arg3[%add3A, %run_scoped3A, %mul3A_952, %dma_start3A] : memref<16x3x512x512xf32, #tpu.memory_space<hbm>> -> memref<1x1x16x512xf32, #tpu.memory_space<hbm>>
          %dma_start3A_1073 = tpu.memref_squeeze %dma_start3A_1072 : memref<1x1x16x512xf32, #tpu.memory_space<hbm>> -> memref<16x512xf32, #tpu.memory_space<hbm>>
          %dma_start3A_1074 = arith.constant 0 : i32
          %dma_start3A_1075 = tpu.memref_slice %arg3[%add3A, %run_scoped3A, %mul3A_952, %dma_start3A_1074] : memref<16x3x512x512xf32, #tpu.memory_space<hbm>> -> memref<1x1x16x512xf32, #tpu.memory_space<hbm>>
          %dma_start3A_1076 = tpu.memref_squeeze %dma_start3A_1075 : memref<1x1x16x512xf32, #tpu.memory_space<hbm>> -> memref<16x512xf32, #tpu.memory_space<hbm>>
          tpu.enqueue_dma source(%dma_start3A_1076 : memref<16x512xf32, #tpu.memory_space<hbm>>) target(%arg6 : memref<16x512xf32, #tpu.memory_space<vmem>>) target_semaphore(%run_scoped3A_1071 : memref<!tpu.dma_semaphore, #tpu.memory_space<semaphore_mem>>)
          %dma_wait3A = arith.constant 0 : i32
          %dma_wait3A_1077 = tpu.memref_slice %arg3[%add3A, %run_scoped3A, %mul3A_952, %dma_wait3A] : memref<16x3x512x512xf32, #tpu.memory_space<hbm>> -> memref<1x1x16x512xf32, #tpu.memory_space<hbm>>
          %dma_wait3A_1078 = tpu.memref_squeeze %dma_wait3A_1077 : memref<1x1x16x512xf32, #tpu.memory_space<hbm>> -> memref<16x512xf32, #tpu.memory_space<hbm>>
          %dma_wait3A_1079 = arith.constant 0 : i32
          %dma_wait3A_1080 = tpu.memref_slice %arg3[%add3A, %run_scoped3A, %mul3A_952, %dma_wait3A_1079] : memref<16x3x512x512xf32, #tpu.memory_space<hbm>> -> memref<1x1x16x512xf32, #tpu.memory_space<hbm>>
          %dma_wait3A_1081 = tpu.memref_squeeze %dma_wait3A_1080 : memref<1x1x16x512xf32, #tpu.memory_space<hbm>> -> memref<16x512xf32, #tpu.memory_space<hbm>>
          tpu.wait_dma2 semaphore(%run_scoped3A_1071 : memref<!tpu.dma_semaphore, #tpu.memory_space<semaphore_mem>>) src(%dma_wait3A_1081 : memref<16x512xf32, #tpu.memory_space<hbm>>) dst(%arg6 : memref<16x512xf32, #tpu.memory_space<vmem>>)
          tpu.yield
        }) : () -> ()
        %run_scoped3A_953 = arith.constant 1 : i32
        "tpu.region"() ({
          %run_scoped3A_1071 = tpu.sem_alloc : memref<!tpu.dma_semaphore, #tpu.memory_space<semaphore_mem>>
          %dma_start3A = arith.constant 0 : i32
          %dma_start3A_1072 = tpu.memref_slice %arg3[%add3A, %run_scoped3A_953, %mul3A_952, %dma_start3A] : memref<16x3x512x512xf32, #tpu.memory_space<hbm>> -> memref<1x1x16x512xf32, #tpu.memory_space<hbm>>
          %dma_start3A_1073 = tpu.memref_squeeze %dma_start3A_1072 : memref<1x1x16x512xf32, #tpu.memory_space<hbm>> -> memref<16x512xf32, #tpu.memory_space<hbm>>
          %dma_start3A_1074 = arith.constant 0 : i32
          %dma_start3A_1075 = tpu.memref_slice %arg3[%add3A, %run_scoped3A_953, %mul3A_952, %dma_start3A_1074] : memref<16x3x512x512xf32, #tpu.memory_space<hbm>> -> memref<1x1x16x512xf32, #tpu.memory_space<hbm>>
          %dma_start3A_1076 = tpu.memref_squeeze %dma_start3A_1075 : memref<1x1x16x512xf32, #tpu.memory_space<hbm>> -> memref<16x512xf32, #tpu.memory_space<hbm>>
          tpu.enqueue_dma source(%dma_start3A_1076 : memref<16x512xf32, #tpu.memory_space<hbm>>) target(%arg7 : memref<16x512xf32, #tpu.memory_space<vmem>>) target_semaphore(%run_scoped3A_1071 : memref<!tpu.dma_semaphore, #tpu.memory_space<semaphore_mem>>)
          %dma_wait3A = arith.constant 0 : i32
          %dma_wait3A_1077 = tpu.memref_slice %arg3[%add3A, %run_scoped3A_953, %mul3A_952, %dma_wait3A] : memref<16x3x512x512xf32, #tpu.memory_space<hbm>> -> memref<1x1x16x512xf32, #tpu.memory_space<hbm>>
          %dma_wait3A_1078 = tpu.memref_squeeze %dma_wait3A_1077 : memref<1x1x16x512xf32, #tpu.memory_space<hbm>> -> memref<16x512xf32, #tpu.memory_space<hbm>>
          %dma_wait3A_1079 = arith.constant 0 : i32
          %dma_wait3A_1080 = tpu.memref_slice %arg3[%add3A, %run_scoped3A_953, %mul3A_952, %dma_wait3A_1079] : memref<16x3x512x512xf32, #tpu.memory_space<hbm>> -> memref<1x1x16x512xf32, #tpu.memory_space<hbm>>
          %dma_wait3A_1081 = tpu.memref_squeeze %dma_wait3A_1080 : memref<1x1x16x512xf32, #tpu.memory_space<hbm>> -> memref<16x512xf32, #tpu.memory_space<hbm>>
          tpu.wait_dma2 semaphore(%run_scoped3A_1071 : memref<!tpu.dma_semaphore, #tpu.memory_space<semaphore_mem>>) src(%dma_wait3A_1081 : memref<16x512xf32, #tpu.memory_space<hbm>>) dst(%arg7 : memref<16x512xf32, #tpu.memory_space<vmem>>)
          tpu.yield
        }) : () -> ()
        %run_scoped3A_954 = arith.constant 2 : i32
        "tpu.region"() ({
          %run_scoped3A_1071 = tpu.sem_alloc : memref<!tpu.dma_semaphore, #tpu.memory_space<semaphore_mem>>
          %dma_start3A = arith.constant 0 : i32
          %dma_start3A_1072 = tpu.memref_slice %arg3[%add3A, %run_scoped3A_954, %mul3A_952, %dma_start3A] : memref<16x3x512x512xf32, #tpu.memory_space<hbm>> -> memref<1x1x16x512xf32, #tpu.memory_space<hbm>>
          %dma_start3A_1073 = tpu.memref_squeeze %dma_start3A_1072 : memref<1x1x16x512xf32, #tpu.memory_space<hbm>> -> memref<16x512xf32, #tpu.memory_space<hbm>>
          %dma_start3A_1074 = arith.constant 0 : i32
          %dma_start3A_1075 = tpu.memref_slice %arg3[%add3A, %run_scoped3A_954, %mul3A_952, %dma_start3A_1074] : memref<16x3x512x512xf32, #tpu.memory_space<hbm>> -> memref<1x1x16x512xf32, #tpu.memory_space<hbm>>
          %dma_start3A_1076 = tpu.memref_squeeze %dma_start3A_1075 : memref<1x1x16x512xf32, #tpu.memory_space<hbm>> -> memref<16x512xf32, #tpu.memory_space<hbm>>
          tpu.enqueue_dma source(%dma_start3A_1076 : memref<16x512xf32, #tpu.memory_space<hbm>>) target(%arg8 : memref<16x512xf32, #tpu.memory_space<vmem>>) target_semaphore(%run_scoped3A_1071 : memref<!tpu.dma_semaphore, #tpu.memory_space<semaphore_mem>>)
          %dma_wait3A = arith.constant 0 : i32
          %dma_wait3A_1077 = tpu.memref_slice %arg3[%add3A, %run_scoped3A_954, %mul3A_952, %dma_wait3A] : memref<16x3x512x512xf32, #tpu.memory_space<hbm>> -> memref<1x1x16x512xf32, #tpu.memory_space<hbm>>
          %dma_wait3A_1078 = tpu.memref_squeeze %dma_wait3A_1077 : memref<1x1x16x512xf32, #tpu.memory_space<hbm>> -> memref<16x512xf32, #tpu.memory_space<hbm>>
          %dma_wait3A_1079 = arith.constant 0 : i32
          %dma_wait3A_1080 = tpu.memref_slice %arg3[%add3A, %run_scoped3A_954, %mul3A_952, %dma_wait3A_1079] : memref<16x3x512x512xf32, #tpu.memory_space<hbm>> -> memref<1x1x16x512xf32, #tpu.memory_space<hbm>>
          %dma_wait3A_1081 = tpu.memref_squeeze %dma_wait3A_1080 : memref<1x1x16x512xf32, #tpu.memory_space<hbm>> -> memref<16x512xf32, #tpu.memory_space<hbm>>
          tpu.wait_dma2 semaphore(%run_scoped3A_1071 : memref<!tpu.dma_semaphore, #tpu.memory_space<semaphore_mem>>) src(%dma_wait3A_1081 : memref<16x512xf32, #tpu.memory_space<hbm>>) dst(%arg8 : memref<16x512xf32, #tpu.memory_space<vmem>>)
          tpu.yield
        }) : () -> ()
        %scan3A_955 = arith.constant 0 : i32
        %scan3A_956 = arith.constant 0 : i32
        %scan3A_957 = arith.constant 32 : i32
        %scan3A_958 = arith.addi %scan3A_956, %scan3A_957 : i32
        %scan3A_959 = arith.constant 1 : i32
        %scan3A_960 = scf.for %scan3A_1071 = %scan3A_956 to %scan3A_958 step %scan3A_959 iter_args(%scan3A_1072 = %scan3A_955) -> (i32)  : i32 {
          %mul3A_1073 = arith.constant 16 : i32
          %mul3A_1074 = arith.muli %scan3A_1071, %mul3A_1073 : i32
          %get3A_1075 = arith.constant 0 : i32
          %get3A_1076 = arith.index_cast %get3A_1075 : i32 to index
          %get3A_1077 = arith.index_cast %mul3A_1074 : i32 to index
          %get3A_1078 = tpu.vector_load %arg6[%get3A_1076, %get3A_1077] {strides = array<i32>} : memref<16x512xf32, #tpu.memory_space<vmem>>, vector<1x16xf32>,
          %get3A_1079 = vector.shape_cast %get3A_1078 : vector<1x16xf32> to vector<16xf32>
          %mul3A_1080 = arith.constant 2.990000e-01 : f32
          %mul3A_1081 = vector.broadcast %mul3A_1080 : f32 to vector<16xf32>
          %mul3A_1082 = arith.mulf %get3A_1079, %mul3A_1081 : vector<16xf32>
          %get3A_1083 = arith.constant 0 : i32
          %get3A_1084 = arith.index_cast %get3A_1083 : i32 to index
          %get3A_1085 = arith.index_cast %mul3A_1074 : i32 to index
          %get3A_1086 = tpu.vector_load %arg7[%get3A_1084, %get3A_1085] {strides = array<i32>} : memref<16x512xf32, #tpu.memory_space<vmem>>, vector<1x16xf32>,
          %get3A_1087 = vector.shape_cast %get3A_1086 : vector<1x16xf32> to vector<16xf32>
          %mul3A_1088 = arith.constant 5.870000e-01 : f32
          %mul3A_1089 = vector.broadcast %mul3A_1088 : f32 to vector<16xf32>
          %mul3A_1090 = arith.mulf %get3A_1087, %mul3A_1089 : vector<16xf32>
          %add3A_1091 = arith.addf %mul3A_1082, %mul3A_1090 : vector<16xf32>
          %get3A_1092 = arith.constant 0 : i32
          %get3A_1093 = arith.index_cast %get3A_1092 : i32 to index
          %get3A_1094 = arith.index_cast %mul3A_1074 : i32 to index
          %get3A_1095 = tpu.vector_load %arg8[%get3A_1093, %get3A_1094] {strides = array<i32>} : memref<16x512xf32, #tpu.memory_space<vmem>>, vector<1x16xf32>,
          %get3A_1096 = vector.shape_cast %get3A_1095 : vector<1x16xf32> to vector<16xf32>
          %mul3A_1097 = arith.constant 1.140000e-01 : f32
          %mul3A_1098 = vector.broadcast %mul3A_1097 : f32 to vector<16xf32>
          %mul3A_1099 = arith.mulf %get3A_1096, %mul3A_1098 : vector<16xf32>
          %add3A_1100 = arith.addf %add3A_1091, %mul3A_1099 : vector<16xf32>
          %get3A_1101 = arith.constant 0 : index
          %get3A_1102 = tpu.vector_load %arg5[%get3A_1101] {strides = array<i32>} : memref<16xf32, #tpu.memory_space<vmem>>, vector<16xf32>,
          %get3A_1103 = vector.shape_cast %get3A_1102 : vector<16xf32> to vector<16xf32>
          %lt3A_1104 = arith.cmpf olt, %add3A_1100, %get3A_1103 : vector<16xf32>
          %get3A_1105 = arith.index_cast %mul3A_1074 : i32 to index
          %get3A_1106 = tpu.vector_load %arg10[%get3A_1105] {strides = array<i32>} : memref<512xi32, #tpu.memory_space<vmem>>, vector<16xi32>,
          %get3A_1107 = vector.shape_cast %get3A_1106 : vector<16xi32> to vector<16xi32>
          %jit3A_1108 = arith.constant 1 : i32
          %jit3A_1109 = arith.constant 0 : i32
          %broadcast_in_dim3A_1110 = vector.broadcast %jit3A_1108 : i32 to vector<16xi32>
          %broadcast_in_dim3A_1111 = vector.broadcast %jit3A_1109 : i32 to vector<16xi32>
          %select_n3A_1112 = arith.select %lt3A_1104, %broadcast_in_dim3A_1110, %broadcast_in_dim3A_1111 : vector<16xi1>, vector<16xi32>
          %max3A_1113 = arith.maxsi %get3A_1107, %select_n3A_1112 : vector<16xi32>
          %swap3A_1114 = arith.index_cast %mul3A_1074 : i32 to index
          %swap3A_1115 = tpu.vector_load %arg10[%swap3A_1114] {strides = array<i32>} : memref<512xi32, #tpu.memory_space<vmem>>, vector<16xi32>,
          %swap3A_1116 = vector.shape_cast %swap3A_1115 : vector<16xi32> to vector<16xi32>
          %swap3A_1117 = vector.shape_cast %max3A_1113 : vector<16xi32> to vector<16xi32>
          tpu.vector_store %arg10[%swap3A_1114], %swap3A_1117 {strides = array<i32>} : memref<512xi32, #tpu.memory_space<vmem>>, vector<16xi32>,
          %add3A_1118 = arith.constant 0 : i32
          %add3A_1119 = arith.addi %mul3A_952, %add3A_1118 : i32
          %jit3A_1120 = arith.constant -1 : i32
          %broadcast_in_dim3A_1121 = vector.broadcast %add3A_1119 : i32 to vector<16xi32>
          %broadcast_in_dim3A_1122 = vector.broadcast %jit3A_1120 : i32 to vector<16xi32>
          %select_n3A_1123 = arith.select %lt3A_1104, %broadcast_in_dim3A_1121, %broadcast_in_dim3A_1122 : vector<16xi1>, vector<16xi32>
          %get3A_1124 = arith.constant 0 : index
          %get3A_1125 = tpu.vector_load %arg11[%get3A_1124] {strides = array<i32>} : memref<16xi32, #tpu.memory_space<vmem>>, vector<16xi32>,
          %get3A_1126 = vector.shape_cast %get3A_1125 : vector<16xi32> to vector<16xi32>
          %max3A_1127 = arith.maxsi %get3A_1126, %select_n3A_1123 : vector<16xi32>
          %swap3A_1128 = arith.constant 0 : index
          %swap3A_1129 = tpu.vector_load %arg11[%swap3A_1128] {strides = array<i32>} : memref<16xi32, #tpu.memory_space<vmem>>, vector<16xi32>,
          %swap3A_1130 = vector.shape_cast %swap3A_1129 : vector<16xi32> to vector<16xi32>
          %swap3A_1131 = vector.shape_cast %max3A_1127 : vector<16xi32> to vector<16xi32>
          tpu.vector_store %arg11[%swap3A_1128], %swap3A_1131 {strides = array<i32>} : memref<16xi32, #tpu.memory_space<vmem>>, vector<16xi32>,
          %scan3A_1132 = arith.constant 0 : i32
          scf.yield %scan3A_1132 : i32
        }
        %scan3A_961 = arith.constant 32 : i32
        %scan3A_962 = arith.constant 0 : i32
        %scan3A_963 = arith.constant 0 : i32
        %scan3A_964 = arith.constant 32 : i32
        %scan3A_965 = arith.addi %scan3A_963, %scan3A_964 : i32
        %scan3A_966 = arith.constant 1 : i32
        %scan3A_967 = scf.for %scan3A_1071 = %scan3A_963 to %scan3A_965 step %scan3A_966 iter_args(%scan3A_1072 = %scan3A_962) -> (i32)  : i32 {
          %mul3A_1073 = arith.constant 16 : i32
          %mul3A_1074 = arith.muli %scan3A_1071, %mul3A_1073 : i32
          %get3A_1075 = arith.constant 1 : i32
          %get3A_1076 = arith.index_cast %get3A_1075 : i32 to index
          %get3A_1077 = arith.index_cast %mul3A_1074 : i32 to index
          %get3A_1078 = tpu.vector_load %arg6[%get3A_1076, %get3A_1077] {strides = array<i32>} : memref<16x512xf32, #tpu.memory_space<vmem>>, vector<1x16xf32>,
          %get3A_1079 = vector.shape_cast %get3A_1078 : vector<1x16xf32> to vector<16xf32>
          %mul3A_1080 = arith.constant 2.990000e-01 : f32
          %mul3A_1081 = vector.broadcast %mul3A_1080 : f32 to vector<16xf32>
          %mul3A_1082 = arith.mulf %get3A_1079, %mul3A_1081 : vector<16xf32>
          %get3A_1083 = arith.constant 1 : i32
          %get3A_1084 = arith.index_cast %get3A_1083 : i32 to index
          %get3A_1085 = arith.index_cast %mul3A_1074 : i32 to index
          %get3A_1086 = tpu.vector_load %arg7[%get3A_1084, %get3A_1085] {strides = array<i32>} : memref<16x512xf32, #tpu.memory_space<vmem>>, vector<1x16xf32>,
          %get3A_1087 = vector.shape_cast %get3A_1086 : vector<1x16xf32> to vector<16xf32>
          %mul3A_1088 = arith.constant 5.870000e-01 : f32
          %mul3A_1089 = vector.broadcast %mul3A_1088 : f32 to vector<16xf32>
          %mul3A_1090 = arith.mulf %get3A_1087, %mul3A_1089 : vector<16xf32>
          %add3A_1091 = arith.addf %mul3A_1082, %mul3A_1090 : vector<16xf32>
          %get3A_1092 = arith.constant 1 : i32
          %get3A_1093 = arith.index_cast %get3A_1092 : i32 to index
          %get3A_1094 = arith.index_cast %mul3A_1074 : i32 to index
          %get3A_1095 = tpu.vector_load %arg8[%get3A_1093, %get3A_1094] {strides = array<i32>} : memref<16x512xf32, #tpu.memory_space<vmem>>, vector<1x16xf32>,
          %get3A_1096 = vector.shape_cast %get3A_1095 : vector<1x16xf32> to vector<16xf32>
          %mul3A_1097 = arith.constant 1.140000e-01 : f32
          %mul3A_1098 = vector.broadcast %mul3A_1097 : f32 to vector<16xf32>
          %mul3A_1099 = arith.mulf %get3A_1096, %mul3A_1098 : vector<16xf32>
          %add3A_1100 = arith.addf %add3A_1091, %mul3A_1099 : vector<16xf32>
          %get3A_1101 = arith.constant 0 : index
          %get3A_1102 = tpu.vector_load %arg5[%get3A_1101] {strides = array<i32>} : memref<16xf32, #tpu.memory_space<vmem>>, vector<16xf32>,
          %get3A_1103 = vector.shape_cast %get3A_1102 : vector<16xf32> to vector<16xf32>
          %lt3A_1104 = arith.cmpf olt, %add3A_1100, %get3A_1103 : vector<16xf32>
          %get3A_1105 = arith.index_cast %mul3A_1074 : i32 to index
          %get3A_1106 = tpu.vector_load %arg10[%get3A_1105] {strides = array<i32>} : memref<512xi32, #tpu.memory_space<vmem>>, vector<16xi32>,
          %get3A_1107 = vector.shape_cast %get3A_1106 : vector<16xi32> to vector<16xi32>
          %jit3A_1108 = arith.constant 1 : i32
          %jit3A_1109 = arith.constant 0 : i32
          %broadcast_in_dim3A_1110 = vector.broadcast %jit3A_1108 : i32 to vector<16xi32>
          %broadcast_in_dim3A_1111 = vector.broadcast %jit3A_1109 : i32 to vector<16xi32>
          %select_n3A_1112 = arith.select %lt3A_1104, %broadcast_in_dim3A_1110, %broadcast_in_dim3A_1111 : vector<16xi1>, vector<16xi32>
          %max3A_1113 = arith.maxsi %get3A_1107, %select_n3A_1112 : vector<16xi32>
          %swap3A_1114 = arith.index_cast %mul3A_1074 : i32 to index
          %swap3A_1115 = tpu.vector_load %arg10[%swap3A_1114] {strides = array<i32>} : memref<512xi32, #tpu.memory_space<vmem>>, vector<16xi32>,
          %swap3A_1116 = vector.shape_cast %swap3A_1115 : vector<16xi32> to vector<16xi32>
          %swap3A_1117 = vector.shape_cast %max3A_1113 : vector<16xi32> to vector<16xi32>
          tpu.vector_store %arg10[%swap3A_1114], %swap3A_1117 {strides = array<i32>} : memref<512xi32, #tpu.memory_space<vmem>>, vector<16xi32>,
          %add3A_1118 = arith.constant 1 : i32
          %add3A_1119 = arith.addi %mul3A_952, %add3A_1118 : i32
          %jit3A_1120 = arith.constant -1 : i32
          %broadcast_in_dim3A_1121 = vector.broadcast %add3A_1119 : i32 to vector<16xi32>
          %broadcast_in_dim3A_1122 = vector.broadcast %jit3A_1120 : i32 to vector<16xi32>
          %select_n3A_1123 = arith.select %lt3A_1104, %broadcast_in_dim3A_1121, %broadcast_in_dim3A_1122 : vector<16xi1>, vector<16xi32>
          %get3A_1124 = arith.constant 0 : index
          %get3A_1125 = tpu.vector_load %arg11[%get3A_1124] {strides = array<i32>} : memref<16xi32, #tpu.memory_space<vmem>>, vector<16xi32>,
          %get3A_1126 = vector.shape_cast %get3A_1125 : vector<16xi32> to vector<16xi32>
          %max3A_1127 = arith.maxsi %get3A_1126, %select_n3A_1123 : vector<16xi32>
          %swap3A_1128 = arith.constant 0 : index
          %swap3A_1129 = tpu.vector_load %arg11[%swap3A_1128] {strides = array<i32>} : memref<16xi32, #tpu.memory_space<vmem>>, vector<16xi32>,
          %swap3A_1130 = vector.shape_cast %swap3A_1129 : vector<16xi32> to vector<16xi32>
          %swap3A_1131 = vector.shape_cast %max3A_1127 : vector<16xi32> to vector<16xi32>
          tpu.vector_store %arg11[%swap3A_1128], %swap3A_1131 {strides = array<i32>} : memref<16xi32, #tpu.memory_space<vmem>>, vector<16xi32>,
          %scan3A_1132 = arith.constant 0 : i32
          scf.yield %scan3A_1132 : i32
        }
        %scan3A_968 = arith.constant 32 : i32
        %scan3A_969 = arith.constant 0 : i32
        %scan3A_970 = arith.constant 0 : i32
        %scan3A_971 = arith.constant 32 : i32
        %scan3A_972 = arith.addi %scan3A_970, %scan3A_971 : i32
        %scan3A_973 = arith.constant 1 : i32
        %scan3A_974 = scf.for %scan3A_1071 = %scan3A_970 to %scan3A_972 step %scan3A_973 iter_args(%scan3A_1072 = %scan3A_969) -> (i32)  : i32 {
          %mul3A_1073 = arith.constant 16 : i32
          %mul3A_1074 = arith.muli %scan3A_1071, %mul3A_1073 : i32
          %get3A_1075 = arith.constant 2 : i32
          %get3A_1076 = arith.index_cast %get3A_1075 : i32 to index
          %get3A_1077 = arith.index_cast %mul3A_1074 : i32 to index
          %get3A_1078 = tpu.vector_load %arg6[%get3A_1076, %get3A_1077] {strides = array<i32>} : memref<16x512xf32, #tpu.memory_space<vmem>>, vector<1x16xf32>,
          %get3A_1079 = vector.shape_cast %get3A_1078 : vector<1x16xf32> to vector<16xf32>
          %mul3A_1080 = arith.constant 2.990000e-01 : f32
          %mul3A_1081 = vector.broadcast %mul3A_1080 : f32 to vector<16xf32>
          %mul3A_1082 = arith.mulf %get3A_1079, %mul3A_1081 : vector<16xf32>
          %get3A_1083 = arith.constant 2 : i32
          %get3A_1084 = arith.index_cast %get3A_1083 : i32 to index
          %get3A_1085 = arith.index_cast %mul3A_1074 : i32 to index
          %get3A_1086 = tpu.vector_load %arg7[%get3A_1084, %get3A_1085] {strides = array<i32>} : memref<16x512xf32, #tpu.memory_space<vmem>>, vector<1x16xf32>,
          %get3A_1087 = vector.shape_cast %get3A_1086 : vector<1x16xf32> to vector<16xf32>
          %mul3A_1088 = arith.constant 5.870000e-01 : f32
          %mul3A_1089 = vector.broadcast %mul3A_1088 : f32 to vector<16xf32>
          %mul3A_1090 = arith.mulf %get3A_1087, %mul3A_1089 : vector<16xf32>
          %add3A_1091 = arith.addf %mul3A_1082, %mul3A_1090 : vector<16xf32>
          %get3A_1092 = arith.constant 2 : i32
          %get3A_1093 = arith.index_cast %get3A_1092 : i32 to index
          %get3A_1094 = arith.index_cast %mul3A_1074 : i32 to index
          %get3A_1095 = tpu.vector_load %arg8[%get3A_1093, %get3A_1094] {strides = array<i32>} : memref<16x512xf32, #tpu.memory_space<vmem>>, vector<1x16xf32>,
          %get3A_1096 = vector.shape_cast %get3A_1095 : vector<1x16xf32> to vector<16xf32>
          %mul3A_1097 = arith.constant 1.140000e-01 : f32
          %mul3A_1098 = vector.broadcast %mul3A_1097 : f32 to vector<16xf32>
          %mul3A_1099 = arith.mulf %get3A_1096, %mul3A_1098 : vector<16xf32>
          %add3A_1100 = arith.addf %add3A_1091, %mul3A_1099 : vector<16xf32>
          %get3A_1101 = arith.constant 0 : index
          %get3A_1102 = tpu.vector_load %arg5[%get3A_1101] {strides = array<i32>} : memref<16xf32, #tpu.memory_space<vmem>>, vector<16xf32>,
          %get3A_1103 = vector.shape_cast %get3A_1102 : vector<16xf32> to vector<16xf32>
          %lt3A_1104 = arith.cmpf olt, %add3A_1100, %get3A_1103 : vector<16xf32>
          %get3A_1105 = arith.index_cast %mul3A_1074 : i32 to index
          %get3A_1106 = tpu.vector_load %arg10[%get3A_1105] {strides = array<i32>} : memref<512xi32, #tpu.memory_space<vmem>>, vector<16xi32>,
          %get3A_1107 = vector.shape_cast %get3A_1106 : vector<16xi32> to vector<16xi32>
          %jit3A_1108 = arith.constant 1 : i32
          %jit3A_1109 = arith.constant 0 : i32
          %broadcast_in_dim3A_1110 = vector.broadcast %jit3A_1108 : i32 to vector<16xi32>
          %broadcast_in_dim3A_1111 = vector.broadcast %jit3A_1109 : i32 to vector<16xi32>
          %select_n3A_1112 = arith.select %lt3A_1104, %broadcast_in_dim3A_1110, %broadcast_in_dim3A_1111 : vector<16xi1>, vector<16xi32>
          %max3A_1113 = arith.maxsi %get3A_1107, %select_n3A_1112 : vector<16xi32>
          %swap3A_1114 = arith.index_cast %mul3A_1074 : i32 to index
          %swap3A_1115 = tpu.vector_load %arg10[%swap3A_1114] {strides = array<i32>} : memref<512xi32, #tpu.memory_space<vmem>>, vector<16xi32>,
          %swap3A_1116 = vector.shape_cast %swap3A_1115 : vector<16xi32> to vector<16xi32>
          %swap3A_1117 = vector.shape_cast %max3A_1113 : vector<16xi32> to vector<16xi32>
          tpu.vector_store %arg10[%swap3A_1114], %swap3A_1117 {strides = array<i32>} : memref<512xi32, #tpu.memory_space<vmem>>, vector<16xi32>,
          %add3A_1118 = arith.constant 2 : i32
          %add3A_1119 = arith.addi %mul3A_952, %add3A_1118 : i32
          %jit3A_1120 = arith.constant -1 : i32
          %broadcast_in_dim3A_1121 = vector.broadcast %add3A_1119 : i32 to vector<16xi32>
          %broadcast_in_dim3A_1122 = vector.broadcast %jit3A_1120 : i32 to vector<16xi32>
          %select_n3A_1123 = arith.select %lt3A_1104, %broadcast_in_dim3A_1121, %broadcast_in_dim3A_1122 : vector<16xi1>, vector<16xi32>
          %get3A_1124 = arith.constant 0 : index
          %get3A_1125 = tpu.vector_load %arg11[%get3A_1124] {strides = array<i32>} : memref<16xi32, #tpu.memory_space<vmem>>, vector<16xi32>,
          %get3A_1126 = vector.shape_cast %get3A_1125 : vector<16xi32> to vector<16xi32>
          %max3A_1127 = arith.maxsi %get3A_1126, %select_n3A_1123 : vector<16xi32>
          %swap3A_1128 = arith.constant 0 : index
          %swap3A_1129 = tpu.vector_load %arg11[%swap3A_1128] {strides = array<i32>} : memref<16xi32, #tpu.memory_space<vmem>>, vector<16xi32>,
          %swap3A_1130 = vector.shape_cast %swap3A_1129 : vector<16xi32> to vector<16xi32>
          %swap3A_1131 = vector.shape_cast %max3A_1127 : vector<16xi32> to vector<16xi32>
          tpu.vector_store %arg11[%swap3A_1128], %swap3A_1131 {strides = array<i32>} : memref<16xi32, #tpu.memory_space<vmem>>, vector<16xi32>,
          %scan3A_1132 = arith.constant 0 : i32
          scf.yield %scan3A_1132 : i32
        }
        %scan3A_975 = arith.constant 32 : i32
        %scan3A_976 = arith.constant 0 : i32
        %scan3A_977 = arith.constant 0 : i32
        %scan3A_978 = arith.constant 32 : i32
        %scan3A_979 = arith.addi %scan3A_977, %scan3A_978 : i32
        %scan3A_980 = arith.constant 1 : i32
        %scan3A_981 = scf.for %scan3A_1071 = %scan3A_977 to %scan3A_979 step %scan3A_980 iter_args(%scan3A_1072 = %scan3A_976) -> (i32)  : i32 {
          %mul3A_1073 = arith.constant 16 : i32
          %mul3A_1074 = arith.muli %scan3A_1071, %mul3A_1073 : i32
          %get3A_1075 = arith.constant 3 : i32
          %get3A_1076 = arith.index_cast %get3A_1075 : i32 to index
          %get3A_1077 = arith.index_cast %mul3A_1074 : i32 to index
          %get3A_1078 = tpu.vector_load %arg6[%get3A_1076, %get3A_1077] {strides = array<i32>} : memref<16x512xf32, #tpu.memory_space<vmem>>, vector<1x16xf32>,
          %get3A_1079 = vector.shape_cast %get3A_1078 : vector<1x16xf32> to vector<16xf32>
          %mul3A_1080 = arith.constant 2.990000e-01 : f32
          %mul3A_1081 = vector.broadcast %mul3A_1080 : f32 to vector<16xf32>
          %mul3A_1082 = arith.mulf %get3A_1079, %mul3A_1081 : vector<16xf32>
          %get3A_1083 = arith.constant 3 : i32
          %get3A_1084 = arith.index_cast %get3A_1083 : i32 to index
          %get3A_1085 = arith.index_cast %mul3A_1074 : i32 to index
          %get3A_1086 = tpu.vector_load %arg7[%get3A_1084, %get3A_1085] {strides = array<i32>} : memref<16x512xf32, #tpu.memory_space<vmem>>, vector<1x16xf32>,
          %get3A_1087 = vector.shape_cast %get3A_1086 : vector<1x16xf32> to vector<16xf32>
          %mul3A_1088 = arith.constant 5.870000e-01 : f32
          %mul3A_1089 = vector.broadcast %mul3A_1088 : f32 to vector<16xf32>
          %mul3A_1090 = arith.mulf %get3A_1087, %mul3A_1089 : vector<16xf32>
          %add3A_1091 = arith.addf %mul3A_1082, %mul3A_1090 : vector<16xf32>
          %get3A_1092 = arith.constant 3 : i32
          %get3A_1093 = arith.index_cast %get3A_1092 : i32 to index
          %get3A_1094 = arith.index_cast %mul3A_1074 : i32 to index
          %get3A_1095 = tpu.vector_load %arg8[%get3A_1093, %get3A_1094] {strides = array<i32>} : memref<16x512xf32, #tpu.memory_space<vmem>>, vector<1x16xf32>,
          %get3A_1096 = vector.shape_cast %get3A_1095 : vector<1x16xf32> to vector<16xf32>
          %mul3A_1097 = arith.constant 1.140000e-01 : f32
          %mul3A_1098 = vector.broadcast %mul3A_1097 : f32 to vector<16xf32>
          %mul3A_1099 = arith.mulf %get3A_1096, %mul3A_1098 : vector<16xf32>
          %add3A_1100 = arith.addf %add3A_1091, %mul3A_1099 : vector<16xf32>
          %get3A_1101 = arith.constant 0 : index
          %get3A_1102 = tpu.vector_load %arg5[%get3A_1101] {strides = array<i32>} : memref<16xf32, #tpu.memory_space<vmem>>, vector<16xf32>,
          %get3A_1103 = vector.shape_cast %get3A_1102 : vector<16xf32> to vector<16xf32>
          %lt3A_1104 = arith.cmpf olt, %add3A_1100, %get3A_1103 : vector<16xf32>
          %get3A_1105 = arith.index_cast %mul3A_1074 : i32 to index
          %get3A_1106 = tpu.vector_load %arg10[%get3A_1105] {strides = array<i32>} : memref<512xi32, #tpu.memory_space<vmem>>, vector<16xi32>,
          %get3A_1107 = vector.shape_cast %get3A_1106 : vector<16xi32> to vector<16xi32>
          %jit3A_1108 = arith.constant 1 : i32
          %jit3A_1109 = arith.constant 0 : i32
          %broadcast_in_dim3A_1110 = vector.broadcast %jit3A_1108 : i32 to vector<16xi32>
          %broadcast_in_dim3A_1111 = vector.broadcast %jit3A_1109 : i32 to vector<16xi32>
          %select_n3A_1112 = arith.select %lt3A_1104, %broadcast_in_dim3A_1110, %broadcast_in_dim3A_1111 : vector<16xi1>, vector<16xi32>
          %max3A_1113 = arith.maxsi %get3A_1107, %select_n3A_1112 : vector<16xi32>
          %swap3A_1114 = arith.index_cast %mul3A_1074 : i32 to index
          %swap3A_1115 = tpu.vector_load %arg10[%swap3A_1114] {strides = array<i32>} : memref<512xi32, #tpu.memory_space<vmem>>, vector<16xi32>,
          %swap3A_1116 = vector.shape_cast %swap3A_1115 : vector<16xi32> to vector<16xi32>
          %swap3A_1117 = vector.shape_cast %max3A_1113 : vector<16xi32> to vector<16xi32>
          tpu.vector_store %arg10[%swap3A_1114], %swap3A_1117 {strides = array<i32>} : memref<512xi32, #tpu.memory_space<vmem>>, vector<16xi32>,
          %add3A_1118 = arith.constant 3 : i32
          %add3A_1119 = arith.addi %mul3A_952, %add3A_1118 : i32
          %jit3A_1120 = arith.constant -1 : i32
          %broadcast_in_dim3A_1121 = vector.broadcast %add3A_1119 : i32 to vector<16xi32>
          %broadcast_in_dim3A_1122 = vector.broadcast %jit3A_1120 : i32 to vector<16xi32>
          %select_n3A_1123 = arith.select %lt3A_1104, %broadcast_in_dim3A_1121, %broadcast_in_dim3A_1122 : vector<16xi1>, vector<16xi32>
          %get3A_1124 = arith.constant 0 : index
          %get3A_1125 = tpu.vector_load %arg11[%get3A_1124] {strides = array<i32>} : memref<16xi32, #tpu.memory_space<vmem>>, vector<16xi32>,
          %get3A_1126 = vector.shape_cast %get3A_1125 : vector<16xi32> to vector<16xi32>
          %max3A_1127 = arith.maxsi %get3A_1126, %select_n3A_1123 : vector<16xi32>
          %swap3A_1128 = arith.constant 0 : index
          %swap3A_1129 = tpu.vector_load %arg11[%swap3A_1128] {strides = array<i32>} : memref<16xi32, #tpu.memory_space<vmem>>, vector<16xi32>,
          %swap3A_1130 = vector.shape_cast %swap3A_1129 : vector<16xi32> to vector<16xi32>
          %swap3A_1131 = vector.shape_cast %max3A_1127 : vector<16xi32> to vector<16xi32>
          tpu.vector_store %arg11[%swap3A_1128], %swap3A_1131 {strides = array<i32>} : memref<16xi32, #tpu.memory_space<vmem>>, vector<16xi32>,
          %scan3A_1132 = arith.constant 0 : i32
          scf.yield %scan3A_1132 : i32
        }
        %scan3A_982 = arith.constant 32 : i32
        %scan3A_983 = arith.constant 0 : i32
        %scan3A_984 = arith.constant 0 : i32
        %scan3A_985 = arith.constant 32 : i32
        %scan3A_986 = arith.addi %scan3A_984, %scan3A_985 : i32
        %scan3A_987 = arith.constant 1 : i32
        %scan3A_988 = scf.for %scan3A_1071 = %scan3A_984 to %scan3A_986 step %scan3A_987 iter_args(%scan3A_1072 = %scan3A_983) -> (i32)  : i32 {
          %mul3A_1073 = arith.constant 16 : i32
          %mul3A_1074 = arith.muli %scan3A_1071, %mul3A_1073 : i32
          %get3A_1075 = arith.constant 4 : i32
          %get3A_1076 = arith.index_cast %get3A_1075 : i32 to index
          %get3A_1077 = arith.index_cast %mul3A_1074 : i32 to index
          %get3A_1078 = tpu.vector_load %arg6[%get3A_1076, %get3A_1077] {strides = array<i32>} : memref<16x512xf32, #tpu.memory_space<vmem>>, vector<1x16xf32>,
          %get3A_1079 = vector.shape_cast %get3A_1078 : vector<1x16xf32> to vector<16xf32>
          %mul3A_1080 = arith.constant 2.990000e-01 : f32
          %mul3A_1081 = vector.broadcast %mul3A_1080 : f32 to vector<16xf32>
          %mul3A_1082 = arith.mulf %get3A_1079, %mul3A_1081 : vector<16xf32>
          %get3A_1083 = arith.constant 4 : i32
          %get3A_1084 = arith.index_cast %get3A_1083 : i32 to index
          %get3A_1085 = arith.index_cast %mul3A_1074 : i32 to index
          %get3A_1086 = tpu.vector_load %arg7[%get3A_1084, %get3A_1085] {strides = array<i32>} : memref<16x512xf32, #tpu.memory_space<vmem>>, vector<1x16xf32>,
          %get3A_1087 = vector.shape_cast %get3A_1086 : vector<1x16xf32> to vector<16xf32>
          %mul3A_1088 = arith.constant 5.870000e-01 : f32
          %mul3A_1089 = vector.broadcast %mul3A_1088 : f32 to vector<16xf32>
          %mul3A_1090 = arith.mulf %get3A_1087, %mul3A_1089 : vector<16xf32>
          %add3A_1091 = arith.addf %mul3A_1082, %mul3A_1090 : vector<16xf32>
          %get3A_1092 = arith.constant 4 : i32
          %get3A_1093 = arith.index_cast %get3A_1092 : i32 to index
          %get3A_1094 = arith.index_cast %mul3A_1074 : i32 to index
          %get3A_1095 = tpu.vector_load %arg8[%get3A_1093, %get3A_1094] {strides = array<i32>} : memref<16x512xf32, #tpu.memory_space<vmem>>, vector<1x16xf32>,
          %get3A_1096 = vector.shape_cast %get3A_1095 : vector<1x16xf32> to vector<16xf32>
          %mul3A_1097 = arith.constant 1.140000e-01 : f32
          %mul3A_1098 = vector.broadcast %mul3A_1097 : f32 to vector<16xf32>
          %mul3A_1099 = arith.mulf %get3A_1096, %mul3A_1098 : vector<16xf32>
          %add3A_1100 = arith.addf %add3A_1091, %mul3A_1099 : vector<16xf32>
          %get3A_1101 = arith.constant 0 : index
          %get3A_1102 = tpu.vector_load %arg5[%get3A_1101] {strides = array<i32>} : memref<16xf32, #tpu.memory_space<vmem>>, vector<16xf32>,
          %get3A_1103 = vector.shape_cast %get3A_1102 : vector<16xf32> to vector<16xf32>
          %lt3A_1104 = arith.cmpf olt, %add3A_1100, %get3A_1103 : vector<16xf32>
          %get3A_1105 = arith.index_cast %mul3A_1074 : i32 to index
          %get3A_1106 = tpu.vector_load %arg10[%get3A_1105] {strides = array<i32>} : memref<512xi32, #tpu.memory_space<vmem>>, vector<16xi32>,
          %get3A_1107 = vector.shape_cast %get3A_1106 : vector<16xi32> to vector<16xi32>
          %jit3A_1108 = arith.constant 1 : i32
          %jit3A_1109 = arith.constant 0 : i32
          %broadcast_in_dim3A_1110 = vector.broadcast %jit3A_1108 : i32 to vector<16xi32>
          %broadcast_in_dim3A_1111 = vector.broadcast %jit3A_1109 : i32 to vector<16xi32>
          %select_n3A_1112 = arith.select %lt3A_1104, %broadcast_in_dim3A_1110, %broadcast_in_dim3A_1111 : vector<16xi1>, vector<16xi32>
          %max3A_1113 = arith.maxsi %get3A_1107, %select_n3A_1112 : vector<16xi32>
          %swap3A_1114 = arith.index_cast %mul3A_1074 : i32 to index
          %swap3A_1115 = tpu.vector_load %arg10[%swap3A_1114] {strides = array<i32>} : memref<512xi32, #tpu.memory_space<vmem>>, vector<16xi32>,
          %swap3A_1116 = vector.shape_cast %swap3A_1115 : vector<16xi32> to vector<16xi32>
          %swap3A_1117 = vector.shape_cast %max3A_1113 : vector<16xi32> to vector<16xi32>
          tpu.vector_store %arg10[%swap3A_1114], %swap3A_1117 {strides = array<i32>} : memref<512xi32, #tpu.memory_space<vmem>>, vector<16xi32>,
          %add3A_1118 = arith.constant 4 : i32
          %add3A_1119 = arith.addi %mul3A_952, %add3A_1118 : i32
          %jit3A_1120 = arith.constant -1 : i32
          %broadcast_in_dim3A_1121 = vector.broadcast %add3A_1119 : i32 to vector<16xi32>
          %broadcast_in_dim3A_1122 = vector.broadcast %jit3A_1120 : i32 to vector<16xi32>
          %select_n3A_1123 = arith.select %lt3A_1104, %broadcast_in_dim3A_1121, %broadcast_in_dim3A_1122 : vector<16xi1>, vector<16xi32>
          %get3A_1124 = arith.constant 0 : index
          %get3A_1125 = tpu.vector_load %arg11[%get3A_1124] {strides = array<i32>} : memref<16xi32, #tpu.memory_space<vmem>>, vector<16xi32>,
          %get3A_1126 = vector.shape_cast %get3A_1125 : vector<16xi32> to vector<16xi32>
          %max3A_1127 = arith.maxsi %get3A_1126, %select_n3A_1123 : vector<16xi32>
          %swap3A_1128 = arith.constant 0 : index
          %swap3A_1129 = tpu.vector_load %arg11[%swap3A_1128] {strides = array<i32>} : memref<16xi32, #tpu.memory_space<vmem>>, vector<16xi32>,
          %swap3A_1130 = vector.shape_cast %swap3A_1129 : vector<16xi32> to vector<16xi32>
          %swap3A_1131 = vector.shape_cast %max3A_1127 : vector<16xi32> to vector<16xi32>
          tpu.vector_store %arg11[%swap3A_1128], %swap3A_1131 {strides = array<i32>} : memref<16xi32, #tpu.memory_space<vmem>>, vector<16xi32>,
          %scan3A_1132 = arith.constant 0 : i32
          scf.yield %scan3A_1132 : i32
        }
        %scan3A_989 = arith.constant 32 : i32
        %scan3A_990 = arith.constant 0 : i32
        %scan3A_991 = arith.constant 0 : i32
        %scan3A_992 = arith.constant 32 : i32
        %scan3A_993 = arith.addi %scan3A_991, %scan3A_992 : i32
        %scan3A_994 = arith.constant 1 : i32
        %scan3A_995 = scf.for %scan3A_1071 = %scan3A_991 to %scan3A_993 step %scan3A_994 iter_args(%scan3A_1072 = %scan3A_990) -> (i32)  : i32 {
          %mul3A_1073 = arith.constant 16 : i32
          %mul3A_1074 = arith.muli %scan3A_1071, %mul3A_1073 : i32
          %get3A_1075 = arith.constant 5 : i32
          %get3A_1076 = arith.index_cast %get3A_1075 : i32 to index
          %get3A_1077 = arith.index_cast %mul3A_1074 : i32 to index
          %get3A_1078 = tpu.vector_load %arg6[%get3A_1076, %get3A_1077] {strides = array<i32>} : memref<16x512xf32, #tpu.memory_space<vmem>>, vector<1x16xf32>,
          %get3A_1079 = vector.shape_cast %get3A_1078 : vector<1x16xf32> to vector<16xf32>
          %mul3A_1080 = arith.constant 2.990000e-01 : f32
          %mul3A_1081 = vector.broadcast %mul3A_1080 : f32 to vector<16xf32>
          %mul3A_1082 = arith.mulf %get3A_1079, %mul3A_1081 : vector<16xf32>
          %get3A_1083 = arith.constant 5 : i32
          %get3A_1084 = arith.index_cast %get3A_1083 : i32 to index
          %get3A_1085 = arith.index_cast %mul3A_1074 : i32 to index
          %get3A_1086 = tpu.vector_load %arg7[%get3A_1084, %get3A_1085] {strides = array<i32>} : memref<16x512xf32, #tpu.memory_space<vmem>>, vector<1x16xf32>,
          %get3A_1087 = vector.shape_cast %get3A_1086 : vector<1x16xf32> to vector<16xf32>
          %mul3A_1088 = arith.constant 5.870000e-01 : f32
          %mul3A_1089 = vector.broadcast %mul3A_1088 : f32 to vector<16xf32>
          %mul3A_1090 = arith.mulf %get3A_1087, %mul3A_1089 : vector<16xf32>
          %add3A_1091 = arith.addf %mul3A_1082, %mul3A_1090 : vector<16xf32>
          %get3A_1092 = arith.constant 5 : i32
          %get3A_1093 = arith.index_cast %get3A_1092 : i32 to index
          %get3A_1094 = arith.index_cast %mul3A_1074 : i32 to index
          %get3A_1095 = tpu.vector_load %arg8[%get3A_1093, %get3A_1094] {strides = array<i32>} : memref<16x512xf32, #tpu.memory_space<vmem>>, vector<1x16xf32>,
          %get3A_1096 = vector.shape_cast %get3A_1095 : vector<1x16xf32> to vector<16xf32>
          %mul3A_1097 = arith.constant 1.140000e-01 : f32
          %mul3A_1098 = vector.broadcast %mul3A_1097 : f32 to vector<16xf32>
          %mul3A_1099 = arith.mulf %get3A_1096, %mul3A_1098 : vector<16xf32>
          %add3A_1100 = arith.addf %add3A_1091, %mul3A_1099 : vector<16xf32>
          %get3A_1101 = arith.constant 0 : index
          %get3A_1102 = tpu.vector_load %arg5[%get3A_1101] {strides = array<i32>} : memref<16xf32, #tpu.memory_space<vmem>>, vector<16xf32>,
          %get3A_1103 = vector.shape_cast %get3A_1102 : vector<16xf32> to vector<16xf32>
          %lt3A_1104 = arith.cmpf olt, %add3A_1100, %get3A_1103 : vector<16xf32>
          %get3A_1105 = arith.index_cast %mul3A_1074 : i32 to index
          %get3A_1106 = tpu.vector_load %arg10[%get3A_1105] {strides = array<i32>} : memref<512xi32, #tpu.memory_space<vmem>>, vector<16xi32>,
          %get3A_1107 = vector.shape_cast %get3A_1106 : vector<16xi32> to vector<16xi32>
          %jit3A_1108 = arith.constant 1 : i32
          %jit3A_1109 = arith.constant 0 : i32
          %broadcast_in_dim3A_1110 = vector.broadcast %jit3A_1108 : i32 to vector<16xi32>
          %broadcast_in_dim3A_1111 = vector.broadcast %jit3A_1109 : i32 to vector<16xi32>
          %select_n3A_1112 = arith.select %lt3A_1104, %broadcast_in_dim3A_1110, %broadcast_in_dim3A_1111 : vector<16xi1>, vector<16xi32>
          %max3A_1113 = arith.maxsi %get3A_1107, %select_n3A_1112 : vector<16xi32>
          %swap3A_1114 = arith.index_cast %mul3A_1074 : i32 to index
          %swap3A_1115 = tpu.vector_load %arg10[%swap3A_1114] {strides = array<i32>} : memref<512xi32, #tpu.memory_space<vmem>>, vector<16xi32>,
          %swap3A_1116 = vector.shape_cast %swap3A_1115 : vector<16xi32> to vector<16xi32>
          %swap3A_1117 = vector.shape_cast %max3A_1113 : vector<16xi32> to vector<16xi32>
          tpu.vector_store %arg10[%swap3A_1114], %swap3A_1117 {strides = array<i32>} : memref<512xi32, #tpu.memory_space<vmem>>, vector<16xi32>,
          %add3A_1118 = arith.constant 5 : i32
          %add3A_1119 = arith.addi %mul3A_952, %add3A_1118 : i32
          %jit3A_1120 = arith.constant -1 : i32
          %broadcast_in_dim3A_1121 = vector.broadcast %add3A_1119 : i32 to vector<16xi32>
          %broadcast_in_dim3A_1122 = vector.broadcast %jit3A_1120 : i32 to vector<16xi32>
          %select_n3A_1123 = arith.select %lt3A_1104, %broadcast_in_dim3A_1121, %broadcast_in_dim3A_1122 : vector<16xi1>, vector<16xi32>
          %get3A_1124 = arith.constant 0 : index
          %get3A_1125 = tpu.vector_load %arg11[%get3A_1124] {strides = array<i32>} : memref<16xi32, #tpu.memory_space<vmem>>, vector<16xi32>,
          %get3A_1126 = vector.shape_cast %get3A_1125 : vector<16xi32> to vector<16xi32>
          %max3A_1127 = arith.maxsi %get3A_1126, %select_n3A_1123 : vector<16xi32>
          %swap3A_1128 = arith.constant 0 : index
          %swap3A_1129 = tpu.vector_load %arg11[%swap3A_1128] {strides = array<i32>} : memref<16xi32, #tpu.memory_space<vmem>>, vector<16xi32>,
          %swap3A_1130 = vector.shape_cast %swap3A_1129 : vector<16xi32> to vector<16xi32>
          %swap3A_1131 = vector.shape_cast %max3A_1127 : vector<16xi32> to vector<16xi32>
          tpu.vector_store %arg11[%swap3A_1128], %swap3A_1131 {strides = array<i32>} : memref<16xi32, #tpu.memory_space<vmem>>, vector<16xi32>,
          %scan3A_1132 = arith.constant 0 : i32
          scf.yield %scan3A_1132 : i32
        }
        %scan3A_996 = arith.constant 32 : i32
        %scan3A_997 = arith.constant 0 : i32
        %scan3A_998 = arith.constant 0 : i32
        %scan3A_999 = arith.constant 32 : i32
        %scan3A_1000 = arith.addi %scan3A_998, %scan3A_999 : i32
        %scan3A_1001 = arith.constant 1 : i32
        %scan3A_1002 = scf.for %scan3A_1071 = %scan3A_998 to %scan3A_1000 step %scan3A_1001 iter_args(%scan3A_1072 = %scan3A_997) -> (i32)  : i32 {
          %mul3A_1073 = arith.constant 16 : i32
          %mul3A_1074 = arith.muli %scan3A_1071, %mul3A_1073 : i32
          %get3A_1075 = arith.constant 6 : i32
          %get3A_1076 = arith.index_cast %get3A_1075 : i32 to index
          %get3A_1077 = arith.index_cast %mul3A_1074 : i32 to index
          %get3A_1078 = tpu.vector_load %arg6[%get3A_1076, %get3A_1077] {strides = array<i32>} : memref<16x512xf32, #tpu.memory_space<vmem>>, vector<1x16xf32>,
          %get3A_1079 = vector.shape_cast %get3A_1078 : vector<1x16xf32> to vector<16xf32>
          %mul3A_1080 = arith.constant 2.990000e-01 : f32
          %mul3A_1081 = vector.broadcast %mul3A_1080 : f32 to vector<16xf32>
          %mul3A_1082 = arith.mulf %get3A_1079, %mul3A_1081 : vector<16xf32>
          %get3A_1083 = arith.constant 6 : i32
          %get3A_1084 = arith.index_cast %get3A_1083 : i32 to index
          %get3A_1085 = arith.index_cast %mul3A_1074 : i32 to index
          %get3A_1086 = tpu.vector_load %arg7[%get3A_1084, %get3A_1085] {strides = array<i32>} : memref<16x512xf32, #tpu.memory_space<vmem>>, vector<1x16xf32>,
          %get3A_1087 = vector.shape_cast %get3A_1086 : vector<1x16xf32> to vector<16xf32>
          %mul3A_1088 = arith.constant 5.870000e-01 : f32
          %mul3A_1089 = vector.broadcast %mul3A_1088 : f32 to vector<16xf32>
          %mul3A_1090 = arith.mulf %get3A_1087, %mul3A_1089 : vector<16xf32>
          %add3A_1091 = arith.addf %mul3A_1082, %mul3A_1090 : vector<16xf32>
          %get3A_1092 = arith.constant 6 : i32
          %get3A_1093 = arith.index_cast %get3A_1092 : i32 to index
          %get3A_1094 = arith.index_cast %mul3A_1074 : i32 to index
          %get3A_1095 = tpu.vector_load %arg8[%get3A_1093, %get3A_1094] {strides = array<i32>} : memref<16x512xf32, #tpu.memory_space<vmem>>, vector<1x16xf32>,
          %get3A_1096 = vector.shape_cast %get3A_1095 : vector<1x16xf32> to vector<16xf32>
          %mul3A_1097 = arith.constant 1.140000e-01 : f32
          %mul3A_1098 = vector.broadcast %mul3A_1097 : f32 to vector<16xf32>
          %mul3A_1099 = arith.mulf %get3A_1096, %mul3A_1098 : vector<16xf32>
          %add3A_1100 = arith.addf %add3A_1091, %mul3A_1099 : vector<16xf32>
          %get3A_1101 = arith.constant 0 : index
          %get3A_1102 = tpu.vector_load %arg5[%get3A_1101] {strides = array<i32>} : memref<16xf32, #tpu.memory_space<vmem>>, vector<16xf32>,
          %get3A_1103 = vector.shape_cast %get3A_1102 : vector<16xf32> to vector<16xf32>
          %lt3A_1104 = arith.cmpf olt, %add3A_1100, %get3A_1103 : vector<16xf32>
          %get3A_1105 = arith.index_cast %mul3A_1074 : i32 to index
          %get3A_1106 = tpu.vector_load %arg10[%get3A_1105] {strides = array<i32>} : memref<512xi32, #tpu.memory_space<vmem>>, vector<16xi32>,
          %get3A_1107 = vector.shape_cast %get3A_1106 : vector<16xi32> to vector<16xi32>
          %jit3A_1108 = arith.constant 1 : i32
          %jit3A_1109 = arith.constant 0 : i32
          %broadcast_in_dim3A_1110 = vector.broadcast %jit3A_1108 : i32 to vector<16xi32>
          %broadcast_in_dim3A_1111 = vector.broadcast %jit3A_1109 : i32 to vector<16xi32>
          %select_n3A_1112 = arith.select %lt3A_1104, %broadcast_in_dim3A_1110, %broadcast_in_dim3A_1111 : vector<16xi1>, vector<16xi32>
          %max3A_1113 = arith.maxsi %get3A_1107, %select_n3A_1112 : vector<16xi32>
          %swap3A_1114 = arith.index_cast %mul3A_1074 : i32 to index
          %swap3A_1115 = tpu.vector_load %arg10[%swap3A_1114] {strides = array<i32>} : memref<512xi32, #tpu.memory_space<vmem>>, vector<16xi32>,
          %swap3A_1116 = vector.shape_cast %swap3A_1115 : vector<16xi32> to vector<16xi32>
          %swap3A_1117 = vector.shape_cast %max3A_1113 : vector<16xi32> to vector<16xi32>
          tpu.vector_store %arg10[%swap3A_1114], %swap3A_1117 {strides = array<i32>} : memref<512xi32, #tpu.memory_space<vmem>>, vector<16xi32>,
          %add3A_1118 = arith.constant 6 : i32
          %add3A_1119 = arith.addi %mul3A_952, %add3A_1118 : i32
          %jit3A_1120 = arith.constant -1 : i32
          %broadcast_in_dim3A_1121 = vector.broadcast %add3A_1119 : i32 to vector<16xi32>
          %broadcast_in_dim3A_1122 = vector.broadcast %jit3A_1120 : i32 to vector<16xi32>
          %select_n3A_1123 = arith.select %lt3A_1104, %broadcast_in_dim3A_1121, %broadcast_in_dim3A_1122 : vector<16xi1>, vector<16xi32>
          %get3A_1124 = arith.constant 0 : index
          %get3A_1125 = tpu.vector_load %arg11[%get3A_1124] {strides = array<i32>} : memref<16xi32, #tpu.memory_space<vmem>>, vector<16xi32>,
          %get3A_1126 = vector.shape_cast %get3A_1125 : vector<16xi32> to vector<16xi32>
          %max3A_1127 = arith.maxsi %get3A_1126, %select_n3A_1123 : vector<16xi32>
          %swap3A_1128 = arith.constant 0 : index
          %swap3A_1129 = tpu.vector_load %arg11[%swap3A_1128] {strides = array<i32>} : memref<16xi32, #tpu.memory_space<vmem>>, vector<16xi32>,
          %swap3A_1130 = vector.shape_cast %swap3A_1129 : vector<16xi32> to vector<16xi32>
          %swap3A_1131 = vector.shape_cast %max3A_1127 : vector<16xi32> to vector<16xi32>
          tpu.vector_store %arg11[%swap3A_1128], %swap3A_1131 {strides = array<i32>} : memref<16xi32, #tpu.memory_space<vmem>>, vector<16xi32>,
          %scan3A_1132 = arith.constant 0 : i32
          scf.yield %scan3A_1132 : i32
        }
        %scan3A_1003 = arith.constant 32 : i32
        %scan3A_1004 = arith.constant 0 : i32
        %scan3A_1005 = arith.constant 0 : i32
        %scan3A_1006 = arith.constant 32 : i32
        %scan3A_1007 = arith.addi %scan3A_1005, %scan3A_1006 : i32
        %scan3A_1008 = arith.constant 1 : i32
        %scan3A_1009 = scf.for %scan3A_1071 = %scan3A_1005 to %scan3A_1007 step %scan3A_1008 iter_args(%scan3A_1072 = %scan3A_1004) -> (i32)  : i32 {
          %mul3A_1073 = arith.constant 16 : i32
          %mul3A_1074 = arith.muli %scan3A_1071, %mul3A_1073 : i32
          %get3A_1075 = arith.constant 7 : i32
          %get3A_1076 = arith.index_cast %get3A_1075 : i32 to index
          %get3A_1077 = arith.index_cast %mul3A_1074 : i32 to index
          %get3A_1078 = tpu.vector_load %arg6[%get3A_1076, %get3A_1077] {strides = array<i32>} : memref<16x512xf32, #tpu.memory_space<vmem>>, vector<1x16xf32>,
          %get3A_1079 = vector.shape_cast %get3A_1078 : vector<1x16xf32> to vector<16xf32>
          %mul3A_1080 = arith.constant 2.990000e-01 : f32
          %mul3A_1081 = vector.broadcast %mul3A_1080 : f32 to vector<16xf32>
          %mul3A_1082 = arith.mulf %get3A_1079, %mul3A_1081 : vector<16xf32>
          %get3A_1083 = arith.constant 7 : i32
          %get3A_1084 = arith.index_cast %get3A_1083 : i32 to index
          %get3A_1085 = arith.index_cast %mul3A_1074 : i32 to index
          %get3A_1086 = tpu.vector_load %arg7[%get3A_1084, %get3A_1085] {strides = array<i32>} : memref<16x512xf32, #tpu.memory_space<vmem>>, vector<1x16xf32>,
          %get3A_1087 = vector.shape_cast %get3A_1086 : vector<1x16xf32> to vector<16xf32>
          %mul3A_1088 = arith.constant 5.870000e-01 : f32
          %mul3A_1089 = vector.broadcast %mul3A_1088 : f32 to vector<16xf32>
          %mul3A_1090 = arith.mulf %get3A_1087, %mul3A_1089 : vector<16xf32>
          %add3A_1091 = arith.addf %mul3A_1082, %mul3A_1090 : vector<16xf32>
          %get3A_1092 = arith.constant 7 : i32
          %get3A_1093 = arith.index_cast %get3A_1092 : i32 to index
          %get3A_1094 = arith.index_cast %mul3A_1074 : i32 to index
          %get3A_1095 = tpu.vector_load %arg8[%get3A_1093, %get3A_1094] {strides = array<i32>} : memref<16x512xf32, #tpu.memory_space<vmem>>, vector<1x16xf32>,
          %get3A_1096 = vector.shape_cast %get3A_1095 : vector<1x16xf32> to vector<16xf32>
          %mul3A_1097 = arith.constant 1.140000e-01 : f32
          %mul3A_1098 = vector.broadcast %mul3A_1097 : f32 to vector<16xf32>
          %mul3A_1099 = arith.mulf %get3A_1096, %mul3A_1098 : vector<16xf32>
          %add3A_1100 = arith.addf %add3A_1091, %mul3A_1099 : vector<16xf32>
          %get3A_1101 = arith.constant 0 : index
          %get3A_1102 = tpu.vector_load %arg5[%get3A_1101] {strides = array<i32>} : memref<16xf32, #tpu.memory_space<vmem>>, vector<16xf32>,
          %get3A_1103 = vector.shape_cast %get3A_1102 : vector<16xf32> to vector<16xf32>
          %lt3A_1104 = arith.cmpf olt, %add3A_1100, %get3A_1103 : vector<16xf32>
          %get3A_1105 = arith.index_cast %mul3A_1074 : i32 to index
          %get3A_1106 = tpu.vector_load %arg10[%get3A_1105] {strides = array<i32>} : memref<512xi32, #tpu.memory_space<vmem>>, vector<16xi32>,
          %get3A_1107 = vector.shape_cast %get3A_1106 : vector<16xi32> to vector<16xi32>
          %jit3A_1108 = arith.constant 1 : i32
          %jit3A_1109 = arith.constant 0 : i32
          %broadcast_in_dim3A_1110 = vector.broadcast %jit3A_1108 : i32 to vector<16xi32>
          %broadcast_in_dim3A_1111 = vector.broadcast %jit3A_1109 : i32 to vector<16xi32>
          %select_n3A_1112 = arith.select %lt3A_1104, %broadcast_in_dim3A_1110, %broadcast_in_dim3A_1111 : vector<16xi1>, vector<16xi32>
          %max3A_1113 = arith.maxsi %get3A_1107, %select_n3A_1112 : vector<16xi32>
          %swap3A_1114 = arith.index_cast %mul3A_1074 : i32 to index
          %swap3A_1115 = tpu.vector_load %arg10[%swap3A_1114] {strides = array<i32>} : memref<512xi32, #tpu.memory_space<vmem>>, vector<16xi32>,
          %swap3A_1116 = vector.shape_cast %swap3A_1115 : vector<16xi32> to vector<16xi32>
          %swap3A_1117 = vector.shape_cast %max3A_1113 : vector<16xi32> to vector<16xi32>
          tpu.vector_store %arg10[%swap3A_1114], %swap3A_1117 {strides = array<i32>} : memref<512xi32, #tpu.memory_space<vmem>>, vector<16xi32>,
          %add3A_1118 = arith.constant 7 : i32
          %add3A_1119 = arith.addi %mul3A_952, %add3A_1118 : i32
          %jit3A_1120 = arith.constant -1 : i32
          %broadcast_in_dim3A_1121 = vector.broadcast %add3A_1119 : i32 to vector<16xi32>
          %broadcast_in_dim3A_1122 = vector.broadcast %jit3A_1120 : i32 to vector<16xi32>
          %select_n3A_1123 = arith.select %lt3A_1104, %broadcast_in_dim3A_1121, %broadcast_in_dim3A_1122 : vector<16xi1>, vector<16xi32>
          %get3A_1124 = arith.constant 0 : index
          %get3A_1125 = tpu.vector_load %arg11[%get3A_1124] {strides = array<i32>} : memref<16xi32, #tpu.memory_space<vmem>>, vector<16xi32>,
          %get3A_1126 = vector.shape_cast %get3A_1125 : vector<16xi32> to vector<16xi32>
          %max3A_1127 = arith.maxsi %get3A_1126, %select_n3A_1123 : vector<16xi32>
          %swap3A_1128 = arith.constant 0 : index
          %swap3A_1129 = tpu.vector_load %arg11[%swap3A_1128] {strides = array<i32>} : memref<16xi32, #tpu.memory_space<vmem>>, vector<16xi32>,
          %swap3A_1130 = vector.shape_cast %swap3A_1129 : vector<16xi32> to vector<16xi32>
          %swap3A_1131 = vector.shape_cast %max3A_1127 : vector<16xi32> to vector<16xi32>
          tpu.vector_store %arg11[%swap3A_1128], %swap3A_1131 {strides = array<i32>} : memref<16xi32, #tpu.memory_space<vmem>>, vector<16xi32>,
          %scan3A_1132 = arith.constant 0 : i32
          scf.yield %scan3A_1132 : i32
        }
        %scan3A_1010 = arith.constant 32 : i32
        %scan3A_1011 = arith.constant 0 : i32
        %scan3A_1012 = arith.constant 0 : i32
        %scan3A_1013 = arith.constant 32 : i32
        %scan3A_1014 = arith.addi %scan3A_1012, %scan3A_1013 : i32
        %scan3A_1015 = arith.constant 1 : i32
        %scan3A_1016 = scf.for %scan3A_1071 = %scan3A_1012 to %scan3A_1014 step %scan3A_1015 iter_args(%scan3A_1072 = %scan3A_1011) -> (i32)  : i32 {
          %mul3A_1073 = arith.constant 16 : i32
          %mul3A_1074 = arith.muli %scan3A_1071, %mul3A_1073 : i32
          %get3A_1075 = arith.constant 8 : i32
          %get3A_1076 = arith.index_cast %get3A_1075 : i32 to index
          %get3A_1077 = arith.index_cast %mul3A_1074 : i32 to index
          %get3A_1078 = tpu.vector_load %arg6[%get3A_1076, %get3A_1077] {strides = array<i32>} : memref<16x512xf32, #tpu.memory_space<vmem>>, vector<1x16xf32>,
          %get3A_1079 = vector.shape_cast %get3A_1078 : vector<1x16xf32> to vector<16xf32>
          %mul3A_1080 = arith.constant 2.990000e-01 : f32
          %mul3A_1081 = vector.broadcast %mul3A_1080 : f32 to vector<16xf32>
          %mul3A_1082 = arith.mulf %get3A_1079, %mul3A_1081 : vector<16xf32>
          %get3A_1083 = arith.constant 8 : i32
          %get3A_1084 = arith.index_cast %get3A_1083 : i32 to index
          %get3A_1085 = arith.index_cast %mul3A_1074 : i32 to index
          %get3A_1086 = tpu.vector_load %arg7[%get3A_1084, %get3A_1085] {strides = array<i32>} : memref<16x512xf32, #tpu.memory_space<vmem>>, vector<1x16xf32>,
          %get3A_1087 = vector.shape_cast %get3A_1086 : vector<1x16xf32> to vector<16xf32>
          %mul3A_1088 = arith.constant 5.870000e-01 : f32
          %mul3A_1089 = vector.broadcast %mul3A_1088 : f32 to vector<16xf32>
          %mul3A_1090 = arith.mulf %get3A_1087, %mul3A_1089 : vector<16xf32>
          %add3A_1091 = arith.addf %mul3A_1082, %mul3A_1090 : vector<16xf32>
          %get3A_1092 = arith.constant 8 : i32
          %get3A_1093 = arith.index_cast %get3A_1092 : i32 to index
          %get3A_1094 = arith.index_cast %mul3A_1074 : i32 to index
          %get3A_1095 = tpu.vector_load %arg8[%get3A_1093, %get3A_1094] {strides = array<i32>} : memref<16x512xf32, #tpu.memory_space<vmem>>, vector<1x16xf32>,
          %get3A_1096 = vector.shape_cast %get3A_1095 : vector<1x16xf32> to vector<16xf32>
          %mul3A_1097 = arith.constant 1.140000e-01 : f32
          %mul3A_1098 = vector.broadcast %mul3A_1097 : f32 to vector<16xf32>
          %mul3A_1099 = arith.mulf %get3A_1096, %mul3A_1098 : vector<16xf32>
          %add3A_1100 = arith.addf %add3A_1091, %mul3A_1099 : vector<16xf32>
          %get3A_1101 = arith.constant 0 : index
          %get3A_1102 = tpu.vector_load %arg5[%get3A_1101] {strides = array<i32>} : memref<16xf32, #tpu.memory_space<vmem>>, vector<16xf32>,
          %get3A_1103 = vector.shape_cast %get3A_1102 : vector<16xf32> to vector<16xf32>
          %lt3A_1104 = arith.cmpf olt, %add3A_1100, %get3A_1103 : vector<16xf32>
          %get3A_1105 = arith.index_cast %mul3A_1074 : i32 to index
          %get3A_1106 = tpu.vector_load %arg10[%get3A_1105] {strides = array<i32>} : memref<512xi32, #tpu.memory_space<vmem>>, vector<16xi32>,
          %get3A_1107 = vector.shape_cast %get3A_1106 : vector<16xi32> to vector<16xi32>
          %jit3A_1108 = arith.constant 1 : i32
          %jit3A_1109 = arith.constant 0 : i32
          %broadcast_in_dim3A_1110 = vector.broadcast %jit3A_1108 : i32 to vector<16xi32>
          %broadcast_in_dim3A_1111 = vector.broadcast %jit3A_1109 : i32 to vector<16xi32>
          %select_n3A_1112 = arith.select %lt3A_1104, %broadcast_in_dim3A_1110, %broadcast_in_dim3A_1111 : vector<16xi1>, vector<16xi32>
          %max3A_1113 = arith.maxsi %get3A_1107, %select_n3A_1112 : vector<16xi32>
          %swap3A_1114 = arith.index_cast %mul3A_1074 : i32 to index
          %swap3A_1115 = tpu.vector_load %arg10[%swap3A_1114] {strides = array<i32>} : memref<512xi32, #tpu.memory_space<vmem>>, vector<16xi32>,
          %swap3A_1116 = vector.shape_cast %swap3A_1115 : vector<16xi32> to vector<16xi32>
          %swap3A_1117 = vector.shape_cast %max3A_1113 : vector<16xi32> to vector<16xi32>
          tpu.vector_store %arg10[%swap3A_1114], %swap3A_1117 {strides = array<i32>} : memref<512xi32, #tpu.memory_space<vmem>>, vector<16xi32>,
          %add3A_1118 = arith.constant 8 : i32
          %add3A_1119 = arith.addi %mul3A_952, %add3A_1118 : i32
          %jit3A_1120 = arith.constant -1 : i32
          %broadcast_in_dim3A_1121 = vector.broadcast %add3A_1119 : i32 to vector<16xi32>
          %broadcast_in_dim3A_1122 = vector.broadcast %jit3A_1120 : i32 to vector<16xi32>
          %select_n3A_1123 = arith.select %lt3A_1104, %broadcast_in_dim3A_1121, %broadcast_in_dim3A_1122 : vector<16xi1>, vector<16xi32>
          %get3A_1124 = arith.constant 0 : index
          %get3A_1125 = tpu.vector_load %arg11[%get3A_1124] {strides = array<i32>} : memref<16xi32, #tpu.memory_space<vmem>>, vector<16xi32>,
          %get3A_1126 = vector.shape_cast %get3A_1125 : vector<16xi32> to vector<16xi32>
          %max3A_1127 = arith.maxsi %get3A_1126, %select_n3A_1123 : vector<16xi32>
          %swap3A_1128 = arith.constant 0 : index
          %swap3A_1129 = tpu.vector_load %arg11[%swap3A_1128] {strides = array<i32>} : memref<16xi32, #tpu.memory_space<vmem>>, vector<16xi32>,
          %swap3A_1130 = vector.shape_cast %swap3A_1129 : vector<16xi32> to vector<16xi32>
          %swap3A_1131 = vector.shape_cast %max3A_1127 : vector<16xi32> to vector<16xi32>
          tpu.vector_store %arg11[%swap3A_1128], %swap3A_1131 {strides = array<i32>} : memref<16xi32, #tpu.memory_space<vmem>>, vector<16xi32>,
          %scan3A_1132 = arith.constant 0 : i32
          scf.yield %scan3A_1132 : i32
        }
        %scan3A_1017 = arith.constant 32 : i32
        %scan3A_1018 = arith.constant 0 : i32
        %scan3A_1019 = arith.constant 0 : i32
        %scan3A_1020 = arith.constant 32 : i32
        %scan3A_1021 = arith.addi %scan3A_1019, %scan3A_1020 : i32
        %scan3A_1022 = arith.constant 1 : i32
        %scan3A_1023 = scf.for %scan3A_1071 = %scan3A_1019 to %scan3A_1021 step %scan3A_1022 iter_args(%scan3A_1072 = %scan3A_1018) -> (i32)  : i32 {
          %mul3A_1073 = arith.constant 16 : i32
          %mul3A_1074 = arith.muli %scan3A_1071, %mul3A_1073 : i32
          %get3A_1075 = arith.constant 9 : i32
          %get3A_1076 = arith.index_cast %get3A_1075 : i32 to index
          %get3A_1077 = arith.index_cast %mul3A_1074 : i32 to index
          %get3A_1078 = tpu.vector_load %arg6[%get3A_1076, %get3A_1077] {strides = array<i32>} : memref<16x512xf32, #tpu.memory_space<vmem>>, vector<1x16xf32>,
          %get3A_1079 = vector.shape_cast %get3A_1078 : vector<1x16xf32> to vector<16xf32>
          %mul3A_1080 = arith.constant 2.990000e-01 : f32
          %mul3A_1081 = vector.broadcast %mul3A_1080 : f32 to vector<16xf32>
          %mul3A_1082 = arith.mulf %get3A_1079, %mul3A_1081 : vector<16xf32>
          %get3A_1083 = arith.constant 9 : i32
          %get3A_1084 = arith.index_cast %get3A_1083 : i32 to index
          %get3A_1085 = arith.index_cast %mul3A_1074 : i32 to index
          %get3A_1086 = tpu.vector_load %arg7[%get3A_1084, %get3A_1085] {strides = array<i32>} : memref<16x512xf32, #tpu.memory_space<vmem>>, vector<1x16xf32>,
          %get3A_1087 = vector.shape_cast %get3A_1086 : vector<1x16xf32> to vector<16xf32>
          %mul3A_1088 = arith.constant 5.870000e-01 : f32
          %mul3A_1089 = vector.broadcast %mul3A_1088 : f32 to vector<16xf32>
          %mul3A_1090 = arith.mulf %get3A_1087, %mul3A_1089 : vector<16xf32>
          %add3A_1091 = arith.addf %mul3A_1082, %mul3A_1090 : vector<16xf32>
          %get3A_1092 = arith.constant 9 : i32
          %get3A_1093 = arith.index_cast %get3A_1092 : i32 to index
          %get3A_1094 = arith.index_cast %mul3A_1074 : i32 to index
          %get3A_1095 = tpu.vector_load %arg8[%get3A_1093, %get3A_1094] {strides = array<i32>} : memref<16x512xf32, #tpu.memory_space<vmem>>, vector<1x16xf32>,
          %get3A_1096 = vector.shape_cast %get3A_1095 : vector<1x16xf32> to vector<16xf32>
          %mul3A_1097 = arith.constant 1.140000e-01 : f32
          %mul3A_1098 = vector.broadcast %mul3A_1097 : f32 to vector<16xf32>
          %mul3A_1099 = arith.mulf %get3A_1096, %mul3A_1098 : vector<16xf32>
          %add3A_1100 = arith.addf %add3A_1091, %mul3A_1099 : vector<16xf32>
          %get3A_1101 = arith.constant 0 : index
          %get3A_1102 = tpu.vector_load %arg5[%get3A_1101] {strides = array<i32>} : memref<16xf32, #tpu.memory_space<vmem>>, vector<16xf32>,
          %get3A_1103 = vector.shape_cast %get3A_1102 : vector<16xf32> to vector<16xf32>
          %lt3A_1104 = arith.cmpf olt, %add3A_1100, %get3A_1103 : vector<16xf32>
          %get3A_1105 = arith.index_cast %mul3A_1074 : i32 to index
          %get3A_1106 = tpu.vector_load %arg10[%get3A_1105] {strides = array<i32>} : memref<512xi32, #tpu.memory_space<vmem>>, vector<16xi32>,
          %get3A_1107 = vector.shape_cast %get3A_1106 : vector<16xi32> to vector<16xi32>
          %jit3A_1108 = arith.constant 1 : i32
          %jit3A_1109 = arith.constant 0 : i32
          %broadcast_in_dim3A_1110 = vector.broadcast %jit3A_1108 : i32 to vector<16xi32>
          %broadcast_in_dim3A_1111 = vector.broadcast %jit3A_1109 : i32 to vector<16xi32>
          %select_n3A_1112 = arith.select %lt3A_1104, %broadcast_in_dim3A_1110, %broadcast_in_dim3A_1111 : vector<16xi1>, vector<16xi32>
          %max3A_1113 = arith.maxsi %get3A_1107, %select_n3A_1112 : vector<16xi32>
          %swap3A_1114 = arith.index_cast %mul3A_1074 : i32 to index
          %swap3A_1115 = tpu.vector_load %arg10[%swap3A_1114] {strides = array<i32>} : memref<512xi32, #tpu.memory_space<vmem>>, vector<16xi32>,
          %swap3A_1116 = vector.shape_cast %swap3A_1115 : vector<16xi32> to vector<16xi32>
          %swap3A_1117 = vector.shape_cast %max3A_1113 : vector<16xi32> to vector<16xi32>
          tpu.vector_store %arg10[%swap3A_1114], %swap3A_1117 {strides = array<i32>} : memref<512xi32, #tpu.memory_space<vmem>>, vector<16xi32>,
          %add3A_1118 = arith.constant 9 : i32
          %add3A_1119 = arith.addi %mul3A_952, %add3A_1118 : i32
          %jit3A_1120 = arith.constant -1 : i32
          %broadcast_in_dim3A_1121 = vector.broadcast %add3A_1119 : i32 to vector<16xi32>
          %broadcast_in_dim3A_1122 = vector.broadcast %jit3A_1120 : i32 to vector<16xi32>
          %select_n3A_1123 = arith.select %lt3A_1104, %broadcast_in_dim3A_1121, %broadcast_in_dim3A_1122 : vector<16xi1>, vector<16xi32>
          %get3A_1124 = arith.constant 0 : index
          %get3A_1125 = tpu.vector_load %arg11[%get3A_1124] {strides = array<i32>} : memref<16xi32, #tpu.memory_space<vmem>>, vector<16xi32>,
          %get3A_1126 = vector.shape_cast %get3A_1125 : vector<16xi32> to vector<16xi32>
          %max3A_1127 = arith.maxsi %get3A_1126, %select_n3A_1123 : vector<16xi32>
          %swap3A_1128 = arith.constant 0 : index
          %swap3A_1129 = tpu.vector_load %arg11[%swap3A_1128] {strides = array<i32>} : memref<16xi32, #tpu.memory_space<vmem>>, vector<16xi32>,
          %swap3A_1130 = vector.shape_cast %swap3A_1129 : vector<16xi32> to vector<16xi32>
          %swap3A_1131 = vector.shape_cast %max3A_1127 : vector<16xi32> to vector<16xi32>
          tpu.vector_store %arg11[%swap3A_1128], %swap3A_1131 {strides = array<i32>} : memref<16xi32, #tpu.memory_space<vmem>>, vector<16xi32>,
          %scan3A_1132 = arith.constant 0 : i32
          scf.yield %scan3A_1132 : i32
        }
        %scan3A_1024 = arith.constant 32 : i32
        %scan3A_1025 = arith.constant 0 : i32
        %scan3A_1026 = arith.constant 0 : i32
        %scan3A_1027 = arith.constant 32 : i32
        %scan3A_1028 = arith.addi %scan3A_1026, %scan3A_1027 : i32
        %scan3A_1029 = arith.constant 1 : i32
        %scan3A_1030 = scf.for %scan3A_1071 = %scan3A_1026 to %scan3A_1028 step %scan3A_1029 iter_args(%scan3A_1072 = %scan3A_1025) -> (i32)  : i32 {
          %mul3A_1073 = arith.constant 16 : i32
          %mul3A_1074 = arith.muli %scan3A_1071, %mul3A_1073 : i32
          %get3A_1075 = arith.constant 10 : i32
          %get3A_1076 = arith.index_cast %get3A_1075 : i32 to index
          %get3A_1077 = arith.index_cast %mul3A_1074 : i32 to index
          %get3A_1078 = tpu.vector_load %arg6[%get3A_1076, %get3A_1077] {strides = array<i32>} : memref<16x512xf32, #tpu.memory_space<vmem>>, vector<1x16xf32>,
          %get3A_1079 = vector.shape_cast %get3A_1078 : vector<1x16xf32> to vector<16xf32>
          %mul3A_1080 = arith.constant 2.990000e-01 : f32
          %mul3A_1081 = vector.broadcast %mul3A_1080 : f32 to vector<16xf32>
          %mul3A_1082 = arith.mulf %get3A_1079, %mul3A_1081 : vector<16xf32>
          %get3A_1083 = arith.constant 10 : i32
          %get3A_1084 = arith.index_cast %get3A_1083 : i32 to index
          %get3A_1085 = arith.index_cast %mul3A_1074 : i32 to index
          %get3A_1086 = tpu.vector_load %arg7[%get3A_1084, %get3A_1085] {strides = array<i32>} : memref<16x512xf32, #tpu.memory_space<vmem>>, vector<1x16xf32>,
          %get3A_1087 = vector.shape_cast %get3A_1086 : vector<1x16xf32> to vector<16xf32>
          %mul3A_1088 = arith.constant 5.870000e-01 : f32
          %mul3A_1089 = vector.broadcast %mul3A_1088 : f32 to vector<16xf32>
          %mul3A_1090 = arith.mulf %get3A_1087, %mul3A_1089 : vector<16xf32>
          %add3A_1091 = arith.addf %mul3A_1082, %mul3A_1090 : vector<16xf32>
          %get3A_1092 = arith.constant 10 : i32
          %get3A_1093 = arith.index_cast %get3A_1092 : i32 to index
          %get3A_1094 = arith.index_cast %mul3A_1074 : i32 to index
          %get3A_1095 = tpu.vector_load %arg8[%get3A_1093, %get3A_1094] {strides = array<i32>} : memref<16x512xf32, #tpu.memory_space<vmem>>, vector<1x16xf32>,
          %get3A_1096 = vector.shape_cast %get3A_1095 : vector<1x16xf32> to vector<16xf32>
          %mul3A_1097 = arith.constant 1.140000e-01 : f32
          %mul3A_1098 = vector.broadcast %mul3A_1097 : f32 to vector<16xf32>
          %mul3A_1099 = arith.mulf %get3A_1096, %mul3A_1098 : vector<16xf32>
          %add3A_1100 = arith.addf %add3A_1091, %mul3A_1099 : vector<16xf32>
          %get3A_1101 = arith.constant 0 : index
          %get3A_1102 = tpu.vector_load %arg5[%get3A_1101] {strides = array<i32>} : memref<16xf32, #tpu.memory_space<vmem>>, vector<16xf32>,
          %get3A_1103 = vector.shape_cast %get3A_1102 : vector<16xf32> to vector<16xf32>
          %lt3A_1104 = arith.cmpf olt, %add3A_1100, %get3A_1103 : vector<16xf32>
          %get3A_1105 = arith.index_cast %mul3A_1074 : i32 to index
          %get3A_1106 = tpu.vector_load %arg10[%get3A_1105] {strides = array<i32>} : memref<512xi32, #tpu.memory_space<vmem>>, vector<16xi32>,
          %get3A_1107 = vector.shape_cast %get3A_1106 : vector<16xi32> to vector<16xi32>
          %jit3A_1108 = arith.constant 1 : i32
          %jit3A_1109 = arith.constant 0 : i32
          %broadcast_in_dim3A_1110 = vector.broadcast %jit3A_1108 : i32 to vector<16xi32>
          %broadcast_in_dim3A_1111 = vector.broadcast %jit3A_1109 : i32 to vector<16xi32>
          %select_n3A_1112 = arith.select %lt3A_1104, %broadcast_in_dim3A_1110, %broadcast_in_dim3A_1111 : vector<16xi1>, vector<16xi32>
          %max3A_1113 = arith.maxsi %get3A_1107, %select_n3A_1112 : vector<16xi32>
          %swap3A_1114 = arith.index_cast %mul3A_1074 : i32 to index
          %swap3A_1115 = tpu.vector_load %arg10[%swap3A_1114] {strides = array<i32>} : memref<512xi32, #tpu.memory_space<vmem>>, vector<16xi32>,
          %swap3A_1116 = vector.shape_cast %swap3A_1115 : vector<16xi32> to vector<16xi32>
          %swap3A_1117 = vector.shape_cast %max3A_1113 : vector<16xi32> to vector<16xi32>
          tpu.vector_store %arg10[%swap3A_1114], %swap3A_1117 {strides = array<i32>} : memref<512xi32, #tpu.memory_space<vmem>>, vector<16xi32>,
          %add3A_1118 = arith.constant 10 : i32
          %add3A_1119 = arith.addi %mul3A_952, %add3A_1118 : i32
          %jit3A_1120 = arith.constant -1 : i32
          %broadcast_in_dim3A_1121 = vector.broadcast %add3A_1119 : i32 to vector<16xi32>
          %broadcast_in_dim3A_1122 = vector.broadcast %jit3A_1120 : i32 to vector<16xi32>
          %select_n3A_1123 = arith.select %lt3A_1104, %broadcast_in_dim3A_1121, %broadcast_in_dim3A_1122 : vector<16xi1>, vector<16xi32>
          %get3A_1124 = arith.constant 0 : index
          %get3A_1125 = tpu.vector_load %arg11[%get3A_1124] {strides = array<i32>} : memref<16xi32, #tpu.memory_space<vmem>>, vector<16xi32>,
          %get3A_1126 = vector.shape_cast %get3A_1125 : vector<16xi32> to vector<16xi32>
          %max3A_1127 = arith.maxsi %get3A_1126, %select_n3A_1123 : vector<16xi32>
          %swap3A_1128 = arith.constant 0 : index
          %swap3A_1129 = tpu.vector_load %arg11[%swap3A_1128] {strides = array<i32>} : memref<16xi32, #tpu.memory_space<vmem>>, vector<16xi32>,
          %swap3A_1130 = vector.shape_cast %swap3A_1129 : vector<16xi32> to vector<16xi32>
          %swap3A_1131 = vector.shape_cast %max3A_1127 : vector<16xi32> to vector<16xi32>
          tpu.vector_store %arg11[%swap3A_1128], %swap3A_1131 {strides = array<i32>} : memref<16xi32, #tpu.memory_space<vmem>>, vector<16xi32>,
          %scan3A_1132 = arith.constant 0 : i32
          scf.yield %scan3A_1132 : i32
        }
        %scan3A_1031 = arith.constant 32 : i32
        %scan3A_1032 = arith.constant 0 : i32
        %scan3A_1033 = arith.constant 0 : i32
        %scan3A_1034 = arith.constant 32 : i32
        %scan3A_1035 = arith.addi %scan3A_1033, %scan3A_1034 : i32
        %scan3A_1036 = arith.constant 1 : i32
        %scan3A_1037 = scf.for %scan3A_1071 = %scan3A_1033 to %scan3A_1035 step %scan3A_1036 iter_args(%scan3A_1072 = %scan3A_1032) -> (i32)  : i32 {
          %mul3A_1073 = arith.constant 16 : i32
          %mul3A_1074 = arith.muli %scan3A_1071, %mul3A_1073 : i32
          %get3A_1075 = arith.constant 11 : i32
          %get3A_1076 = arith.index_cast %get3A_1075 : i32 to index
          %get3A_1077 = arith.index_cast %mul3A_1074 : i32 to index
          %get3A_1078 = tpu.vector_load %arg6[%get3A_1076, %get3A_1077] {strides = array<i32>} : memref<16x512xf32, #tpu.memory_space<vmem>>, vector<1x16xf32>,
          %get3A_1079 = vector.shape_cast %get3A_1078 : vector<1x16xf32> to vector<16xf32>
          %mul3A_1080 = arith.constant 2.990000e-01 : f32
          %mul3A_1081 = vector.broadcast %mul3A_1080 : f32 to vector<16xf32>
          %mul3A_1082 = arith.mulf %get3A_1079, %mul3A_1081 : vector<16xf32>
          %get3A_1083 = arith.constant 11 : i32
          %get3A_1084 = arith.index_cast %get3A_1083 : i32 to index
          %get3A_1085 = arith.index_cast %mul3A_1074 : i32 to index
          %get3A_1086 = tpu.vector_load %arg7[%get3A_1084, %get3A_1085] {strides = array<i32>} : memref<16x512xf32, #tpu.memory_space<vmem>>, vector<1x16xf32>,
          %get3A_1087 = vector.shape_cast %get3A_1086 : vector<1x16xf32> to vector<16xf32>
          %mul3A_1088 = arith.constant 5.870000e-01 : f32
          %mul3A_1089 = vector.broadcast %mul3A_1088 : f32 to vector<16xf32>
          %mul3A_1090 = arith.mulf %get3A_1087, %mul3A_1089 : vector<16xf32>
          %add3A_1091 = arith.addf %mul3A_1082, %mul3A_1090 : vector<16xf32>
          %get3A_1092 = arith.constant 11 : i32
          %get3A_1093 = arith.index_cast %get3A_1092 : i32 to index
          %get3A_1094 = arith.index_cast %mul3A_1074 : i32 to index
          %get3A_1095 = tpu.vector_load %arg8[%get3A_1093, %get3A_1094] {strides = array<i32>} : memref<16x512xf32, #tpu.memory_space<vmem>>, vector<1x16xf32>,
          %get3A_1096 = vector.shape_cast %get3A_1095 : vector<1x16xf32> to vector<16xf32>
          %mul3A_1097 = arith.constant 1.140000e-01 : f32
          %mul3A_1098 = vector.broadcast %mul3A_1097 : f32 to vector<16xf32>
          %mul3A_1099 = arith.mulf %get3A_1096, %mul3A_1098 : vector<16xf32>
          %add3A_1100 = arith.addf %add3A_1091, %mul3A_1099 : vector<16xf32>
          %get3A_1101 = arith.constant 0 : index
          %get3A_1102 = tpu.vector_load %arg5[%get3A_1101] {strides = array<i32>} : memref<16xf32, #tpu.memory_space<vmem>>, vector<16xf32>,
          %get3A_1103 = vector.shape_cast %get3A_1102 : vector<16xf32> to vector<16xf32>
          %lt3A_1104 = arith.cmpf olt, %add3A_1100, %get3A_1103 : vector<16xf32>
          %get3A_1105 = arith.index_cast %mul3A_1074 : i32 to index
          %get3A_1106 = tpu.vector_load %arg10[%get3A_1105] {strides = array<i32>} : memref<512xi32, #tpu.memory_space<vmem>>, vector<16xi32>,
          %get3A_1107 = vector.shape_cast %get3A_1106 : vector<16xi32> to vector<16xi32>
          %jit3A_1108 = arith.constant 1 : i32
          %jit3A_1109 = arith.constant 0 : i32
          %broadcast_in_dim3A_1110 = vector.broadcast %jit3A_1108 : i32 to vector<16xi32>
          %broadcast_in_dim3A_1111 = vector.broadcast %jit3A_1109 : i32 to vector<16xi32>
          %select_n3A_1112 = arith.select %lt3A_1104, %broadcast_in_dim3A_1110, %broadcast_in_dim3A_1111 : vector<16xi1>, vector<16xi32>
          %max3A_1113 = arith.maxsi %get3A_1107, %select_n3A_1112 : vector<16xi32>
          %swap3A_1114 = arith.index_cast %mul3A_1074 : i32 to index
          %swap3A_1115 = tpu.vector_load %arg10[%swap3A_1114] {strides = array<i32>} : memref<512xi32, #tpu.memory_space<vmem>>, vector<16xi32>,
          %swap3A_1116 = vector.shape_cast %swap3A_1115 : vector<16xi32> to vector<16xi32>
          %swap3A_1117 = vector.shape_cast %max3A_1113 : vector<16xi32> to vector<16xi32>
          tpu.vector_store %arg10[%swap3A_1114], %swap3A_1117 {strides = array<i32>} : memref<512xi32, #tpu.memory_space<vmem>>, vector<16xi32>,
          %add3A_1118 = arith.constant 11 : i32
          %add3A_1119 = arith.addi %mul3A_952, %add3A_1118 : i32
          %jit3A_1120 = arith.constant -1 : i32
          %broadcast_in_dim3A_1121 = vector.broadcast %add3A_1119 : i32 to vector<16xi32>
          %broadcast_in_dim3A_1122 = vector.broadcast %jit3A_1120 : i32 to vector<16xi32>
          %select_n3A_1123 = arith.select %lt3A_1104, %broadcast_in_dim3A_1121, %broadcast_in_dim3A_1122 : vector<16xi1>, vector<16xi32>
          %get3A_1124 = arith.constant 0 : index
          %get3A_1125 = tpu.vector_load %arg11[%get3A_1124] {strides = array<i32>} : memref<16xi32, #tpu.memory_space<vmem>>, vector<16xi32>,
          %get3A_1126 = vector.shape_cast %get3A_1125 : vector<16xi32> to vector<16xi32>
          %max3A_1127 = arith.maxsi %get3A_1126, %select_n3A_1123 : vector<16xi32>
          %swap3A_1128 = arith.constant 0 : index
          %swap3A_1129 = tpu.vector_load %arg11[%swap3A_1128] {strides = array<i32>} : memref<16xi32, #tpu.memory_space<vmem>>, vector<16xi32>,
          %swap3A_1130 = vector.shape_cast %swap3A_1129 : vector<16xi32> to vector<16xi32>
          %swap3A_1131 = vector.shape_cast %max3A_1127 : vector<16xi32> to vector<16xi32>
          tpu.vector_store %arg11[%swap3A_1128], %swap3A_1131 {strides = array<i32>} : memref<16xi32, #tpu.memory_space<vmem>>, vector<16xi32>,
          %scan3A_1132 = arith.constant 0 : i32
          scf.yield %scan3A_1132 : i32
        }
        %scan3A_1038 = arith.constant 32 : i32
        %scan3A_1039 = arith.constant 0 : i32
        %scan3A_1040 = arith.constant 0 : i32
        %scan3A_1041 = arith.constant 32 : i32
        %scan3A_1042 = arith.addi %scan3A_1040, %scan3A_1041 : i32
        %scan3A_1043 = arith.constant 1 : i32
        %scan3A_1044 = scf.for %scan3A_1071 = %scan3A_1040 to %scan3A_1042 step %scan3A_1043 iter_args(%scan3A_1072 = %scan3A_1039) -> (i32)  : i32 {
          %mul3A_1073 = arith.constant 16 : i32
          %mul3A_1074 = arith.muli %scan3A_1071, %mul3A_1073 : i32
          %get3A_1075 = arith.constant 12 : i32
          %get3A_1076 = arith.index_cast %get3A_1075 : i32 to index
          %get3A_1077 = arith.index_cast %mul3A_1074 : i32 to index
          %get3A_1078 = tpu.vector_load %arg6[%get3A_1076, %get3A_1077] {strides = array<i32>} : memref<16x512xf32, #tpu.memory_space<vmem>>, vector<1x16xf32>,
          %get3A_1079 = vector.shape_cast %get3A_1078 : vector<1x16xf32> to vector<16xf32>
          %mul3A_1080 = arith.constant 2.990000e-01 : f32
          %mul3A_1081 = vector.broadcast %mul3A_1080 : f32 to vector<16xf32>
          %mul3A_1082 = arith.mulf %get3A_1079, %mul3A_1081 : vector<16xf32>
          %get3A_1083 = arith.constant 12 : i32
          %get3A_1084 = arith.index_cast %get3A_1083 : i32 to index
          %get3A_1085 = arith.index_cast %mul3A_1074 : i32 to index
          %get3A_1086 = tpu.vector_load %arg7[%get3A_1084, %get3A_1085] {strides = array<i32>} : memref<16x512xf32, #tpu.memory_space<vmem>>, vector<1x16xf32>,
          %get3A_1087 = vector.shape_cast %get3A_1086 : vector<1x16xf32> to vector<16xf32>
          %mul3A_1088 = arith.constant 5.870000e-01 : f32
          %mul3A_1089 = vector.broadcast %mul3A_1088 : f32 to vector<16xf32>
          %mul3A_1090 = arith.mulf %get3A_1087, %mul3A_1089 : vector<16xf32>
          %add3A_1091 = arith.addf %mul3A_1082, %mul3A_1090 : vector<16xf32>
          %get3A_1092 = arith.constant 12 : i32
          %get3A_1093 = arith.index_cast %get3A_1092 : i32 to index
          %get3A_1094 = arith.index_cast %mul3A_1074 : i32 to index
          %get3A_1095 = tpu.vector_load %arg8[%get3A_1093, %get3A_1094] {strides = array<i32>} : memref<16x512xf32, #tpu.memory_space<vmem>>, vector<1x16xf32>,
          %get3A_1096 = vector.shape_cast %get3A_1095 : vector<1x16xf32> to vector<16xf32>
          %mul3A_1097 = arith.constant 1.140000e-01 : f32
          %mul3A_1098 = vector.broadcast %mul3A_1097 : f32 to vector<16xf32>
          %mul3A_1099 = arith.mulf %get3A_1096, %mul3A_1098 : vector<16xf32>
          %add3A_1100 = arith.addf %add3A_1091, %mul3A_1099 : vector<16xf32>
          %get3A_1101 = arith.constant 0 : index
          %get3A_1102 = tpu.vector_load %arg5[%get3A_1101] {strides = array<i32>} : memref<16xf32, #tpu.memory_space<vmem>>, vector<16xf32>,
          %get3A_1103 = vector.shape_cast %get3A_1102 : vector<16xf32> to vector<16xf32>
          %lt3A_1104 = arith.cmpf olt, %add3A_1100, %get3A_1103 : vector<16xf32>
          %get3A_1105 = arith.index_cast %mul3A_1074 : i32 to index
          %get3A_1106 = tpu.vector_load %arg10[%get3A_1105] {strides = array<i32>} : memref<512xi32, #tpu.memory_space<vmem>>, vector<16xi32>,
          %get3A_1107 = vector.shape_cast %get3A_1106 : vector<16xi32> to vector<16xi32>
          %jit3A_1108 = arith.constant 1 : i32
          %jit3A_1109 = arith.constant 0 : i32
          %broadcast_in_dim3A_1110 = vector.broadcast %jit3A_1108 : i32 to vector<16xi32>
          %broadcast_in_dim3A_1111 = vector.broadcast %jit3A_1109 : i32 to vector<16xi32>
          %select_n3A_1112 = arith.select %lt3A_1104, %broadcast_in_dim3A_1110, %broadcast_in_dim3A_1111 : vector<16xi1>, vector<16xi32>
          %max3A_1113 = arith.maxsi %get3A_1107, %select_n3A_1112 : vector<16xi32>
          %swap3A_1114 = arith.index_cast %mul3A_1074 : i32 to index
          %swap3A_1115 = tpu.vector_load %arg10[%swap3A_1114] {strides = array<i32>} : memref<512xi32, #tpu.memory_space<vmem>>, vector<16xi32>,
          %swap3A_1116 = vector.shape_cast %swap3A_1115 : vector<16xi32> to vector<16xi32>
          %swap3A_1117 = vector.shape_cast %max3A_1113 : vector<16xi32> to vector<16xi32>
          tpu.vector_store %arg10[%swap3A_1114], %swap3A_1117 {strides = array<i32>} : memref<512xi32, #tpu.memory_space<vmem>>, vector<16xi32>,
          %add3A_1118 = arith.constant 12 : i32
          %add3A_1119 = arith.addi %mul3A_952, %add3A_1118 : i32
          %jit3A_1120 = arith.constant -1 : i32
          %broadcast_in_dim3A_1121 = vector.broadcast %add3A_1119 : i32 to vector<16xi32>
          %broadcast_in_dim3A_1122 = vector.broadcast %jit3A_1120 : i32 to vector<16xi32>
          %select_n3A_1123 = arith.select %lt3A_1104, %broadcast_in_dim3A_1121, %broadcast_in_dim3A_1122 : vector<16xi1>, vector<16xi32>
          %get3A_1124 = arith.constant 0 : index
          %get3A_1125 = tpu.vector_load %arg11[%get3A_1124] {strides = array<i32>} : memref<16xi32, #tpu.memory_space<vmem>>, vector<16xi32>,
          %get3A_1126 = vector.shape_cast %get3A_1125 : vector<16xi32> to vector<16xi32>
          %max3A_1127 = arith.maxsi %get3A_1126, %select_n3A_1123 : vector<16xi32>
          %swap3A_1128 = arith.constant 0 : index
          %swap3A_1129 = tpu.vector_load %arg11[%swap3A_1128] {strides = array<i32>} : memref<16xi32, #tpu.memory_space<vmem>>, vector<16xi32>,
          %swap3A_1130 = vector.shape_cast %swap3A_1129 : vector<16xi32> to vector<16xi32>
          %swap3A_1131 = vector.shape_cast %max3A_1127 : vector<16xi32> to vector<16xi32>
          tpu.vector_store %arg11[%swap3A_1128], %swap3A_1131 {strides = array<i32>} : memref<16xi32, #tpu.memory_space<vmem>>, vector<16xi32>,
          %scan3A_1132 = arith.constant 0 : i32
          scf.yield %scan3A_1132 : i32
        }
        %scan3A_1045 = arith.constant 32 : i32
        %scan3A_1046 = arith.constant 0 : i32
        %scan3A_1047 = arith.constant 0 : i32
        %scan3A_1048 = arith.constant 32 : i32
        %scan3A_1049 = arith.addi %scan3A_1047, %scan3A_1048 : i32
        %scan3A_1050 = arith.constant 1 : i32
        %scan3A_1051 = scf.for %scan3A_1071 = %scan3A_1047 to %scan3A_1049 step %scan3A_1050 iter_args(%scan3A_1072 = %scan3A_1046) -> (i32)  : i32 {
          %mul3A_1073 = arith.constant 16 : i32
          %mul3A_1074 = arith.muli %scan3A_1071, %mul3A_1073 : i32
          %get3A_1075 = arith.constant 13 : i32
          %get3A_1076 = arith.index_cast %get3A_1075 : i32 to index
          %get3A_1077 = arith.index_cast %mul3A_1074 : i32 to index
          %get3A_1078 = tpu.vector_load %arg6[%get3A_1076, %get3A_1077] {strides = array<i32>} : memref<16x512xf32, #tpu.memory_space<vmem>>, vector<1x16xf32>,
          %get3A_1079 = vector.shape_cast %get3A_1078 : vector<1x16xf32> to vector<16xf32>
          %mul3A_1080 = arith.constant 2.990000e-01 : f32
          %mul3A_1081 = vector.broadcast %mul3A_1080 : f32 to vector<16xf32>
          %mul3A_1082 = arith.mulf %get3A_1079, %mul3A_1081 : vector<16xf32>
          %get3A_1083 = arith.constant 13 : i32
          %get3A_1084 = arith.index_cast %get3A_1083 : i32 to index
          %get3A_1085 = arith.index_cast %mul3A_1074 : i32 to index
          %get3A_1086 = tpu.vector_load %arg7[%get3A_1084, %get3A_1085] {strides = array<i32>} : memref<16x512xf32, #tpu.memory_space<vmem>>, vector<1x16xf32>,
          %get3A_1087 = vector.shape_cast %get3A_1086 : vector<1x16xf32> to vector<16xf32>
          %mul3A_1088 = arith.constant 5.870000e-01 : f32
          %mul3A_1089 = vector.broadcast %mul3A_1088 : f32 to vector<16xf32>
          %mul3A_1090 = arith.mulf %get3A_1087, %mul3A_1089 : vector<16xf32>
          %add3A_1091 = arith.addf %mul3A_1082, %mul3A_1090 : vector<16xf32>
          %get3A_1092 = arith.constant 13 : i32
          %get3A_1093 = arith.index_cast %get3A_1092 : i32 to index
          %get3A_1094 = arith.index_cast %mul3A_1074 : i32 to index
          %get3A_1095 = tpu.vector_load %arg8[%get3A_1093, %get3A_1094] {strides = array<i32>} : memref<16x512xf32, #tpu.memory_space<vmem>>, vector<1x16xf32>,
          %get3A_1096 = vector.shape_cast %get3A_1095 : vector<1x16xf32> to vector<16xf32>
          %mul3A_1097 = arith.constant 1.140000e-01 : f32
          %mul3A_1098 = vector.broadcast %mul3A_1097 : f32 to vector<16xf32>
          %mul3A_1099 = arith.mulf %get3A_1096, %mul3A_1098 : vector<16xf32>
          %add3A_1100 = arith.addf %add3A_1091, %mul3A_1099 : vector<16xf32>
          %get3A_1101 = arith.constant 0 : index
          %get3A_1102 = tpu.vector_load %arg5[%get3A_1101] {strides = array<i32>} : memref<16xf32, #tpu.memory_space<vmem>>, vector<16xf32>,
          %get3A_1103 = vector.shape_cast %get3A_1102 : vector<16xf32> to vector<16xf32>
          %lt3A_1104 = arith.cmpf olt, %add3A_1100, %get3A_1103 : vector<16xf32>
          %get3A_1105 = arith.index_cast %mul3A_1074 : i32 to index
          %get3A_1106 = tpu.vector_load %arg10[%get3A_1105] {strides = array<i32>} : memref<512xi32, #tpu.memory_space<vmem>>, vector<16xi32>,
          %get3A_1107 = vector.shape_cast %get3A_1106 : vector<16xi32> to vector<16xi32>
          %jit3A_1108 = arith.constant 1 : i32
          %jit3A_1109 = arith.constant 0 : i32
          %broadcast_in_dim3A_1110 = vector.broadcast %jit3A_1108 : i32 to vector<16xi32>
          %broadcast_in_dim3A_1111 = vector.broadcast %jit3A_1109 : i32 to vector<16xi32>
          %select_n3A_1112 = arith.select %lt3A_1104, %broadcast_in_dim3A_1110, %broadcast_in_dim3A_1111 : vector<16xi1>, vector<16xi32>
          %max3A_1113 = arith.maxsi %get3A_1107, %select_n3A_1112 : vector<16xi32>
          %swap3A_1114 = arith.index_cast %mul3A_1074 : i32 to index
          %swap3A_1115 = tpu.vector_load %arg10[%swap3A_1114] {strides = array<i32>} : memref<512xi32, #tpu.memory_space<vmem>>, vector<16xi32>,
          %swap3A_1116 = vector.shape_cast %swap3A_1115 : vector<16xi32> to vector<16xi32>
          %swap3A_1117 = vector.shape_cast %max3A_1113 : vector<16xi32> to vector<16xi32>
          tpu.vector_store %arg10[%swap3A_1114], %swap3A_1117 {strides = array<i32>} : memref<512xi32, #tpu.memory_space<vmem>>, vector<16xi32>,
          %add3A_1118 = arith.constant 13 : i32
          %add3A_1119 = arith.addi %mul3A_952, %add3A_1118 : i32
          %jit3A_1120 = arith.constant -1 : i32
          %broadcast_in_dim3A_1121 = vector.broadcast %add3A_1119 : i32 to vector<16xi32>
          %broadcast_in_dim3A_1122 = vector.broadcast %jit3A_1120 : i32 to vector<16xi32>
          %select_n3A_1123 = arith.select %lt3A_1104, %broadcast_in_dim3A_1121, %broadcast_in_dim3A_1122 : vector<16xi1>, vector<16xi32>
          %get3A_1124 = arith.constant 0 : index
          %get3A_1125 = tpu.vector_load %arg11[%get3A_1124] {strides = array<i32>} : memref<16xi32, #tpu.memory_space<vmem>>, vector<16xi32>,
          %get3A_1126 = vector.shape_cast %get3A_1125 : vector<16xi32> to vector<16xi32>
          %max3A_1127 = arith.maxsi %get3A_1126, %select_n3A_1123 : vector<16xi32>
          %swap3A_1128 = arith.constant 0 : index
          %swap3A_1129 = tpu.vector_load %arg11[%swap3A_1128] {strides = array<i32>} : memref<16xi32, #tpu.memory_space<vmem>>, vector<16xi32>,
          %swap3A_1130 = vector.shape_cast %swap3A_1129 : vector<16xi32> to vector<16xi32>
          %swap3A_1131 = vector.shape_cast %max3A_1127 : vector<16xi32> to vector<16xi32>
          tpu.vector_store %arg11[%swap3A_1128], %swap3A_1131 {strides = array<i32>} : memref<16xi32, #tpu.memory_space<vmem>>, vector<16xi32>,
          %scan3A_1132 = arith.constant 0 : i32
          scf.yield %scan3A_1132 : i32
        }
        %scan3A_1052 = arith.constant 32 : i32
        %scan3A_1053 = arith.constant 0 : i32
        %scan3A_1054 = arith.constant 0 : i32
        %scan3A_1055 = arith.constant 32 : i32
        %scan3A_1056 = arith.addi %scan3A_1054, %scan3A_1055 : i32
        %scan3A_1057 = arith.constant 1 : i32
        %scan3A_1058 = scf.for %scan3A_1071 = %scan3A_1054 to %scan3A_1056 step %scan3A_1057 iter_args(%scan3A_1072 = %scan3A_1053) -> (i32)  : i32 {
          %mul3A_1073 = arith.constant 16 : i32
          %mul3A_1074 = arith.muli %scan3A_1071, %mul3A_1073 : i32
          %get3A_1075 = arith.constant 14 : i32
          %get3A_1076 = arith.index_cast %get3A_1075 : i32 to index
          %get3A_1077 = arith.index_cast %mul3A_1074 : i32 to index
          %get3A_1078 = tpu.vector_load %arg6[%get3A_1076, %get3A_1077] {strides = array<i32>} : memref<16x512xf32, #tpu.memory_space<vmem>>, vector<1x16xf32>,
          %get3A_1079 = vector.shape_cast %get3A_1078 : vector<1x16xf32> to vector<16xf32>
          %mul3A_1080 = arith.constant 2.990000e-01 : f32
          %mul3A_1081 = vector.broadcast %mul3A_1080 : f32 to vector<16xf32>
          %mul3A_1082 = arith.mulf %get3A_1079, %mul3A_1081 : vector<16xf32>
          %get3A_1083 = arith.constant 14 : i32
          %get3A_1084 = arith.index_cast %get3A_1083 : i32 to index
          %get3A_1085 = arith.index_cast %mul3A_1074 : i32 to index
          %get3A_1086 = tpu.vector_load %arg7[%get3A_1084, %get3A_1085] {strides = array<i32>} : memref<16x512xf32, #tpu.memory_space<vmem>>, vector<1x16xf32>,
          %get3A_1087 = vector.shape_cast %get3A_1086 : vector<1x16xf32> to vector<16xf32>
          %mul3A_1088 = arith.constant 5.870000e-01 : f32
          %mul3A_1089 = vector.broadcast %mul3A_1088 : f32 to vector<16xf32>
          %mul3A_1090 = arith.mulf %get3A_1087, %mul3A_1089 : vector<16xf32>
          %add3A_1091 = arith.addf %mul3A_1082, %mul3A_1090 : vector<16xf32>
          %get3A_1092 = arith.constant 14 : i32
          %get3A_1093 = arith.index_cast %get3A_1092 : i32 to index
          %get3A_1094 = arith.index_cast %mul3A_1074 : i32 to index
          %get3A_1095 = tpu.vector_load %arg8[%get3A_1093, %get3A_1094] {strides = array<i32>} : memref<16x512xf32, #tpu.memory_space<vmem>>, vector<1x16xf32>,
          %get3A_1096 = vector.shape_cast %get3A_1095 : vector<1x16xf32> to vector<16xf32>
          %mul3A_1097 = arith.constant 1.140000e-01 : f32
          %mul3A_1098 = vector.broadcast %mul3A_1097 : f32 to vector<16xf32>
          %mul3A_1099 = arith.mulf %get3A_1096, %mul3A_1098 : vector<16xf32>
          %add3A_1100 = arith.addf %add3A_1091, %mul3A_1099 : vector<16xf32>
          %get3A_1101 = arith.constant 0 : index
          %get3A_1102 = tpu.vector_load %arg5[%get3A_1101] {strides = array<i32>} : memref<16xf32, #tpu.memory_space<vmem>>, vector<16xf32>,
          %get3A_1103 = vector.shape_cast %get3A_1102 : vector<16xf32> to vector<16xf32>
          %lt3A_1104 = arith.cmpf olt, %add3A_1100, %get3A_1103 : vector<16xf32>
          %get3A_1105 = arith.index_cast %mul3A_1074 : i32 to index
          %get3A_1106 = tpu.vector_load %arg10[%get3A_1105] {strides = array<i32>} : memref<512xi32, #tpu.memory_space<vmem>>, vector<16xi32>,
          %get3A_1107 = vector.shape_cast %get3A_1106 : vector<16xi32> to vector<16xi32>
          %jit3A_1108 = arith.constant 1 : i32
          %jit3A_1109 = arith.constant 0 : i32
          %broadcast_in_dim3A_1110 = vector.broadcast %jit3A_1108 : i32 to vector<16xi32>
          %broadcast_in_dim3A_1111 = vector.broadcast %jit3A_1109 : i32 to vector<16xi32>
          %select_n3A_1112 = arith.select %lt3A_1104, %broadcast_in_dim3A_1110, %broadcast_in_dim3A_1111 : vector<16xi1>, vector<16xi32>
          %max3A_1113 = arith.maxsi %get3A_1107, %select_n3A_1112 : vector<16xi32>
          %swap3A_1114 = arith.index_cast %mul3A_1074 : i32 to index
          %swap3A_1115 = tpu.vector_load %arg10[%swap3A_1114] {strides = array<i32>} : memref<512xi32, #tpu.memory_space<vmem>>, vector<16xi32>,
          %swap3A_1116 = vector.shape_cast %swap3A_1115 : vector<16xi32> to vector<16xi32>
          %swap3A_1117 = vector.shape_cast %max3A_1113 : vector<16xi32> to vector<16xi32>
          tpu.vector_store %arg10[%swap3A_1114], %swap3A_1117 {strides = array<i32>} : memref<512xi32, #tpu.memory_space<vmem>>, vector<16xi32>,
          %add3A_1118 = arith.constant 14 : i32
          %add3A_1119 = arith.addi %mul3A_952, %add3A_1118 : i32
          %jit3A_1120 = arith.constant -1 : i32
          %broadcast_in_dim3A_1121 = vector.broadcast %add3A_1119 : i32 to vector<16xi32>
          %broadcast_in_dim3A_1122 = vector.broadcast %jit3A_1120 : i32 to vector<16xi32>
          %select_n3A_1123 = arith.select %lt3A_1104, %broadcast_in_dim3A_1121, %broadcast_in_dim3A_1122 : vector<16xi1>, vector<16xi32>
          %get3A_1124 = arith.constant 0 : index
          %get3A_1125 = tpu.vector_load %arg11[%get3A_1124] {strides = array<i32>} : memref<16xi32, #tpu.memory_space<vmem>>, vector<16xi32>,
          %get3A_1126 = vector.shape_cast %get3A_1125 : vector<16xi32> to vector<16xi32>
          %max3A_1127 = arith.maxsi %get3A_1126, %select_n3A_1123 : vector<16xi32>
          %swap3A_1128 = arith.constant 0 : index
          %swap3A_1129 = tpu.vector_load %arg11[%swap3A_1128] {strides = array<i32>} : memref<16xi32, #tpu.memory_space<vmem>>, vector<16xi32>,
          %swap3A_1130 = vector.shape_cast %swap3A_1129 : vector<16xi32> to vector<16xi32>
          %swap3A_1131 = vector.shape_cast %max3A_1127 : vector<16xi32> to vector<16xi32>
          tpu.vector_store %arg11[%swap3A_1128], %swap3A_1131 {strides = array<i32>} : memref<16xi32, #tpu.memory_space<vmem>>, vector<16xi32>,
          %scan3A_1132 = arith.constant 0 : i32
          scf.yield %scan3A_1132 : i32
        }
        %scan3A_1059 = arith.constant 32 : i32
        %scan3A_1060 = arith.constant 0 : i32
        %scan3A_1061 = arith.constant 0 : i32
        %scan3A_1062 = arith.constant 32 : i32
        %scan3A_1063 = arith.addi %scan3A_1061, %scan3A_1062 : i32
        %scan3A_1064 = arith.constant 1 : i32
        %scan3A_1065 = scf.for %scan3A_1071 = %scan3A_1061 to %scan3A_1063 step %scan3A_1064 iter_args(%scan3A_1072 = %scan3A_1060) -> (i32)  : i32 {
          %mul3A_1073 = arith.constant 16 : i32
          %mul3A_1074 = arith.muli %scan3A_1071, %mul3A_1073 : i32
          %get3A_1075 = arith.constant 15 : i32
          %get3A_1076 = arith.index_cast %get3A_1075 : i32 to index
          %get3A_1077 = arith.index_cast %mul3A_1074 : i32 to index
          %get3A_1078 = tpu.vector_load %arg6[%get3A_1076, %get3A_1077] {strides = array<i32>} : memref<16x512xf32, #tpu.memory_space<vmem>>, vector<1x16xf32>,
          %get3A_1079 = vector.shape_cast %get3A_1078 : vector<1x16xf32> to vector<16xf32>
          %mul3A_1080 = arith.constant 2.990000e-01 : f32
          %mul3A_1081 = vector.broadcast %mul3A_1080 : f32 to vector<16xf32>
          %mul3A_1082 = arith.mulf %get3A_1079, %mul3A_1081 : vector<16xf32>
          %get3A_1083 = arith.constant 15 : i32
          %get3A_1084 = arith.index_cast %get3A_1083 : i32 to index
          %get3A_1085 = arith.index_cast %mul3A_1074 : i32 to index
          %get3A_1086 = tpu.vector_load %arg7[%get3A_1084, %get3A_1085] {strides = array<i32>} : memref<16x512xf32, #tpu.memory_space<vmem>>, vector<1x16xf32>,
          %get3A_1087 = vector.shape_cast %get3A_1086 : vector<1x16xf32> to vector<16xf32>
          %mul3A_1088 = arith.constant 5.870000e-01 : f32
          %mul3A_1089 = vector.broadcast %mul3A_1088 : f32 to vector<16xf32>
          %mul3A_1090 = arith.mulf %get3A_1087, %mul3A_1089 : vector<16xf32>
          %add3A_1091 = arith.addf %mul3A_1082, %mul3A_1090 : vector<16xf32>
          %get3A_1092 = arith.constant 15 : i32
          %get3A_1093 = arith.index_cast %get3A_1092 : i32 to index
          %get3A_1094 = arith.index_cast %mul3A_1074 : i32 to index
          %get3A_1095 = tpu.vector_load %arg8[%get3A_1093, %get3A_1094] {strides = array<i32>} : memref<16x512xf32, #tpu.memory_space<vmem>>, vector<1x16xf32>,
          %get3A_1096 = vector.shape_cast %get3A_1095 : vector<1x16xf32> to vector<16xf32>
          %mul3A_1097 = arith.constant 1.140000e-01 : f32
          %mul3A_1098 = vector.broadcast %mul3A_1097 : f32 to vector<16xf32>
          %mul3A_1099 = arith.mulf %get3A_1096, %mul3A_1098 : vector<16xf32>
          %add3A_1100 = arith.addf %add3A_1091, %mul3A_1099 : vector<16xf32>
          %get3A_1101 = arith.constant 0 : index
          %get3A_1102 = tpu.vector_load %arg5[%get3A_1101] {strides = array<i32>} : memref<16xf32, #tpu.memory_space<vmem>>, vector<16xf32>,
          %get3A_1103 = vector.shape_cast %get3A_1102 : vector<16xf32> to vector<16xf32>
          %lt3A_1104 = arith.cmpf olt, %add3A_1100, %get3A_1103 : vector<16xf32>
          %get3A_1105 = arith.index_cast %mul3A_1074 : i32 to index
          %get3A_1106 = tpu.vector_load %arg10[%get3A_1105] {strides = array<i32>} : memref<512xi32, #tpu.memory_space<vmem>>, vector<16xi32>,
          %get3A_1107 = vector.shape_cast %get3A_1106 : vector<16xi32> to vector<16xi32>
          %jit3A_1108 = arith.constant 1 : i32
          %jit3A_1109 = arith.constant 0 : i32
          %broadcast_in_dim3A_1110 = vector.broadcast %jit3A_1108 : i32 to vector<16xi32>
          %broadcast_in_dim3A_1111 = vector.broadcast %jit3A_1109 : i32 to vector<16xi32>
          %select_n3A_1112 = arith.select %lt3A_1104, %broadcast_in_dim3A_1110, %broadcast_in_dim3A_1111 : vector<16xi1>, vector<16xi32>
          %max3A_1113 = arith.maxsi %get3A_1107, %select_n3A_1112 : vector<16xi32>
          %swap3A_1114 = arith.index_cast %mul3A_1074 : i32 to index
          %swap3A_1115 = tpu.vector_load %arg10[%swap3A_1114] {strides = array<i32>} : memref<512xi32, #tpu.memory_space<vmem>>, vector<16xi32>,
          %swap3A_1116 = vector.shape_cast %swap3A_1115 : vector<16xi32> to vector<16xi32>
          %swap3A_1117 = vector.shape_cast %max3A_1113 : vector<16xi32> to vector<16xi32>
          tpu.vector_store %arg10[%swap3A_1114], %swap3A_1117 {strides = array<i32>} : memref<512xi32, #tpu.memory_space<vmem>>, vector<16xi32>,
          %add3A_1118 = arith.constant 15 : i32
          %add3A_1119 = arith.addi %mul3A_952, %add3A_1118 : i32
          %jit3A_1120 = arith.constant -1 : i32
          %broadcast_in_dim3A_1121 = vector.broadcast %add3A_1119 : i32 to vector<16xi32>
          %broadcast_in_dim3A_1122 = vector.broadcast %jit3A_1120 : i32 to vector<16xi32>
          %select_n3A_1123 = arith.select %lt3A_1104, %broadcast_in_dim3A_1121, %broadcast_in_dim3A_1122 : vector<16xi1>, vector<16xi32>
          %get3A_1124 = arith.constant 0 : index
          %get3A_1125 = tpu.vector_load %arg11[%get3A_1124] {strides = array<i32>} : memref<16xi32, #tpu.memory_space<vmem>>, vector<16xi32>,
          %get3A_1126 = vector.shape_cast %get3A_1125 : vector<16xi32> to vector<16xi32>
          %max3A_1127 = arith.maxsi %get3A_1126, %select_n3A_1123 : vector<16xi32>
          %swap3A_1128 = arith.constant 0 : index
          %swap3A_1129 = tpu.vector_load %arg11[%swap3A_1128] {strides = array<i32>} : memref<16xi32, #tpu.memory_space<vmem>>, vector<16xi32>,
          %swap3A_1130 = vector.shape_cast %swap3A_1129 : vector<16xi32> to vector<16xi32>
          %swap3A_1131 = vector.shape_cast %max3A_1127 : vector<16xi32> to vector<16xi32>
          tpu.vector_store %arg11[%swap3A_1128], %swap3A_1131 {strides = array<i32>} : memref<16xi32, #tpu.memory_space<vmem>>, vector<16xi32>,
          %scan3A_1132 = arith.constant 0 : i32
          scf.yield %scan3A_1132 : i32
        }
        %scan3A_1066 = arith.constant 32 : i32
        %run_scoped3A_1067 = arith.constant 0 : i32
        "tpu.region"() ({
          %run_scoped3A_1071 = tpu.sem_alloc : memref<!tpu.dma_semaphore, #tpu.memory_space<semaphore_mem>>
          %dma_start3A = arith.constant 0 : i32
          %dma_start3A_1072 = tpu.memref_slice %arg4[%add3A, %run_scoped3A_1067, %mul3A_952, %dma_start3A] : memref<16x3x512x512xf32, #tpu.memory_space<hbm>> -> memref<1x1x16x512xf32, #tpu.memory_space<hbm>>
          %dma_start3A_1073 = tpu.memref_squeeze %dma_start3A_1072 : memref<1x1x16x512xf32, #tpu.memory_space<hbm>> -> memref<16x512xf32, #tpu.memory_space<hbm>>
          %dma_start3A_1074 = arith.constant 0 : i32
          %dma_start3A_1075 = tpu.memref_slice %arg4[%add3A, %run_scoped3A_1067, %mul3A_952, %dma_start3A_1074] : memref<16x3x512x512xf32, #tpu.memory_space<hbm>> -> memref<1x1x16x512xf32, #tpu.memory_space<hbm>>
          %dma_start3A_1076 = tpu.memref_squeeze %dma_start3A_1075 : memref<1x1x16x512xf32, #tpu.memory_space<hbm>> -> memref<16x512xf32, #tpu.memory_space<hbm>>
          tpu.enqueue_dma source(%arg6 : memref<16x512xf32, #tpu.memory_space<vmem>>) target(%dma_start3A_1076 : memref<16x512xf32, #tpu.memory_space<hbm>>) target_semaphore(%run_scoped3A_1071 : memref<!tpu.dma_semaphore, #tpu.memory_space<semaphore_mem>>)
          %dma_wait3A = arith.constant 0 : i32
          %dma_wait3A_1077 = tpu.memref_slice %arg4[%add3A, %run_scoped3A_1067, %mul3A_952, %dma_wait3A] : memref<16x3x512x512xf32, #tpu.memory_space<hbm>> -> memref<1x1x16x512xf32, #tpu.memory_space<hbm>>
          %dma_wait3A_1078 = tpu.memref_squeeze %dma_wait3A_1077 : memref<1x1x16x512xf32, #tpu.memory_space<hbm>> -> memref<16x512xf32, #tpu.memory_space<hbm>>
          %dma_wait3A_1079 = arith.constant 0 : i32
          %dma_wait3A_1080 = tpu.memref_slice %arg4[%add3A, %run_scoped3A_1067, %mul3A_952, %dma_wait3A_1079] : memref<16x3x512x512xf32, #tpu.memory_space<hbm>> -> memref<1x1x16x512xf32, #tpu.memory_space<hbm>>
          %dma_wait3A_1081 = tpu.memref_squeeze %dma_wait3A_1080 : memref<1x1x16x512xf32, #tpu.memory_space<hbm>> -> memref<16x512xf32, #tpu.memory_space<hbm>>
          tpu.wait_dma2 semaphore(%run_scoped3A_1071 : memref<!tpu.dma_semaphore, #tpu.memory_space<semaphore_mem>>) src(%arg6 : memref<16x512xf32, #tpu.memory_space<vmem>>) dst(%dma_wait3A_1081 : memref<16x512xf32, #tpu.memory_space<hbm>>)
          tpu.yield
        }) : () -> ()
        %run_scoped3A_1068 = arith.constant 1 : i32
        "tpu.region"() ({
          %run_scoped3A_1071 = tpu.sem_alloc : memref<!tpu.dma_semaphore, #tpu.memory_space<semaphore_mem>>
          %dma_start3A = arith.constant 0 : i32
          %dma_start3A_1072 = tpu.memref_slice %arg4[%add3A, %run_scoped3A_1068, %mul3A_952, %dma_start3A] : memref<16x3x512x512xf32, #tpu.memory_space<hbm>> -> memref<1x1x16x512xf32, #tpu.memory_space<hbm>>
          %dma_start3A_1073 = tpu.memref_squeeze %dma_start3A_1072 : memref<1x1x16x512xf32, #tpu.memory_space<hbm>> -> memref<16x512xf32, #tpu.memory_space<hbm>>
          %dma_start3A_1074 = arith.constant 0 : i32
          %dma_start3A_1075 = tpu.memref_slice %arg4[%add3A, %run_scoped3A_1068, %mul3A_952, %dma_start3A_1074] : memref<16x3x512x512xf32, #tpu.memory_space<hbm>> -> memref<1x1x16x512xf32, #tpu.memory_space<hbm>>
          %dma_start3A_1076 = tpu.memref_squeeze %dma_start3A_1075 : memref<1x1x16x512xf32, #tpu.memory_space<hbm>> -> memref<16x512xf32, #tpu.memory_space<hbm>>
          tpu.enqueue_dma source(%arg7 : memref<16x512xf32, #tpu.memory_space<vmem>>) target(%dma_start3A_1076 : memref<16x512xf32, #tpu.memory_space<hbm>>) target_semaphore(%run_scoped3A_1071 : memref<!tpu.dma_semaphore, #tpu.memory_space<semaphore_mem>>)
          %dma_wait3A = arith.constant 0 : i32
          %dma_wait3A_1077 = tpu.memref_slice %arg4[%add3A, %run_scoped3A_1068, %mul3A_952, %dma_wait3A] : memref<16x3x512x512xf32, #tpu.memory_space<hbm>> -> memref<1x1x16x512xf32, #tpu.memory_space<hbm>>
          %dma_wait3A_1078 = tpu.memref_squeeze %dma_wait3A_1077 : memref<1x1x16x512xf32, #tpu.memory_space<hbm>> -> memref<16x512xf32, #tpu.memory_space<hbm>>
          %dma_wait3A_1079 = arith.constant 0 : i32
          %dma_wait3A_1080 = tpu.memref_slice %arg4[%add3A, %run_scoped3A_1068, %mul3A_952, %dma_wait3A_1079] : memref<16x3x512x512xf32, #tpu.memory_space<hbm>> -> memref<1x1x16x512xf32, #tpu.memory_space<hbm>>
          %dma_wait3A_1081 = tpu.memref_squeeze %dma_wait3A_1080 : memref<1x1x16x512xf32, #tpu.memory_space<hbm>> -> memref<16x512xf32, #tpu.memory_space<hbm>>
          tpu.wait_dma2 semaphore(%run_scoped3A_1071 : memref<!tpu.dma_semaphore, #tpu.memory_space<semaphore_mem>>) src(%arg7 : memref<16x512xf32, #tpu.memory_space<vmem>>) dst(%dma_wait3A_1081 : memref<16x512xf32, #tpu.memory_space<hbm>>)
          tpu.yield
        }) : () -> ()
        %run_scoped3A_1069 = arith.constant 2 : i32
        "tpu.region"() ({
          %run_scoped3A_1071 = tpu.sem_alloc : memref<!tpu.dma_semaphore, #tpu.memory_space<semaphore_mem>>
          %dma_start3A = arith.constant 0 : i32
          %dma_start3A_1072 = tpu.memref_slice %arg4[%add3A, %run_scoped3A_1069, %mul3A_952, %dma_start3A] : memref<16x3x512x512xf32, #tpu.memory_space<hbm>> -> memref<1x1x16x512xf32, #tpu.memory_space<hbm>>
          %dma_start3A_1073 = tpu.memref_squeeze %dma_start3A_1072 : memref<1x1x16x512xf32, #tpu.memory_space<hbm>> -> memref<16x512xf32, #tpu.memory_space<hbm>>
          %dma_start3A_1074 = arith.constant 0 : i32
          %dma_start3A_1075 = tpu.memref_slice %arg4[%add3A, %run_scoped3A_1069, %mul3A_952, %dma_start3A_1074] : memref<16x3x512x512xf32, #tpu.memory_space<hbm>> -> memref<1x1x16x512xf32, #tpu.memory_space<hbm>>
          %dma_start3A_1076 = tpu.memref_squeeze %dma_start3A_1075 : memref<1x1x16x512xf32, #tpu.memory_space<hbm>> -> memref<16x512xf32, #tpu.memory_space<hbm>>
          tpu.enqueue_dma source(%arg8 : memref<16x512xf32, #tpu.memory_space<vmem>>) target(%dma_start3A_1076 : memref<16x512xf32, #tpu.memory_space<hbm>>) target_semaphore(%run_scoped3A_1071 : memref<!tpu.dma_semaphore, #tpu.memory_space<semaphore_mem>>)
          %dma_wait3A = arith.constant 0 : i32
          %dma_wait3A_1077 = tpu.memref_slice %arg4[%add3A, %run_scoped3A_1069, %mul3A_952, %dma_wait3A] : memref<16x3x512x512xf32, #tpu.memory_space<hbm>> -> memref<1x1x16x512xf32, #tpu.memory_space<hbm>>
          %dma_wait3A_1078 = tpu.memref_squeeze %dma_wait3A_1077 : memref<1x1x16x512xf32, #tpu.memory_space<hbm>> -> memref<16x512xf32, #tpu.memory_space<hbm>>
          %dma_wait3A_1079 = arith.constant 0 : i32
          %dma_wait3A_1080 = tpu.memref_slice %arg4[%add3A, %run_scoped3A_1069, %mul3A_952, %dma_wait3A_1079] : memref<16x3x512x512xf32, #tpu.memory_space<hbm>> -> memref<1x1x16x512xf32, #tpu.memory_space<hbm>>
          %dma_wait3A_1081 = tpu.memref_squeeze %dma_wait3A_1080 : memref<1x1x16x512xf32, #tpu.memory_space<hbm>> -> memref<16x512xf32, #tpu.memory_space<hbm>>
          tpu.wait_dma2 semaphore(%run_scoped3A_1071 : memref<!tpu.dma_semaphore, #tpu.memory_space<semaphore_mem>>) src(%arg8 : memref<16x512xf32, #tpu.memory_space<vmem>>) dst(%dma_wait3A_1081 : memref<16x512xf32, #tpu.memory_space<hbm>>)
          tpu.yield
        }) : () -> ()
        %scan3A_1070 = arith.constant 0 : i32
        scf.yield %scan3A_1070 : i32
      }
      %scan3A_204 = arith.constant 32 : i32
      %get3A = arith.constant 0 : index
      %get3A_205 = tpu.vector_load %arg11[%get3A] {strides = array<i32>} : memref<16xi32, #tpu.memory_space<vmem>>, vector<16xi32>,
      %get3A_206 = vector.shape_cast %get3A_205 : vector<16xi32> to vector<16xi32>
      %slice3A = vector.extract_strided_slice %get3A_206 {offsets = [0], sizes = [1], strides = [1]} : vector<16xi32> to vector<1xi32>
      %squeeze3A = vector.extract %slice3A[0] : i32 from vector<1xi32>
      %slice3A_207 = vector.extract_strided_slice %get3A_206 {offsets = [1], sizes = [1], strides = [1]} : vector<16xi32> to vector<1xi32>
      %squeeze3A_208 = vector.extract %slice3A_207[0] : i32 from vector<1xi32>
      %max3A = arith.maxsi %squeeze3A, %squeeze3A_208 : i32
      %slice3A_209 = vector.extract_strided_slice %get3A_206 {offsets = [2], sizes = [1], strides = [1]} : vector<16xi32> to vector<1xi32>
      %squeeze3A_210 = vector.extract %slice3A_209[0] : i32 from vector<1xi32>
      %max3A_211 = arith.maxsi %max3A, %squeeze3A_210 : i32
      %slice3A_212 = vector.extract_strided_slice %get3A_206 {offsets = [3], sizes = [1], strides = [1]} : vector<16xi32> to vector<1xi32>
      %squeeze3A_213 = vector.extract %slice3A_212[0] : i32 from vector<1xi32>
      %max3A_214 = arith.maxsi %max3A_211, %squeeze3A_213 : i32
      %slice3A_215 = vector.extract_strided_slice %get3A_206 {offsets = [4], sizes = [1], strides = [1]} : vector<16xi32> to vector<1xi32>
      %squeeze3A_216 = vector.extract %slice3A_215[0] : i32 from vector<1xi32>
      %max3A_217 = arith.maxsi %max3A_214, %squeeze3A_216 : i32
      %slice3A_218 = vector.extract_strided_slice %get3A_206 {offsets = [5], sizes = [1], strides = [1]} : vector<16xi32> to vector<1xi32>
      %squeeze3A_219 = vector.extract %slice3A_218[0] : i32 from vector<1xi32>
      %max3A_220 = arith.maxsi %max3A_217, %squeeze3A_219 : i32
      %slice3A_221 = vector.extract_strided_slice %get3A_206 {offsets = [6], sizes = [1], strides = [1]} : vector<16xi32> to vector<1xi32>
      %squeeze3A_222 = vector.extract %slice3A_221[0] : i32 from vector<1xi32>
      %max3A_223 = arith.maxsi %max3A_220, %squeeze3A_222 : i32
      %slice3A_224 = vector.extract_strided_slice %get3A_206 {offsets = [7], sizes = [1], strides = [1]} : vector<16xi32> to vector<1xi32>
      %squeeze3A_225 = vector.extract %slice3A_224[0] : i32 from vector<1xi32>
      %max3A_226 = arith.maxsi %max3A_223, %squeeze3A_225 : i32
      %slice3A_227 = vector.extract_strided_slice %get3A_206 {offsets = [8], sizes = [1], strides = [1]} : vector<16xi32> to vector<1xi32>
      %squeeze3A_228 = vector.extract %slice3A_227[0] : i32 from vector<1xi32>
      %max3A_229 = arith.maxsi %max3A_226, %squeeze3A_228 : i32
      %slice3A_230 = vector.extract_strided_slice %get3A_206 {offsets = [9], sizes = [1], strides = [1]} : vector<16xi32> to vector<1xi32>
      %squeeze3A_231 = vector.extract %slice3A_230[0] : i32 from vector<1xi32>
      %max3A_232 = arith.maxsi %max3A_229, %squeeze3A_231 : i32
      %slice3A_233 = vector.extract_strided_slice %get3A_206 {offsets = [10], sizes = [1], strides = [1]} : vector<16xi32> to vector<1xi32>
      %squeeze3A_234 = vector.extract %slice3A_233[0] : i32 from vector<1xi32>
      %max3A_235 = arith.maxsi %max3A_232, %squeeze3A_234 : i32
      %slice3A_236 = vector.extract_strided_slice %get3A_206 {offsets = [11], sizes = [1], strides = [1]} : vector<16xi32> to vector<1xi32>
      %squeeze3A_237 = vector.extract %slice3A_236[0] : i32 from vector<1xi32>
      %max3A_238 = arith.maxsi %max3A_235, %squeeze3A_237 : i32
      %slice3A_239 = vector.extract_strided_slice %get3A_206 {offsets = [12], sizes = [1], strides = [1]} : vector<16xi32> to vector<1xi32>
      %squeeze3A_240 = vector.extract %slice3A_239[0] : i32 from vector<1xi32>
      %max3A_241 = arith.maxsi %max3A_238, %squeeze3A_240 : i32
      %slice3A_242 = vector.extract_strided_slice %get3A_206 {offsets = [13], sizes = [1], strides = [1]} : vector<16xi32> to vector<1xi32>
      %squeeze3A_243 = vector.extract %slice3A_242[0] : i32 from vector<1xi32>
      %max3A_244 = arith.maxsi %max3A_241, %squeeze3A_243 : i32
      %slice3A_245 = vector.extract_strided_slice %get3A_206 {offsets = [14], sizes = [1], strides = [1]} : vector<16xi32> to vector<1xi32>
      %squeeze3A_246 = vector.extract %slice3A_245[0] : i32 from vector<1xi32>
      %max3A_247 = arith.maxsi %max3A_244, %squeeze3A_246 : i32
      %slice3A_248 = vector.extract_strided_slice %get3A_206 {offsets = [15], sizes = [1], strides = [1]} : vector<16xi32> to vector<1xi32>
      %squeeze3A_249 = vector.extract %slice3A_248[0] : i32 from vector<1xi32>
      %max3A_250 = arith.maxsi %max3A_247, %squeeze3A_249 : i32
      %broadcast_in_dim3A_251 = arith.constant 512 : i32
      %broadcast_in_dim3A_252 = vector.broadcast %broadcast_in_dim3A_251 : i32 to vector<16xi32>
      %broadcast_in_dim3A_253 = arith.constant -1 : i32
      %broadcast_in_dim3A_254 = vector.broadcast %broadcast_in_dim3A_253 : i32 to vector<16xi32>
      %iota3A = tpu.iota {dimensions = array<i32: 0>} : vector<16xi32>
      %add3A_255 = arith.constant 0 : i32
      %add3A_256 = vector.broadcast %add3A_255 : i32 to vector<16xi32>
      %add3A_257 = arith.addi %iota3A, %add3A_256 : vector<16xi32>
      %get3A_258 = arith.constant 0 : index
      %get3A_259 = tpu.vector_load %arg10[%get3A_258] {strides = array<i32>} : memref<512xi32, #tpu.memory_space<vmem>>, vector<16xi32>,
      %get3A_260 = vector.shape_cast %get3A_259 : vector<16xi32> to vector<16xi32>
      %gt3A = arith.constant 0 : i32
      %gt3A_261 = vector.broadcast %gt3A : i32 to vector<16xi32>
      %gt3A_262 = arith.cmpi sgt, %get3A_260, %gt3A_261 : vector<16xi32>
      %jit3A = arith.constant 512 : i32
      %broadcast_in_dim3A_263 = vector.broadcast %jit3A : i32 to vector<16xi32>
      %select_n3A = arith.select %gt3A_262, %add3A_257, %broadcast_in_dim3A_263 : vector<16xi1>, vector<16xi32>
      %min3A = arith.minsi %broadcast_in_dim3A_252, %select_n3A : vector<16xi32>
      %jit3A_264 = arith.constant -1 : i32
      %broadcast_in_dim3A_265 = vector.broadcast %jit3A_264 : i32 to vector<16xi32>
      %select_n3A_266 = arith.select %gt3A_262, %add3A_257, %broadcast_in_dim3A_265 : vector<16xi1>, vector<16xi32>
      %max3A_267 = arith.maxsi %broadcast_in_dim3A_254, %select_n3A_266 : vector<16xi32>
      %iota3A_268 = tpu.iota {dimensions = array<i32: 0>} : vector<16xi32>
      %add3A_269 = arith.constant 16 : i32
      %add3A_270 = vector.broadcast %add3A_269 : i32 to vector<16xi32>
      %add3A_271 = arith.addi %iota3A_268, %add3A_270 : vector<16xi32>
      %get3A_272 = arith.constant 16 : index
      %get3A_273 = tpu.vector_load %arg10[%get3A_272] {strides = array<i32>} : memref<512xi32, #tpu.memory_space<vmem>>, vector<16xi32>,
      %get3A_274 = vector.shape_cast %get3A_273 : vector<16xi32> to vector<16xi32>
      %gt3A_275 = arith.constant 0 : i32
      %gt3A_276 = vector.broadcast %gt3A_275 : i32 to vector<16xi32>
      %gt3A_277 = arith.cmpi sgt, %get3A_274, %gt3A_276 : vector<16xi32>
      %jit3A_278 = arith.constant 512 : i32
      %broadcast_in_dim3A_279 = vector.broadcast %jit3A_278 : i32 to vector<16xi32>
      %select_n3A_280 = arith.select %gt3A_277, %add3A_271, %broadcast_in_dim3A_279 : vector<16xi1>, vector<16xi32>
      %min3A_281 = arith.minsi %min3A, %select_n3A_280 : vector<16xi32>
      %jit3A_282 = arith.constant -1 : i32
      %broadcast_in_dim3A_283 = vector.broadcast %jit3A_282 : i32 to vector<16xi32>
      %select_n3A_284 = arith.select %gt3A_277, %add3A_271, %broadcast_in_dim3A_283 : vector<16xi1>, vector<16xi32>
      %max3A_285 = arith.maxsi %max3A_267, %select_n3A_284 : vector<16xi32>
      %iota3A_286 = tpu.iota {dimensions = array<i32: 0>} : vector<16xi32>
      %add3A_287 = arith.constant 32 : i32
      %add3A_288 = vector.broadcast %add3A_287 : i32 to vector<16xi32>
      %add3A_289 = arith.addi %iota3A_286, %add3A_288 : vector<16xi32>
      %get3A_290 = arith.constant 32 : index
      %get3A_291 = tpu.vector_load %arg10[%get3A_290] {strides = array<i32>} : memref<512xi32, #tpu.memory_space<vmem>>, vector<16xi32>,
      %get3A_292 = vector.shape_cast %get3A_291 : vector<16xi32> to vector<16xi32>
      %gt3A_293 = arith.constant 0 : i32
      %gt3A_294 = vector.broadcast %gt3A_293 : i32 to vector<16xi32>
      %gt3A_295 = arith.cmpi sgt, %get3A_292, %gt3A_294 : vector<16xi32>
      %jit3A_296 = arith.constant 512 : i32
      %broadcast_in_dim3A_297 = vector.broadcast %jit3A_296 : i32 to vector<16xi32>
      %select_n3A_298 = arith.select %gt3A_295, %add3A_289, %broadcast_in_dim3A_297 : vector<16xi1>, vector<16xi32>
      %min3A_299 = arith.minsi %min3A_281, %select_n3A_298 : vector<16xi32>
      %jit3A_300 = arith.constant -1 : i32
      %broadcast_in_dim3A_301 = vector.broadcast %jit3A_300 : i32 to vector<16xi32>
      %select_n3A_302 = arith.select %gt3A_295, %add3A_289, %broadcast_in_dim3A_301 : vector<16xi1>, vector<16xi32>
      %max3A_303 = arith.maxsi %max3A_285, %select_n3A_302 : vector<16xi32>
      %iota3A_304 = tpu.iota {dimensions = array<i32: 0>} : vector<16xi32>
      %add3A_305 = arith.constant 48 : i32
      %add3A_306 = vector.broadcast %add3A_305 : i32 to vector<16xi32>
      %add3A_307 = arith.addi %iota3A_304, %add3A_306 : vector<16xi32>
      %get3A_308 = arith.constant 48 : index
      %get3A_309 = tpu.vector_load %arg10[%get3A_308] {strides = array<i32>} : memref<512xi32, #tpu.memory_space<vmem>>, vector<16xi32>,
      %get3A_310 = vector.shape_cast %get3A_309 : vector<16xi32> to vector<16xi32>
      %gt3A_311 = arith.constant 0 : i32
      %gt3A_312 = vector.broadcast %gt3A_311 : i32 to vector<16xi32>
      %gt3A_313 = arith.cmpi sgt, %get3A_310, %gt3A_312 : vector<16xi32>
      %jit3A_314 = arith.constant 512 : i32
      %broadcast_in_dim3A_315 = vector.broadcast %jit3A_314 : i32 to vector<16xi32>
      %select_n3A_316 = arith.select %gt3A_313, %add3A_307, %broadcast_in_dim3A_315 : vector<16xi1>, vector<16xi32>
      %min3A_317 = arith.minsi %min3A_299, %select_n3A_316 : vector<16xi32>
      %jit3A_318 = arith.constant -1 : i32
      %broadcast_in_dim3A_319 = vector.broadcast %jit3A_318 : i32 to vector<16xi32>
      %select_n3A_320 = arith.select %gt3A_313, %add3A_307, %broadcast_in_dim3A_319 : vector<16xi1>, vector<16xi32>
      %max3A_321 = arith.maxsi %max3A_303, %select_n3A_320 : vector<16xi32>
      %iota3A_322 = tpu.iota {dimensions = array<i32: 0>} : vector<16xi32>
      %add3A_323 = arith.constant 64 : i32
      %add3A_324 = vector.broadcast %add3A_323 : i32 to vector<16xi32>
      %add3A_325 = arith.addi %iota3A_322, %add3A_324 : vector<16xi32>
      %get3A_326 = arith.constant 64 : index
      %get3A_327 = tpu.vector_load %arg10[%get3A_326] {strides = array<i32>} : memref<512xi32, #tpu.memory_space<vmem>>, vector<16xi32>,
      %get3A_328 = vector.shape_cast %get3A_327 : vector<16xi32> to vector<16xi32>
      %gt3A_329 = arith.constant 0 : i32
      %gt3A_330 = vector.broadcast %gt3A_329 : i32 to vector<16xi32>
      %gt3A_331 = arith.cmpi sgt, %get3A_328, %gt3A_330 : vector<16xi32>
      %jit3A_332 = arith.constant 512 : i32
      %broadcast_in_dim3A_333 = vector.broadcast %jit3A_332 : i32 to vector<16xi32>
      %select_n3A_334 = arith.select %gt3A_331, %add3A_325, %broadcast_in_dim3A_333 : vector<16xi1>, vector<16xi32>
      %min3A_335 = arith.minsi %min3A_317, %select_n3A_334 : vector<16xi32>
      %jit3A_336 = arith.constant -1 : i32
      %broadcast_in_dim3A_337 = vector.broadcast %jit3A_336 : i32 to vector<16xi32>
      %select_n3A_338 = arith.select %gt3A_331, %add3A_325, %broadcast_in_dim3A_337 : vector<16xi1>, vector<16xi32>
      %max3A_339 = arith.maxsi %max3A_321, %select_n3A_338 : vector<16xi32>
      %iota3A_340 = tpu.iota {dimensions = array<i32: 0>} : vector<16xi32>
      %add3A_341 = arith.constant 80 : i32
      %add3A_342 = vector.broadcast %add3A_341 : i32 to vector<16xi32>
      %add3A_343 = arith.addi %iota3A_340, %add3A_342 : vector<16xi32>
      %get3A_344 = arith.constant 80 : index
      %get3A_345 = tpu.vector_load %arg10[%get3A_344] {strides = array<i32>} : memref<512xi32, #tpu.memory_space<vmem>>, vector<16xi32>,
      %get3A_346 = vector.shape_cast %get3A_345 : vector<16xi32> to vector<16xi32>
      %gt3A_347 = arith.constant 0 : i32
      %gt3A_348 = vector.broadcast %gt3A_347 : i32 to vector<16xi32>
      %gt3A_349 = arith.cmpi sgt, %get3A_346, %gt3A_348 : vector<16xi32>
      %jit3A_350 = arith.constant 512 : i32
      %broadcast_in_dim3A_351 = vector.broadcast %jit3A_350 : i32 to vector<16xi32>
      %select_n3A_352 = arith.select %gt3A_349, %add3A_343, %broadcast_in_dim3A_351 : vector<16xi1>, vector<16xi32>
      %min3A_353 = arith.minsi %min3A_335, %select_n3A_352 : vector<16xi32>
      %jit3A_354 = arith.constant -1 : i32
      %broadcast_in_dim3A_355 = vector.broadcast %jit3A_354 : i32 to vector<16xi32>
      %select_n3A_356 = arith.select %gt3A_349, %add3A_343, %broadcast_in_dim3A_355 : vector<16xi1>, vector<16xi32>
      %max3A_357 = arith.maxsi %max3A_339, %select_n3A_356 : vector<16xi32>
      %iota3A_358 = tpu.iota {dimensions = array<i32: 0>} : vector<16xi32>
      %add3A_359 = arith.constant 96 : i32
      %add3A_360 = vector.broadcast %add3A_359 : i32 to vector<16xi32>
      %add3A_361 = arith.addi %iota3A_358, %add3A_360 : vector<16xi32>
      %get3A_362 = arith.constant 96 : index
      %get3A_363 = tpu.vector_load %arg10[%get3A_362] {strides = array<i32>} : memref<512xi32, #tpu.memory_space<vmem>>, vector<16xi32>,
      %get3A_364 = vector.shape_cast %get3A_363 : vector<16xi32> to vector<16xi32>
      %gt3A_365 = arith.constant 0 : i32
      %gt3A_366 = vector.broadcast %gt3A_365 : i32 to vector<16xi32>
      %gt3A_367 = arith.cmpi sgt, %get3A_364, %gt3A_366 : vector<16xi32>
      %jit3A_368 = arith.constant 512 : i32
      %broadcast_in_dim3A_369 = vector.broadcast %jit3A_368 : i32 to vector<16xi32>
      %select_n3A_370 = arith.select %gt3A_367, %add3A_361, %broadcast_in_dim3A_369 : vector<16xi1>, vector<16xi32>
      %min3A_371 = arith.minsi %min3A_353, %select_n3A_370 : vector<16xi32>
      %jit3A_372 = arith.constant -1 : i32
      %broadcast_in_dim3A_373 = vector.broadcast %jit3A_372 : i32 to vector<16xi32>
      %select_n3A_374 = arith.select %gt3A_367, %add3A_361, %broadcast_in_dim3A_373 : vector<16xi1>, vector<16xi32>
      %max3A_375 = arith.maxsi %max3A_357, %select_n3A_374 : vector<16xi32>
      %iota3A_376 = tpu.iota {dimensions = array<i32: 0>} : vector<16xi32>
      %add3A_377 = arith.constant 112 : i32
      %add3A_378 = vector.broadcast %add3A_377 : i32 to vector<16xi32>
      %add3A_379 = arith.addi %iota3A_376, %add3A_378 : vector<16xi32>
      %get3A_380 = arith.constant 112 : index
      %get3A_381 = tpu.vector_load %arg10[%get3A_380] {strides = array<i32>} : memref<512xi32, #tpu.memory_space<vmem>>, vector<16xi32>,
      %get3A_382 = vector.shape_cast %get3A_381 : vector<16xi32> to vector<16xi32>
      %gt3A_383 = arith.constant 0 : i32
      %gt3A_384 = vector.broadcast %gt3A_383 : i32 to vector<16xi32>
      %gt3A_385 = arith.cmpi sgt, %get3A_382, %gt3A_384 : vector<16xi32>
      %jit3A_386 = arith.constant 512 : i32
      %broadcast_in_dim3A_387 = vector.broadcast %jit3A_386 : i32 to vector<16xi32>
      %select_n3A_388 = arith.select %gt3A_385, %add3A_379, %broadcast_in_dim3A_387 : vector<16xi1>, vector<16xi32>
      %min3A_389 = arith.minsi %min3A_371, %select_n3A_388 : vector<16xi32>
      %jit3A_390 = arith.constant -1 : i32
      %broadcast_in_dim3A_391 = vector.broadcast %jit3A_390 : i32 to vector<16xi32>
      %select_n3A_392 = arith.select %gt3A_385, %add3A_379, %broadcast_in_dim3A_391 : vector<16xi1>, vector<16xi32>
      %max3A_393 = arith.maxsi %max3A_375, %select_n3A_392 : vector<16xi32>
      %iota3A_394 = tpu.iota {dimensions = array<i32: 0>} : vector<16xi32>
      %add3A_395 = arith.constant 128 : i32
      %add3A_396 = vector.broadcast %add3A_395 : i32 to vector<16xi32>
      %add3A_397 = arith.addi %iota3A_394, %add3A_396 : vector<16xi32>
      %get3A_398 = arith.constant 128 : index
      %get3A_399 = tpu.vector_load %arg10[%get3A_398] {strides = array<i32>} : memref<512xi32, #tpu.memory_space<vmem>>, vector<16xi32>,
      %get3A_400 = vector.shape_cast %get3A_399 : vector<16xi32> to vector<16xi32>
      %gt3A_401 = arith.constant 0 : i32
      %gt3A_402 = vector.broadcast %gt3A_401 : i32 to vector<16xi32>
      %gt3A_403 = arith.cmpi sgt, %get3A_400, %gt3A_402 : vector<16xi32>
      %jit3A_404 = arith.constant 512 : i32
      %broadcast_in_dim3A_405 = vector.broadcast %jit3A_404 : i32 to vector<16xi32>
      %select_n3A_406 = arith.select %gt3A_403, %add3A_397, %broadcast_in_dim3A_405 : vector<16xi1>, vector<16xi32>
      %min3A_407 = arith.minsi %min3A_389, %select_n3A_406 : vector<16xi32>
      %jit3A_408 = arith.constant -1 : i32
      %broadcast_in_dim3A_409 = vector.broadcast %jit3A_408 : i32 to vector<16xi32>
      %select_n3A_410 = arith.select %gt3A_403, %add3A_397, %broadcast_in_dim3A_409 : vector<16xi1>, vector<16xi32>
      %max3A_411 = arith.maxsi %max3A_393, %select_n3A_410 : vector<16xi32>
      %iota3A_412 = tpu.iota {dimensions = array<i32: 0>} : vector<16xi32>
      %add3A_413 = arith.constant 144 : i32
      %add3A_414 = vector.broadcast %add3A_413 : i32 to vector<16xi32>
      %add3A_415 = arith.addi %iota3A_412, %add3A_414 : vector<16xi32>
      %get3A_416 = arith.constant 144 : index
      %get3A_417 = tpu.vector_load %arg10[%get3A_416] {strides = array<i32>} : memref<512xi32, #tpu.memory_space<vmem>>, vector<16xi32>,
      %get3A_418 = vector.shape_cast %get3A_417 : vector<16xi32> to vector<16xi32>
      %gt3A_419 = arith.constant 0 : i32
      %gt3A_420 = vector.broadcast %gt3A_419 : i32 to vector<16xi32>
      %gt3A_421 = arith.cmpi sgt, %get3A_418, %gt3A_420 : vector<16xi32>
      %jit3A_422 = arith.constant 512 : i32
      %broadcast_in_dim3A_423 = vector.broadcast %jit3A_422 : i32 to vector<16xi32>
      %select_n3A_424 = arith.select %gt3A_421, %add3A_415, %broadcast_in_dim3A_423 : vector<16xi1>, vector<16xi32>
      %min3A_425 = arith.minsi %min3A_407, %select_n3A_424 : vector<16xi32>
      %jit3A_426 = arith.constant -1 : i32
      %broadcast_in_dim3A_427 = vector.broadcast %jit3A_426 : i32 to vector<16xi32>
      %select_n3A_428 = arith.select %gt3A_421, %add3A_415, %broadcast_in_dim3A_427 : vector<16xi1>, vector<16xi32>
      %max3A_429 = arith.maxsi %max3A_411, %select_n3A_428 : vector<16xi32>
      %iota3A_430 = tpu.iota {dimensions = array<i32: 0>} : vector<16xi32>
      %add3A_431 = arith.constant 160 : i32
      %add3A_432 = vector.broadcast %add3A_431 : i32 to vector<16xi32>
      %add3A_433 = arith.addi %iota3A_430, %add3A_432 : vector<16xi32>
      %get3A_434 = arith.constant 160 : index
      %get3A_435 = tpu.vector_load %arg10[%get3A_434] {strides = array<i32>} : memref<512xi32, #tpu.memory_space<vmem>>, vector<16xi32>,
      %get3A_436 = vector.shape_cast %get3A_435 : vector<16xi32> to vector<16xi32>
      %gt3A_437 = arith.constant 0 : i32
      %gt3A_438 = vector.broadcast %gt3A_437 : i32 to vector<16xi32>
      %gt3A_439 = arith.cmpi sgt, %get3A_436, %gt3A_438 : vector<16xi32>
      %jit3A_440 = arith.constant 512 : i32
      %broadcast_in_dim3A_441 = vector.broadcast %jit3A_440 : i32 to vector<16xi32>
      %select_n3A_442 = arith.select %gt3A_439, %add3A_433, %broadcast_in_dim3A_441 : vector<16xi1>, vector<16xi32>
      %min3A_443 = arith.minsi %min3A_425, %select_n3A_442 : vector<16xi32>
      %jit3A_444 = arith.constant -1 : i32
      %broadcast_in_dim3A_445 = vector.broadcast %jit3A_444 : i32 to vector<16xi32>
      %select_n3A_446 = arith.select %gt3A_439, %add3A_433, %broadcast_in_dim3A_445 : vector<16xi1>, vector<16xi32>
      %max3A_447 = arith.maxsi %max3A_429, %select_n3A_446 : vector<16xi32>
      %iota3A_448 = tpu.iota {dimensions = array<i32: 0>} : vector<16xi32>
      %add3A_449 = arith.constant 176 : i32
      %add3A_450 = vector.broadcast %add3A_449 : i32 to vector<16xi32>
      %add3A_451 = arith.addi %iota3A_448, %add3A_450 : vector<16xi32>
      %get3A_452 = arith.constant 176 : index
      %get3A_453 = tpu.vector_load %arg10[%get3A_452] {strides = array<i32>} : memref<512xi32, #tpu.memory_space<vmem>>, vector<16xi32>,
      %get3A_454 = vector.shape_cast %get3A_453 : vector<16xi32> to vector<16xi32>
      %gt3A_455 = arith.constant 0 : i32
      %gt3A_456 = vector.broadcast %gt3A_455 : i32 to vector<16xi32>
      %gt3A_457 = arith.cmpi sgt, %get3A_454, %gt3A_456 : vector<16xi32>
      %jit3A_458 = arith.constant 512 : i32
      %broadcast_in_dim3A_459 = vector.broadcast %jit3A_458 : i32 to vector<16xi32>
      %select_n3A_460 = arith.select %gt3A_457, %add3A_451, %broadcast_in_dim3A_459 : vector<16xi1>, vector<16xi32>
      %min3A_461 = arith.minsi %min3A_443, %select_n3A_460 : vector<16xi32>
      %jit3A_462 = arith.constant -1 : i32
      %broadcast_in_dim3A_463 = vector.broadcast %jit3A_462 : i32 to vector<16xi32>
      %select_n3A_464 = arith.select %gt3A_457, %add3A_451, %broadcast_in_dim3A_463 : vector<16xi1>, vector<16xi32>
      %max3A_465 = arith.maxsi %max3A_447, %select_n3A_464 : vector<16xi32>
      %iota3A_466 = tpu.iota {dimensions = array<i32: 0>} : vector<16xi32>
      %add3A_467 = arith.constant 192 : i32
      %add3A_468 = vector.broadcast %add3A_467 : i32 to vector<16xi32>
      %add3A_469 = arith.addi %iota3A_466, %add3A_468 : vector<16xi32>
      %get3A_470 = arith.constant 192 : index
      %get3A_471 = tpu.vector_load %arg10[%get3A_470] {strides = array<i32>} : memref<512xi32, #tpu.memory_space<vmem>>, vector<16xi32>,
      %get3A_472 = vector.shape_cast %get3A_471 : vector<16xi32> to vector<16xi32>
      %gt3A_473 = arith.constant 0 : i32
      %gt3A_474 = vector.broadcast %gt3A_473 : i32 to vector<16xi32>
      %gt3A_475 = arith.cmpi sgt, %get3A_472, %gt3A_474 : vector<16xi32>
      %jit3A_476 = arith.constant 512 : i32
      %broadcast_in_dim3A_477 = vector.broadcast %jit3A_476 : i32 to vector<16xi32>
      %select_n3A_478 = arith.select %gt3A_475, %add3A_469, %broadcast_in_dim3A_477 : vector<16xi1>, vector<16xi32>
      %min3A_479 = arith.minsi %min3A_461, %select_n3A_478 : vector<16xi32>
      %jit3A_480 = arith.constant -1 : i32
      %broadcast_in_dim3A_481 = vector.broadcast %jit3A_480 : i32 to vector<16xi32>
      %select_n3A_482 = arith.select %gt3A_475, %add3A_469, %broadcast_in_dim3A_481 : vector<16xi1>, vector<16xi32>
      %max3A_483 = arith.maxsi %max3A_465, %select_n3A_482 : vector<16xi32>
      %iota3A_484 = tpu.iota {dimensions = array<i32: 0>} : vector<16xi32>
      %add3A_485 = arith.constant 208 : i32
      %add3A_486 = vector.broadcast %add3A_485 : i32 to vector<16xi32>
      %add3A_487 = arith.addi %iota3A_484, %add3A_486 : vector<16xi32>
      %get3A_488 = arith.constant 208 : index
      %get3A_489 = tpu.vector_load %arg10[%get3A_488] {strides = array<i32>} : memref<512xi32, #tpu.memory_space<vmem>>, vector<16xi32>,
      %get3A_490 = vector.shape_cast %get3A_489 : vector<16xi32> to vector<16xi32>
      %gt3A_491 = arith.constant 0 : i32
      %gt3A_492 = vector.broadcast %gt3A_491 : i32 to vector<16xi32>
      %gt3A_493 = arith.cmpi sgt, %get3A_490, %gt3A_492 : vector<16xi32>
      %jit3A_494 = arith.constant 512 : i32
      %broadcast_in_dim3A_495 = vector.broadcast %jit3A_494 : i32 to vector<16xi32>
      %select_n3A_496 = arith.select %gt3A_493, %add3A_487, %broadcast_in_dim3A_495 : vector<16xi1>, vector<16xi32>
      %min3A_497 = arith.minsi %min3A_479, %select_n3A_496 : vector<16xi32>
      %jit3A_498 = arith.constant -1 : i32
      %broadcast_in_dim3A_499 = vector.broadcast %jit3A_498 : i32 to vector<16xi32>
      %select_n3A_500 = arith.select %gt3A_493, %add3A_487, %broadcast_in_dim3A_499 : vector<16xi1>, vector<16xi32>
      %max3A_501 = arith.maxsi %max3A_483, %select_n3A_500 : vector<16xi32>
      %iota3A_502 = tpu.iota {dimensions = array<i32: 0>} : vector<16xi32>
      %add3A_503 = arith.constant 224 : i32
      %add3A_504 = vector.broadcast %add3A_503 : i32 to vector<16xi32>
      %add3A_505 = arith.addi %iota3A_502, %add3A_504 : vector<16xi32>
      %get3A_506 = arith.constant 224 : index
      %get3A_507 = tpu.vector_load %arg10[%get3A_506] {strides = array<i32>} : memref<512xi32, #tpu.memory_space<vmem>>, vector<16xi32>,
      %get3A_508 = vector.shape_cast %get3A_507 : vector<16xi32> to vector<16xi32>
      %gt3A_509 = arith.constant 0 : i32
      %gt3A_510 = vector.broadcast %gt3A_509 : i32 to vector<16xi32>
      %gt3A_511 = arith.cmpi sgt, %get3A_508, %gt3A_510 : vector<16xi32>
      %jit3A_512 = arith.constant 512 : i32
      %broadcast_in_dim3A_513 = vector.broadcast %jit3A_512 : i32 to vector<16xi32>
      %select_n3A_514 = arith.select %gt3A_511, %add3A_505, %broadcast_in_dim3A_513 : vector<16xi1>, vector<16xi32>
      %min3A_515 = arith.minsi %min3A_497, %select_n3A_514 : vector<16xi32>
      %jit3A_516 = arith.constant -1 : i32
      %broadcast_in_dim3A_517 = vector.broadcast %jit3A_516 : i32 to vector<16xi32>
      %select_n3A_518 = arith.select %gt3A_511, %add3A_505, %broadcast_in_dim3A_517 : vector<16xi1>, vector<16xi32>
      %max3A_519 = arith.maxsi %max3A_501, %select_n3A_518 : vector<16xi32>
      %iota3A_520 = tpu.iota {dimensions = array<i32: 0>} : vector<16xi32>
      %add3A_521 = arith.constant 240 : i32
      %add3A_522 = vector.broadcast %add3A_521 : i32 to vector<16xi32>
      %add3A_523 = arith.addi %iota3A_520, %add3A_522 : vector<16xi32>
      %get3A_524 = arith.constant 240 : index
      %get3A_525 = tpu.vector_load %arg10[%get3A_524] {strides = array<i32>} : memref<512xi32, #tpu.memory_space<vmem>>, vector<16xi32>,
      %get3A_526 = vector.shape_cast %get3A_525 : vector<16xi32> to vector<16xi32>
      %gt3A_527 = arith.constant 0 : i32
      %gt3A_528 = vector.broadcast %gt3A_527 : i32 to vector<16xi32>
      %gt3A_529 = arith.cmpi sgt, %get3A_526, %gt3A_528 : vector<16xi32>
      %jit3A_530 = arith.constant 512 : i32
      %broadcast_in_dim3A_531 = vector.broadcast %jit3A_530 : i32 to vector<16xi32>
      %select_n3A_532 = arith.select %gt3A_529, %add3A_523, %broadcast_in_dim3A_531 : vector<16xi1>, vector<16xi32>
      %min3A_533 = arith.minsi %min3A_515, %select_n3A_532 : vector<16xi32>
      %jit3A_534 = arith.constant -1 : i32
      %broadcast_in_dim3A_535 = vector.broadcast %jit3A_534 : i32 to vector<16xi32>
      %select_n3A_536 = arith.select %gt3A_529, %add3A_523, %broadcast_in_dim3A_535 : vector<16xi1>, vector<16xi32>
      %max3A_537 = arith.maxsi %max3A_519, %select_n3A_536 : vector<16xi32>
      %iota3A_538 = tpu.iota {dimensions = array<i32: 0>} : vector<16xi32>
      %add3A_539 = arith.constant 256 : i32
      %add3A_540 = vector.broadcast %add3A_539 : i32 to vector<16xi32>
      %add3A_541 = arith.addi %iota3A_538, %add3A_540 : vector<16xi32>
      %get3A_542 = arith.constant 256 : index
      %get3A_543 = tpu.vector_load %arg10[%get3A_542] {strides = array<i32>} : memref<512xi32, #tpu.memory_space<vmem>>, vector<16xi32>,
      %get3A_544 = vector.shape_cast %get3A_543 : vector<16xi32> to vector<16xi32>
      %gt3A_545 = arith.constant 0 : i32
      %gt3A_546 = vector.broadcast %gt3A_545 : i32 to vector<16xi32>
      %gt3A_547 = arith.cmpi sgt, %get3A_544, %gt3A_546 : vector<16xi32>
      %jit3A_548 = arith.constant 512 : i32
      %broadcast_in_dim3A_549 = vector.broadcast %jit3A_548 : i32 to vector<16xi32>
      %select_n3A_550 = arith.select %gt3A_547, %add3A_541, %broadcast_in_dim3A_549 : vector<16xi1>, vector<16xi32>
      %min3A_551 = arith.minsi %min3A_533, %select_n3A_550 : vector<16xi32>
      %jit3A_552 = arith.constant -1 : i32
      %broadcast_in_dim3A_553 = vector.broadcast %jit3A_552 : i32 to vector<16xi32>
      %select_n3A_554 = arith.select %gt3A_547, %add3A_541, %broadcast_in_dim3A_553 : vector<16xi1>, vector<16xi32>
      %max3A_555 = arith.maxsi %max3A_537, %select_n3A_554 : vector<16xi32>
      %iota3A_556 = tpu.iota {dimensions = array<i32: 0>} : vector<16xi32>
      %add3A_557 = arith.constant 272 : i32
      %add3A_558 = vector.broadcast %add3A_557 : i32 to vector<16xi32>
      %add3A_559 = arith.addi %iota3A_556, %add3A_558 : vector<16xi32>
      %get3A_560 = arith.constant 272 : index
      %get3A_561 = tpu.vector_load %arg10[%get3A_560] {strides = array<i32>} : memref<512xi32, #tpu.memory_space<vmem>>, vector<16xi32>,
      %get3A_562 = vector.shape_cast %get3A_561 : vector<16xi32> to vector<16xi32>
      %gt3A_563 = arith.constant 0 : i32
      %gt3A_564 = vector.broadcast %gt3A_563 : i32 to vector<16xi32>
      %gt3A_565 = arith.cmpi sgt, %get3A_562, %gt3A_564 : vector<16xi32>
      %jit3A_566 = arith.constant 512 : i32
      %broadcast_in_dim3A_567 = vector.broadcast %jit3A_566 : i32 to vector<16xi32>
      %select_n3A_568 = arith.select %gt3A_565, %add3A_559, %broadcast_in_dim3A_567 : vector<16xi1>, vector<16xi32>
      %min3A_569 = arith.minsi %min3A_551, %select_n3A_568 : vector<16xi32>
      %jit3A_570 = arith.constant -1 : i32
      %broadcast_in_dim3A_571 = vector.broadcast %jit3A_570 : i32 to vector<16xi32>
      %select_n3A_572 = arith.select %gt3A_565, %add3A_559, %broadcast_in_dim3A_571 : vector<16xi1>, vector<16xi32>
      %max3A_573 = arith.maxsi %max3A_555, %select_n3A_572 : vector<16xi32>
      %iota3A_574 = tpu.iota {dimensions = array<i32: 0>} : vector<16xi32>
      %add3A_575 = arith.constant 288 : i32
      %add3A_576 = vector.broadcast %add3A_575 : i32 to vector<16xi32>
      %add3A_577 = arith.addi %iota3A_574, %add3A_576 : vector<16xi32>
      %get3A_578 = arith.constant 288 : index
      %get3A_579 = tpu.vector_load %arg10[%get3A_578] {strides = array<i32>} : memref<512xi32, #tpu.memory_space<vmem>>, vector<16xi32>,
      %get3A_580 = vector.shape_cast %get3A_579 : vector<16xi32> to vector<16xi32>
      %gt3A_581 = arith.constant 0 : i32
      %gt3A_582 = vector.broadcast %gt3A_581 : i32 to vector<16xi32>
      %gt3A_583 = arith.cmpi sgt, %get3A_580, %gt3A_582 : vector<16xi32>
      %jit3A_584 = arith.constant 512 : i32
      %broadcast_in_dim3A_585 = vector.broadcast %jit3A_584 : i32 to vector<16xi32>
      %select_n3A_586 = arith.select %gt3A_583, %add3A_577, %broadcast_in_dim3A_585 : vector<16xi1>, vector<16xi32>
      %min3A_587 = arith.minsi %min3A_569, %select_n3A_586 : vector<16xi32>
      %jit3A_588 = arith.constant -1 : i32
      %broadcast_in_dim3A_589 = vector.broadcast %jit3A_588 : i32 to vector<16xi32>
      %select_n3A_590 = arith.select %gt3A_583, %add3A_577, %broadcast_in_dim3A_589 : vector<16xi1>, vector<16xi32>
      %max3A_591 = arith.maxsi %max3A_573, %select_n3A_590 : vector<16xi32>
      %iota3A_592 = tpu.iota {dimensions = array<i32: 0>} : vector<16xi32>
      %add3A_593 = arith.constant 304 : i32
      %add3A_594 = vector.broadcast %add3A_593 : i32 to vector<16xi32>
      %add3A_595 = arith.addi %iota3A_592, %add3A_594 : vector<16xi32>
      %get3A_596 = arith.constant 304 : index
      %get3A_597 = tpu.vector_load %arg10[%get3A_596] {strides = array<i32>} : memref<512xi32, #tpu.memory_space<vmem>>, vector<16xi32>,
      %get3A_598 = vector.shape_cast %get3A_597 : vector<16xi32> to vector<16xi32>
      %gt3A_599 = arith.constant 0 : i32
      %gt3A_600 = vector.broadcast %gt3A_599 : i32 to vector<16xi32>
      %gt3A_601 = arith.cmpi sgt, %get3A_598, %gt3A_600 : vector<16xi32>
      %jit3A_602 = arith.constant 512 : i32
      %broadcast_in_dim3A_603 = vector.broadcast %jit3A_602 : i32 to vector<16xi32>
      %select_n3A_604 = arith.select %gt3A_601, %add3A_595, %broadcast_in_dim3A_603 : vector<16xi1>, vector<16xi32>
      %min3A_605 = arith.minsi %min3A_587, %select_n3A_604 : vector<16xi32>
      %jit3A_606 = arith.constant -1 : i32
      %broadcast_in_dim3A_607 = vector.broadcast %jit3A_606 : i32 to vector<16xi32>
      %select_n3A_608 = arith.select %gt3A_601, %add3A_595, %broadcast_in_dim3A_607 : vector<16xi1>, vector<16xi32>
      %max3A_609 = arith.maxsi %max3A_591, %select_n3A_608 : vector<16xi32>
      %iota3A_610 = tpu.iota {dimensions = array<i32: 0>} : vector<16xi32>
      %add3A_611 = arith.constant 320 : i32
      %add3A_612 = vector.broadcast %add3A_611 : i32 to vector<16xi32>
      %add3A_613 = arith.addi %iota3A_610, %add3A_612 : vector<16xi32>
      %get3A_614 = arith.constant 320 : index
      %get3A_615 = tpu.vector_load %arg10[%get3A_614] {strides = array<i32>} : memref<512xi32, #tpu.memory_space<vmem>>, vector<16xi32>,
      %get3A_616 = vector.shape_cast %get3A_615 : vector<16xi32> to vector<16xi32>
      %gt3A_617 = arith.constant 0 : i32
      %gt3A_618 = vector.broadcast %gt3A_617 : i32 to vector<16xi32>
      %gt3A_619 = arith.cmpi sgt, %get3A_616, %gt3A_618 : vector<16xi32>
      %jit3A_620 = arith.constant 512 : i32
      %broadcast_in_dim3A_621 = vector.broadcast %jit3A_620 : i32 to vector<16xi32>
      %select_n3A_622 = arith.select %gt3A_619, %add3A_613, %broadcast_in_dim3A_621 : vector<16xi1>, vector<16xi32>
      %min3A_623 = arith.minsi %min3A_605, %select_n3A_622 : vector<16xi32>
      %jit3A_624 = arith.constant -1 : i32
      %broadcast_in_dim3A_625 = vector.broadcast %jit3A_624 : i32 to vector<16xi32>
      %select_n3A_626 = arith.select %gt3A_619, %add3A_613, %broadcast_in_dim3A_625 : vector<16xi1>, vector<16xi32>
      %max3A_627 = arith.maxsi %max3A_609, %select_n3A_626 : vector<16xi32>
      %iota3A_628 = tpu.iota {dimensions = array<i32: 0>} : vector<16xi32>
      %add3A_629 = arith.constant 336 : i32
      %add3A_630 = vector.broadcast %add3A_629 : i32 to vector<16xi32>
      %add3A_631 = arith.addi %iota3A_628, %add3A_630 : vector<16xi32>
      %get3A_632 = arith.constant 336 : index
      %get3A_633 = tpu.vector_load %arg10[%get3A_632] {strides = array<i32>} : memref<512xi32, #tpu.memory_space<vmem>>, vector<16xi32>,
      %get3A_634 = vector.shape_cast %get3A_633 : vector<16xi32> to vector<16xi32>
      %gt3A_635 = arith.constant 0 : i32
      %gt3A_636 = vector.broadcast %gt3A_635 : i32 to vector<16xi32>
      %gt3A_637 = arith.cmpi sgt, %get3A_634, %gt3A_636 : vector<16xi32>
      %jit3A_638 = arith.constant 512 : i32
      %broadcast_in_dim3A_639 = vector.broadcast %jit3A_638 : i32 to vector<16xi32>
      %select_n3A_640 = arith.select %gt3A_637, %add3A_631, %broadcast_in_dim3A_639 : vector<16xi1>, vector<16xi32>
      %min3A_641 = arith.minsi %min3A_623, %select_n3A_640 : vector<16xi32>
      %jit3A_642 = arith.constant -1 : i32
      %broadcast_in_dim3A_643 = vector.broadcast %jit3A_642 : i32 to vector<16xi32>
      %select_n3A_644 = arith.select %gt3A_637, %add3A_631, %broadcast_in_dim3A_643 : vector<16xi1>, vector<16xi32>
      %max3A_645 = arith.maxsi %max3A_627, %select_n3A_644 : vector<16xi32>
      %iota3A_646 = tpu.iota {dimensions = array<i32: 0>} : vector<16xi32>
      %add3A_647 = arith.constant 352 : i32
      %add3A_648 = vector.broadcast %add3A_647 : i32 to vector<16xi32>
      %add3A_649 = arith.addi %iota3A_646, %add3A_648 : vector<16xi32>
      %get3A_650 = arith.constant 352 : index
      %get3A_651 = tpu.vector_load %arg10[%get3A_650] {strides = array<i32>} : memref<512xi32, #tpu.memory_space<vmem>>, vector<16xi32>,
      %get3A_652 = vector.shape_cast %get3A_651 : vector<16xi32> to vector<16xi32>
      %gt3A_653 = arith.constant 0 : i32
      %gt3A_654 = vector.broadcast %gt3A_653 : i32 to vector<16xi32>
      %gt3A_655 = arith.cmpi sgt, %get3A_652, %gt3A_654 : vector<16xi32>
      %jit3A_656 = arith.constant 512 : i32
      %broadcast_in_dim3A_657 = vector.broadcast %jit3A_656 : i32 to vector<16xi32>
      %select_n3A_658 = arith.select %gt3A_655, %add3A_649, %broadcast_in_dim3A_657 : vector<16xi1>, vector<16xi32>
      %min3A_659 = arith.minsi %min3A_641, %select_n3A_658 : vector<16xi32>
      %jit3A_660 = arith.constant -1 : i32
      %broadcast_in_dim3A_661 = vector.broadcast %jit3A_660 : i32 to vector<16xi32>
      %select_n3A_662 = arith.select %gt3A_655, %add3A_649, %broadcast_in_dim3A_661 : vector<16xi1>, vector<16xi32>
      %max3A_663 = arith.maxsi %max3A_645, %select_n3A_662 : vector<16xi32>
      %iota3A_664 = tpu.iota {dimensions = array<i32: 0>} : vector<16xi32>
      %add3A_665 = arith.constant 368 : i32
      %add3A_666 = vector.broadcast %add3A_665 : i32 to vector<16xi32>
      %add3A_667 = arith.addi %iota3A_664, %add3A_666 : vector<16xi32>
      %get3A_668 = arith.constant 368 : index
      %get3A_669 = tpu.vector_load %arg10[%get3A_668] {strides = array<i32>} : memref<512xi32, #tpu.memory_space<vmem>>, vector<16xi32>,
      %get3A_670 = vector.shape_cast %get3A_669 : vector<16xi32> to vector<16xi32>
      %gt3A_671 = arith.constant 0 : i32
      %gt3A_672 = vector.broadcast %gt3A_671 : i32 to vector<16xi32>
      %gt3A_673 = arith.cmpi sgt, %get3A_670, %gt3A_672 : vector<16xi32>
      %jit3A_674 = arith.constant 512 : i32
      %broadcast_in_dim3A_675 = vector.broadcast %jit3A_674 : i32 to vector<16xi32>
      %select_n3A_676 = arith.select %gt3A_673, %add3A_667, %broadcast_in_dim3A_675 : vector<16xi1>, vector<16xi32>
      %min3A_677 = arith.minsi %min3A_659, %select_n3A_676 : vector<16xi32>
      %jit3A_678 = arith.constant -1 : i32
      %broadcast_in_dim3A_679 = vector.broadcast %jit3A_678 : i32 to vector<16xi32>
      %select_n3A_680 = arith.select %gt3A_673, %add3A_667, %broadcast_in_dim3A_679 : vector<16xi1>, vector<16xi32>
      %max3A_681 = arith.maxsi %max3A_663, %select_n3A_680 : vector<16xi32>
      %iota3A_682 = tpu.iota {dimensions = array<i32: 0>} : vector<16xi32>
      %add3A_683 = arith.constant 384 : i32
      %add3A_684 = vector.broadcast %add3A_683 : i32 to vector<16xi32>
      %add3A_685 = arith.addi %iota3A_682, %add3A_684 : vector<16xi32>
      %get3A_686 = arith.constant 384 : index
      %get3A_687 = tpu.vector_load %arg10[%get3A_686] {strides = array<i32>} : memref<512xi32, #tpu.memory_space<vmem>>, vector<16xi32>,
      %get3A_688 = vector.shape_cast %get3A_687 : vector<16xi32> to vector<16xi32>
      %gt3A_689 = arith.constant 0 : i32
      %gt3A_690 = vector.broadcast %gt3A_689 : i32 to vector<16xi32>
      %gt3A_691 = arith.cmpi sgt, %get3A_688, %gt3A_690 : vector<16xi32>
      %jit3A_692 = arith.constant 512 : i32
      %broadcast_in_dim3A_693 = vector.broadcast %jit3A_692 : i32 to vector<16xi32>
      %select_n3A_694 = arith.select %gt3A_691, %add3A_685, %broadcast_in_dim3A_693 : vector<16xi1>, vector<16xi32>
      %min3A_695 = arith.minsi %min3A_677, %select_n3A_694 : vector<16xi32>
      %jit3A_696 = arith.constant -1 : i32
      %broadcast_in_dim3A_697 = vector.broadcast %jit3A_696 : i32 to vector<16xi32>
      %select_n3A_698 = arith.select %gt3A_691, %add3A_685, %broadcast_in_dim3A_697 : vector<16xi1>, vector<16xi32>
      %max3A_699 = arith.maxsi %max3A_681, %select_n3A_698 : vector<16xi32>
      %iota3A_700 = tpu.iota {dimensions = array<i32: 0>} : vector<16xi32>
      %add3A_701 = arith.constant 400 : i32
      %add3A_702 = vector.broadcast %add3A_701 : i32 to vector<16xi32>
      %add3A_703 = arith.addi %iota3A_700, %add3A_702 : vector<16xi32>
      %get3A_704 = arith.constant 400 : index
      %get3A_705 = tpu.vector_load %arg10[%get3A_704] {strides = array<i32>} : memref<512xi32, #tpu.memory_space<vmem>>, vector<16xi32>,
      %get3A_706 = vector.shape_cast %get3A_705 : vector<16xi32> to vector<16xi32>
      %gt3A_707 = arith.constant 0 : i32
      %gt3A_708 = vector.broadcast %gt3A_707 : i32 to vector<16xi32>
      %gt3A_709 = arith.cmpi sgt, %get3A_706, %gt3A_708 : vector<16xi32>
      %jit3A_710 = arith.constant 512 : i32
      %broadcast_in_dim3A_711 = vector.broadcast %jit3A_710 : i32 to vector<16xi32>
      %select_n3A_712 = arith.select %gt3A_709, %add3A_703, %broadcast_in_dim3A_711 : vector<16xi1>, vector<16xi32>
      %min3A_713 = arith.minsi %min3A_695, %select_n3A_712 : vector<16xi32>
      %jit3A_714 = arith.constant -1 : i32
      %broadcast_in_dim3A_715 = vector.broadcast %jit3A_714 : i32 to vector<16xi32>
      %select_n3A_716 = arith.select %gt3A_709, %add3A_703, %broadcast_in_dim3A_715 : vector<16xi1>, vector<16xi32>
      %max3A_717 = arith.maxsi %max3A_699, %select_n3A_716 : vector<16xi32>
      %iota3A_718 = tpu.iota {dimensions = array<i32: 0>} : vector<16xi32>
      %add3A_719 = arith.constant 416 : i32
      %add3A_720 = vector.broadcast %add3A_719 : i32 to vector<16xi32>
      %add3A_721 = arith.addi %iota3A_718, %add3A_720 : vector<16xi32>
      %get3A_722 = arith.constant 416 : index
      %get3A_723 = tpu.vector_load %arg10[%get3A_722] {strides = array<i32>} : memref<512xi32, #tpu.memory_space<vmem>>, vector<16xi32>,
      %get3A_724 = vector.shape_cast %get3A_723 : vector<16xi32> to vector<16xi32>
      %gt3A_725 = arith.constant 0 : i32
      %gt3A_726 = vector.broadcast %gt3A_725 : i32 to vector<16xi32>
      %gt3A_727 = arith.cmpi sgt, %get3A_724, %gt3A_726 : vector<16xi32>
      %jit3A_728 = arith.constant 512 : i32
      %broadcast_in_dim3A_729 = vector.broadcast %jit3A_728 : i32 to vector<16xi32>
      %select_n3A_730 = arith.select %gt3A_727, %add3A_721, %broadcast_in_dim3A_729 : vector<16xi1>, vector<16xi32>
      %min3A_731 = arith.minsi %min3A_713, %select_n3A_730 : vector<16xi32>
      %jit3A_732 = arith.constant -1 : i32
      %broadcast_in_dim3A_733 = vector.broadcast %jit3A_732 : i32 to vector<16xi32>
      %select_n3A_734 = arith.select %gt3A_727, %add3A_721, %broadcast_in_dim3A_733 : vector<16xi1>, vector<16xi32>
      %max3A_735 = arith.maxsi %max3A_717, %select_n3A_734 : vector<16xi32>
      %iota3A_736 = tpu.iota {dimensions = array<i32: 0>} : vector<16xi32>
      %add3A_737 = arith.constant 432 : i32
      %add3A_738 = vector.broadcast %add3A_737 : i32 to vector<16xi32>
      %add3A_739 = arith.addi %iota3A_736, %add3A_738 : vector<16xi32>
      %get3A_740 = arith.constant 432 : index
      %get3A_741 = tpu.vector_load %arg10[%get3A_740] {strides = array<i32>} : memref<512xi32, #tpu.memory_space<vmem>>, vector<16xi32>,
      %get3A_742 = vector.shape_cast %get3A_741 : vector<16xi32> to vector<16xi32>
      %gt3A_743 = arith.constant 0 : i32
      %gt3A_744 = vector.broadcast %gt3A_743 : i32 to vector<16xi32>
      %gt3A_745 = arith.cmpi sgt, %get3A_742, %gt3A_744 : vector<16xi32>
      %jit3A_746 = arith.constant 512 : i32
      %broadcast_in_dim3A_747 = vector.broadcast %jit3A_746 : i32 to vector<16xi32>
      %select_n3A_748 = arith.select %gt3A_745, %add3A_739, %broadcast_in_dim3A_747 : vector<16xi1>, vector<16xi32>
      %min3A_749 = arith.minsi %min3A_731, %select_n3A_748 : vector<16xi32>
      %jit3A_750 = arith.constant -1 : i32
      %broadcast_in_dim3A_751 = vector.broadcast %jit3A_750 : i32 to vector<16xi32>
      %select_n3A_752 = arith.select %gt3A_745, %add3A_739, %broadcast_in_dim3A_751 : vector<16xi1>, vector<16xi32>
      %max3A_753 = arith.maxsi %max3A_735, %select_n3A_752 : vector<16xi32>
      %iota3A_754 = tpu.iota {dimensions = array<i32: 0>} : vector<16xi32>
      %add3A_755 = arith.constant 448 : i32
      %add3A_756 = vector.broadcast %add3A_755 : i32 to vector<16xi32>
      %add3A_757 = arith.addi %iota3A_754, %add3A_756 : vector<16xi32>
      %get3A_758 = arith.constant 448 : index
      %get3A_759 = tpu.vector_load %arg10[%get3A_758] {strides = array<i32>} : memref<512xi32, #tpu.memory_space<vmem>>, vector<16xi32>,
      %get3A_760 = vector.shape_cast %get3A_759 : vector<16xi32> to vector<16xi32>
      %gt3A_761 = arith.constant 0 : i32
      %gt3A_762 = vector.broadcast %gt3A_761 : i32 to vector<16xi32>
      %gt3A_763 = arith.cmpi sgt, %get3A_760, %gt3A_762 : vector<16xi32>
      %jit3A_764 = arith.constant 512 : i32
      %broadcast_in_dim3A_765 = vector.broadcast %jit3A_764 : i32 to vector<16xi32>
      %select_n3A_766 = arith.select %gt3A_763, %add3A_757, %broadcast_in_dim3A_765 : vector<16xi1>, vector<16xi32>
      %min3A_767 = arith.minsi %min3A_749, %select_n3A_766 : vector<16xi32>
      %jit3A_768 = arith.constant -1 : i32
      %broadcast_in_dim3A_769 = vector.broadcast %jit3A_768 : i32 to vector<16xi32>
      %select_n3A_770 = arith.select %gt3A_763, %add3A_757, %broadcast_in_dim3A_769 : vector<16xi1>, vector<16xi32>
      %max3A_771 = arith.maxsi %max3A_753, %select_n3A_770 : vector<16xi32>
      %iota3A_772 = tpu.iota {dimensions = array<i32: 0>} : vector<16xi32>
      %add3A_773 = arith.constant 464 : i32
      %add3A_774 = vector.broadcast %add3A_773 : i32 to vector<16xi32>
      %add3A_775 = arith.addi %iota3A_772, %add3A_774 : vector<16xi32>
      %get3A_776 = arith.constant 464 : index
      %get3A_777 = tpu.vector_load %arg10[%get3A_776] {strides = array<i32>} : memref<512xi32, #tpu.memory_space<vmem>>, vector<16xi32>,
      %get3A_778 = vector.shape_cast %get3A_777 : vector<16xi32> to vector<16xi32>
      %gt3A_779 = arith.constant 0 : i32
      %gt3A_780 = vector.broadcast %gt3A_779 : i32 to vector<16xi32>
      %gt3A_781 = arith.cmpi sgt, %get3A_778, %gt3A_780 : vector<16xi32>
      %jit3A_782 = arith.constant 512 : i32
      %broadcast_in_dim3A_783 = vector.broadcast %jit3A_782 : i32 to vector<16xi32>
      %select_n3A_784 = arith.select %gt3A_781, %add3A_775, %broadcast_in_dim3A_783 : vector<16xi1>, vector<16xi32>
      %min3A_785 = arith.minsi %min3A_767, %select_n3A_784 : vector<16xi32>
      %jit3A_786 = arith.constant -1 : i32
      %broadcast_in_dim3A_787 = vector.broadcast %jit3A_786 : i32 to vector<16xi32>
      %select_n3A_788 = arith.select %gt3A_781, %add3A_775, %broadcast_in_dim3A_787 : vector<16xi1>, vector<16xi32>
      %max3A_789 = arith.maxsi %max3A_771, %select_n3A_788 : vector<16xi32>
      %iota3A_790 = tpu.iota {dimensions = array<i32: 0>} : vector<16xi32>
      %add3A_791 = arith.constant 480 : i32
      %add3A_792 = vector.broadcast %add3A_791 : i32 to vector<16xi32>
      %add3A_793 = arith.addi %iota3A_790, %add3A_792 : vector<16xi32>
      %get3A_794 = arith.constant 480 : index
      %get3A_795 = tpu.vector_load %arg10[%get3A_794] {strides = array<i32>} : memref<512xi32, #tpu.memory_space<vmem>>, vector<16xi32>,
      %get3A_796 = vector.shape_cast %get3A_795 : vector<16xi32> to vector<16xi32>
      %gt3A_797 = arith.constant 0 : i32
      %gt3A_798 = vector.broadcast %gt3A_797 : i32 to vector<16xi32>
      %gt3A_799 = arith.cmpi sgt, %get3A_796, %gt3A_798 : vector<16xi32>
      %jit3A_800 = arith.constant 512 : i32
      %broadcast_in_dim3A_801 = vector.broadcast %jit3A_800 : i32 to vector<16xi32>
      %select_n3A_802 = arith.select %gt3A_799, %add3A_793, %broadcast_in_dim3A_801 : vector<16xi1>, vector<16xi32>
      %min3A_803 = arith.minsi %min3A_785, %select_n3A_802 : vector<16xi32>
      %jit3A_804 = arith.constant -1 : i32
      %broadcast_in_dim3A_805 = vector.broadcast %jit3A_804 : i32 to vector<16xi32>
      %select_n3A_806 = arith.select %gt3A_799, %add3A_793, %broadcast_in_dim3A_805 : vector<16xi1>, vector<16xi32>
      %max3A_807 = arith.maxsi %max3A_789, %select_n3A_806 : vector<16xi32>
      %iota3A_808 = tpu.iota {dimensions = array<i32: 0>} : vector<16xi32>
      %add3A_809 = arith.constant 496 : i32
      %add3A_810 = vector.broadcast %add3A_809 : i32 to vector<16xi32>
      %add3A_811 = arith.addi %iota3A_808, %add3A_810 : vector<16xi32>
      %get3A_812 = arith.constant 496 : index
      %get3A_813 = tpu.vector_load %arg10[%get3A_812] {strides = array<i32>} : memref<512xi32, #tpu.memory_space<vmem>>, vector<16xi32>,
      %get3A_814 = vector.shape_cast %get3A_813 : vector<16xi32> to vector<16xi32>
      %gt3A_815 = arith.constant 0 : i32
      %gt3A_816 = vector.broadcast %gt3A_815 : i32 to vector<16xi32>
      %gt3A_817 = arith.cmpi sgt, %get3A_814, %gt3A_816 : vector<16xi32>
      %jit3A_818 = arith.constant 512 : i32
      %broadcast_in_dim3A_819 = vector.broadcast %jit3A_818 : i32 to vector<16xi32>
      %select_n3A_820 = arith.select %gt3A_817, %add3A_811, %broadcast_in_dim3A_819 : vector<16xi1>, vector<16xi32>
      %min3A_821 = arith.minsi %min3A_803, %select_n3A_820 : vector<16xi32>
      %jit3A_822 = arith.constant -1 : i32
      %broadcast_in_dim3A_823 = vector.broadcast %jit3A_822 : i32 to vector<16xi32>
      %select_n3A_824 = arith.select %gt3A_817, %add3A_811, %broadcast_in_dim3A_823 : vector<16xi1>, vector<16xi32>
      %max3A_825 = arith.maxsi %max3A_807, %select_n3A_824 : vector<16xi32>
      %slice3A_826 = vector.extract_strided_slice %min3A_821 {offsets = [0], sizes = [1], strides = [1]} : vector<16xi32> to vector<1xi32>
      %squeeze3A_827 = vector.extract %slice3A_826[0] : i32 from vector<1xi32>
      %slice3A_828 = vector.extract_strided_slice %max3A_825 {offsets = [0], sizes = [1], strides = [1]} : vector<16xi32> to vector<1xi32>
      %squeeze3A_829 = vector.extract %slice3A_828[0] : i32 from vector<1xi32>
      %slice3A_830 = vector.extract_strided_slice %min3A_821 {offsets = [1], sizes = [1], strides = [1]} : vector<16xi32> to vector<1xi32>
      %squeeze3A_831 = vector.extract %slice3A_830[0] : i32 from vector<1xi32>
      %min3A_832 = arith.minsi %squeeze3A_827, %squeeze3A_831 : i32
      %slice3A_833 = vector.extract_strided_slice %max3A_825 {offsets = [1], sizes = [1], strides = [1]} : vector<16xi32> to vector<1xi32>
      %squeeze3A_834 = vector.extract %slice3A_833[0] : i32 from vector<1xi32>
      %max3A_835 = arith.maxsi %squeeze3A_829, %squeeze3A_834 : i32
      %slice3A_836 = vector.extract_strided_slice %min3A_821 {offsets = [2], sizes = [1], strides = [1]} : vector<16xi32> to vector<1xi32>
      %squeeze3A_837 = vector.extract %slice3A_836[0] : i32 from vector<1xi32>
      %min3A_838 = arith.minsi %min3A_832, %squeeze3A_837 : i32
      %slice3A_839 = vector.extract_strided_slice %max3A_825 {offsets = [2], sizes = [1], strides = [1]} : vector<16xi32> to vector<1xi32>
      %squeeze3A_840 = vector.extract %slice3A_839[0] : i32 from vector<1xi32>
      %max3A_841 = arith.maxsi %max3A_835, %squeeze3A_840 : i32
      %slice3A_842 = vector.extract_strided_slice %min3A_821 {offsets = [3], sizes = [1], strides = [1]} : vector<16xi32> to vector<1xi32>
      %squeeze3A_843 = vector.extract %slice3A_842[0] : i32 from vector<1xi32>
      %min3A_844 = arith.minsi %min3A_838, %squeeze3A_843 : i32
      %slice3A_845 = vector.extract_strided_slice %max3A_825 {offsets = [3], sizes = [1], strides = [1]} : vector<16xi32> to vector<1xi32>
      %squeeze3A_846 = vector.extract %slice3A_845[0] : i32 from vector<1xi32>
      %max3A_847 = arith.maxsi %max3A_841, %squeeze3A_846 : i32
      %slice3A_848 = vector.extract_strided_slice %min3A_821 {offsets = [4], sizes = [1], strides = [1]} : vector<16xi32> to vector<1xi32>
      %squeeze3A_849 = vector.extract %slice3A_848[0] : i32 from vector<1xi32>
      %min3A_850 = arith.minsi %min3A_844, %squeeze3A_849 : i32
      %slice3A_851 = vector.extract_strided_slice %max3A_825 {offsets = [4], sizes = [1], strides = [1]} : vector<16xi32> to vector<1xi32>
      %squeeze3A_852 = vector.extract %slice3A_851[0] : i32 from vector<1xi32>
      %max3A_853 = arith.maxsi %max3A_847, %squeeze3A_852 : i32
      %slice3A_854 = vector.extract_strided_slice %min3A_821 {offsets = [5], sizes = [1], strides = [1]} : vector<16xi32> to vector<1xi32>
      %squeeze3A_855 = vector.extract %slice3A_854[0] : i32 from vector<1xi32>
      %min3A_856 = arith.minsi %min3A_850, %squeeze3A_855 : i32
      %slice3A_857 = vector.extract_strided_slice %max3A_825 {offsets = [5], sizes = [1], strides = [1]} : vector<16xi32> to vector<1xi32>
      %squeeze3A_858 = vector.extract %slice3A_857[0] : i32 from vector<1xi32>
      %max3A_859 = arith.maxsi %max3A_853, %squeeze3A_858 : i32
      %slice3A_860 = vector.extract_strided_slice %min3A_821 {offsets = [6], sizes = [1], strides = [1]} : vector<16xi32> to vector<1xi32>
      %squeeze3A_861 = vector.extract %slice3A_860[0] : i32 from vector<1xi32>
      %min3A_862 = arith.minsi %min3A_856, %squeeze3A_861 : i32
      %slice3A_863 = vector.extract_strided_slice %max3A_825 {offsets = [6], sizes = [1], strides = [1]} : vector<16xi32> to vector<1xi32>
      %squeeze3A_864 = vector.extract %slice3A_863[0] : i32 from vector<1xi32>
      %max3A_865 = arith.maxsi %max3A_859, %squeeze3A_864 : i32
      %slice3A_866 = vector.extract_strided_slice %min3A_821 {offsets = [7], sizes = [1], strides = [1]} : vector<16xi32> to vector<1xi32>
      %squeeze3A_867 = vector.extract %slice3A_866[0] : i32 from vector<1xi32>
      %min3A_868 = arith.minsi %min3A_862, %squeeze3A_867 : i32
      %slice3A_869 = vector.extract_strided_slice %max3A_825 {offsets = [7], sizes = [1], strides = [1]} : vector<16xi32> to vector<1xi32>
      %squeeze3A_870 = vector.extract %slice3A_869[0] : i32 from vector<1xi32>
      %max3A_871 = arith.maxsi %max3A_865, %squeeze3A_870 : i32
      %slice3A_872 = vector.extract_strided_slice %min3A_821 {offsets = [8], sizes = [1], strides = [1]} : vector<16xi32> to vector<1xi32>
      %squeeze3A_873 = vector.extract %slice3A_872[0] : i32 from vector<1xi32>
      %min3A_874 = arith.minsi %min3A_868, %squeeze3A_873 : i32
      %slice3A_875 = vector.extract_strided_slice %max3A_825 {offsets = [8], sizes = [1], strides = [1]} : vector<16xi32> to vector<1xi32>
      %squeeze3A_876 = vector.extract %slice3A_875[0] : i32 from vector<1xi32>
      %max3A_877 = arith.maxsi %max3A_871, %squeeze3A_876 : i32
      %slice3A_878 = vector.extract_strided_slice %min3A_821 {offsets = [9], sizes = [1], strides = [1]} : vector<16xi32> to vector<1xi32>
      %squeeze3A_879 = vector.extract %slice3A_878[0] : i32 from vector<1xi32>
      %min3A_880 = arith.minsi %min3A_874, %squeeze3A_879 : i32
      %slice3A_881 = vector.extract_strided_slice %max3A_825 {offsets = [9], sizes = [1], strides = [1]} : vector<16xi32> to vector<1xi32>
      %squeeze3A_882 = vector.extract %slice3A_881[0] : i32 from vector<1xi32>
      %max3A_883 = arith.maxsi %max3A_877, %squeeze3A_882 : i32
      %slice3A_884 = vector.extract_strided_slice %min3A_821 {offsets = [10], sizes = [1], strides = [1]} : vector<16xi32> to vector<1xi32>
      %squeeze3A_885 = vector.extract %slice3A_884[0] : i32 from vector<1xi32>
      %min3A_886 = arith.minsi %min3A_880, %squeeze3A_885 : i32
      %slice3A_887 = vector.extract_strided_slice %max3A_825 {offsets = [10], sizes = [1], strides = [1]} : vector<16xi32> to vector<1xi32>
      %squeeze3A_888 = vector.extract %slice3A_887[0] : i32 from vector<1xi32>
      %max3A_889 = arith.maxsi %max3A_883, %squeeze3A_888 : i32
      %slice3A_890 = vector.extract_strided_slice %min3A_821 {offsets = [11], sizes = [1], strides = [1]} : vector<16xi32> to vector<1xi32>
      %squeeze3A_891 = vector.extract %slice3A_890[0] : i32 from vector<1xi32>
      %min3A_892 = arith.minsi %min3A_886, %squeeze3A_891 : i32
      %slice3A_893 = vector.extract_strided_slice %max3A_825 {offsets = [11], sizes = [1], strides = [1]} : vector<16xi32> to vector<1xi32>
      %squeeze3A_894 = vector.extract %slice3A_893[0] : i32 from vector<1xi32>
      %max3A_895 = arith.maxsi %max3A_889, %squeeze3A_894 : i32
      %slice3A_896 = vector.extract_strided_slice %min3A_821 {offsets = [12], sizes = [1], strides = [1]} : vector<16xi32> to vector<1xi32>
      %squeeze3A_897 = vector.extract %slice3A_896[0] : i32 from vector<1xi32>
      %min3A_898 = arith.minsi %min3A_892, %squeeze3A_897 : i32
      %slice3A_899 = vector.extract_strided_slice %max3A_825 {offsets = [12], sizes = [1], strides = [1]} : vector<16xi32> to vector<1xi32>
      %squeeze3A_900 = vector.extract %slice3A_899[0] : i32 from vector<1xi32>
      %max3A_901 = arith.maxsi %max3A_895, %squeeze3A_900 : i32
      %slice3A_902 = vector.extract_strided_slice %min3A_821 {offsets = [13], sizes = [1], strides = [1]} : vector<16xi32> to vector<1xi32>
      %squeeze3A_903 = vector.extract %slice3A_902[0] : i32 from vector<1xi32>
      %min3A_904 = arith.minsi %min3A_898, %squeeze3A_903 : i32
      %slice3A_905 = vector.extract_strided_slice %max3A_825 {offsets = [13], sizes = [1], strides = [1]} : vector<16xi32> to vector<1xi32>
      %squeeze3A_906 = vector.extract %slice3A_905[0] : i32 from vector<1xi32>
      %max3A_907 = arith.maxsi %max3A_901, %squeeze3A_906 : i32
      %slice3A_908 = vector.extract_strided_slice %min3A_821 {offsets = [14], sizes = [1], strides = [1]} : vector<16xi32> to vector<1xi32>
      %squeeze3A_909 = vector.extract %slice3A_908[0] : i32 from vector<1xi32>
      %min3A_910 = arith.minsi %min3A_904, %squeeze3A_909 : i32
      %slice3A_911 = vector.extract_strided_slice %max3A_825 {offsets = [14], sizes = [1], strides = [1]} : vector<16xi32> to vector<1xi32>
      %squeeze3A_912 = vector.extract %slice3A_911[0] : i32 from vector<1xi32>
      %max3A_913 = arith.maxsi %max3A_907, %squeeze3A_912 : i32
      %slice3A_914 = vector.extract_strided_slice %min3A_821 {offsets = [15], sizes = [1], strides = [1]} : vector<16xi32> to vector<1xi32>
      %squeeze3A_915 = vector.extract %slice3A_914[0] : i32 from vector<1xi32>
      %min3A_916 = arith.minsi %min3A_910, %squeeze3A_915 : i32
      %slice3A_917 = vector.extract_strided_slice %max3A_825 {offsets = [15], sizes = [1], strides = [1]} : vector<16xi32> to vector<1xi32>
      %squeeze3A_918 = vector.extract %slice3A_917[0] : i32 from vector<1xi32>
      %max3A_919 = arith.maxsi %max3A_913, %squeeze3A_918 : i32
      %sub3A = arith.constant 2 : i32
      %sub3A_920 = arith.subi %max3A_250, %sub3A : i32
      %add3A_921 = arith.constant 0 : i32
      %add3A_922 = arith.addi %sub3A_920, %add3A_921 : i32
      %ge3A = arith.constant 0 : i32
      %ge3A_923 = arith.cmpi sge, %add3A_922, %ge3A : i32
      %le3A = arith.cmpi sle, %add3A_922, %max3A_250 : i32
      %and3A = arith.andi %ge3A_923, %le3A : i1
      %convert_element_type3A_924 = arith.extui %and3A : i1 to i32
      %cond3A_925 = arith.constant 0 : i32
      %cond3A_926 = arith.cmpi ne, %convert_element_type3A_924, %cond3A_925 : i32
      scf.if %cond3A_926 {
        %run_scoped3A = arith.constant 0 : i32
        "tpu.region"() ({
          %run_scoped3A_975 = tpu.sem_alloc : memref<!tpu.dma_semaphore, #tpu.memory_space<semaphore_mem>>
          %dma_start3A = arith.constant 0 : i32
          %dma_start3A_976 = tpu.memref_slice %arg3[%add3A, %run_scoped3A, %add3A_922, %dma_start3A] : memref<16x3x512x512xf32, #tpu.memory_space<hbm>> -> memref<1x1x1x512xf32, #tpu.memory_space<hbm>>
          %dma_start3A_977 = tpu.memref_squeeze %dma_start3A_976 : memref<1x1x1x512xf32, #tpu.memory_space<hbm>> -> memref<512xf32, #tpu.memory_space<hbm>>
          %dma_start3A_978 = arith.constant 0 : i32
          %dma_start3A_979 = tpu.memref_slice %arg3[%add3A, %run_scoped3A, %add3A_922, %dma_start3A_978] : memref<16x3x512x512xf32, #tpu.memory_space<hbm>> -> memref<1x1x1x512xf32, #tpu.memory_space<hbm>>
          %dma_start3A_980 = tpu.memref_squeeze %dma_start3A_979 : memref<1x1x1x512xf32, #tpu.memory_space<hbm>> -> memref<512xf32, #tpu.memory_space<hbm>>
          tpu.enqueue_dma source(%dma_start3A_980 : memref<512xf32, #tpu.memory_space<hbm>>) target(%arg9 : memref<512xf32, #tpu.memory_space<vmem>>) target_semaphore(%run_scoped3A_975 : memref<!tpu.dma_semaphore, #tpu.memory_space<semaphore_mem>>)
          %dma_wait3A = arith.constant 0 : i32
          %dma_wait3A_981 = tpu.memref_slice %arg3[%add3A, %run_scoped3A, %add3A_922, %dma_wait3A] : memref<16x3x512x512xf32, #tpu.memory_space<hbm>> -> memref<1x1x1x512xf32, #tpu.memory_space<hbm>>
          %dma_wait3A_982 = tpu.memref_squeeze %dma_wait3A_981 : memref<1x1x1x512xf32, #tpu.memory_space<hbm>> -> memref<512xf32, #tpu.memory_space<hbm>>
          %dma_wait3A_983 = arith.constant 0 : i32
          %dma_wait3A_984 = tpu.memref_slice %arg3[%add3A, %run_scoped3A, %add3A_922, %dma_wait3A_983] : memref<16x3x512x512xf32, #tpu.memory_space<hbm>> -> memref<1x1x1x512xf32, #tpu.memory_space<hbm>>
          %dma_wait3A_985 = tpu.memref_squeeze %dma_wait3A_984 : memref<1x1x1x512xf32, #tpu.memory_space<hbm>> -> memref<512xf32, #tpu.memory_space<hbm>>
          tpu.wait_dma2 semaphore(%run_scoped3A_975 : memref<!tpu.dma_semaphore, #tpu.memory_space<semaphore_mem>>) src(%dma_wait3A_985 : memref<512xf32, #tpu.memory_space<hbm>>) dst(%arg9 : memref<512xf32, #tpu.memory_space<vmem>>)
          tpu.yield
        }) : () -> ()
        %scan3A_949 = arith.constant 0 : i32
        %scan3A_950 = arith.constant 0 : i32
        %scan3A_951 = arith.constant 32 : i32
        %scan3A_952 = arith.addi %scan3A_950, %scan3A_951 : i32
        %scan3A_953 = arith.constant 1 : i32
        %scan3A_954 = scf.for %scan3A_975 = %scan3A_950 to %scan3A_952 step %scan3A_953 iter_args(%scan3A_976 = %scan3A_949) -> (i32)  : i32 {
          %mul3A_977 = arith.constant 16 : i32
          %mul3A_978 = arith.muli %scan3A_975, %mul3A_977 : i32
          %iota3A_979 = tpu.iota {dimensions = array<i32: 0>} : vector<16xi32>
          %mul3A_980 = arith.constant 16 : i32
          %mul3A_981 = arith.muli %scan3A_975, %mul3A_980 : i32
          %add3A_982 = vector.broadcast %mul3A_981 : i32 to vector<16xi32>
          %add3A_983 = arith.addi %iota3A_979, %add3A_982 : vector<16xi32>
          %ge3A_984 = vector.broadcast %min3A_916 : i32 to vector<16xi32>
          %ge3A_985 = arith.cmpi sge, %add3A_983, %ge3A_984 : vector<16xi32>
          %lt3A_986 = vector.broadcast %max3A_919 : i32 to vector<16xi32>
          %lt3A_987 = arith.cmpi slt, %add3A_983, %lt3A_986 : vector<16xi32>
          %and3A_988 = arith.andi %ge3A_985, %lt3A_987 : vector<16xi1>
          %jit3A_989 = arith.constant 0.000000e+00 : f32
          %jit3A_990 = arith.constant 1.000000e+00 : f32
          %broadcast_in_dim3A_991 = vector.broadcast %jit3A_989 : f32 to vector<16xf32>
          %broadcast_in_dim3A_992 = vector.broadcast %jit3A_990 : f32 to vector<16xf32>
          %select_n3A_993 = arith.select %and3A_988, %broadcast_in_dim3A_991, %broadcast_in_dim3A_992 : vector<16xi1>, vector<16xf32>
          %get3A_994 = arith.index_cast %mul3A_978 : i32 to index
          %get3A_995 = tpu.vector_load %arg9[%get3A_994] {strides = array<i32>} : memref<512xf32, #tpu.memory_space<vmem>>, vector<16xf32>,
          %get3A_996 = vector.shape_cast %get3A_995 : vector<16xf32> to vector<16xf32>
          %mul3A_997 = arith.mulf %get3A_996, %select_n3A_993 : vector<16xf32>
          %swap3A_998 = arith.index_cast %mul3A_978 : i32 to index
          %swap3A_999 = tpu.vector_load %arg9[%swap3A_998] {strides = array<i32>} : memref<512xf32, #tpu.memory_space<vmem>>, vector<16xf32>,
          %swap3A_1000 = vector.shape_cast %swap3A_999 : vector<16xf32> to vector<16xf32>
          %swap3A_1001 = vector.shape_cast %mul3A_997 : vector<16xf32> to vector<16xf32>
          tpu.vector_store %arg9[%swap3A_998], %swap3A_1001 {strides = array<i32>} : memref<512xf32, #tpu.memory_space<vmem>>, vector<16xf32>,
          %scan3A_1002 = arith.constant 0 : i32
          scf.yield %scan3A_1002 : i32
        }
        %scan3A_955 = arith.constant 32 : i32
        %run_scoped3A_956 = arith.constant 0 : i32
        "tpu.region"() ({
          %run_scoped3A_975 = tpu.sem_alloc : memref<!tpu.dma_semaphore, #tpu.memory_space<semaphore_mem>>
          %dma_start3A = arith.constant 0 : i32
          %dma_start3A_976 = tpu.memref_slice %arg4[%add3A, %run_scoped3A_956, %add3A_922, %dma_start3A] : memref<16x3x512x512xf32, #tpu.memory_space<hbm>> -> memref<1x1x1x512xf32, #tpu.memory_space<hbm>>
          %dma_start3A_977 = tpu.memref_squeeze %dma_start3A_976 : memref<1x1x1x512xf32, #tpu.memory_space<hbm>> -> memref<512xf32, #tpu.memory_space<hbm>>
          %dma_start3A_978 = arith.constant 0 : i32
          %dma_start3A_979 = tpu.memref_slice %arg4[%add3A, %run_scoped3A_956, %add3A_922, %dma_start3A_978] : memref<16x3x512x512xf32, #tpu.memory_space<hbm>> -> memref<1x1x1x512xf32, #tpu.memory_space<hbm>>
          %dma_start3A_980 = tpu.memref_squeeze %dma_start3A_979 : memref<1x1x1x512xf32, #tpu.memory_space<hbm>> -> memref<512xf32, #tpu.memory_space<hbm>>
          tpu.enqueue_dma source(%arg9 : memref<512xf32, #tpu.memory_space<vmem>>) target(%dma_start3A_980 : memref<512xf32, #tpu.memory_space<hbm>>) target_semaphore(%run_scoped3A_975 : memref<!tpu.dma_semaphore, #tpu.memory_space<semaphore_mem>>)
          %dma_wait3A = arith.constant 0 : i32
          %dma_wait3A_981 = tpu.memref_slice %arg4[%add3A, %run_scoped3A_956, %add3A_922, %dma_wait3A] : memref<16x3x512x512xf32, #tpu.memory_space<hbm>> -> memref<1x1x1x512xf32, #tpu.memory_space<hbm>>
          %dma_wait3A_982 = tpu.memref_squeeze %dma_wait3A_981 : memref<1x1x1x512xf32, #tpu.memory_space<hbm>> -> memref<512xf32, #tpu.memory_space<hbm>>
          %dma_wait3A_983 = arith.constant 0 : i32
          %dma_wait3A_984 = tpu.memref_slice %arg4[%add3A, %run_scoped3A_956, %add3A_922, %dma_wait3A_983] : memref<16x3x512x512xf32, #tpu.memory_space<hbm>> -> memref<1x1x1x512xf32, #tpu.memory_space<hbm>>
          %dma_wait3A_985 = tpu.memref_squeeze %dma_wait3A_984 : memref<1x1x1x512xf32, #tpu.memory_space<hbm>> -> memref<512xf32, #tpu.memory_space<hbm>>
          tpu.wait_dma2 semaphore(%run_scoped3A_975 : memref<!tpu.dma_semaphore, #tpu.memory_space<semaphore_mem>>) src(%arg9 : memref<512xf32, #tpu.memory_space<vmem>>) dst(%dma_wait3A_985 : memref<512xf32, #tpu.memory_space<hbm>>)
          tpu.yield
        }) : () -> ()
        %run_scoped3A_957 = arith.constant 1 : i32
        "tpu.region"() ({
          %run_scoped3A_975 = tpu.sem_alloc : memref<!tpu.dma_semaphore, #tpu.memory_space<semaphore_mem>>
          %dma_start3A = arith.constant 0 : i32
          %dma_start3A_976 = tpu.memref_slice %arg3[%add3A, %run_scoped3A_957, %add3A_922, %dma_start3A] : memref<16x3x512x512xf32, #tpu.memory_space<hbm>> -> memref<1x1x1x512xf32, #tpu.memory_space<hbm>>
          %dma_start3A_977 = tpu.memref_squeeze %dma_start3A_976 : memref<1x1x1x512xf32, #tpu.memory_space<hbm>> -> memref<512xf32, #tpu.memory_space<hbm>>
          %dma_start3A_978 = arith.constant 0 : i32
          %dma_start3A_979 = tpu.memref_slice %arg3[%add3A, %run_scoped3A_957, %add3A_922, %dma_start3A_978] : memref<16x3x512x512xf32, #tpu.memory_space<hbm>> -> memref<1x1x1x512xf32, #tpu.memory_space<hbm>>
          %dma_start3A_980 = tpu.memref_squeeze %dma_start3A_979 : memref<1x1x1x512xf32, #tpu.memory_space<hbm>> -> memref<512xf32, #tpu.memory_space<hbm>>
          tpu.enqueue_dma source(%dma_start3A_980 : memref<512xf32, #tpu.memory_space<hbm>>) target(%arg9 : memref<512xf32, #tpu.memory_space<vmem>>) target_semaphore(%run_scoped3A_975 : memref<!tpu.dma_semaphore, #tpu.memory_space<semaphore_mem>>)
          %dma_wait3A = arith.constant 0 : i32
          %dma_wait3A_981 = tpu.memref_slice %arg3[%add3A, %run_scoped3A_957, %add3A_922, %dma_wait3A] : memref<16x3x512x512xf32, #tpu.memory_space<hbm>> -> memref<1x1x1x512xf32, #tpu.memory_space<hbm>>
          %dma_wait3A_982 = tpu.memref_squeeze %dma_wait3A_981 : memref<1x1x1x512xf32, #tpu.memory_space<hbm>> -> memref<512xf32, #tpu.memory_space<hbm>>
          %dma_wait3A_983 = arith.constant 0 : i32
          %dma_wait3A_984 = tpu.memref_slice %arg3[%add3A, %run_scoped3A_957, %add3A_922, %dma_wait3A_983] : memref<16x3x512x512xf32, #tpu.memory_space<hbm>> -> memref<1x1x1x512xf32, #tpu.memory_space<hbm>>
          %dma_wait3A_985 = tpu.memref_squeeze %dma_wait3A_984 : memref<1x1x1x512xf32, #tpu.memory_space<hbm>> -> memref<512xf32, #tpu.memory_space<hbm>>
          tpu.wait_dma2 semaphore(%run_scoped3A_975 : memref<!tpu.dma_semaphore, #tpu.memory_space<semaphore_mem>>) src(%dma_wait3A_985 : memref<512xf32, #tpu.memory_space<hbm>>) dst(%arg9 : memref<512xf32, #tpu.memory_space<vmem>>)
          tpu.yield
        }) : () -> ()
        %scan3A_958 = arith.constant 0 : i32
        %scan3A_959 = arith.constant 0 : i32
        %scan3A_960 = arith.constant 32 : i32
        %scan3A_961 = arith.addi %scan3A_959, %scan3A_960 : i32
        %scan3A_962 = arith.constant 1 : i32
        %scan3A_963 = scf.for %scan3A_975 = %scan3A_959 to %scan3A_961 step %scan3A_962 iter_args(%scan3A_976 = %scan3A_958) -> (i32)  : i32 {
          %mul3A_977 = arith.constant 16 : i32
          %mul3A_978 = arith.muli %scan3A_975, %mul3A_977 : i32
          %iota3A_979 = tpu.iota {dimensions = array<i32: 0>} : vector<16xi32>
          %mul3A_980 = arith.constant 16 : i32
          %mul3A_981 = arith.muli %scan3A_975, %mul3A_980 : i32
          %add3A_982 = vector.broadcast %mul3A_981 : i32 to vector<16xi32>
          %add3A_983 = arith.addi %iota3A_979, %add3A_982 : vector<16xi32>
          %ge3A_984 = vector.broadcast %min3A_916 : i32 to vector<16xi32>
          %ge3A_985 = arith.cmpi sge, %add3A_983, %ge3A_984 : vector<16xi32>
          %lt3A_986 = vector.broadcast %max3A_919 : i32 to vector<16xi32>
          %lt3A_987 = arith.cmpi slt, %add3A_983, %lt3A_986 : vector<16xi32>
          %and3A_988 = arith.andi %ge3A_985, %lt3A_987 : vector<16xi1>
          %jit3A_989 = arith.constant 0.000000e+00 : f32
          %jit3A_990 = arith.constant 1.000000e+00 : f32
          %broadcast_in_dim3A_991 = vector.broadcast %jit3A_989 : f32 to vector<16xf32>
          %broadcast_in_dim3A_992 = vector.broadcast %jit3A_990 : f32 to vector<16xf32>
          %select_n3A_993 = arith.select %and3A_988, %broadcast_in_dim3A_991, %broadcast_in_dim3A_992 : vector<16xi1>, vector<16xf32>
          %get3A_994 = arith.index_cast %mul3A_978 : i32 to index
          %get3A_995 = tpu.vector_load %arg9[%get3A_994] {strides = array<i32>} : memref<512xf32, #tpu.memory_space<vmem>>, vector<16xf32>,
          %get3A_996 = vector.shape_cast %get3A_995 : vector<16xf32> to vector<16xf32>
          %mul3A_997 = arith.mulf %get3A_996, %select_n3A_993 : vector<16xf32>
          %swap3A_998 = arith.index_cast %mul3A_978 : i32 to index
          %swap3A_999 = tpu.vector_load %arg9[%swap3A_998] {strides = array<i32>} : memref<512xf32, #tpu.memory_space<vmem>>, vector<16xf32>,
          %swap3A_1000 = vector.shape_cast %swap3A_999 : vector<16xf32> to vector<16xf32>
          %swap3A_1001 = vector.shape_cast %mul3A_997 : vector<16xf32> to vector<16xf32>
          tpu.vector_store %arg9[%swap3A_998], %swap3A_1001 {strides = array<i32>} : memref<512xf32, #tpu.memory_space<vmem>>, vector<16xf32>,
          %scan3A_1002 = arith.constant 0 : i32
          scf.yield %scan3A_1002 : i32
        }
        %scan3A_964 = arith.constant 32 : i32
        %run_scoped3A_965 = arith.constant 1 : i32
        "tpu.region"() ({
          %run_scoped3A_975 = tpu.sem_alloc : memref<!tpu.dma_semaphore, #tpu.memory_space<semaphore_mem>>
          %dma_start3A = arith.constant 0 : i32
          %dma_start3A_976 = tpu.memref_slice %arg4[%add3A, %run_scoped3A_965, %add3A_922, %dma_start3A] : memref<16x3x512x512xf32, #tpu.memory_space<hbm>> -> memref<1x1x1x512xf32, #tpu.memory_space<hbm>>
          %dma_start3A_977 = tpu.memref_squeeze %dma_start3A_976 : memref<1x1x1x512xf32, #tpu.memory_space<hbm>> -> memref<512xf32, #tpu.memory_space<hbm>>
          %dma_start3A_978 = arith.constant 0 : i32
          %dma_start3A_979 = tpu.memref_slice %arg4[%add3A, %run_scoped3A_965, %add3A_922, %dma_start3A_978] : memref<16x3x512x512xf32, #tpu.memory_space<hbm>> -> memref<1x1x1x512xf32, #tpu.memory_space<hbm>>
          %dma_start3A_980 = tpu.memref_squeeze %dma_start3A_979 : memref<1x1x1x512xf32, #tpu.memory_space<hbm>> -> memref<512xf32, #tpu.memory_space<hbm>>
          tpu.enqueue_dma source(%arg9 : memref<512xf32, #tpu.memory_space<vmem>>) target(%dma_start3A_980 : memref<512xf32, #tpu.memory_space<hbm>>) target_semaphore(%run_scoped3A_975 : memref<!tpu.dma_semaphore, #tpu.memory_space<semaphore_mem>>)
          %dma_wait3A = arith.constant 0 : i32
          %dma_wait3A_981 = tpu.memref_slice %arg4[%add3A, %run_scoped3A_965, %add3A_922, %dma_wait3A] : memref<16x3x512x512xf32, #tpu.memory_space<hbm>> -> memref<1x1x1x512xf32, #tpu.memory_space<hbm>>
          %dma_wait3A_982 = tpu.memref_squeeze %dma_wait3A_981 : memref<1x1x1x512xf32, #tpu.memory_space<hbm>> -> memref<512xf32, #tpu.memory_space<hbm>>
          %dma_wait3A_983 = arith.constant 0 : i32
          %dma_wait3A_984 = tpu.memref_slice %arg4[%add3A, %run_scoped3A_965, %add3A_922, %dma_wait3A_983] : memref<16x3x512x512xf32, #tpu.memory_space<hbm>> -> memref<1x1x1x512xf32, #tpu.memory_space<hbm>>
          %dma_wait3A_985 = tpu.memref_squeeze %dma_wait3A_984 : memref<1x1x1x512xf32, #tpu.memory_space<hbm>> -> memref<512xf32, #tpu.memory_space<hbm>>
          tpu.wait_dma2 semaphore(%run_scoped3A_975 : memref<!tpu.dma_semaphore, #tpu.memory_space<semaphore_mem>>) src(%arg9 : memref<512xf32, #tpu.memory_space<vmem>>) dst(%dma_wait3A_985 : memref<512xf32, #tpu.memory_space<hbm>>)
          tpu.yield
        }) : () -> ()
        %run_scoped3A_966 = arith.constant 2 : i32
        "tpu.region"() ({
          %run_scoped3A_975 = tpu.sem_alloc : memref<!tpu.dma_semaphore, #tpu.memory_space<semaphore_mem>>
          %dma_start3A = arith.constant 0 : i32
          %dma_start3A_976 = tpu.memref_slice %arg3[%add3A, %run_scoped3A_966, %add3A_922, %dma_start3A] : memref<16x3x512x512xf32, #tpu.memory_space<hbm>> -> memref<1x1x1x512xf32, #tpu.memory_space<hbm>>
          %dma_start3A_977 = tpu.memref_squeeze %dma_start3A_976 : memref<1x1x1x512xf32, #tpu.memory_space<hbm>> -> memref<512xf32, #tpu.memory_space<hbm>>
          %dma_start3A_978 = arith.constant 0 : i32
          %dma_start3A_979 = tpu.memref_slice %arg3[%add3A, %run_scoped3A_966, %add3A_922, %dma_start3A_978] : memref<16x3x512x512xf32, #tpu.memory_space<hbm>> -> memref<1x1x1x512xf32, #tpu.memory_space<hbm>>
          %dma_start3A_980 = tpu.memref_squeeze %dma_start3A_979 : memref<1x1x1x512xf32, #tpu.memory_space<hbm>> -> memref<512xf32, #tpu.memory_space<hbm>>
          tpu.enqueue_dma source(%dma_start3A_980 : memref<512xf32, #tpu.memory_space<hbm>>) target(%arg9 : memref<512xf32, #tpu.memory_space<vmem>>) target_semaphore(%run_scoped3A_975 : memref<!tpu.dma_semaphore, #tpu.memory_space<semaphore_mem>>)
          %dma_wait3A = arith.constant 0 : i32
          %dma_wait3A_981 = tpu.memref_slice %arg3[%add3A, %run_scoped3A_966, %add3A_922, %dma_wait3A] : memref<16x3x512x512xf32, #tpu.memory_space<hbm>> -> memref<1x1x1x512xf32, #tpu.memory_space<hbm>>
          %dma_wait3A_982 = tpu.memref_squeeze %dma_wait3A_981 : memref<1x1x1x512xf32, #tpu.memory_space<hbm>> -> memref<512xf32, #tpu.memory_space<hbm>>
          %dma_wait3A_983 = arith.constant 0 : i32
          %dma_wait3A_984 = tpu.memref_slice %arg3[%add3A, %run_scoped3A_966, %add3A_922, %dma_wait3A_983] : memref<16x3x512x512xf32, #tpu.memory_space<hbm>> -> memref<1x1x1x512xf32, #tpu.memory_space<hbm>>
          %dma_wait3A_985 = tpu.memref_squeeze %dma_wait3A_984 : memref<1x1x1x512xf32, #tpu.memory_space<hbm>> -> memref<512xf32, #tpu.memory_space<hbm>>
          tpu.wait_dma2 semaphore(%run_scoped3A_975 : memref<!tpu.dma_semaphore, #tpu.memory_space<semaphore_mem>>) src(%dma_wait3A_985 : memref<512xf32, #tpu.memory_space<hbm>>) dst(%arg9 : memref<512xf32, #tpu.memory_space<vmem>>)
          tpu.yield
        }) : () -> ()
        %scan3A_967 = arith.constant 0 : i32
        %scan3A_968 = arith.constant 0 : i32
        %scan3A_969 = arith.constant 32 : i32
        %scan3A_970 = arith.addi %scan3A_968, %scan3A_969 : i32
        %scan3A_971 = arith.constant 1 : i32
        %scan3A_972 = scf.for %scan3A_975 = %scan3A_968 to %scan3A_970 step %scan3A_971 iter_args(%scan3A_976 = %scan3A_967) -> (i32)  : i32 {
          %mul3A_977 = arith.constant 16 : i32
          %mul3A_978 = arith.muli %scan3A_975, %mul3A_977 : i32
          %iota3A_979 = tpu.iota {dimensions = array<i32: 0>} : vector<16xi32>
          %mul3A_980 = arith.constant 16 : i32
          %mul3A_981 = arith.muli %scan3A_975, %mul3A_980 : i32
          %add3A_982 = vector.broadcast %mul3A_981 : i32 to vector<16xi32>
          %add3A_983 = arith.addi %iota3A_979, %add3A_982 : vector<16xi32>
          %ge3A_984 = vector.broadcast %min3A_916 : i32 to vector<16xi32>
          %ge3A_985 = arith.cmpi sge, %add3A_983, %ge3A_984 : vector<16xi32>
          %lt3A_986 = vector.broadcast %max3A_919 : i32 to vector<16xi32>
          %lt3A_987 = arith.cmpi slt, %add3A_983, %lt3A_986 : vector<16xi32>
          %and3A_988 = arith.andi %ge3A_985, %lt3A_987 : vector<16xi1>
          %jit3A_989 = arith.constant 0.000000e+00 : f32
          %jit3A_990 = arith.constant 1.000000e+00 : f32
          %broadcast_in_dim3A_991 = vector.broadcast %jit3A_989 : f32 to vector<16xf32>
          %broadcast_in_dim3A_992 = vector.broadcast %jit3A_990 : f32 to vector<16xf32>
          %select_n3A_993 = arith.select %and3A_988, %broadcast_in_dim3A_991, %broadcast_in_dim3A_992 : vector<16xi1>, vector<16xf32>
          %get3A_994 = arith.index_cast %mul3A_978 : i32 to index
          %get3A_995 = tpu.vector_load %arg9[%get3A_994] {strides = array<i32>} : memref<512xf32, #tpu.memory_space<vmem>>, vector<16xf32>,
          %get3A_996 = vector.shape_cast %get3A_995 : vector<16xf32> to vector<16xf32>
          %mul3A_997 = arith.mulf %get3A_996, %select_n3A_993 : vector<16xf32>
          %swap3A_998 = arith.index_cast %mul3A_978 : i32 to index
          %swap3A_999 = tpu.vector_load %arg9[%swap3A_998] {strides = array<i32>} : memref<512xf32, #tpu.memory_space<vmem>>, vector<16xf32>,
          %swap3A_1000 = vector.shape_cast %swap3A_999 : vector<16xf32> to vector<16xf32>
          %swap3A_1001 = vector.shape_cast %mul3A_997 : vector<16xf32> to vector<16xf32>
          tpu.vector_store %arg9[%swap3A_998], %swap3A_1001 {strides = array<i32>} : memref<512xf32, #tpu.memory_space<vmem>>, vector<16xf32>,
          %scan3A_1002 = arith.constant 0 : i32
          scf.yield %scan3A_1002 : i32
        }
        %scan3A_973 = arith.constant 32 : i32
        %run_scoped3A_974 = arith.constant 2 : i32
        "tpu.region"() ({
          %run_scoped3A_975 = tpu.sem_alloc : memref<!tpu.dma_semaphore, #tpu.memory_space<semaphore_mem>>
          %dma_start3A = arith.constant 0 : i32
          %dma_start3A_976 = tpu.memref_slice %arg4[%add3A, %run_scoped3A_974, %add3A_922, %dma_start3A] : memref<16x3x512x512xf32, #tpu.memory_space<hbm>> -> memref<1x1x1x512xf32, #tpu.memory_space<hbm>>
          %dma_start3A_977 = tpu.memref_squeeze %dma_start3A_976 : memref<1x1x1x512xf32, #tpu.memory_space<hbm>> -> memref<512xf32, #tpu.memory_space<hbm>>
          %dma_start3A_978 = arith.constant 0 : i32
          %dma_start3A_979 = tpu.memref_slice %arg4[%add3A, %run_scoped3A_974, %add3A_922, %dma_start3A_978] : memref<16x3x512x512xf32, #tpu.memory_space<hbm>> -> memref<1x1x1x512xf32, #tpu.memory_space<hbm>>
          %dma_start3A_980 = tpu.memref_squeeze %dma_start3A_979 : memref<1x1x1x512xf32, #tpu.memory_space<hbm>> -> memref<512xf32, #tpu.memory_space<hbm>>
          tpu.enqueue_dma source(%arg9 : memref<512xf32, #tpu.memory_space<vmem>>) target(%dma_start3A_980 : memref<512xf32, #tpu.memory_space<hbm>>) target_semaphore(%run_scoped3A_975 : memref<!tpu.dma_semaphore, #tpu.memory_space<semaphore_mem>>)
          %dma_wait3A = arith.constant 0 : i32
          %dma_wait3A_981 = tpu.memref_slice %arg4[%add3A, %run_scoped3A_974, %add3A_922, %dma_wait3A] : memref<16x3x512x512xf32, #tpu.memory_space<hbm>> -> memref<1x1x1x512xf32, #tpu.memory_space<hbm>>
          %dma_wait3A_982 = tpu.memref_squeeze %dma_wait3A_981 : memref<1x1x1x512xf32, #tpu.memory_space<hbm>> -> memref<512xf32, #tpu.memory_space<hbm>>
          %dma_wait3A_983 = arith.constant 0 : i32
          %dma_wait3A_984 = tpu.memref_slice %arg4[%add3A, %run_scoped3A_974, %add3A_922, %dma_wait3A_983] : memref<16x3x512x512xf32, #tpu.memory_space<hbm>> -> memref<1x1x1x512xf32, #tpu.memory_space<hbm>>
          %dma_wait3A_985 = tpu.memref_squeeze %dma_wait3A_984 : memref<1x1x1x512xf32, #tpu.memory_space<hbm>> -> memref<512xf32, #tpu.memory_space<hbm>>
          tpu.wait_dma2 semaphore(%run_scoped3A_975 : memref<!tpu.dma_semaphore, #tpu.memory_space<semaphore_mem>>) src(%arg9 : memref<512xf32, #tpu.memory_space<vmem>>) dst(%dma_wait3A_985 : memref<512xf32, #tpu.memory_space<hbm>>)
          tpu.yield
        }) : () -> ()
      } else {
      }
      %sub3A_927 = arith.constant 2 : i32
      %sub3A_928 = arith.subi %max3A_250, %sub3A_927 : i32
      %add3A_929 = arith.constant 1 : i32
      %add3A_930 = arith.addi %sub3A_928, %add3A_929 : i32
      %ge3A_931 = arith.constant 0 : i32
      %ge3A_932 = arith.cmpi sge, %add3A_930, %ge3A_931 : i32
      %le3A_933 = arith.cmpi sle, %add3A_930, %max3A_250 : i32
      %and3A_934 = arith.andi %ge3A_932, %le3A_933 : i1
      %convert_element_type3A_935 = arith.extui %and3A_934 : i1 to i32
      %cond3A_936 = arith.constant 0 : i32
      %cond3A_937 = arith.cmpi ne, %convert_element_type3A_935, %cond3A_936 : i32
      scf.if %cond3A_937 {
        %run_scoped3A = arith.constant 0 : i32
        "tpu.region"() ({
          %run_scoped3A_975 = tpu.sem_alloc : memref<!tpu.dma_semaphore, #tpu.memory_space<semaphore_mem>>
          %dma_start3A = arith.constant 0 : i32
          %dma_start3A_976 = tpu.memref_slice %arg3[%add3A, %run_scoped3A, %add3A_930, %dma_start3A] : memref<16x3x512x512xf32, #tpu.memory_space<hbm>> -> memref<1x1x1x512xf32, #tpu.memory_space<hbm>>
          %dma_start3A_977 = tpu.memref_squeeze %dma_start3A_976 : memref<1x1x1x512xf32, #tpu.memory_space<hbm>> -> memref<512xf32, #tpu.memory_space<hbm>>
          %dma_start3A_978 = arith.constant 0 : i32
          %dma_start3A_979 = tpu.memref_slice %arg3[%add3A, %run_scoped3A, %add3A_930, %dma_start3A_978] : memref<16x3x512x512xf32, #tpu.memory_space<hbm>> -> memref<1x1x1x512xf32, #tpu.memory_space<hbm>>
          %dma_start3A_980 = tpu.memref_squeeze %dma_start3A_979 : memref<1x1x1x512xf32, #tpu.memory_space<hbm>> -> memref<512xf32, #tpu.memory_space<hbm>>
          tpu.enqueue_dma source(%dma_start3A_980 : memref<512xf32, #tpu.memory_space<hbm>>) target(%arg9 : memref<512xf32, #tpu.memory_space<vmem>>) target_semaphore(%run_scoped3A_975 : memref<!tpu.dma_semaphore, #tpu.memory_space<semaphore_mem>>)
          %dma_wait3A = arith.constant 0 : i32
          %dma_wait3A_981 = tpu.memref_slice %arg3[%add3A, %run_scoped3A, %add3A_930, %dma_wait3A] : memref<16x3x512x512xf32, #tpu.memory_space<hbm>> -> memref<1x1x1x512xf32, #tpu.memory_space<hbm>>
          %dma_wait3A_982 = tpu.memref_squeeze %dma_wait3A_981 : memref<1x1x1x512xf32, #tpu.memory_space<hbm>> -> memref<512xf32, #tpu.memory_space<hbm>>
          %dma_wait3A_983 = arith.constant 0 : i32
          %dma_wait3A_984 = tpu.memref_slice %arg3[%add3A, %run_scoped3A, %add3A_930, %dma_wait3A_983] : memref<16x3x512x512xf32, #tpu.memory_space<hbm>> -> memref<1x1x1x512xf32, #tpu.memory_space<hbm>>
          %dma_wait3A_985 = tpu.memref_squeeze %dma_wait3A_984 : memref<1x1x1x512xf32, #tpu.memory_space<hbm>> -> memref<512xf32, #tpu.memory_space<hbm>>
          tpu.wait_dma2 semaphore(%run_scoped3A_975 : memref<!tpu.dma_semaphore, #tpu.memory_space<semaphore_mem>>) src(%dma_wait3A_985 : memref<512xf32, #tpu.memory_space<hbm>>) dst(%arg9 : memref<512xf32, #tpu.memory_space<vmem>>)
          tpu.yield
        }) : () -> ()
        %scan3A_949 = arith.constant 0 : i32
        %scan3A_950 = arith.constant 0 : i32
        %scan3A_951 = arith.constant 32 : i32
        %scan3A_952 = arith.addi %scan3A_950, %scan3A_951 : i32
        %scan3A_953 = arith.constant 1 : i32
        %scan3A_954 = scf.for %scan3A_975 = %scan3A_950 to %scan3A_952 step %scan3A_953 iter_args(%scan3A_976 = %scan3A_949) -> (i32)  : i32 {
          %mul3A_977 = arith.constant 16 : i32
          %mul3A_978 = arith.muli %scan3A_975, %mul3A_977 : i32
          %iota3A_979 = tpu.iota {dimensions = array<i32: 0>} : vector<16xi32>
          %mul3A_980 = arith.constant 16 : i32
          %mul3A_981 = arith.muli %scan3A_975, %mul3A_980 : i32
          %add3A_982 = vector.broadcast %mul3A_981 : i32 to vector<16xi32>
          %add3A_983 = arith.addi %iota3A_979, %add3A_982 : vector<16xi32>
          %ge3A_984 = vector.broadcast %min3A_916 : i32 to vector<16xi32>
          %ge3A_985 = arith.cmpi sge, %add3A_983, %ge3A_984 : vector<16xi32>
          %lt3A_986 = vector.broadcast %max3A_919 : i32 to vector<16xi32>
          %lt3A_987 = arith.cmpi slt, %add3A_983, %lt3A_986 : vector<16xi32>
          %and3A_988 = arith.andi %ge3A_985, %lt3A_987 : vector<16xi1>
          %jit3A_989 = arith.constant 0.000000e+00 : f32
          %jit3A_990 = arith.constant 1.000000e+00 : f32
          %broadcast_in_dim3A_991 = vector.broadcast %jit3A_989 : f32 to vector<16xf32>
          %broadcast_in_dim3A_992 = vector.broadcast %jit3A_990 : f32 to vector<16xf32>
          %select_n3A_993 = arith.select %and3A_988, %broadcast_in_dim3A_991, %broadcast_in_dim3A_992 : vector<16xi1>, vector<16xf32>
          %get3A_994 = arith.index_cast %mul3A_978 : i32 to index
          %get3A_995 = tpu.vector_load %arg9[%get3A_994] {strides = array<i32>} : memref<512xf32, #tpu.memory_space<vmem>>, vector<16xf32>,
          %get3A_996 = vector.shape_cast %get3A_995 : vector<16xf32> to vector<16xf32>
          %mul3A_997 = arith.mulf %get3A_996, %select_n3A_993 : vector<16xf32>
          %swap3A_998 = arith.index_cast %mul3A_978 : i32 to index
          %swap3A_999 = tpu.vector_load %arg9[%swap3A_998] {strides = array<i32>} : memref<512xf32, #tpu.memory_space<vmem>>, vector<16xf32>,
          %swap3A_1000 = vector.shape_cast %swap3A_999 : vector<16xf32> to vector<16xf32>
          %swap3A_1001 = vector.shape_cast %mul3A_997 : vector<16xf32> to vector<16xf32>
          tpu.vector_store %arg9[%swap3A_998], %swap3A_1001 {strides = array<i32>} : memref<512xf32, #tpu.memory_space<vmem>>, vector<16xf32>,
          %scan3A_1002 = arith.constant 0 : i32
          scf.yield %scan3A_1002 : i32
        }
        %scan3A_955 = arith.constant 32 : i32
        %run_scoped3A_956 = arith.constant 0 : i32
        "tpu.region"() ({
          %run_scoped3A_975 = tpu.sem_alloc : memref<!tpu.dma_semaphore, #tpu.memory_space<semaphore_mem>>
          %dma_start3A = arith.constant 0 : i32
          %dma_start3A_976 = tpu.memref_slice %arg4[%add3A, %run_scoped3A_956, %add3A_930, %dma_start3A] : memref<16x3x512x512xf32, #tpu.memory_space<hbm>> -> memref<1x1x1x512xf32, #tpu.memory_space<hbm>>
          %dma_start3A_977 = tpu.memref_squeeze %dma_start3A_976 : memref<1x1x1x512xf32, #tpu.memory_space<hbm>> -> memref<512xf32, #tpu.memory_space<hbm>>
          %dma_start3A_978 = arith.constant 0 : i32
          %dma_start3A_979 = tpu.memref_slice %arg4[%add3A, %run_scoped3A_956, %add3A_930, %dma_start3A_978] : memref<16x3x512x512xf32, #tpu.memory_space<hbm>> -> memref<1x1x1x512xf32, #tpu.memory_space<hbm>>
          %dma_start3A_980 = tpu.memref_squeeze %dma_start3A_979 : memref<1x1x1x512xf32, #tpu.memory_space<hbm>> -> memref<512xf32, #tpu.memory_space<hbm>>
          tpu.enqueue_dma source(%arg9 : memref<512xf32, #tpu.memory_space<vmem>>) target(%dma_start3A_980 : memref<512xf32, #tpu.memory_space<hbm>>) target_semaphore(%run_scoped3A_975 : memref<!tpu.dma_semaphore, #tpu.memory_space<semaphore_mem>>)
          %dma_wait3A = arith.constant 0 : i32
          %dma_wait3A_981 = tpu.memref_slice %arg4[%add3A, %run_scoped3A_956, %add3A_930, %dma_wait3A] : memref<16x3x512x512xf32, #tpu.memory_space<hbm>> -> memref<1x1x1x512xf32, #tpu.memory_space<hbm>>
          %dma_wait3A_982 = tpu.memref_squeeze %dma_wait3A_981 : memref<1x1x1x512xf32, #tpu.memory_space<hbm>> -> memref<512xf32, #tpu.memory_space<hbm>>
          %dma_wait3A_983 = arith.constant 0 : i32
          %dma_wait3A_984 = tpu.memref_slice %arg4[%add3A, %run_scoped3A_956, %add3A_930, %dma_wait3A_983] : memref<16x3x512x512xf32, #tpu.memory_space<hbm>> -> memref<1x1x1x512xf32, #tpu.memory_space<hbm>>
          %dma_wait3A_985 = tpu.memref_squeeze %dma_wait3A_984 : memref<1x1x1x512xf32, #tpu.memory_space<hbm>> -> memref<512xf32, #tpu.memory_space<hbm>>
          tpu.wait_dma2 semaphore(%run_scoped3A_975 : memref<!tpu.dma_semaphore, #tpu.memory_space<semaphore_mem>>) src(%arg9 : memref<512xf32, #tpu.memory_space<vmem>>) dst(%dma_wait3A_985 : memref<512xf32, #tpu.memory_space<hbm>>)
          tpu.yield
        }) : () -> ()
        %run_scoped3A_957 = arith.constant 1 : i32
        "tpu.region"() ({
          %run_scoped3A_975 = tpu.sem_alloc : memref<!tpu.dma_semaphore, #tpu.memory_space<semaphore_mem>>
          %dma_start3A = arith.constant 0 : i32
          %dma_start3A_976 = tpu.memref_slice %arg3[%add3A, %run_scoped3A_957, %add3A_930, %dma_start3A] : memref<16x3x512x512xf32, #tpu.memory_space<hbm>> -> memref<1x1x1x512xf32, #tpu.memory_space<hbm>>
          %dma_start3A_977 = tpu.memref_squeeze %dma_start3A_976 : memref<1x1x1x512xf32, #tpu.memory_space<hbm>> -> memref<512xf32, #tpu.memory_space<hbm>>
          %dma_start3A_978 = arith.constant 0 : i32
          %dma_start3A_979 = tpu.memref_slice %arg3[%add3A, %run_scoped3A_957, %add3A_930, %dma_start3A_978] : memref<16x3x512x512xf32, #tpu.memory_space<hbm>> -> memref<1x1x1x512xf32, #tpu.memory_space<hbm>>
          %dma_start3A_980 = tpu.memref_squeeze %dma_start3A_979 : memref<1x1x1x512xf32, #tpu.memory_space<hbm>> -> memref<512xf32, #tpu.memory_space<hbm>>
          tpu.enqueue_dma source(%dma_start3A_980 : memref<512xf32, #tpu.memory_space<hbm>>) target(%arg9 : memref<512xf32, #tpu.memory_space<vmem>>) target_semaphore(%run_scoped3A_975 : memref<!tpu.dma_semaphore, #tpu.memory_space<semaphore_mem>>)
          %dma_wait3A = arith.constant 0 : i32
          %dma_wait3A_981 = tpu.memref_slice %arg3[%add3A, %run_scoped3A_957, %add3A_930, %dma_wait3A] : memref<16x3x512x512xf32, #tpu.memory_space<hbm>> -> memref<1x1x1x512xf32, #tpu.memory_space<hbm>>
          %dma_wait3A_982 = tpu.memref_squeeze %dma_wait3A_981 : memref<1x1x1x512xf32, #tpu.memory_space<hbm>> -> memref<512xf32, #tpu.memory_space<hbm>>
          %dma_wait3A_983 = arith.constant 0 : i32
          %dma_wait3A_984 = tpu.memref_slice %arg3[%add3A, %run_scoped3A_957, %add3A_930, %dma_wait3A_983] : memref<16x3x512x512xf32, #tpu.memory_space<hbm>> -> memref<1x1x1x512xf32, #tpu.memory_space<hbm>>
          %dma_wait3A_985 = tpu.memref_squeeze %dma_wait3A_984 : memref<1x1x1x512xf32, #tpu.memory_space<hbm>> -> memref<512xf32, #tpu.memory_space<hbm>>
          tpu.wait_dma2 semaphore(%run_scoped3A_975 : memref<!tpu.dma_semaphore, #tpu.memory_space<semaphore_mem>>) src(%dma_wait3A_985 : memref<512xf32, #tpu.memory_space<hbm>>) dst(%arg9 : memref<512xf32, #tpu.memory_space<vmem>>)
          tpu.yield
        }) : () -> ()
        %scan3A_958 = arith.constant 0 : i32
        %scan3A_959 = arith.constant 0 : i32
        %scan3A_960 = arith.constant 32 : i32
        %scan3A_961 = arith.addi %scan3A_959, %scan3A_960 : i32
        %scan3A_962 = arith.constant 1 : i32
        %scan3A_963 = scf.for %scan3A_975 = %scan3A_959 to %scan3A_961 step %scan3A_962 iter_args(%scan3A_976 = %scan3A_958) -> (i32)  : i32 {
          %mul3A_977 = arith.constant 16 : i32
          %mul3A_978 = arith.muli %scan3A_975, %mul3A_977 : i32
          %iota3A_979 = tpu.iota {dimensions = array<i32: 0>} : vector<16xi32>
          %mul3A_980 = arith.constant 16 : i32
          %mul3A_981 = arith.muli %scan3A_975, %mul3A_980 : i32
          %add3A_982 = vector.broadcast %mul3A_981 : i32 to vector<16xi32>
          %add3A_983 = arith.addi %iota3A_979, %add3A_982 : vector<16xi32>
          %ge3A_984 = vector.broadcast %min3A_916 : i32 to vector<16xi32>
          %ge3A_985 = arith.cmpi sge, %add3A_983, %ge3A_984 : vector<16xi32>
          %lt3A_986 = vector.broadcast %max3A_919 : i32 to vector<16xi32>
          %lt3A_987 = arith.cmpi slt, %add3A_983, %lt3A_986 : vector<16xi32>
          %and3A_988 = arith.andi %ge3A_985, %lt3A_987 : vector<16xi1>
          %jit3A_989 = arith.constant 0.000000e+00 : f32
          %jit3A_990 = arith.constant 1.000000e+00 : f32
          %broadcast_in_dim3A_991 = vector.broadcast %jit3A_989 : f32 to vector<16xf32>
          %broadcast_in_dim3A_992 = vector.broadcast %jit3A_990 : f32 to vector<16xf32>
          %select_n3A_993 = arith.select %and3A_988, %broadcast_in_dim3A_991, %broadcast_in_dim3A_992 : vector<16xi1>, vector<16xf32>
          %get3A_994 = arith.index_cast %mul3A_978 : i32 to index
          %get3A_995 = tpu.vector_load %arg9[%get3A_994] {strides = array<i32>} : memref<512xf32, #tpu.memory_space<vmem>>, vector<16xf32>,
          %get3A_996 = vector.shape_cast %get3A_995 : vector<16xf32> to vector<16xf32>
          %mul3A_997 = arith.mulf %get3A_996, %select_n3A_993 : vector<16xf32>
          %swap3A_998 = arith.index_cast %mul3A_978 : i32 to index
          %swap3A_999 = tpu.vector_load %arg9[%swap3A_998] {strides = array<i32>} : memref<512xf32, #tpu.memory_space<vmem>>, vector<16xf32>,
          %swap3A_1000 = vector.shape_cast %swap3A_999 : vector<16xf32> to vector<16xf32>
          %swap3A_1001 = vector.shape_cast %mul3A_997 : vector<16xf32> to vector<16xf32>
          tpu.vector_store %arg9[%swap3A_998], %swap3A_1001 {strides = array<i32>} : memref<512xf32, #tpu.memory_space<vmem>>, vector<16xf32>,
          %scan3A_1002 = arith.constant 0 : i32
          scf.yield %scan3A_1002 : i32
        }
        %scan3A_964 = arith.constant 32 : i32
        %run_scoped3A_965 = arith.constant 1 : i32
        "tpu.region"() ({
          %run_scoped3A_975 = tpu.sem_alloc : memref<!tpu.dma_semaphore, #tpu.memory_space<semaphore_mem>>
          %dma_start3A = arith.constant 0 : i32
          %dma_start3A_976 = tpu.memref_slice %arg4[%add3A, %run_scoped3A_965, %add3A_930, %dma_start3A] : memref<16x3x512x512xf32, #tpu.memory_space<hbm>> -> memref<1x1x1x512xf32, #tpu.memory_space<hbm>>
          %dma_start3A_977 = tpu.memref_squeeze %dma_start3A_976 : memref<1x1x1x512xf32, #tpu.memory_space<hbm>> -> memref<512xf32, #tpu.memory_space<hbm>>
          %dma_start3A_978 = arith.constant 0 : i32
          %dma_start3A_979 = tpu.memref_slice %arg4[%add3A, %run_scoped3A_965, %add3A_930, %dma_start3A_978] : memref<16x3x512x512xf32, #tpu.memory_space<hbm>> -> memref<1x1x1x512xf32, #tpu.memory_space<hbm>>
          %dma_start3A_980 = tpu.memref_squeeze %dma_start3A_979 : memref<1x1x1x512xf32, #tpu.memory_space<hbm>> -> memref<512xf32, #tpu.memory_space<hbm>>
          tpu.enqueue_dma source(%arg9 : memref<512xf32, #tpu.memory_space<vmem>>) target(%dma_start3A_980 : memref<512xf32, #tpu.memory_space<hbm>>) target_semaphore(%run_scoped3A_975 : memref<!tpu.dma_semaphore, #tpu.memory_space<semaphore_mem>>)
          %dma_wait3A = arith.constant 0 : i32
          %dma_wait3A_981 = tpu.memref_slice %arg4[%add3A, %run_scoped3A_965, %add3A_930, %dma_wait3A] : memref<16x3x512x512xf32, #tpu.memory_space<hbm>> -> memref<1x1x1x512xf32, #tpu.memory_space<hbm>>
          %dma_wait3A_982 = tpu.memref_squeeze %dma_wait3A_981 : memref<1x1x1x512xf32, #tpu.memory_space<hbm>> -> memref<512xf32, #tpu.memory_space<hbm>>
          %dma_wait3A_983 = arith.constant 0 : i32
          %dma_wait3A_984 = tpu.memref_slice %arg4[%add3A, %run_scoped3A_965, %add3A_930, %dma_wait3A_983] : memref<16x3x512x512xf32, #tpu.memory_space<hbm>> -> memref<1x1x1x512xf32, #tpu.memory_space<hbm>>
          %dma_wait3A_985 = tpu.memref_squeeze %dma_wait3A_984 : memref<1x1x1x512xf32, #tpu.memory_space<hbm>> -> memref<512xf32, #tpu.memory_space<hbm>>
          tpu.wait_dma2 semaphore(%run_scoped3A_975 : memref<!tpu.dma_semaphore, #tpu.memory_space<semaphore_mem>>) src(%arg9 : memref<512xf32, #tpu.memory_space<vmem>>) dst(%dma_wait3A_985 : memref<512xf32, #tpu.memory_space<hbm>>)
          tpu.yield
        }) : () -> ()
        %run_scoped3A_966 = arith.constant 2 : i32
        "tpu.region"() ({
          %run_scoped3A_975 = tpu.sem_alloc : memref<!tpu.dma_semaphore, #tpu.memory_space<semaphore_mem>>
          %dma_start3A = arith.constant 0 : i32
          %dma_start3A_976 = tpu.memref_slice %arg3[%add3A, %run_scoped3A_966, %add3A_930, %dma_start3A] : memref<16x3x512x512xf32, #tpu.memory_space<hbm>> -> memref<1x1x1x512xf32, #tpu.memory_space<hbm>>
          %dma_start3A_977 = tpu.memref_squeeze %dma_start3A_976 : memref<1x1x1x512xf32, #tpu.memory_space<hbm>> -> memref<512xf32, #tpu.memory_space<hbm>>
          %dma_start3A_978 = arith.constant 0 : i32
          %dma_start3A_979 = tpu.memref_slice %arg3[%add3A, %run_scoped3A_966, %add3A_930, %dma_start3A_978] : memref<16x3x512x512xf32, #tpu.memory_space<hbm>> -> memref<1x1x1x512xf32, #tpu.memory_space<hbm>>
          %dma_start3A_980 = tpu.memref_squeeze %dma_start3A_979 : memref<1x1x1x512xf32, #tpu.memory_space<hbm>> -> memref<512xf32, #tpu.memory_space<hbm>>
          tpu.enqueue_dma source(%dma_start3A_980 : memref<512xf32, #tpu.memory_space<hbm>>) target(%arg9 : memref<512xf32, #tpu.memory_space<vmem>>) target_semaphore(%run_scoped3A_975 : memref<!tpu.dma_semaphore, #tpu.memory_space<semaphore_mem>>)
          %dma_wait3A = arith.constant 0 : i32
          %dma_wait3A_981 = tpu.memref_slice %arg3[%add3A, %run_scoped3A_966, %add3A_930, %dma_wait3A] : memref<16x3x512x512xf32, #tpu.memory_space<hbm>> -> memref<1x1x1x512xf32, #tpu.memory_space<hbm>>
          %dma_wait3A_982 = tpu.memref_squeeze %dma_wait3A_981 : memref<1x1x1x512xf32, #tpu.memory_space<hbm>> -> memref<512xf32, #tpu.memory_space<hbm>>
          %dma_wait3A_983 = arith.constant 0 : i32
          %dma_wait3A_984 = tpu.memref_slice %arg3[%add3A, %run_scoped3A_966, %add3A_930, %dma_wait3A_983] : memref<16x3x512x512xf32, #tpu.memory_space<hbm>> -> memref<1x1x1x512xf32, #tpu.memory_space<hbm>>
          %dma_wait3A_985 = tpu.memref_squeeze %dma_wait3A_984 : memref<1x1x1x512xf32, #tpu.memory_space<hbm>> -> memref<512xf32, #tpu.memory_space<hbm>>
          tpu.wait_dma2 semaphore(%run_scoped3A_975 : memref<!tpu.dma_semaphore, #tpu.memory_space<semaphore_mem>>) src(%dma_wait3A_985 : memref<512xf32, #tpu.memory_space<hbm>>) dst(%arg9 : memref<512xf32, #tpu.memory_space<vmem>>)
          tpu.yield
        }) : () -> ()
        %scan3A_967 = arith.constant 0 : i32
        %scan3A_968 = arith.constant 0 : i32
        %scan3A_969 = arith.constant 32 : i32
        %scan3A_970 = arith.addi %scan3A_968, %scan3A_969 : i32
        %scan3A_971 = arith.constant 1 : i32
        %scan3A_972 = scf.for %scan3A_975 = %scan3A_968 to %scan3A_970 step %scan3A_971 iter_args(%scan3A_976 = %scan3A_967) -> (i32)  : i32 {
          %mul3A_977 = arith.constant 16 : i32
          %mul3A_978 = arith.muli %scan3A_975, %mul3A_977 : i32
          %iota3A_979 = tpu.iota {dimensions = array<i32: 0>} : vector<16xi32>
          %mul3A_980 = arith.constant 16 : i32
          %mul3A_981 = arith.muli %scan3A_975, %mul3A_980 : i32
          %add3A_982 = vector.broadcast %mul3A_981 : i32 to vector<16xi32>
          %add3A_983 = arith.addi %iota3A_979, %add3A_982 : vector<16xi32>
          %ge3A_984 = vector.broadcast %min3A_916 : i32 to vector<16xi32>
          %ge3A_985 = arith.cmpi sge, %add3A_983, %ge3A_984 : vector<16xi32>
          %lt3A_986 = vector.broadcast %max3A_919 : i32 to vector<16xi32>
          %lt3A_987 = arith.cmpi slt, %add3A_983, %lt3A_986 : vector<16xi32>
          %and3A_988 = arith.andi %ge3A_985, %lt3A_987 : vector<16xi1>
          %jit3A_989 = arith.constant 0.000000e+00 : f32
          %jit3A_990 = arith.constant 1.000000e+00 : f32
          %broadcast_in_dim3A_991 = vector.broadcast %jit3A_989 : f32 to vector<16xf32>
          %broadcast_in_dim3A_992 = vector.broadcast %jit3A_990 : f32 to vector<16xf32>
          %select_n3A_993 = arith.select %and3A_988, %broadcast_in_dim3A_991, %broadcast_in_dim3A_992 : vector<16xi1>, vector<16xf32>
          %get3A_994 = arith.index_cast %mul3A_978 : i32 to index
          %get3A_995 = tpu.vector_load %arg9[%get3A_994] {strides = array<i32>} : memref<512xf32, #tpu.memory_space<vmem>>, vector<16xf32>,
          %get3A_996 = vector.shape_cast %get3A_995 : vector<16xf32> to vector<16xf32>
          %mul3A_997 = arith.mulf %get3A_996, %select_n3A_993 : vector<16xf32>
          %swap3A_998 = arith.index_cast %mul3A_978 : i32 to index
          %swap3A_999 = tpu.vector_load %arg9[%swap3A_998] {strides = array<i32>} : memref<512xf32, #tpu.memory_space<vmem>>, vector<16xf32>,
          %swap3A_1000 = vector.shape_cast %swap3A_999 : vector<16xf32> to vector<16xf32>
          %swap3A_1001 = vector.shape_cast %mul3A_997 : vector<16xf32> to vector<16xf32>
          tpu.vector_store %arg9[%swap3A_998], %swap3A_1001 {strides = array<i32>} : memref<512xf32, #tpu.memory_space<vmem>>, vector<16xf32>,
          %scan3A_1002 = arith.constant 0 : i32
          scf.yield %scan3A_1002 : i32
        }
        %scan3A_973 = arith.constant 32 : i32
        %run_scoped3A_974 = arith.constant 2 : i32
        "tpu.region"() ({
          %run_scoped3A_975 = tpu.sem_alloc : memref<!tpu.dma_semaphore, #tpu.memory_space<semaphore_mem>>
          %dma_start3A = arith.constant 0 : i32
          %dma_start3A_976 = tpu.memref_slice %arg4[%add3A, %run_scoped3A_974, %add3A_930, %dma_start3A] : memref<16x3x512x512xf32, #tpu.memory_space<hbm>> -> memref<1x1x1x512xf32, #tpu.memory_space<hbm>>
          %dma_start3A_977 = tpu.memref_squeeze %dma_start3A_976 : memref<1x1x1x512xf32, #tpu.memory_space<hbm>> -> memref<512xf32, #tpu.memory_space<hbm>>
          %dma_start3A_978 = arith.constant 0 : i32
          %dma_start3A_979 = tpu.memref_slice %arg4[%add3A, %run_scoped3A_974, %add3A_930, %dma_start3A_978] : memref<16x3x512x512xf32, #tpu.memory_space<hbm>> -> memref<1x1x1x512xf32, #tpu.memory_space<hbm>>
          %dma_start3A_980 = tpu.memref_squeeze %dma_start3A_979 : memref<1x1x1x512xf32, #tpu.memory_space<hbm>> -> memref<512xf32, #tpu.memory_space<hbm>>
          tpu.enqueue_dma source(%arg9 : memref<512xf32, #tpu.memory_space<vmem>>) target(%dma_start3A_980 : memref<512xf32, #tpu.memory_space<hbm>>) target_semaphore(%run_scoped3A_975 : memref<!tpu.dma_semaphore, #tpu.memory_space<semaphore_mem>>)
          %dma_wait3A = arith.constant 0 : i32
          %dma_wait3A_981 = tpu.memref_slice %arg4[%add3A, %run_scoped3A_974, %add3A_930, %dma_wait3A] : memref<16x3x512x512xf32, #tpu.memory_space<hbm>> -> memref<1x1x1x512xf32, #tpu.memory_space<hbm>>
          %dma_wait3A_982 = tpu.memref_squeeze %dma_wait3A_981 : memref<1x1x1x512xf32, #tpu.memory_space<hbm>> -> memref<512xf32, #tpu.memory_space<hbm>>
          %dma_wait3A_983 = arith.constant 0 : i32
          %dma_wait3A_984 = tpu.memref_slice %arg4[%add3A, %run_scoped3A_974, %add3A_930, %dma_wait3A_983] : memref<16x3x512x512xf32, #tpu.memory_space<hbm>> -> memref<1x1x1x512xf32, #tpu.memory_space<hbm>>
          %dma_wait3A_985 = tpu.memref_squeeze %dma_wait3A_984 : memref<1x1x1x512xf32, #tpu.memory_space<hbm>> -> memref<512xf32, #tpu.memory_space<hbm>>
          tpu.wait_dma2 semaphore(%run_scoped3A_975 : memref<!tpu.dma_semaphore, #tpu.memory_space<semaphore_mem>>) src(%arg9 : memref<512xf32, #tpu.memory_space<vmem>>) dst(%dma_wait3A_985 : memref<512xf32, #tpu.memory_space<hbm>>)
          tpu.yield
        }) : () -> ()
      } else {
      }
      %sub3A_938 = arith.constant 2 : i32
      %sub3A_939 = arith.subi %max3A_250, %sub3A_938 : i32
      %add3A_940 = arith.constant 2 : i32
      %add3A_941 = arith.addi %sub3A_939, %add3A_940 : i32
      %ge3A_942 = arith.constant 0 : i32
      %ge3A_943 = arith.cmpi sge, %add3A_941, %ge3A_942 : i32
      %le3A_944 = arith.cmpi sle, %add3A_941, %max3A_250 : i32
      %and3A_945 = arith.andi %ge3A_943, %le3A_944 : i1
      %convert_element_type3A_946 = arith.extui %and3A_945 : i1 to i32
      %cond3A_947 = arith.constant 0 : i32
      %cond3A_948 = arith.cmpi ne, %convert_element_type3A_946, %cond3A_947 : i32
      scf.if %cond3A_948 {
        %run_scoped3A = arith.constant 0 : i32
        "tpu.region"() ({
          %run_scoped3A_975 = tpu.sem_alloc : memref<!tpu.dma_semaphore, #tpu.memory_space<semaphore_mem>>
          %dma_start3A = arith.constant 0 : i32
          %dma_start3A_976 = tpu.memref_slice %arg3[%add3A, %run_scoped3A, %add3A_941, %dma_start3A] : memref<16x3x512x512xf32, #tpu.memory_space<hbm>> -> memref<1x1x1x512xf32, #tpu.memory_space<hbm>>
          %dma_start3A_977 = tpu.memref_squeeze %dma_start3A_976 : memref<1x1x1x512xf32, #tpu.memory_space<hbm>> -> memref<512xf32, #tpu.memory_space<hbm>>
          %dma_start3A_978 = arith.constant 0 : i32
          %dma_start3A_979 = tpu.memref_slice %arg3[%add3A, %run_scoped3A, %add3A_941, %dma_start3A_978] : memref<16x3x512x512xf32, #tpu.memory_space<hbm>> -> memref<1x1x1x512xf32, #tpu.memory_space<hbm>>
          %dma_start3A_980 = tpu.memref_squeeze %dma_start3A_979 : memref<1x1x1x512xf32, #tpu.memory_space<hbm>> -> memref<512xf32, #tpu.memory_space<hbm>>
          tpu.enqueue_dma source(%dma_start3A_980 : memref<512xf32, #tpu.memory_space<hbm>>) target(%arg9 : memref<512xf32, #tpu.memory_space<vmem>>) target_semaphore(%run_scoped3A_975 : memref<!tpu.dma_semaphore, #tpu.memory_space<semaphore_mem>>)
          %dma_wait3A = arith.constant 0 : i32
          %dma_wait3A_981 = tpu.memref_slice %arg3[%add3A, %run_scoped3A, %add3A_941, %dma_wait3A] : memref<16x3x512x512xf32, #tpu.memory_space<hbm>> -> memref<1x1x1x512xf32, #tpu.memory_space<hbm>>
          %dma_wait3A_982 = tpu.memref_squeeze %dma_wait3A_981 : memref<1x1x1x512xf32, #tpu.memory_space<hbm>> -> memref<512xf32, #tpu.memory_space<hbm>>
          %dma_wait3A_983 = arith.constant 0 : i32
          %dma_wait3A_984 = tpu.memref_slice %arg3[%add3A, %run_scoped3A, %add3A_941, %dma_wait3A_983] : memref<16x3x512x512xf32, #tpu.memory_space<hbm>> -> memref<1x1x1x512xf32, #tpu.memory_space<hbm>>
          %dma_wait3A_985 = tpu.memref_squeeze %dma_wait3A_984 : memref<1x1x1x512xf32, #tpu.memory_space<hbm>> -> memref<512xf32, #tpu.memory_space<hbm>>
          tpu.wait_dma2 semaphore(%run_scoped3A_975 : memref<!tpu.dma_semaphore, #tpu.memory_space<semaphore_mem>>) src(%dma_wait3A_985 : memref<512xf32, #tpu.memory_space<hbm>>) dst(%arg9 : memref<512xf32, #tpu.memory_space<vmem>>)
          tpu.yield
        }) : () -> ()
        %scan3A_949 = arith.constant 0 : i32
        %scan3A_950 = arith.constant 0 : i32
        %scan3A_951 = arith.constant 32 : i32
        %scan3A_952 = arith.addi %scan3A_950, %scan3A_951 : i32
        %scan3A_953 = arith.constant 1 : i32
        %scan3A_954 = scf.for %scan3A_975 = %scan3A_950 to %scan3A_952 step %scan3A_953 iter_args(%scan3A_976 = %scan3A_949) -> (i32)  : i32 {
          %mul3A_977 = arith.constant 16 : i32
          %mul3A_978 = arith.muli %scan3A_975, %mul3A_977 : i32
          %iota3A_979 = tpu.iota {dimensions = array<i32: 0>} : vector<16xi32>
          %mul3A_980 = arith.constant 16 : i32
          %mul3A_981 = arith.muli %scan3A_975, %mul3A_980 : i32
          %add3A_982 = vector.broadcast %mul3A_981 : i32 to vector<16xi32>
          %add3A_983 = arith.addi %iota3A_979, %add3A_982 : vector<16xi32>
          %ge3A_984 = vector.broadcast %min3A_916 : i32 to vector<16xi32>
          %ge3A_985 = arith.cmpi sge, %add3A_983, %ge3A_984 : vector<16xi32>
          %lt3A_986 = vector.broadcast %max3A_919 : i32 to vector<16xi32>
          %lt3A_987 = arith.cmpi slt, %add3A_983, %lt3A_986 : vector<16xi32>
          %and3A_988 = arith.andi %ge3A_985, %lt3A_987 : vector<16xi1>
          %jit3A_989 = arith.constant 0.000000e+00 : f32
          %jit3A_990 = arith.constant 1.000000e+00 : f32
          %broadcast_in_dim3A_991 = vector.broadcast %jit3A_989 : f32 to vector<16xf32>
          %broadcast_in_dim3A_992 = vector.broadcast %jit3A_990 : f32 to vector<16xf32>
          %select_n3A_993 = arith.select %and3A_988, %broadcast_in_dim3A_991, %broadcast_in_dim3A_992 : vector<16xi1>, vector<16xf32>
          %get3A_994 = arith.index_cast %mul3A_978 : i32 to index
          %get3A_995 = tpu.vector_load %arg9[%get3A_994] {strides = array<i32>} : memref<512xf32, #tpu.memory_space<vmem>>, vector<16xf32>,
          %get3A_996 = vector.shape_cast %get3A_995 : vector<16xf32> to vector<16xf32>
          %mul3A_997 = arith.mulf %get3A_996, %select_n3A_993 : vector<16xf32>
          %swap3A_998 = arith.index_cast %mul3A_978 : i32 to index
          %swap3A_999 = tpu.vector_load %arg9[%swap3A_998] {strides = array<i32>} : memref<512xf32, #tpu.memory_space<vmem>>, vector<16xf32>,
          %swap3A_1000 = vector.shape_cast %swap3A_999 : vector<16xf32> to vector<16xf32>
          %swap3A_1001 = vector.shape_cast %mul3A_997 : vector<16xf32> to vector<16xf32>
          tpu.vector_store %arg9[%swap3A_998], %swap3A_1001 {strides = array<i32>} : memref<512xf32, #tpu.memory_space<vmem>>, vector<16xf32>,
          %scan3A_1002 = arith.constant 0 : i32
          scf.yield %scan3A_1002 : i32
        }
        %scan3A_955 = arith.constant 32 : i32
        %run_scoped3A_956 = arith.constant 0 : i32
        "tpu.region"() ({
          %run_scoped3A_975 = tpu.sem_alloc : memref<!tpu.dma_semaphore, #tpu.memory_space<semaphore_mem>>
          %dma_start3A = arith.constant 0 : i32
          %dma_start3A_976 = tpu.memref_slice %arg4[%add3A, %run_scoped3A_956, %add3A_941, %dma_start3A] : memref<16x3x512x512xf32, #tpu.memory_space<hbm>> -> memref<1x1x1x512xf32, #tpu.memory_space<hbm>>
          %dma_start3A_977 = tpu.memref_squeeze %dma_start3A_976 : memref<1x1x1x512xf32, #tpu.memory_space<hbm>> -> memref<512xf32, #tpu.memory_space<hbm>>
          %dma_start3A_978 = arith.constant 0 : i32
          %dma_start3A_979 = tpu.memref_slice %arg4[%add3A, %run_scoped3A_956, %add3A_941, %dma_start3A_978] : memref<16x3x512x512xf32, #tpu.memory_space<hbm>> -> memref<1x1x1x512xf32, #tpu.memory_space<hbm>>
          %dma_start3A_980 = tpu.memref_squeeze %dma_start3A_979 : memref<1x1x1x512xf32, #tpu.memory_space<hbm>> -> memref<512xf32, #tpu.memory_space<hbm>>
          tpu.enqueue_dma source(%arg9 : memref<512xf32, #tpu.memory_space<vmem>>) target(%dma_start3A_980 : memref<512xf32, #tpu.memory_space<hbm>>) target_semaphore(%run_scoped3A_975 : memref<!tpu.dma_semaphore, #tpu.memory_space<semaphore_mem>>)
          %dma_wait3A = arith.constant 0 : i32
          %dma_wait3A_981 = tpu.memref_slice %arg4[%add3A, %run_scoped3A_956, %add3A_941, %dma_wait3A] : memref<16x3x512x512xf32, #tpu.memory_space<hbm>> -> memref<1x1x1x512xf32, #tpu.memory_space<hbm>>
          %dma_wait3A_982 = tpu.memref_squeeze %dma_wait3A_981 : memref<1x1x1x512xf32, #tpu.memory_space<hbm>> -> memref<512xf32, #tpu.memory_space<hbm>>
          %dma_wait3A_983 = arith.constant 0 : i32
          %dma_wait3A_984 = tpu.memref_slice %arg4[%add3A, %run_scoped3A_956, %add3A_941, %dma_wait3A_983] : memref<16x3x512x512xf32, #tpu.memory_space<hbm>> -> memref<1x1x1x512xf32, #tpu.memory_space<hbm>>
          %dma_wait3A_985 = tpu.memref_squeeze %dma_wait3A_984 : memref<1x1x1x512xf32, #tpu.memory_space<hbm>> -> memref<512xf32, #tpu.memory_space<hbm>>
          tpu.wait_dma2 semaphore(%run_scoped3A_975 : memref<!tpu.dma_semaphore, #tpu.memory_space<semaphore_mem>>) src(%arg9 : memref<512xf32, #tpu.memory_space<vmem>>) dst(%dma_wait3A_985 : memref<512xf32, #tpu.memory_space<hbm>>)
          tpu.yield
        }) : () -> ()
        %run_scoped3A_957 = arith.constant 1 : i32
        "tpu.region"() ({
          %run_scoped3A_975 = tpu.sem_alloc : memref<!tpu.dma_semaphore, #tpu.memory_space<semaphore_mem>>
          %dma_start3A = arith.constant 0 : i32
          %dma_start3A_976 = tpu.memref_slice %arg3[%add3A, %run_scoped3A_957, %add3A_941, %dma_start3A] : memref<16x3x512x512xf32, #tpu.memory_space<hbm>> -> memref<1x1x1x512xf32, #tpu.memory_space<hbm>>
          %dma_start3A_977 = tpu.memref_squeeze %dma_start3A_976 : memref<1x1x1x512xf32, #tpu.memory_space<hbm>> -> memref<512xf32, #tpu.memory_space<hbm>>
          %dma_start3A_978 = arith.constant 0 : i32
          %dma_start3A_979 = tpu.memref_slice %arg3[%add3A, %run_scoped3A_957, %add3A_941, %dma_start3A_978] : memref<16x3x512x512xf32, #tpu.memory_space<hbm>> -> memref<1x1x1x512xf32, #tpu.memory_space<hbm>>
          %dma_start3A_980 = tpu.memref_squeeze %dma_start3A_979 : memref<1x1x1x512xf32, #tpu.memory_space<hbm>> -> memref<512xf32, #tpu.memory_space<hbm>>
          tpu.enqueue_dma source(%dma_start3A_980 : memref<512xf32, #tpu.memory_space<hbm>>) target(%arg9 : memref<512xf32, #tpu.memory_space<vmem>>) target_semaphore(%run_scoped3A_975 : memref<!tpu.dma_semaphore, #tpu.memory_space<semaphore_mem>>)
          %dma_wait3A = arith.constant 0 : i32
          %dma_wait3A_981 = tpu.memref_slice %arg3[%add3A, %run_scoped3A_957, %add3A_941, %dma_wait3A] : memref<16x3x512x512xf32, #tpu.memory_space<hbm>> -> memref<1x1x1x512xf32, #tpu.memory_space<hbm>>
          %dma_wait3A_982 = tpu.memref_squeeze %dma_wait3A_981 : memref<1x1x1x512xf32, #tpu.memory_space<hbm>> -> memref<512xf32, #tpu.memory_space<hbm>>
          %dma_wait3A_983 = arith.constant 0 : i32
          %dma_wait3A_984 = tpu.memref_slice %arg3[%add3A, %run_scoped3A_957, %add3A_941, %dma_wait3A_983] : memref<16x3x512x512xf32, #tpu.memory_space<hbm>> -> memref<1x1x1x512xf32, #tpu.memory_space<hbm>>
          %dma_wait3A_985 = tpu.memref_squeeze %dma_wait3A_984 : memref<1x1x1x512xf32, #tpu.memory_space<hbm>> -> memref<512xf32, #tpu.memory_space<hbm>>
          tpu.wait_dma2 semaphore(%run_scoped3A_975 : memref<!tpu.dma_semaphore, #tpu.memory_space<semaphore_mem>>) src(%dma_wait3A_985 : memref<512xf32, #tpu.memory_space<hbm>>) dst(%arg9 : memref<512xf32, #tpu.memory_space<vmem>>)
          tpu.yield
        }) : () -> ()
        %scan3A_958 = arith.constant 0 : i32
        %scan3A_959 = arith.constant 0 : i32
        %scan3A_960 = arith.constant 32 : i32
        %scan3A_961 = arith.addi %scan3A_959, %scan3A_960 : i32
        %scan3A_962 = arith.constant 1 : i32
        %scan3A_963 = scf.for %scan3A_975 = %scan3A_959 to %scan3A_961 step %scan3A_962 iter_args(%scan3A_976 = %scan3A_958) -> (i32)  : i32 {
          %mul3A_977 = arith.constant 16 : i32
          %mul3A_978 = arith.muli %scan3A_975, %mul3A_977 : i32
          %iota3A_979 = tpu.iota {dimensions = array<i32: 0>} : vector<16xi32>
          %mul3A_980 = arith.constant 16 : i32
          %mul3A_981 = arith.muli %scan3A_975, %mul3A_980 : i32
          %add3A_982 = vector.broadcast %mul3A_981 : i32 to vector<16xi32>
          %add3A_983 = arith.addi %iota3A_979, %add3A_982 : vector<16xi32>
          %ge3A_984 = vector.broadcast %min3A_916 : i32 to vector<16xi32>
          %ge3A_985 = arith.cmpi sge, %add3A_983, %ge3A_984 : vector<16xi32>
          %lt3A_986 = vector.broadcast %max3A_919 : i32 to vector<16xi32>
          %lt3A_987 = arith.cmpi slt, %add3A_983, %lt3A_986 : vector<16xi32>
          %and3A_988 = arith.andi %ge3A_985, %lt3A_987 : vector<16xi1>
          %jit3A_989 = arith.constant 0.000000e+00 : f32
          %jit3A_990 = arith.constant 1.000000e+00 : f32
          %broadcast_in_dim3A_991 = vector.broadcast %jit3A_989 : f32 to vector<16xf32>
          %broadcast_in_dim3A_992 = vector.broadcast %jit3A_990 : f32 to vector<16xf32>
          %select_n3A_993 = arith.select %and3A_988, %broadcast_in_dim3A_991, %broadcast_in_dim3A_992 : vector<16xi1>, vector<16xf32>
          %get3A_994 = arith.index_cast %mul3A_978 : i32 to index
          %get3A_995 = tpu.vector_load %arg9[%get3A_994] {strides = array<i32>} : memref<512xf32, #tpu.memory_space<vmem>>, vector<16xf32>,
          %get3A_996 = vector.shape_cast %get3A_995 : vector<16xf32> to vector<16xf32>
          %mul3A_997 = arith.mulf %get3A_996, %select_n3A_993 : vector<16xf32>
          %swap3A_998 = arith.index_cast %mul3A_978 : i32 to index
          %swap3A_999 = tpu.vector_load %arg9[%swap3A_998] {strides = array<i32>} : memref<512xf32, #tpu.memory_space<vmem>>, vector<16xf32>,
          %swap3A_1000 = vector.shape_cast %swap3A_999 : vector<16xf32> to vector<16xf32>
          %swap3A_1001 = vector.shape_cast %mul3A_997 : vector<16xf32> to vector<16xf32>
          tpu.vector_store %arg9[%swap3A_998], %swap3A_1001 {strides = array<i32>} : memref<512xf32, #tpu.memory_space<vmem>>, vector<16xf32>,
          %scan3A_1002 = arith.constant 0 : i32
          scf.yield %scan3A_1002 : i32
        }
        %scan3A_964 = arith.constant 32 : i32
        %run_scoped3A_965 = arith.constant 1 : i32
        "tpu.region"() ({
          %run_scoped3A_975 = tpu.sem_alloc : memref<!tpu.dma_semaphore, #tpu.memory_space<semaphore_mem>>
          %dma_start3A = arith.constant 0 : i32
          %dma_start3A_976 = tpu.memref_slice %arg4[%add3A, %run_scoped3A_965, %add3A_941, %dma_start3A] : memref<16x3x512x512xf32, #tpu.memory_space<hbm>> -> memref<1x1x1x512xf32, #tpu.memory_space<hbm>>
          %dma_start3A_977 = tpu.memref_squeeze %dma_start3A_976 : memref<1x1x1x512xf32, #tpu.memory_space<hbm>> -> memref<512xf32, #tpu.memory_space<hbm>>
          %dma_start3A_978 = arith.constant 0 : i32
          %dma_start3A_979 = tpu.memref_slice %arg4[%add3A, %run_scoped3A_965, %add3A_941, %dma_start3A_978] : memref<16x3x512x512xf32, #tpu.memory_space<hbm>> -> memref<1x1x1x512xf32, #tpu.memory_space<hbm>>
          %dma_start3A_980 = tpu.memref_squeeze %dma_start3A_979 : memref<1x1x1x512xf32, #tpu.memory_space<hbm>> -> memref<512xf32, #tpu.memory_space<hbm>>
          tpu.enqueue_dma source(%arg9 : memref<512xf32, #tpu.memory_space<vmem>>) target(%dma_start3A_980 : memref<512xf32, #tpu.memory_space<hbm>>) target_semaphore(%run_scoped3A_975 : memref<!tpu.dma_semaphore, #tpu.memory_space<semaphore_mem>>)
          %dma_wait3A = arith.constant 0 : i32
          %dma_wait3A_981 = tpu.memref_slice %arg4[%add3A, %run_scoped3A_965, %add3A_941, %dma_wait3A] : memref<16x3x512x512xf32, #tpu.memory_space<hbm>> -> memref<1x1x1x512xf32, #tpu.memory_space<hbm>>
          %dma_wait3A_982 = tpu.memref_squeeze %dma_wait3A_981 : memref<1x1x1x512xf32, #tpu.memory_space<hbm>> -> memref<512xf32, #tpu.memory_space<hbm>>
          %dma_wait3A_983 = arith.constant 0 : i32
          %dma_wait3A_984 = tpu.memref_slice %arg4[%add3A, %run_scoped3A_965, %add3A_941, %dma_wait3A_983] : memref<16x3x512x512xf32, #tpu.memory_space<hbm>> -> memref<1x1x1x512xf32, #tpu.memory_space<hbm>>
          %dma_wait3A_985 = tpu.memref_squeeze %dma_wait3A_984 : memref<1x1x1x512xf32, #tpu.memory_space<hbm>> -> memref<512xf32, #tpu.memory_space<hbm>>
          tpu.wait_dma2 semaphore(%run_scoped3A_975 : memref<!tpu.dma_semaphore, #tpu.memory_space<semaphore_mem>>) src(%arg9 : memref<512xf32, #tpu.memory_space<vmem>>) dst(%dma_wait3A_985 : memref<512xf32, #tpu.memory_space<hbm>>)
          tpu.yield
        }) : () -> ()
        %run_scoped3A_966 = arith.constant 2 : i32
        "tpu.region"() ({
          %run_scoped3A_975 = tpu.sem_alloc : memref<!tpu.dma_semaphore, #tpu.memory_space<semaphore_mem>>
          %dma_start3A = arith.constant 0 : i32
          %dma_start3A_976 = tpu.memref_slice %arg3[%add3A, %run_scoped3A_966, %add3A_941, %dma_start3A] : memref<16x3x512x512xf32, #tpu.memory_space<hbm>> -> memref<1x1x1x512xf32, #tpu.memory_space<hbm>>
          %dma_start3A_977 = tpu.memref_squeeze %dma_start3A_976 : memref<1x1x1x512xf32, #tpu.memory_space<hbm>> -> memref<512xf32, #tpu.memory_space<hbm>>
          %dma_start3A_978 = arith.constant 0 : i32
          %dma_start3A_979 = tpu.memref_slice %arg3[%add3A, %run_scoped3A_966, %add3A_941, %dma_start3A_978] : memref<16x3x512x512xf32, #tpu.memory_space<hbm>> -> memref<1x1x1x512xf32, #tpu.memory_space<hbm>>
          %dma_start3A_980 = tpu.memref_squeeze %dma_start3A_979 : memref<1x1x1x512xf32, #tpu.memory_space<hbm>> -> memref<512xf32, #tpu.memory_space<hbm>>
          tpu.enqueue_dma source(%dma_start3A_980 : memref<512xf32, #tpu.memory_space<hbm>>) target(%arg9 : memref<512xf32, #tpu.memory_space<vmem>>) target_semaphore(%run_scoped3A_975 : memref<!tpu.dma_semaphore, #tpu.memory_space<semaphore_mem>>)
          %dma_wait3A = arith.constant 0 : i32
          %dma_wait3A_981 = tpu.memref_slice %arg3[%add3A, %run_scoped3A_966, %add3A_941, %dma_wait3A] : memref<16x3x512x512xf32, #tpu.memory_space<hbm>> -> memref<1x1x1x512xf32, #tpu.memory_space<hbm>>
          %dma_wait3A_982 = tpu.memref_squeeze %dma_wait3A_981 : memref<1x1x1x512xf32, #tpu.memory_space<hbm>> -> memref<512xf32, #tpu.memory_space<hbm>>
          %dma_wait3A_983 = arith.constant 0 : i32
          %dma_wait3A_984 = tpu.memref_slice %arg3[%add3A, %run_scoped3A_966, %add3A_941, %dma_wait3A_983] : memref<16x3x512x512xf32, #tpu.memory_space<hbm>> -> memref<1x1x1x512xf32, #tpu.memory_space<hbm>>
          %dma_wait3A_985 = tpu.memref_squeeze %dma_wait3A_984 : memref<1x1x1x512xf32, #tpu.memory_space<hbm>> -> memref<512xf32, #tpu.memory_space<hbm>>
          tpu.wait_dma2 semaphore(%run_scoped3A_975 : memref<!tpu.dma_semaphore, #tpu.memory_space<semaphore_mem>>) src(%dma_wait3A_985 : memref<512xf32, #tpu.memory_space<hbm>>) dst(%arg9 : memref<512xf32, #tpu.memory_space<vmem>>)
          tpu.yield
        }) : () -> ()
        %scan3A_967 = arith.constant 0 : i32
        %scan3A_968 = arith.constant 0 : i32
        %scan3A_969 = arith.constant 32 : i32
        %scan3A_970 = arith.addi %scan3A_968, %scan3A_969 : i32
        %scan3A_971 = arith.constant 1 : i32
        %scan3A_972 = scf.for %scan3A_975 = %scan3A_968 to %scan3A_970 step %scan3A_971 iter_args(%scan3A_976 = %scan3A_967) -> (i32)  : i32 {
          %mul3A_977 = arith.constant 16 : i32
          %mul3A_978 = arith.muli %scan3A_975, %mul3A_977 : i32
          %iota3A_979 = tpu.iota {dimensions = array<i32: 0>} : vector<16xi32>
          %mul3A_980 = arith.constant 16 : i32
          %mul3A_981 = arith.muli %scan3A_975, %mul3A_980 : i32
          %add3A_982 = vector.broadcast %mul3A_981 : i32 to vector<16xi32>
          %add3A_983 = arith.addi %iota3A_979, %add3A_982 : vector<16xi32>
          %ge3A_984 = vector.broadcast %min3A_916 : i32 to vector<16xi32>
          %ge3A_985 = arith.cmpi sge, %add3A_983, %ge3A_984 : vector<16xi32>
          %lt3A_986 = vector.broadcast %max3A_919 : i32 to vector<16xi32>
          %lt3A_987 = arith.cmpi slt, %add3A_983, %lt3A_986 : vector<16xi32>
          %and3A_988 = arith.andi %ge3A_985, %lt3A_987 : vector<16xi1>
          %jit3A_989 = arith.constant 0.000000e+00 : f32
          %jit3A_990 = arith.constant 1.000000e+00 : f32
          %broadcast_in_dim3A_991 = vector.broadcast %jit3A_989 : f32 to vector<16xf32>
          %broadcast_in_dim3A_992 = vector.broadcast %jit3A_990 : f32 to vector<16xf32>
          %select_n3A_993 = arith.select %and3A_988, %broadcast_in_dim3A_991, %broadcast_in_dim3A_992 : vector<16xi1>, vector<16xf32>
          %get3A_994 = arith.index_cast %mul3A_978 : i32 to index
          %get3A_995 = tpu.vector_load %arg9[%get3A_994] {strides = array<i32>} : memref<512xf32, #tpu.memory_space<vmem>>, vector<16xf32>,
          %get3A_996 = vector.shape_cast %get3A_995 : vector<16xf32> to vector<16xf32>
          %mul3A_997 = arith.mulf %get3A_996, %select_n3A_993 : vector<16xf32>
          %swap3A_998 = arith.index_cast %mul3A_978 : i32 to index
          %swap3A_999 = tpu.vector_load %arg9[%swap3A_998] {strides = array<i32>} : memref<512xf32, #tpu.memory_space<vmem>>, vector<16xf32>,
          %swap3A_1000 = vector.shape_cast %swap3A_999 : vector<16xf32> to vector<16xf32>
          %swap3A_1001 = vector.shape_cast %mul3A_997 : vector<16xf32> to vector<16xf32>
          tpu.vector_store %arg9[%swap3A_998], %swap3A_1001 {strides = array<i32>} : memref<512xf32, #tpu.memory_space<vmem>>, vector<16xf32>,
          %scan3A_1002 = arith.constant 0 : i32
          scf.yield %scan3A_1002 : i32
        }
        %scan3A_973 = arith.constant 32 : i32
        %run_scoped3A_974 = arith.constant 2 : i32
        "tpu.region"() ({
          %run_scoped3A_975 = tpu.sem_alloc : memref<!tpu.dma_semaphore, #tpu.memory_space<semaphore_mem>>
          %dma_start3A = arith.constant 0 : i32
          %dma_start3A_976 = tpu.memref_slice %arg4[%add3A, %run_scoped3A_974, %add3A_941, %dma_start3A] : memref<16x3x512x512xf32, #tpu.memory_space<hbm>> -> memref<1x1x1x512xf32, #tpu.memory_space<hbm>>
          %dma_start3A_977 = tpu.memref_squeeze %dma_start3A_976 : memref<1x1x1x512xf32, #tpu.memory_space<hbm>> -> memref<512xf32, #tpu.memory_space<hbm>>
          %dma_start3A_978 = arith.constant 0 : i32
          %dma_start3A_979 = tpu.memref_slice %arg4[%add3A, %run_scoped3A_974, %add3A_941, %dma_start3A_978] : memref<16x3x512x512xf32, #tpu.memory_space<hbm>> -> memref<1x1x1x512xf32, #tpu.memory_space<hbm>>
          %dma_start3A_980 = tpu.memref_squeeze %dma_start3A_979 : memref<1x1x1x512xf32, #tpu.memory_space<hbm>> -> memref<512xf32, #tpu.memory_space<hbm>>
          tpu.enqueue_dma source(%arg9 : memref<512xf32, #tpu.memory_space<vmem>>) target(%dma_start3A_980 : memref<512xf32, #tpu.memory_space<hbm>>) target_semaphore(%run_scoped3A_975 : memref<!tpu.dma_semaphore, #tpu.memory_space<semaphore_mem>>)
          %dma_wait3A = arith.constant 0 : i32
          %dma_wait3A_981 = tpu.memref_slice %arg4[%add3A, %run_scoped3A_974, %add3A_941, %dma_wait3A] : memref<16x3x512x512xf32, #tpu.memory_space<hbm>> -> memref<1x1x1x512xf32, #tpu.memory_space<hbm>>
          %dma_wait3A_982 = tpu.memref_squeeze %dma_wait3A_981 : memref<1x1x1x512xf32, #tpu.memory_space<hbm>> -> memref<512xf32, #tpu.memory_space<hbm>>
          %dma_wait3A_983 = arith.constant 0 : i32
          %dma_wait3A_984 = tpu.memref_slice %arg4[%add3A, %run_scoped3A_974, %add3A_941, %dma_wait3A_983] : memref<16x3x512x512xf32, #tpu.memory_space<hbm>> -> memref<1x1x1x512xf32, #tpu.memory_space<hbm>>
          %dma_wait3A_985 = tpu.memref_squeeze %dma_wait3A_984 : memref<1x1x1x512xf32, #tpu.memory_space<hbm>> -> memref<512xf32, #tpu.memory_space<hbm>>
          tpu.wait_dma2 semaphore(%run_scoped3A_975 : memref<!tpu.dma_semaphore, #tpu.memory_space<semaphore_mem>>) src(%arg9 : memref<512xf32, #tpu.memory_space<vmem>>) dst(%dma_wait3A_985 : memref<512xf32, #tpu.memory_space<hbm>>)
          tpu.yield
        }) : () -> ()
      } else {
      }
    } else {
    }
    return
  }
}

</mosaic_0001>

<sc_bundles>
// kernel: kernel.3.cloned.1.call-start
scs
__scs_entry_jumppad:
0x0: {  	(pc) =	sbr.rel $0x88, $3  }
0x1: {  	(tag) =	ssettag $0x0;
	lr =	simm.s32 $0x1  }
0x2: {  	[smem:$0x3F9F] =	sst lr;
	_ =	strace $0xD0000000  }
0x3: {  	_ = 	snop  }
0x4: {  	_ = 	snop  }
0x5: {  	_ = 	snop  }
0x6: {  	_ = 	snop  }
0x7: {  	_ = 	snop  }
__scs_overlays_trampoline_lowered:
0x8: {  	[smem:$0x3FAE] =	sst s0  }
0x9: {  	[smem:$0x3FAF] =	sst s1  }
0xa: {  	[smem:$0x3FB0] =	sst s2  }
0xb: {  	[smem:$0x3FB1] =	sst s3  }
0xc: {  	[smem:$0x3FB2] =	sst s4  }
0xd: {  	[smem:$0x3FB3] =	sst s5  }
0xe: {  	[smem:$0x3FB4] =	sst s6  }
0xf: {  	[smem:$0x3FB5] =	sst s7  }
0x10: {  	[smem:$0x3FB6] =	sst s8  }
0x11: {  	[smem:$0x3FB7] =	sst s9;
	s0 =	simm.s32 @!p0 $0x0  }
0x12: {  	s1 =	sld [smem:$0x3F9D];
	s0 =	simm.s32 @p0 $0x1  }
0x13: {  	[smem:$0x3FB8] =	sst s0;
	s0 =	simm.s32 @!p1 $0x0  }
0x14: {  	s2 =	sld [smem:$0x3F9C];
	s0 =	simm.s32 @p1 $0x1  }
0x15: {  	[smem:$0x3FB9] =	sst s0;
	s0 =	simm.s32 @!p2 $0x0  }
0x16: {  	s3 =	sld [smem:$0x3FDB];
	s0 =	simm.s32 @p2 $0x1  }
0x17: {  	s4 =	simm.s32 $0x1BF5;
	[smem:$0x3FBB] =	sst s0  }
0x18: {  	s0 =	sld [smem:$0x3F9E];
	_ =	swait.ge [sflag:s4], $0x0  }
0x19: {  	s7 =	sld [smem:$0x3F9F]  }
0x1a: {  	s8 =	sadd.s32 $0xFFFFE003, lr  }
0x1b: {  	s9 =	sadd.s32 $0xFFFFFEF7, lr;
	s5 =	simm.s32 $0xFFFFFFFF;
	p2 =	slt.u32 s8, $0xFFFFF086  }
0x1c: {  	p1 =	slt.u32 s9, $0xF7A;
	s5 =	simm.s32 @!p2 $0x0  }
0x1d: {  	s5 =	simm.s32 @p1 $0x1;
	p0 =	seq.s32 s7, s2  }
0x1e: {  	s7 =	smul.u32 @!p0 $0xF7A, s2;
	p2 =	seq.s32 @!p0 s5, $0x0  }
0x1f: {  	s9 =	smul.u32 $0xF7A, s1;
	s8 =	simm.s32 @!p0 $0x1BF5;
	p2 =	por !p2, p0  }
0x20: {  	[sflag:s8] =	ssyncset.s32 @!p0 $0xFFFFF086;
	s6 =	sadd.s32 @!p0 s3, s7;
	s7 =	simm.s32 @!p0 $0x108  }
0x21: {  	s3 =	sadd.s32 s3, s9;
	s6 =	sadd.s32 @!p0 $0x88, s6;
	s7 =	simm.s32 @p2 $0x1082  }
0x22: {  	[simem:s7], [sflag:s8] =	dma.local @!p0 [hbm:s6], $0xF7A  }
0x23: {  	s9 =	sor.u32 $0xD0000000, s2;
	s6 =	simm.s32 $0x108;
	_ =	swait.ge @!p0 [sflag:s8], $0x0  }
0x24: {  	s3 =	sadd.s32 $0x88, s3;
	s6 =	simm.s32 @!p1 $0x1082;
	[sflag:s4] =	ssyncset.s32 $0xFFFFF086  }
0x25: {  	[simem:s6], [sflag:s4] =	dma.local [hbm:s3], $0xF7A  }
0x26: {  	[smem:$0x3F9F] =	sst s1;
	(tag) =	ssettag s2;
	_ =	strace s9  }
0x27: {  	s1 =	sld [smem:$0x3FAF]  }
0x28: {  	s2 =	sld [smem:$0x3FB0]  }
0x29: {  	s4 =	sld [smem:$0x3FB2]  }
0x2a: {  	p0 =	seq.s32 s5, $0x0;
	s5 =	sld [smem:$0x3FB3]  }
0x2b: {  	s6 =	sld [smem:$0x3FB4]  }
0x2c: {  	s7 =	sld [smem:$0x3FB5]  }
0x2d: {  	s3 =	simm.s32 $0x108;
	s8 =	sld [smem:$0x3FB6]  }
0x2e: {  	s3 =	simm.s32 @!p0 $0x1082;
	s9 =	sld [smem:$0x3FB7]  }
0x2f: {  	lr =	sadd.s32 s0, s3;
	s0 =	sld [smem:$0x3FAE]  }
0x30: {  	s3 =	sld [smem:$0x3FB1]  }
0x31: {  	[smem:$0x3FBA] =	sst s10  }
0x32: {  	s10 =	sld [smem:$0x3FB8];
	_ =	sdelay $0x3  }
0x33: {  	p0 =	seq.s32 s10, $0x1;
	s10 =	sld [smem:$0x3FBA];
	_ =	sdelay $0x3  }
0x34: {  	[smem:$0x3FBA] =	sst s10  }
0x35: {  	s10 =	sld [smem:$0x3FB9];
	_ =	sdelay $0x3  }
0x36: {  	p1 =	seq.s32 s10, $0x1;
	s10 =	sld [smem:$0x3FBA];
	_ =	sdelay $0x3  }
0x37: {  	[smem:$0x3FBA] =	sst s10  }
0x38: {  	s10 =	sld [smem:$0x3FBB]  }
0x39: {  	_ = 	snop;
	(pc) =	sbr.ind lr, $3  }
0x3a: {  	_ = 	snop  }
0x3b: {  	_ = 	snop  }
0x3c: {  	p2 =	seq.s32 s10, $0x1;
	s10 =	sld [smem:$0x3FBA]  }
0x3d: {  	_ =	shalt  }
0x3e: {  	_ =	shalt  }
0x3f: {  	_ =	shalt  }
0x40: {  	_ =	shalt  }
0x41: {  	_ =	shalt  }
0x42: {  	_ =	shalt  }
0x43: {  	_ =	shalt  }
0x44: {  	_ =	shalt  }
0x45: {  	_ =	shalt  }
0x46: {  	_ =	shalt  }
0x47: {  	_ =	shalt  }
0x48: {  	_ =	shalt  }
0x49: {  	_ =	shalt  }
0x4a: {  	_ =	shalt  }
0x4b: {  	_ =	shalt  }
0x4c: {  	_ =	shalt  }
0x4d: {  	_ =	shalt  }
0x4e: {  	_ =	shalt  }
0x4f: {  	_ =	shalt  }
0x50: {  	_ =	shalt  }
0x51: {  	_ =	shalt  }
0x52: {  	_ =	shalt  }
0x53: {  	_ =	shalt  }
0x54: {  	_ =	shalt  }
0x55: {  	_ =	shalt  }
0x56: {  	_ =	shalt  }
0x57: {  	_ =	shalt  }
0x58: {  	_ =	shalt  }
0x59: {  	_ =	shalt  }
0x5a: {  	_ =	shalt  }
0x5b: {  	_ =	shalt  }
0x5c: {  	_ =	shalt  }
0x5d: {  	_ =	shalt  }
0x5e: {  	_ =	shalt  }
0x5f: {  	_ =	shalt  }
0x60: {  	_ =	shalt  }
0x61: {  	_ =	shalt  }
0x62: {  	_ =	shalt  }
0x63: {  	_ =	shalt  }
0x64: {  	_ =	shalt  }
0x65: {  	_ =	shalt  }
0x66: {  	_ =	shalt  }
0x67: {  	_ =	shalt  }
0x68: {  	_ =	shalt  }
0x69: {  	_ =	shalt  }
0x6a: {  	_ =	shalt  }
0x6b: {  	_ =	shalt  }
0x6c: {  	_ =	shalt  }
0x6d: {  	_ =	shalt  }
0x6e: {  	_ =	shalt  }
0x6f: {  	_ =	shalt  }
0x70: {  	_ =	shalt  }
0x71: {  	_ =	shalt  }
0x72: {  	_ =	shalt  }
0x73: {  	_ =	shalt  }
0x74: {  	_ =	shalt  }
0x75: {  	_ =	shalt  }
0x76: {  	_ =	shalt  }
0x77: {  	_ =	shalt  }
0x78: {  	_ =	shalt  }
0x79: {  	_ =	shalt  }
0x7a: {  	_ =	shalt  }
0x7b: {  	_ =	shalt  }
0x7c: {  	_ =	shalt  }
0x7d: {  	_ =	shalt  }
0x7e: {  	_ =	shalt  }
0x7f: {  	_ =	shalt  }
0x80: {  	_ =	shalt  }
0x81: {  	_ =	shalt  }
0x82: {  	_ =	shalt  }
0x83: {  	_ =	shalt  }
0x84: {  	_ =	shalt  }
0x85: {  	_ =	shalt  }
0x86: {  	_ =	shalt  }
0x87: {  	_ =	shalt  }
.Lfunc_end0:
.L_simem_size_0:
called_computation_lowered:
.L_overlay_start_0:
0x88: {  	s2 =	sld [smem:$0x3FD9]  }
0x89: {  	s3 =	sld [smem:$0x3FFE];
	_ =	sdelay $0x1  }
0x8a: {  	s1 =	srdreg.scid  }
0x8b: {  	s0 =	sand.u32 $0x1, s1  }
0x8c: {  	s17 =	sshll.u32 s0, $0xA;
	s2 =	sadd.s32 s3, s2  }
0x8d: {  	s2 =	sadd.s32 s2, s17  }
0x8e: {  	[smem:$0x3FC6] =	sst s2  }
0x8f: {  	_ = 	snop  }
0x90: {  	s2 =	sld [smem:$0x3FC9]  }
0x91: {  	s18 =	sld [smem:$0x3FD0];
	(tm) =	ssettm $0x1  }
0x92: {  	s4 =	sld [smem:$0x3FFB];
	_ =	sdelay $0x3  }
0x93: {  	_ =	strace s4  }
0x94: {  	s4 =	sld [smem:$0x3FFC];
	_ =	sdelay $0x3  }
0x95: {  	_ =	strace s4  }
0x96: {  	s4 =	sld [smem:$0x3FFD];
	_ =	sdelay $0x3  }
0x97: {  	_ =	strace s4  }
0x98: {  	_ =	strace $0x8FFFFFFF  }
0x99: {  	s19 =	sld [smem:$0x3FDB];
	_ =	sdelay $0x1  }
0x9a: {  	s5 =	simm.s32 $_scs_section_size  }
0x9b: {  	s6 =	simm.s32 $_size__tile_overlayer_lowered;
	s7 =	simm.s32 $_tile_overlayer_lowered  }
0x9c: {  	s22 =	simm.s32 $0x1BFF;
	s21 =	sshll.u32 s7, $0x1;
	s4 =	sadd.s32 s5, s19  }
0x9d: {  	s8 =	simm.s32 $0x0;
	s20 =	sshll.u32 s6, $0x1;
	s6 =	sadd.s32 s21, s4  }
0x9e: {  	[timem:s8], [sflag:s22] =	dma.local [hbm:s6], s20  }
0x9f: {  	_ =	swait.ge [sflag:s22], s20  }
0xa0: {  	s5 =	ssub.s32 $0x0, s20;
	[sflag:s22] =	ssyncset.done $0x0  }
0xa1: {  	[sflag:s22] =	ssyncadd.s32 s5;
	_ =	sdelay $0x1  }
0xa2: {  	s23 =	simm.s32 $0x1B8B  }
0xa3: {  	_ =	swait.ge [sflag:s23], $0x1  }
0xa4: {  	[sflag:s23] =	ssyncset.done $0x0  }
0xa5: {  	s25 =	simm.s32 $0x1B8E;
	s24 =	sld [smem:$0x3FFE];
	[sflag:s23] =	ssyncadd.s32 $0xFFFFFFFF  }
0xa6: {  	s26 =	simm.s32 $execute0_lowered;
	[smem:$0x3FD2] =	sst s25  }
0xa7: {  	s6 =	sshll.u32 s26, $0x1;
	_ =	strace $0x80000046;
	[dreg:$0x1] =	wrdreg $0xFFFFFFFF  }
0xa8: {  	s28 =	simm.s32 $_size_execute0_lowered;
	s4 =	sadd.s32 s4, s6;
	[dreg:$0x0] =	wrdreg $0x0  }
0xa9: {  	s6 =	sshll.u32 s28, $0x1;
	[dreg:$0x2] =	wrdreg s4  }
0xaa: {  	[dreg:$0x3] =	wrdreg s6  }
0xab: {  	[dreg:$0x4] =	wrdreg $0xC0  }
0xac: {  	_ =	task [dreg:s8], $0x5FFFF  }
0xad: {  	[dreg:$0x1] =	wrdreg $0xFFFFFFFF  }
0xae: {  	[dreg:$0x0] =	wrdreg $0x60  }
0xaf: {  	[dreg:$0x2] =	wrdreg s24  }
0xb0: {  	[dreg:$0x3] =	wrdreg s2  }
0xb1: {  	[dreg:$0x4] =	wrdreg s18  }
0xb2: {  	[dreg:$0x5] =	wrdreg $0x9  }
0xb3: {  	_ =	task.clear_ibuf [dreg:s8], $0x6FFFF;
	_ =	strace $0x90000046  }
0xb4: {  	s29 =	simm.s32 $0x9;
	_ =	strace $0x80000048  }
0xb5: {  	_ =	swait.ge [sflag:s29], $0x1  }
0xb6: {  	[sflag:s29] =	ssyncadd.s32 $0xFFFFFFFF  }
0xb7: {  	_ =	strace $0x90000048  }
0xb8: {  	_ =	sfence  }
0xb9: {  	s30 =	sld [smem:$0x0];
	_ =	sdelay $0x2  }
0xba: {  	s31 =	sshll.u32 s1, $0xD;
	s1 =	sshrl.u32 s1, $0x2  }
0xbb: {  	s3 =	sand.u32 $0x4000, s31;
	s1 =	sadd.s32 s1, s30  }
0xbc: {  	s0 =	sor.u32 s3, s0;
	s1 =	sshll.u32 s1, $0x11  }
0xbd: {  	s0 =	sor.u32 s1, s0  }
0xbe: {  	s0 =	sadd.s32 $0x8F2B, s0  }
0xbf: {  	[sflag:s0] =	ssyncadd.remote.s32 $0x1  }
0xc0: {  	_ =	sfence.sel $0xFFFF  }
0xc1: {  	[dreg:$0x0] =	wrdreg $0xFFFFFFFF;
	(pc) =	sbr.abs _section_cstart, $3  }
0xc2: {  	[dreg:$0x1] =	wrdreg $0xFFFFFFFF  }
0xc3: {  	_ =	task.clear_ibuf [dreg:s8], $0x2FFFF;
	_ =	strace $0x9FFFFFFF  }
0xc4: {  	(tm) =	ssettm $0x7FFFFFFF  }
0xc5: {  	_ =	shalt  }
tec
execute0_lowered:
.L_overlay_start_1:
0x0: {  	(tag) =	ssettag $0x1  }
0x1: {  	s1 =	stileid.u32  }
0x2: {  	p0 =	sgt.u32 s1, $0x7  }
.Ltmp0:
0x3: {  	s6 =	rddreg [dreg:$0x0];
	(pc) =	sbr.rel @p0 .LBB2_61-.Ltmp0, $4  }
0x4: {  	s2 =	rddreg [dreg:$0x1]  }
0x5: {  	s3 =	rddreg [dreg:$0x2];
	s4 =	simm.s32 $0x0  }
0x6: {  	[smem:$0x7FF] =	sst s4  }
0x7: {  	s0 =	rddreg [dreg:$0x3];
	_ =	strace $0x80000047  }
0x8: {  	s5 =	srdreg.scid  }
0x9: {  	s31 =	sshll.u32 s1, $0x1;
	s6 =	sadd.s32 $0x400, s6;
	s10 =	simm.s32 $0x1  }
0xa: {  	s11 =	simm.s32 $0x80;
	s12 =	simm.s32 $0x2080;
	s7 =	sand.u32 $0x1, s5  }
0xb: {  	s13 =	simm.s32 $0x4080;
	s5 =	sor.u32 s7, s31;
	s8 =	ssub.s32 $0x2, s7  }
0xc: {  	s14 =	simm.s32 $0x400;
	s5 =	smul.u32 $0xC0000, s5;
	s9 =	sshrl.u32 s8, $0x1  }
0xd: {  	v0 =	vimm.s32 $0x0;
	s15 =	simm.s32 $0x6080;
	s16 =	simm.s32 $0x0;
	s9 =	ssub.s32 s8, s9  }
0xe: {  	v1 =	vimm.s32 $0xFFFFFFFF;
	v2 =	vlaneseq.u32;
	v3 =	vimm.f32 $1.000000000e+00;
	s7 =	sadd.s32 $0x40000, s5;
	s8 =	sadd.s32 $0x80000, s5;
	s9 =	smax.u32 s9, $0x1  }
.LBB2_2:
0xf: {  	s17 =	simm.s32 $0x0  }
0x10: {  	[tilespmem:s17], [sflag:$0x1] =	stream.linear.gather [hbm4b:s6+s17], $0x80, $0x38;
	[tilespmem:$0x6500] =	vst v63  }
0x11: {  	_ =	swait.ge [sflag:s10], $0x80  }
0x12: {  	[sflag:s10] =	ssyncset.done $0x0  }
0x13: {  	[sflag:s10] =	ssyncadd.s32 $0xFFFFFF80  }
0x14: {  	[tilespmem:$0x6280] =	vst v0  }
0x15: {  	[tilespmem:$0x6290] =	vst v0  }
0x16: {  	[tilespmem:$0x62A0] =	vst v0  }
0x17: {  	[tilespmem:$0x62B0] =	vst v0  }
0x18: {  	[tilespmem:$0x62C0] =	vst v0  }
0x19: {  	[tilespmem:$0x62D0] =	vst v0  }
0x1a: {  	[tilespmem:$0x62E0] =	vst v0  }
0x1b: {  	[tilespmem:$0x62F0] =	vst v0  }
0x1c: {  	[tilespmem:$0x6300] =	vst v0  }
0x1d: {  	[tilespmem:$0x6310] =	vst v0  }
0x1e: {  	[tilespmem:$0x6320] =	vst v0  }
0x1f: {  	[tilespmem:$0x6330] =	vst v0  }
0x20: {  	[tilespmem:$0x6340] =	vst v0  }
0x21: {  	[tilespmem:$0x6350] =	vst v0  }
0x22: {  	[tilespmem:$0x6360] =	vst v0  }
0x23: {  	[tilespmem:$0x6370] =	vst v0  }
0x24: {  	[tilespmem:$0x6380] =	vst v0  }
0x25: {  	[tilespmem:$0x6390] =	vst v0  }
0x26: {  	[tilespmem:$0x63A0] =	vst v0  }
0x27: {  	[tilespmem:$0x63B0] =	vst v0  }
0x28: {  	[tilespmem:$0x63C0] =	vst v0  }
0x29: {  	[tilespmem:$0x63D0] =	vst v0  }
0x2a: {  	[tilespmem:$0x63E0] =	vst v0  }
0x2b: {  	[tilespmem:$0x63F0] =	vst v0  }
0x2c: {  	[tilespmem:$0x6400] =	vst v0  }
0x2d: {  	[tilespmem:$0x6410] =	vst v0  }
0x2e: {  	[tilespmem:$0x6420] =	vst v0  }
0x2f: {  	[tilespmem:$0x6430] =	vst v0  }
0x30: {  	[tilespmem:$0x6440] =	vst v0  }
0x31: {  	[tilespmem:$0x6450] =	vst v0  }
0x32: {  	[tilespmem:$0x6460] =	vst v0  }
0x33: {  	[tilespmem:$0x6470] =	vst v0  }
0x34: {  	s18 =	simm.s32 $0x0;
	[tilespmem:$0x6480] =	vst v1  }
.LBB2_3:
0x35: {  	s19 =	sshll.u32 s18, $0xD  }
0x36: {  	s19 =	sadd.s32 s5, s19  }
0x37: {  	s19 =	sshrl.u32 s19, $0x3  }
0x38: {  	s20 =	sadd.s32 s2, s19  }
0x39: {  	[tilespmem:s11], [sflag:$0x1] =	stream.linear.gather [hbm4b:s20+s17], $0x2000, $0x38;
	[tilespmem:$0x6500] =	vst v63  }
0x3a: {  	_ =	swait.ge [sflag:s10], $0x2000  }
0x3b: {  	s20 =	sadd.s32 $0x8000, s19;
	[sflag:s10] =	ssyncset.done $0x0  }
0x3c: {  	s21 =	sadd.s32 s2, s20;
	[sflag:s10] =	ssyncadd.s32 $0xFFFFE000  }
0x3d: {  	[tilespmem:s12], [sflag:$0x1] =	stream.linear.gather [hbm4b:s21+s17], $0x2000, $0x38;
	[tilespmem:$0x6500] =	vst v63  }
0x3e: {  	_ =	swait.ge [sflag:s10], $0x2000  }
0x3f: {  	s21 =	sadd.s32 $0x10000, s19;
	[sflag:s10] =	ssyncset.done $0x0  }
0x40: {  	s22 =	sadd.s32 s2, s21;
	[sflag:s10] =	ssyncadd.s32 $0xFFFFE000  }
0x41: {  	[tilespmem:s13], [sflag:$0x1] =	stream.linear.gather [hbm4b:s22+s17], $0x2000, $0x38;
	[tilespmem:$0x6500] =	vst v63  }
0x42: {  	_ =	swait.ge [sflag:s10], $0x2000  }
0x43: {  	s24 =	sand.u32 $0x70, s17;
	s25 =	sand.u32 $0xC00, s17;
	[sflag:s10] =	ssyncset.done $0x0  }
0x44: {  	s24 =	sor.u32 s24, s25;
	[sflag:s10] =	ssyncadd.s32 $0xFFFFE000  }
0x45: {  	v5 =	vld [tilespmem:s24+$0x2080]  }
0x46: {  	v6 =	vld [tilespmem:s24+$0x80];
	_ =	sdelay $0x1  }
0x47: {  	v7 =	vld [tilespmem:s24+$0x4080];
	_ =	sdelay $0x2  }
0x48: {  	v5 =	vmul.f32 $5.870000120e-01, v5;
	v6 =	vmul.f32 $2.989999950e-01, v6  }
0x49: {  	v8 =	vld [tilespmem:$0x0]  }
0x4a: {  	s23 =	simm.s32 $0x6280;
	v7 =	vmul.f32 $1.140000000e-01, v7;
	v5 =	vadd.f32 v5, v6  }
0x4b: {  	v6 =	vld [tilespmem:s23+$0x0]  }
0x4c: {  	v5 =	vadd.f32 v7, v5;
	_ =	sdelay $0x1  }
0x4d: {  	vm0 =	vlt.f32 v5, v8  }
0x4e: {  	v5 =	vsel vm0, $0x1, v0  }
0x4f: {  	vm1 =	vgt.s32 v6, v5  }
0x50: {  	v5 =	vsel vm1, v6, v5  }
0x51: {  	[tilespmem:s23+$0x0] =	vst v5  }
0x52: {  	v5 =	vld [tilespmem:$0x6480];
	_ =	sdelay $0x1  }
0x53: {  	s22 =	sshll.u32 s18, $0x4  }
0x54: {  	v4 =	vmov s22  }
0x55: {  	s31 =	simm.s32 $0x10;
	s26 =	simm.s32 $0x20;
	v6 =	vnsel vm0, $0xFFFFFFFF, v4  }
0x56: {  	s25 =	simm.s32 $0x80;
	s24 =	sand.u32 $0x70, s31;
	s23 =	simm.s32 $0x6290;
	vm0 =	vgt.s32 v5, v6  }
.LBB2_4:
0x57: {  	s30 =	smov.u32 s26  }
0x58: {  	s28 =	sand.u32 $0x70, s26;
	s29 =	sand.u32 $0xC00, s25;
	v5 =	vsel vm0, v5, v6;
	s30 =	sadd.s32 $0x10, s26  }
0x59: {  	p0 =	seq.s32 s26, $0x1F0;
	s26 =	sor.u32 s24, s29;
	s24 =	smov.u32 s28;
	[tilespmem:$0x6480] =	vst v5  }
0x5a: {  	v5 =	vld [tilespmem:s26+$0x2080]  }
0x5b: {  	v6 =	vld [tilespmem:s26+$0x80]  }
0x5c: {  	v7 =	vld [tilespmem:s26+$0x4080];
	_ =	sdelay $0x2  }
0x5d: {  	v5 =	vmul.f32 $5.870000120e-01, v5  }
0x5e: {  	v6 =	vmul.f32 $2.989999950e-01, v6;
	v8 =	vld [tilespmem:$0x0]  }
0x5f: {  	v7 =	vmul.f32 $1.140000000e-01, v7  }
0x60: {  	v5 =	vadd.f32 v5, v6;
	v6 =	vld [tilespmem:s23+$0x0];
	_ =	sdelay $0x1  }
0x61: {  	v5 =	vadd.f32 v7, v5;
	_ =	sdelay $0x1  }
0x62: {  	vm0 =	vlt.f32 v5, v8  }
0x63: {  	v5 =	vsel vm0, $0x1, v0  }
0x64: {  	vm1 =	vgt.s32 v6, v5  }
0x65: {  	v5 =	vsel vm1, v6, v5  }
0x66: {  	[tilespmem:s23+$0x0] =	vst v5  }
0x67: {  	v5 =	vld [tilespmem:$0x6480]  }
.Ltmp1:
0x68: {  	(pc) =	sbr.rel @!p0 .LBB2_4-.Ltmp1, $3  }
0x69: {  	_ = 	snop  }
0x6a: {  	v6 =	vnsel vm0, $0xFFFFFFFF, v4;
	_ =	sdelay $0x1  }
0x6b: {  	s25 =	sadd.s32 $0x80, s25;
	s26 =	smov.u32 s30;
	s23 =	sadd.s32 $0x10, s23;
	vm0 =	vgt.s32 v5, v6  }
0x6c: {  	s25 =	sand.u32 $0xC00, s25;
	v5 =	vsel vm0, v5, v6  }
0x6d: {  	s24 =	sor.u32 s24, s25;
	[tilespmem:$0x6480] =	vst v5  }
0x6e: {  	v5 =	vld [tilespmem:s24+$0x2080]  }
0x6f: {  	v6 =	vld [tilespmem:s24+$0x80];
	_ =	sdelay $0x1  }
0x70: {  	v7 =	vld [tilespmem:s24+$0x4080];
	_ =	sdelay $0x2  }
0x71: {  	v5 =	vmul.f32 $5.870000120e-01, v5;
	v6 =	vmul.f32 $2.989999950e-01, v6  }
0x72: {  	v8 =	vld [tilespmem:$0x0]  }
0x73: {  	v7 =	vmul.f32 $1.140000000e-01, v7;
	v5 =	vadd.f32 v5, v6  }
0x74: {  	v6 =	vld [tilespmem:s23+$0x0]  }
0x75: {  	v5 =	vadd.f32 v7, v5;
	_ =	sdelay $0x1  }
0x76: {  	vm0 =	vlt.f32 v5, v8  }
0x77: {  	v5 =	vsel vm0, $0x1, v0  }
0x78: {  	vm1 =	vgt.s32 v6, v5  }
0x79: {  	v5 =	vsel vm1, v6, v5  }
0x7a: {  	[tilespmem:s23+$0x0] =	vst v5  }
0x7b: {  	v5 =	vld [tilespmem:$0x6480];
	_ =	sdelay $0x3  }
0x7c: {  	v4 =	vnsel vm0, $0xFFFFFFFF, v4  }
0x7d: {  	s28 =	simm.s32 $0x0;
	vm0 =	vgt.s32 v5, v4  }
0x7e: {  	s30 =	sand.u32 $0x70, s28;
	s24 =	sand.u32 $0xC00, s28;
	v4 =	vsel vm0, v5, v4  }
0x7f: {  	s24 =	sor.u32 s24, s30;
	[tilespmem:$0x6480] =	vst v4  }
0x80: {  	v5 =	vld [tilespmem:s24+$0x2100]  }
0x81: {  	v6 =	vld [tilespmem:s24+$0x100];
	_ =	sdelay $0x1  }
0x82: {  	v7 =	vld [tilespmem:s24+$0x4100];
	_ =	sdelay $0x2  }
0x83: {  	v5 =	vmul.f32 $5.870000120e-01, v5;
	v6 =	vmul.f32 $2.989999950e-01, v6  }
0x84: {  	v8 =	vld [tilespmem:$0x0]  }
0x85: {  	s29 =	simm.s32 $0x6280;
	v7 =	vmul.f32 $1.140000000e-01, v7;
	v5 =	vadd.f32 v5, v6  }
0x86: {  	v6 =	vld [tilespmem:s29+$0x0]  }
0x87: {  	v5 =	vadd.f32 v7, v5;
	_ =	sdelay $0x1  }
0x88: {  	vm0 =	vlt.f32 v5, v8  }
0x89: {  	v5 =	vsel vm0, $0x1, v0  }
0x8a: {  	vm1 =	vgt.s32 v6, v5  }
0x8b: {  	v5 =	vsel vm1, v6, v5  }
0x8c: {  	[tilespmem:s29+$0x0] =	vst v5  }
0x8d: {  	v5 =	vld [tilespmem:$0x6480];
	_ =	sdelay $0x1  }
0x8e: {  	s26 =	sor.u32 $0x1, s22  }
0x8f: {  	v4 =	vmov s26  }
0x90: {  	s31 =	simm.s32 $0x10;
	s25 =	simm.s32 $0x80;
	v6 =	vnsel vm0, $0xFFFFFFFF, v4  }
0x91: {  	s23 =	simm.s32 $0x6290;
	s26 =	simm.s32 $0x20;
	s24 =	sand.u32 $0x70, s31;
	vm0 =	vgt.s32 v5, v6  }
.LBB2_6:
0x92: {  	s30 =	smov.u32 s26  }
0x93: {  	s28 =	sand.u32 $0x70, s26;
	s29 =	sand.u32 $0xC00, s25;
	v5 =	vsel vm0, v5, v6;
	s30 =	sadd.s32 $0x10, s26  }
0x94: {  	p0 =	seq.s32 s26, $0x1F0;
	s26 =	sor.u32 s29, s24;
	s24 =	smov.u32 s28;
	[tilespmem:$0x6480] =	vst v5  }
0x95: {  	v5 =	vld [tilespmem:s26+$0x2100]  }
0x96: {  	v6 =	vld [tilespmem:s26+$0x100]  }
0x97: {  	v7 =	vld [tilespmem:s26+$0x4100];
	_ =	sdelay $0x2  }
0x98: {  	v5 =	vmul.f32 $5.870000120e-01, v5  }
0x99: {  	v6 =	vmul.f32 $2.989999950e-01, v6;
	v8 =	vld [tilespmem:$0x0]  }
0x9a: {  	v7 =	vmul.f32 $1.140000000e-01, v7  }
0x9b: {  	v5 =	vadd.f32 v5, v6;
	v6 =	vld [tilespmem:s23+$0x0];
	_ =	sdelay $0x1  }
0x9c: {  	v5 =	vadd.f32 v7, v5;
	_ =	sdelay $0x1  }
0x9d: {  	vm0 =	vlt.f32 v5, v8  }
0x9e: {  	v5 =	vsel vm0, $0x1, v0  }
0x9f: {  	vm1 =	vgt.s32 v6, v5  }
0xa0: {  	v5 =	vsel vm1, v6, v5  }
0xa1: {  	[tilespmem:s23+$0x0] =	vst v5  }
0xa2: {  	v5 =	vld [tilespmem:$0x6480]  }
.Ltmp2:
0xa3: {  	(pc) =	sbr.rel @!p0 .LBB2_6-.Ltmp2, $3  }
0xa4: {  	_ = 	snop  }
0xa5: {  	v6 =	vnsel vm0, $0xFFFFFFFF, v4;
	_ =	sdelay $0x1  }
0xa6: {  	s25 =	sadd.s32 $0x80, s25;
	s26 =	smov.u32 s30;
	s23 =	sadd.s32 $0x10, s23;
	vm0 =	vgt.s32 v5, v6  }
0xa7: {  	s25 =	sand.u32 $0xC00, s25;
	v5 =	vsel vm0, v5, v6  }
0xa8: {  	s24 =	sor.u32 s25, s24;
	[tilespmem:$0x6480] =	vst v5  }
0xa9: {  	v5 =	vld [tilespmem:s24+$0x2100]  }
0xaa: {  	v6 =	vld [tilespmem:s24+$0x100];
	_ =	sdelay $0x1  }
0xab: {  	v7 =	vld [tilespmem:s24+$0x4100];
	_ =	sdelay $0x2  }
0xac: {  	v5 =	vmul.f32 $5.870000120e-01, v5;
	v6 =	vmul.f32 $2.989999950e-01, v6  }
0xad: {  	v8 =	vld [tilespmem:$0x0]  }
0xae: {  	v7 =	vmul.f32 $1.140000000e-01, v7;
	v5 =	vadd.f32 v5, v6  }
0xaf: {  	v6 =	vld [tilespmem:s23+$0x0]  }
0xb0: {  	v5 =	vadd.f32 v7, v5;
	_ =	sdelay $0x1  }
0xb1: {  	vm0 =	vlt.f32 v5, v8  }
0xb2: {  	v5 =	vsel vm0, $0x1, v0  }
0xb3: {  	vm1 =	vgt.s32 v6, v5  }
0xb4: {  	v5 =	vsel vm1, v6, v5  }
0xb5: {  	[tilespmem:s23+$0x0] =	vst v5  }
0xb6: {  	v5 =	vld [tilespmem:$0x6480];
	_ =	sdelay $0x3  }
0xb7: {  	v4 =	vnsel vm0, $0xFFFFFFFF, v4  }
0xb8: {  	s28 =	simm.s32 $0x0;
	vm0 =	vgt.s32 v5, v4  }
0xb9: {  	s30 =	sand.u32 $0x70, s28;
	s24 =	sand.u32 $0xC00, s28;
	v4 =	vsel vm0, v5, v4  }
0xba: {  	s24 =	sor.u32 s24, s30;
	[tilespmem:$0x6480] =	vst v4  }
0xbb: {  	v5 =	vld [tilespmem:s24+$0x2180]  }
0xbc: {  	v6 =	vld [tilespmem:s24+$0x180];
	_ =	sdelay $0x1  }
0xbd: {  	v7 =	vld [tilespmem:s24+$0x4180];
	_ =	sdelay $0x2  }
0xbe: {  	v5 =	vmul.f32 $5.870000120e-01, v5;
	v6 =	vmul.f32 $2.989999950e-01, v6  }
0xbf: {  	v8 =	vld [tilespmem:$0x0]  }
0xc0: {  	s29 =	simm.s32 $0x6280;
	v7 =	vmul.f32 $1.140000000e-01, v7;
	v5 =	vadd.f32 v5, v6  }
0xc1: {  	v6 =	vld [tilespmem:s29+$0x0]  }
0xc2: {  	v5 =	vadd.f32 v7, v5;
	_ =	sdelay $0x1  }
0xc3: {  	vm0 =	vlt.f32 v5, v8  }
0xc4: {  	v5 =	vsel vm0, $0x1, v0  }
0xc5: {  	vm1 =	vgt.s32 v6, v5  }
0xc6: {  	v5 =	vsel vm1, v6, v5  }
0xc7: {  	[tilespmem:s29+$0x0] =	vst v5  }
0xc8: {  	v5 =	vld [tilespmem:$0x6480];
	_ =	sdelay $0x1  }
0xc9: {  	s26 =	sor.u32 $0x2, s22  }
0xca: {  	v4 =	vmov s26  }
0xcb: {  	s31 =	simm.s32 $0x10;
	s25 =	simm.s32 $0x80;
	v6 =	vnsel vm0, $0xFFFFFFFF, v4  }
0xcc: {  	s23 =	simm.s32 $0x6290;
	s26 =	simm.s32 $0x20;
	s24 =	sand.u32 $0x70, s31;
	vm0 =	vgt.s32 v5, v6  }
.LBB2_8:
0xcd: {  	s30 =	smov.u32 s26  }
0xce: {  	s28 =	sand.u32 $0x70, s26;
	s29 =	sand.u32 $0xC00, s25;
	v5 =	vsel vm0, v5, v6;
	s30 =	sadd.s32 $0x10, s26  }
0xcf: {  	p0 =	seq.s32 s26, $0x1F0;
	s26 =	sor.u32 s29, s24;
	s24 =	smov.u32 s28;
	[tilespmem:$0x6480] =	vst v5  }
0xd0: {  	v5 =	vld [tilespmem:s26+$0x2180]  }
0xd1: {  	v6 =	vld [tilespmem:s26+$0x180]  }
0xd2: {  	v7 =	vld [tilespmem:s26+$0x4180];
	_ =	sdelay $0x2  }
0xd3: {  	v5 =	vmul.f32 $5.870000120e-01, v5  }
0xd4: {  	v6 =	vmul.f32 $2.989999950e-01, v6;
	v8 =	vld [tilespmem:$0x0]  }
0xd5: {  	v7 =	vmul.f32 $1.140000000e-01, v7  }
0xd6: {  	v5 =	vadd.f32 v5, v6;
	v6 =	vld [tilespmem:s23+$0x0];
	_ =	sdelay $0x1  }
0xd7: {  	v5 =	vadd.f32 v7, v5;
	_ =	sdelay $0x1  }
0xd8: {  	vm0 =	vlt.f32 v5, v8  }
0xd9: {  	v5 =	vsel vm0, $0x1, v0  }
0xda: {  	vm1 =	vgt.s32 v6, v5  }
0xdb: {  	v5 =	vsel vm1, v6, v5  }
0xdc: {  	[tilespmem:s23+$0x0] =	vst v5  }
0xdd: {  	v5 =	vld [tilespmem:$0x6480]  }
.Ltmp3:
0xde: {  	(pc) =	sbr.rel @!p0 .LBB2_8-.Ltmp3, $3  }
0xdf: {  	_ = 	snop  }
0xe0: {  	v6 =	vnsel vm0, $0xFFFFFFFF, v4;
	_ =	sdelay $0x1  }
0xe1: {  	s25 =	sadd.s32 $0x80, s25;
	s26 =	smov.u32 s30;
	s23 =	sadd.s32 $0x10, s23;
	vm0 =	vgt.s32 v5, v6  }
0xe2: {  	s25 =	sand.u32 $0xC00, s25;
	v5 =	vsel vm0, v5, v6  }
0xe3: {  	s24 =	sor.u32 s25, s24;
	[tilespmem:$0x6480] =	vst v5  }
0xe4: {  	v5 =	vld [tilespmem:s24+$0x2180]  }
0xe5: {  	v6 =	vld [tilespmem:s24+$0x180];
	_ =	sdelay $0x1  }
0xe6: {  	v7 =	vld [tilespmem:s24+$0x4180];
	_ =	sdelay $0x2  }
0xe7: {  	v5 =	vmul.f32 $5.870000120e-01, v5;
	v6 =	vmul.f32 $2.989999950e-01, v6  }
0xe8: {  	v8 =	vld [tilespmem:$0x0]  }
0xe9: {  	v7 =	vmul.f32 $1.140000000e-01, v7;
	v5 =	vadd.f32 v5, v6  }
0xea: {  	v6 =	vld [tilespmem:s23+$0x0]  }
0xeb: {  	v5 =	vadd.f32 v7, v5;
	_ =	sdelay $0x1  }
0xec: {  	vm0 =	vlt.f32 v5, v8  }
0xed: {  	v5 =	vsel vm0, $0x1, v0  }
0xee: {  	vm1 =	vgt.s32 v6, v5  }
0xef: {  	v5 =	vsel vm1, v6, v5  }
0xf0: {  	[tilespmem:s23+$0x0] =	vst v5  }
0xf1: {  	v5 =	vld [tilespmem:$0x6480];
	_ =	sdelay $0x3  }
0xf2: {  	s30 =	simm.s32 $0x0;
	v4 =	vnsel vm0, $0xFFFFFFFF, v4  }
0xf3: {  	s31 =	sand.u32 $0xC00, s30;
	vm0 =	vgt.s32 v5, v4  }
0xf4: {  	s24 =	sor.u32 s31, s30;
	v4 =	vsel vm0, v5, v4  }
0xf5: {  	s24 =	sor.u32 $0x180, s24;
	[tilespmem:$0x6480] =	vst v4  }
0xf6: {  	v5 =	vld [tilespmem:s24+$0x80]  }
0xf7: {  	v6 =	vld [tilespmem:s24+$0x2080];
	_ =	sdelay $0x1  }
0xf8: {  	v7 =	vld [tilespmem:s24+$0x4080];
	_ =	sdelay $0x2  }
0xf9: {  	v5 =	vmul.f32 $2.989999950e-01, v5;
	v6 =	vmul.f32 $5.870000120e-01, v6  }
0xfa: {  	v8 =	vld [tilespmem:$0x0]  }
0xfb: {  	s23 =	simm.s32 $0x6280;
	v7 =	vmul.f32 $1.140000000e-01, v7;
	v5 =	vadd.f32 v6, v5  }
0xfc: {  	v6 =	vld [tilespmem:s23+$0x0]  }
0xfd: {  	v5 =	vadd.f32 v7, v5;
	_ =	sdelay $0x1  }
0xfe: {  	vm0 =	vlt.f32 v5, v8  }
0xff: {  	v5 =	vsel vm0, $0x1, v0  }
0x100: {  	vm1 =	vgt.s32 v6, v5  }
0x101: {  	v5 =	vsel vm1, v6, v5  }
0x102: {  	[tilespmem:s23+$0x0] =	vst v5  }
0x103: {  	v5 =	vld [tilespmem:$0x6480];
	_ =	sdelay $0x1  }
0x104: {  	s29 =	sor.u32 $0x3, s22  }
0x105: {  	v4 =	vmov s29  }
0x106: {  	s24 =	simm.s32 $0x80;
	v6 =	vnsel vm0, $0xFFFFFFFF, v4  }
0x107: {  	s26 =	simm.s32 $0x20;
	s25 =	simm.s32 $0x10;
	s28 =	sand.u32 $0xC00, s24;
	vm0 =	vgt.s32 v5, v6  }
.LBB2_10:
0x108: {  	s28 =	sor.u32 s28, s25  }
0x109: {  	v5 =	vsel vm0, v5, v6;
	s23 =	sadd.s32 $0x10, s23;
	s25 =	smov.u32 s26;
	s29 =	sadd.s32 $0x10, s26  }
0x10a: {  	p0 =	seq.s32 s26, $0x1F0;
	s26 =	sor.u32 $0x180, s28;
	[tilespmem:$0x6480] =	vst v5  }
0x10b: {  	v5 =	vld [tilespmem:s26+$0x80]  }
0x10c: {  	v6 =	vld [tilespmem:s26+$0x2080]  }
0x10d: {  	v7 =	vld [tilespmem:s26+$0x4080];
	_ =	sdelay $0x2  }
0x10e: {  	v5 =	vmul.f32 $2.989999950e-01, v5  }
0x10f: {  	v6 =	vmul.f32 $5.870000120e-01, v6;
	v8 =	vld [tilespmem:$0x0]  }
0x110: {  	v7 =	vmul.f32 $1.140000000e-01, v7  }
0x111: {  	v5 =	vadd.f32 v6, v5;
	v6 =	vld [tilespmem:s23+$0x0];
	_ =	sdelay $0x1  }
0x112: {  	v5 =	vadd.f32 v7, v5;
	_ =	sdelay $0x1  }
0x113: {  	vm0 =	vlt.f32 v5, v8  }
0x114: {  	v5 =	vsel vm0, $0x1, v0  }
0x115: {  	vm1 =	vgt.s32 v6, v5  }
0x116: {  	v5 =	vsel vm1, v6, v5  }
0x117: {  	[tilespmem:s23+$0x0] =	vst v5  }
0x118: {  	v5 =	vld [tilespmem:$0x6480]  }
.Ltmp4:
0x119: {  	(pc) =	sbr.rel @!p0 .LBB2_10-.Ltmp4, $4  }
0x11a: {  	_ = 	snop  }
0x11b: {  	v6 =	vnsel vm0, $0xFFFFFFFF, v4  }
0x11c: {  	s24 =	sadd.s32 $0x80, s24  }
0x11d: {  	s28 =	sand.u32 $0xC00, s24;
	s26 =	smov.u32 s29;
	vm0 =	vgt.s32 v5, v6  }
0x11e: {  	s24 =	sor.u32 s28, s25;
	v5 =	vsel vm0, v5, v6  }
0x11f: {  	s24 =	sor.u32 $0x180, s24;
	[tilespmem:$0x6480] =	vst v5  }
0x120: {  	v5 =	vld [tilespmem:s24+$0x80]  }
0x121: {  	v6 =	vld [tilespmem:s24+$0x2080];
	_ =	sdelay $0x1  }
0x122: {  	v7 =	vld [tilespmem:s24+$0x4080];
	_ =	sdelay $0x2  }
0x123: {  	v5 =	vmul.f32 $2.989999950e-01, v5;
	v6 =	vmul.f32 $5.870000120e-01, v6  }
0x124: {  	v8 =	vld [tilespmem:$0x0]  }
0x125: {  	s23 =	sadd.s32 $0x10, s23;
	v7 =	vmul.f32 $1.140000000e-01, v7;
	v5 =	vadd.f32 v6, v5  }
0x126: {  	v6 =	vld [tilespmem:s23+$0x0]  }
0x127: {  	v5 =	vadd.f32 v7, v5;
	_ =	sdelay $0x1  }
0x128: {  	vm0 =	vlt.f32 v5, v8  }
0x129: {  	v5 =	vsel vm0, $0x1, v0  }
0x12a: {  	vm1 =	vgt.s32 v6, v5  }
0x12b: {  	v5 =	vsel vm1, v6, v5  }
0x12c: {  	[tilespmem:s23+$0x0] =	vst v5  }
0x12d: {  	v5 =	vld [tilespmem:$0x6480];
	_ =	sdelay $0x3  }
0x12e: {  	v4 =	vnsel vm0, $0xFFFFFFFF, v4  }
0x12f: {  	s28 =	simm.s32 $0x0;
	vm0 =	vgt.s32 v5, v4  }
0x130: {  	s30 =	sand.u32 $0x70, s28;
	s24 =	sand.u32 $0xC00, s28;
	v4 =	vsel vm0, v5, v4  }
0x131: {  	s24 =	sor.u32 s24, s30;
	[tilespmem:$0x6480] =	vst v4  }
0x132: {  	v5 =	vld [tilespmem:s24+$0x2280]  }
0x133: {  	v6 =	vld [tilespmem:s24+$0x280];
	_ =	sdelay $0x1  }
0x134: {  	v7 =	vld [tilespmem:s24+$0x4280];
	_ =	sdelay $0x2  }
0x135: {  	v5 =	vmul.f32 $5.870000120e-01, v5;
	v6 =	vmul.f32 $2.989999950e-01, v6  }
0x136: {  	v8 =	vld [tilespmem:$0x0]  }
0x137: {  	s29 =	simm.s32 $0x6280;
	v7 =	vmul.f32 $1.140000000e-01, v7;
	v5 =	vadd.f32 v5, v6  }
0x138: {  	v6 =	vld [tilespmem:s29+$0x0]  }
0x139: {  	v5 =	vadd.f32 v7, v5;
	_ =	sdelay $0x1  }
0x13a: {  	vm0 =	vlt.f32 v5, v8  }
0x13b: {  	v5 =	vsel vm0, $0x1, v0  }
0x13c: {  	vm1 =	vgt.s32 v6, v5  }
0x13d: {  	v5 =	vsel vm1, v6, v5  }
0x13e: {  	[tilespmem:s29+$0x0] =	vst v5  }
0x13f: {  	v5 =	vld [tilespmem:$0x6480];
	_ =	sdelay $0x1  }
0x140: {  	s26 =	sor.u32 $0x4, s22  }
0x141: {  	v4 =	vmov s26  }
0x142: {  	s31 =	simm.s32 $0x10;
	s25 =	simm.s32 $0x80;
	v6 =	vnsel vm0, $0xFFFFFFFF, v4  }
0x143: {  	s23 =	simm.s32 $0x6290;
	s26 =	simm.s32 $0x20;
	s24 =	sand.u32 $0x70, s31;
	vm0 =	vgt.s32 v5, v6  }
.LBB2_12:
0x144: {  	s30 =	smov.u32 s26  }
0x145: {  	s28 =	sand.u32 $0x70, s26;
	s29 =	sand.u32 $0xC00, s25;
	v5 =	vsel vm0, v5, v6;
	s30 =	sadd.s32 $0x10, s26  }
0x146: {  	p0 =	seq.s32 s26, $0x1F0;
	s26 =	sor.u32 s29, s24;
	s24 =	smov.u32 s28;
	[tilespmem:$0x6480] =	vst v5  }
0x147: {  	v5 =	vld [tilespmem:s26+$0x2280]  }
0x148: {  	v6 =	vld [tilespmem:s26+$0x280]  }
0x149: {  	v7 =	vld [tilespmem:s26+$0x4280];
	_ =	sdelay $0x2  }
0x14a: {  	v5 =	vmul.f32 $5.870000120e-01, v5  }
0x14b: {  	v6 =	vmul.f32 $2.989999950e-01, v6;
	v8 =	vld [tilespmem:$0x0]  }
0x14c: {  	v7 =	vmul.f32 $1.140000000e-01, v7  }
0x14d: {  	v5 =	vadd.f32 v5, v6;
	v6 =	vld [tilespmem:s23+$0x0];
	_ =	sdelay $0x1  }
0x14e: {  	v5 =	vadd.f32 v7, v5;
	_ =	sdelay $0x1  }
0x14f: {  	vm0 =	vlt.f32 v5, v8  }
0x150: {  	v5 =	vsel vm0, $0x1, v0  }
0x151: {  	vm1 =	vgt.s32 v6, v5  }
0x152: {  	v5 =	vsel vm1, v6, v5  }
0x153: {  	[tilespmem:s23+$0x0] =	vst v5  }
0x154: {  	v5 =	vld [tilespmem:$0x6480]  }
.Ltmp5:
0x155: {  	(pc) =	sbr.rel @!p0 .LBB2_12-.Ltmp5, $3  }
0x156: {  	_ = 	snop  }
0x157: {  	v6 =	vnsel vm0, $0xFFFFFFFF, v4;
	_ =	sdelay $0x1  }
0x158: {  	s25 =	sadd.s32 $0x80, s25;
	s26 =	smov.u32 s30;
	s23 =	sadd.s32 $0x10, s23;
	vm0 =	vgt.s32 v5, v6  }
0x159: {  	s25 =	sand.u32 $0xC00, s25;
	v5 =	vsel vm0, v5, v6  }
0x15a: {  	s24 =	sor.u32 s25, s24;
	[tilespmem:$0x6480] =	vst v5  }
0x15b: {  	v5 =	vld [tilespmem:s24+$0x2280]  }
0x15c: {  	v6 =	vld [tilespmem:s24+$0x280];
	_ =	sdelay $0x1  }
0x15d: {  	v7 =	vld [tilespmem:s24+$0x4280];
	_ =	sdelay $0x2  }
0x15e: {  	v5 =	vmul.f32 $5.870000120e-01, v5;
	v6 =	vmul.f32 $2.989999950e-01, v6  }
0x15f: {  	v8 =	vld [tilespmem:$0x0]  }
0x160: {  	v7 =	vmul.f32 $1.140000000e-01, v7;
	v5 =	vadd.f32 v5, v6  }
0x161: {  	v6 =	vld [tilespmem:s23+$0x0]  }
0x162: {  	v5 =	vadd.f32 v7, v5;
	_ =	sdelay $0x1  }
0x163: {  	vm0 =	vlt.f32 v5, v8  }
0x164: {  	v5 =	vsel vm0, $0x1, v0  }
0x165: {  	vm1 =	vgt.s32 v6, v5  }
0x166: {  	v5 =	vsel vm1, v6, v5  }
0x167: {  	[tilespmem:s23+$0x0] =	vst v5  }
0x168: {  	v5 =	vld [tilespmem:$0x6480];
	_ =	sdelay $0x3  }
0x169: {  	v4 =	vnsel vm0, $0xFFFFFFFF, v4  }
0x16a: {  	s28 =	simm.s32 $0x0;
	vm0 =	vgt.s32 v5, v4  }
0x16b: {  	s30 =	sand.u32 $0x70, s28;
	s24 =	sand.u32 $0xC00, s28;
	v4 =	vsel vm0, v5, v4  }
0x16c: {  	s24 =	sor.u32 s24, s30;
	[tilespmem:$0x6480] =	vst v4  }
0x16d: {  	v5 =	vld [tilespmem:s24+$0x2300]  }
0x16e: {  	v6 =	vld [tilespmem:s24+$0x300];
	_ =	sdelay $0x1  }
0x16f: {  	v7 =	vld [tilespmem:s24+$0x4300];
	_ =	sdelay $0x2  }
0x170: {  	v5 =	vmul.f32 $5.870000120e-01, v5;
	v6 =	vmul.f32 $2.989999950e-01, v6  }
0x171: {  	v8 =	vld [tilespmem:$0x0]  }
0x172: {  	s29 =	simm.s32 $0x6280;
	v7 =	vmul.f32 $1.140000000e-01, v7;
	v5 =	vadd.f32 v5, v6  }
0x173: {  	v6 =	vld [tilespmem:s29+$0x0]  }
0x174: {  	v5 =	vadd.f32 v7, v5;
	_ =	sdelay $0x1  }
0x175: {  	vm0 =	vlt.f32 v5, v8  }
0x176: {  	v5 =	vsel vm0, $0x1, v0  }
0x177: {  	vm1 =	vgt.s32 v6, v5  }
0x178: {  	v5 =	vsel vm1, v6, v5  }
0x179: {  	[tilespmem:s29+$0x0] =	vst v5  }
0x17a: {  	v5 =	vld [tilespmem:$0x6480];
	_ =	sdelay $0x1  }
0x17b: {  	s26 =	sor.u32 $0x5, s22  }
0x17c: {  	v4 =	vmov s26  }
0x17d: {  	s31 =	simm.s32 $0x10;
	s25 =	simm.s32 $0x80;
	v6 =	vnsel vm0, $0xFFFFFFFF, v4  }
0x17e: {  	s23 =	simm.s32 $0x6290;
	s26 =	simm.s32 $0x20;
	s24 =	sand.u32 $0x70, s31;
	vm0 =	vgt.s32 v5, v6  }
.LBB2_14:
0x17f: {  	s30 =	smov.u32 s26  }
0x180: {  	s28 =	sand.u32 $0x70, s26;
	s29 =	sand.u32 $0xC00, s25;
	v5 =	vsel vm0, v5, v6;
	s30 =	sadd.s32 $0x10, s26  }
0x181: {  	p0 =	seq.s32 s26, $0x1F0;
	s26 =	sor.u32 s29, s24;
	s24 =	smov.u32 s28;
	[tilespmem:$0x6480] =	vst v5  }
0x182: {  	v5 =	vld [tilespmem:s26+$0x2300]  }
0x183: {  	v6 =	vld [tilespmem:s26+$0x300]  }
0x184: {  	v7 =	vld [tilespmem:s26+$0x4300];
	_ =	sdelay $0x2  }
0x185: {  	v5 =	vmul.f32 $5.870000120e-01, v5  }
0x186: {  	v6 =	vmul.f32 $2.989999950e-01, v6;
	v8 =	vld [tilespmem:$0x0]  }
0x187: {  	v7 =	vmul.f32 $1.140000000e-01, v7  }
0x188: {  	v5 =	vadd.f32 v5, v6;
	v6 =	vld [tilespmem:s23+$0x0];
	_ =	sdelay $0x1  }
0x189: {  	v5 =	vadd.f32 v7, v5;
	_ =	sdelay $0x1  }
0x18a: {  	vm0 =	vlt.f32 v5, v8  }
0x18b: {  	v5 =	vsel vm0, $0x1, v0  }
0x18c: {  	vm1 =	vgt.s32 v6, v5  }
0x18d: {  	v5 =	vsel vm1, v6, v5  }
0x18e: {  	[tilespmem:s23+$0x0] =	vst v5  }
0x18f: {  	v5 =	vld [tilespmem:$0x6480]  }
.Ltmp6:
0x190: {  	(pc) =	sbr.rel @!p0 .LBB2_14-.Ltmp6, $3  }
0x191: {  	_ = 	snop  }
0x192: {  	v6 =	vnsel vm0, $0xFFFFFFFF, v4;
	_ =	sdelay $0x1  }
0x193: {  	s25 =	sadd.s32 $0x80, s25;
	s26 =	smov.u32 s30;
	s23 =	sadd.s32 $0x10, s23;
	vm0 =	vgt.s32 v5, v6  }
0x194: {  	s25 =	sand.u32 $0xC00, s25;
	v5 =	vsel vm0, v5, v6  }
0x195: {  	s24 =	sor.u32 s25, s24;
	[tilespmem:$0x6480] =	vst v5  }
0x196: {  	v5 =	vld [tilespmem:s24+$0x2300]  }
0x197: {  	v6 =	vld [tilespmem:s24+$0x300];
	_ =	sdelay $0x1  }
0x198: {  	v7 =	vld [tilespmem:s24+$0x4300];
	_ =	sdelay $0x2  }
0x199: {  	v5 =	vmul.f32 $5.870000120e-01, v5;
	v6 =	vmul.f32 $2.989999950e-01, v6  }
0x19a: {  	v8 =	vld [tilespmem:$0x0]  }
0x19b: {  	v7 =	vmul.f32 $1.140000000e-01, v7;
	v5 =	vadd.f32 v5, v6  }
0x19c: {  	v6 =	vld [tilespmem:s23+$0x0]  }
0x19d: {  	v5 =	vadd.f32 v7, v5;
	_ =	sdelay $0x1  }
0x19e: {  	vm0 =	vlt.f32 v5, v8  }
0x19f: {  	v5 =	vsel vm0, $0x1, v0  }
0x1a0: {  	vm1 =	vgt.s32 v6, v5  }
0x1a1: {  	v5 =	vsel vm1, v6, v5  }
0x1a2: {  	[tilespmem:s23+$0x0] =	vst v5  }
0x1a3: {  	v5 =	vld [tilespmem:$0x6480];
	_ =	sdelay $0x3  }
0x1a4: {  	v4 =	vnsel vm0, $0xFFFFFFFF, v4  }
0x1a5: {  	s28 =	simm.s32 $0x0;
	vm0 =	vgt.s32 v5, v4  }
0x1a6: {  	s30 =	sand.u32 $0x70, s28;
	s24 =	sand.u32 $0xC00, s28;
	v4 =	vsel vm0, v5, v4  }
0x1a7: {  	s24 =	sor.u32 s24, s30;
	[tilespmem:$0x6480] =	vst v4  }
0x1a8: {  	v5 =	vld [tilespmem:s24+$0x2380]  }
0x1a9: {  	v6 =	vld [tilespmem:s24+$0x380];
	_ =	sdelay $0x1  }
0x1aa: {  	v7 =	vld [tilespmem:s24+$0x4380];
	_ =	sdelay $0x2  }
0x1ab: {  	v5 =	vmul.f32 $5.870000120e-01, v5;
	v6 =	vmul.f32 $2.989999950e-01, v6  }
0x1ac: {  	v8 =	vld [tilespmem:$0x0]  }
0x1ad: {  	s29 =	simm.s32 $0x6280;
	v7 =	vmul.f32 $1.140000000e-01, v7;
	v5 =	vadd.f32 v5, v6  }
0x1ae: {  	v6 =	vld [tilespmem:s29+$0x0]  }
0x1af: {  	v5 =	vadd.f32 v7, v5;
	_ =	sdelay $0x1  }
0x1b0: {  	vm0 =	vlt.f32 v5, v8  }
0x1b1: {  	v5 =	vsel vm0, $0x1, v0  }
0x1b2: {  	vm1 =	vgt.s32 v6, v5  }
0x1b3: {  	v5 =	vsel vm1, v6, v5  }
0x1b4: {  	[tilespmem:s29+$0x0] =	vst v5  }
0x1b5: {  	v5 =	vld [tilespmem:$0x6480];
	_ =	sdelay $0x1  }
0x1b6: {  	s26 =	sor.u32 $0x6, s22  }
0x1b7: {  	v4 =	vmov s26  }
0x1b8: {  	s31 =	simm.s32 $0x10;
	s25 =	simm.s32 $0x80;
	v6 =	vnsel vm0, $0xFFFFFFFF, v4  }
0x1b9: {  	s23 =	simm.s32 $0x6290;
	s26 =	simm.s32 $0x20;
	s24 =	sand.u32 $0x70, s31;
	vm0 =	vgt.s32 v5, v6  }
.LBB2_16:
0x1ba: {  	s30 =	smov.u32 s26  }
0x1bb: {  	s28 =	sand.u32 $0x70, s26;
	s29 =	sand.u32 $0xC00, s25;
	v5 =	vsel vm0, v5, v6;
	s30 =	sadd.s32 $0x10, s26  }
0x1bc: {  	p0 =	seq.s32 s26, $0x1F0;
	s26 =	sor.u32 s29, s24;
	s24 =	smov.u32 s28;
	[tilespmem:$0x6480] =	vst v5  }
0x1bd: {  	v5 =	vld [tilespmem:s26+$0x2380]  }
0x1be: {  	v6 =	vld [tilespmem:s26+$0x380]  }
0x1bf: {  	v7 =	vld [tilespmem:s26+$0x4380];
	_ =	sdelay $0x2  }
0x1c0: {  	v5 =	vmul.f32 $5.870000120e-01, v5  }
0x1c1: {  	v6 =	vmul.f32 $2.989999950e-01, v6;
	v8 =	vld [tilespmem:$0x0]  }
0x1c2: {  	v7 =	vmul.f32 $1.140000000e-01, v7  }
0x1c3: {  	v5 =	vadd.f32 v5, v6;
	v6 =	vld [tilespmem:s23+$0x0];
	_ =	sdelay $0x1  }
0x1c4: {  	v5 =	vadd.f32 v7, v5;
	_ =	sdelay $0x1  }
0x1c5: {  	vm0 =	vlt.f32 v5, v8  }
0x1c6: {  	v5 =	vsel vm0, $0x1, v0  }
0x1c7: {  	vm1 =	vgt.s32 v6, v5  }
0x1c8: {  	v5 =	vsel vm1, v6, v5  }
0x1c9: {  	[tilespmem:s23+$0x0] =	vst v5  }
0x1ca: {  	v5 =	vld [tilespmem:$0x6480]  }
.Ltmp7:
0x1cb: {  	(pc) =	sbr.rel @!p0 .LBB2_16-.Ltmp7, $3  }
0x1cc: {  	_ = 	snop  }
0x1cd: {  	v6 =	vnsel vm0, $0xFFFFFFFF, v4;
	_ =	sdelay $0x1  }
0x1ce: {  	s25 =	sadd.s32 $0x80, s25;
	s26 =	smov.u32 s30;
	s23 =	sadd.s32 $0x10, s23;
	vm0 =	vgt.s32 v5, v6  }
0x1cf: {  	s25 =	sand.u32 $0xC00, s25;
	v5 =	vsel vm0, v5, v6  }
0x1d0: {  	s24 =	sor.u32 s25, s24;
	[tilespmem:$0x6480] =	vst v5  }
0x1d1: {  	v5 =	vld [tilespmem:s24+$0x2380]  }
0x1d2: {  	v6 =	vld [tilespmem:s24+$0x380];
	_ =	sdelay $0x1  }
0x1d3: {  	v7 =	vld [tilespmem:s24+$0x4380];
	_ =	sdelay $0x2  }
0x1d4: {  	v5 =	vmul.f32 $5.870000120e-01, v5;
	v6 =	vmul.f32 $2.989999950e-01, v6  }
0x1d5: {  	v8 =	vld [tilespmem:$0x0]  }
0x1d6: {  	v7 =	vmul.f32 $1.140000000e-01, v7;
	v5 =	vadd.f32 v5, v6  }
0x1d7: {  	v6 =	vld [tilespmem:s23+$0x0]  }
0x1d8: {  	v5 =	vadd.f32 v7, v5;
	_ =	sdelay $0x1  }
0x1d9: {  	vm0 =	vlt.f32 v5, v8  }
0x1da: {  	v5 =	vsel vm0, $0x1, v0  }
0x1db: {  	vm1 =	vgt.s32 v6, v5  }
0x1dc: {  	v5 =	vsel vm1, v6, v5  }
0x1dd: {  	[tilespmem:s23+$0x0] =	vst v5  }
0x1de: {  	v5 =	vld [tilespmem:$0x6480];
	_ =	sdelay $0x3  }
0x1df: {  	v4 =	vnsel vm0, $0xFFFFFFFF, v4  }
0x1e0: {  	s31 =	simm.s32 $0x0;
	vm0 =	vgt.s32 v5, v4  }
0x1e1: {  	s24 =	sor.u32 s31, s31;
	v4 =	vsel vm0, v5, v4  }
0x1e2: {  	s24 =	sor.u32 $0x380, s24;
	[tilespmem:$0x6480] =	vst v4  }
0x1e3: {  	v5 =	vld [tilespmem:s24+$0x80]  }
0x1e4: {  	v6 =	vld [tilespmem:s24+$0x2080];
	_ =	sdelay $0x1  }
0x1e5: {  	v7 =	vld [tilespmem:s24+$0x4080];
	_ =	sdelay $0x2  }
0x1e6: {  	v5 =	vmul.f32 $2.989999950e-01, v5;
	v6 =	vmul.f32 $5.870000120e-01, v6  }
0x1e7: {  	v8 =	vld [tilespmem:$0x0]  }
0x1e8: {  	s23 =	simm.s32 $0x6280;
	v7 =	vmul.f32 $1.140000000e-01, v7;
	v5 =	vadd.f32 v6, v5  }
0x1e9: {  	v6 =	vld [tilespmem:s23+$0x0]  }
0x1ea: {  	v5 =	vadd.f32 v7, v5;
	_ =	sdelay $0x1  }
0x1eb: {  	vm0 =	vlt.f32 v5, v8  }
0x1ec: {  	v5 =	vsel vm0, $0x1, v0  }
0x1ed: {  	vm1 =	vgt.s32 v6, v5  }
0x1ee: {  	v5 =	vsel vm1, v6, v5  }
0x1ef: {  	[tilespmem:s23+$0x0] =	vst v5  }
0x1f0: {  	v5 =	vld [tilespmem:$0x6480];
	_ =	sdelay $0x1  }
0x1f1: {  	s30 =	sor.u32 $0x7, s22  }
0x1f2: {  	v4 =	vmov s30  }
0x1f3: {  	v6 =	vnsel vm0, $0xFFFFFFFF, v4  }
0x1f4: {  	s26 =	simm.s32 $0x20;
	s25 =	simm.s32 $0x80;
	s24 =	simm.s32 $0x10;
	vm0 =	vgt.s32 v5, v6  }
.LBB2_18:
0x1f5: {  	s28 =	sor.u32 s25, s24  }
0x1f6: {  	v5 =	vsel vm0, v5, v6;
	s23 =	sadd.s32 $0x10, s23;
	s24 =	smov.u32 s26;
	s29 =	sadd.s32 $0x10, s26  }
0x1f7: {  	p0 =	seq.s32 s26, $0x1F0;
	s26 =	sor.u32 $0x380, s28;
	[tilespmem:$0x6480] =	vst v5  }
0x1f8: {  	v5 =	vld [tilespmem:s26+$0x80]  }
0x1f9: {  	v6 =	vld [tilespmem:s26+$0x2080]  }
0x1fa: {  	v7 =	vld [tilespmem:s26+$0x4080];
	_ =	sdelay $0x2  }
0x1fb: {  	v5 =	vmul.f32 $2.989999950e-01, v5  }
0x1fc: {  	v6 =	vmul.f32 $5.870000120e-01, v6;
	v8 =	vld [tilespmem:$0x0]  }
0x1fd: {  	v7 =	vmul.f32 $1.140000000e-01, v7  }
0x1fe: {  	v5 =	vadd.f32 v6, v5;
	v6 =	vld [tilespmem:s23+$0x0];
	_ =	sdelay $0x1  }
0x1ff: {  	v5 =	vadd.f32 v7, v5;
	_ =	sdelay $0x1  }
0x200: {  	vm0 =	vlt.f32 v5, v8  }
0x201: {  	v5 =	vsel vm0, $0x1, v0  }
0x202: {  	vm1 =	vgt.s32 v6, v5  }
0x203: {  	v5 =	vsel vm1, v6, v5  }
0x204: {  	[tilespmem:s23+$0x0] =	vst v5  }
0x205: {  	v5 =	vld [tilespmem:$0x6480]  }
.Ltmp8:
0x206: {  	(pc) =	sbr.rel @!p0 .LBB2_18-.Ltmp8, $3  }
0x207: {  	_ = 	snop  }
0x208: {  	v6 =	vnsel vm0, $0xFFFFFFFF, v4;
	_ =	sdelay $0x1  }
0x209: {  	s25 =	sadd.s32 $0x80, s25;
	s26 =	smov.u32 s29;
	vm0 =	vgt.s32 v5, v6  }
0x20a: {  	s24 =	sor.u32 s25, s24;
	v5 =	vsel vm0, v5, v6  }
0x20b: {  	s24 =	sor.u32 $0x380, s24;
	[tilespmem:$0x6480] =	vst v5  }
0x20c: {  	v5 =	vld [tilespmem:s24+$0x80]  }
0x20d: {  	v6 =	vld [tilespmem:s24+$0x2080];
	_ =	sdelay $0x1  }
0x20e: {  	v7 =	vld [tilespmem:s24+$0x4080];
	_ =	sdelay $0x2  }
0x20f: {  	v5 =	vmul.f32 $2.989999950e-01, v5;
	v6 =	vmul.f32 $5.870000120e-01, v6  }
0x210: {  	v8 =	vld [tilespmem:$0x0]  }
0x211: {  	s23 =	sadd.s32 $0x10, s23;
	v7 =	vmul.f32 $1.140000000e-01, v7;
	v5 =	vadd.f32 v6, v5  }
0x212: {  	v6 =	vld [tilespmem:s23+$0x0]  }
0x213: {  	v5 =	vadd.f32 v7, v5;
	_ =	sdelay $0x1  }
0x214: {  	vm0 =	vlt.f32 v5, v8  }
0x215: {  	v5 =	vsel vm0, $0x1, v0  }
0x216: {  	vm1 =	vgt.s32 v6, v5  }
0x217: {  	v5 =	vsel vm1, v6, v5  }
0x218: {  	[tilespmem:s23+$0x0] =	vst v5  }
0x219: {  	v5 =	vld [tilespmem:$0x6480];
	_ =	sdelay $0x3  }
0x21a: {  	v4 =	vnsel vm0, $0xFFFFFFFF, v4  }
0x21b: {  	s28 =	simm.s32 $0x0;
	vm0 =	vgt.s32 v5, v4  }
0x21c: {  	s30 =	sand.u32 $0x70, s28;
	s24 =	sand.u32 $0xC00, s28;
	v4 =	vsel vm0, v5, v4  }
0x21d: {  	s24 =	sor.u32 s24, s30;
	[tilespmem:$0x6480] =	vst v4  }
0x21e: {  	v5 =	vld [tilespmem:s24+$0x3080]  }
0x21f: {  	v6 =	vld [tilespmem:s24+$0x1080];
	_ =	sdelay $0x1  }
0x220: {  	v7 =	vld [tilespmem:s24+$0x5080];
	_ =	sdelay $0x2  }
0x221: {  	v5 =	vmul.f32 $5.870000120e-01, v5;
	v6 =	vmul.f32 $2.989999950e-01, v6  }
0x222: {  	v8 =	vld [tilespmem:$0x0]  }
0x223: {  	s29 =	simm.s32 $0x6280;
	v7 =	vmul.f32 $1.140000000e-01, v7;
	v5 =	vadd.f32 v5, v6  }
0x224: {  	v6 =	vld [tilespmem:s29+$0x0]  }
0x225: {  	v5 =	vadd.f32 v7, v5;
	_ =	sdelay $0x1  }
0x226: {  	vm0 =	vlt.f32 v5, v8  }
0x227: {  	v5 =	vsel vm0, $0x1, v0  }
0x228: {  	vm1 =	vgt.s32 v6, v5  }
0x229: {  	v5 =	vsel vm1, v6, v5  }
0x22a: {  	[tilespmem:s29+$0x0] =	vst v5  }
0x22b: {  	v5 =	vld [tilespmem:$0x6480];
	_ =	sdelay $0x1  }
0x22c: {  	s26 =	sor.u32 $0x8, s22  }
0x22d: {  	v4 =	vmov s26  }
0x22e: {  	s31 =	simm.s32 $0x10;
	s25 =	simm.s32 $0x80;
	v6 =	vnsel vm0, $0xFFFFFFFF, v4  }
0x22f: {  	s23 =	simm.s32 $0x6290;
	s26 =	simm.s32 $0x20;
	s24 =	sand.u32 $0x70, s31;
	vm0 =	vgt.s32 v5, v6  }
.LBB2_20:
0x230: {  	s30 =	smov.u32 s26  }
0x231: {  	s28 =	sand.u32 $0x70, s26;
	s29 =	sand.u32 $0xC00, s25;
	v5 =	vsel vm0, v5, v6;
	s30 =	sadd.s32 $0x10, s26  }
0x232: {  	p0 =	seq.s32 s26, $0x1F0;
	s26 =	sor.u32 s29, s24;
	s24 =	smov.u32 s28;
	[tilespmem:$0x6480] =	vst v5  }
0x233: {  	v5 =	vld [tilespmem:s26+$0x3080]  }
0x234: {  	v6 =	vld [tilespmem:s26+$0x1080]  }
0x235: {  	v7 =	vld [tilespmem:s26+$0x5080];
	_ =	sdelay $0x2  }
0x236: {  	v5 =	vmul.f32 $5.870000120e-01, v5  }
0x237: {  	v6 =	vmul.f32 $2.989999950e-01, v6;
	v8 =	vld [tilespmem:$0x0]  }
0x238: {  	v7 =	vmul.f32 $1.140000000e-01, v7  }
0x239: {  	v5 =	vadd.f32 v5, v6;
	v6 =	vld [tilespmem:s23+$0x0];
	_ =	sdelay $0x1  }
0x23a: {  	v5 =	vadd.f32 v7, v5;
	_ =	sdelay $0x1  }
0x23b: {  	vm0 =	vlt.f32 v5, v8  }
0x23c: {  	v5 =	vsel vm0, $0x1, v0  }
0x23d: {  	vm1 =	vgt.s32 v6, v5  }
0x23e: {  	v5 =	vsel vm1, v6, v5  }
0x23f: {  	[tilespmem:s23+$0x0] =	vst v5  }
0x240: {  	v5 =	vld [tilespmem:$0x6480]  }
.Ltmp9:
0x241: {  	(pc) =	sbr.rel @!p0 .LBB2_20-.Ltmp9, $3  }
0x242: {  	_ = 	snop  }
0x243: {  	v6 =	vnsel vm0, $0xFFFFFFFF, v4;
	_ =	sdelay $0x1  }
0x244: {  	s25 =	sadd.s32 $0x80, s25;
	s26 =	smov.u32 s30;
	s23 =	sadd.s32 $0x10, s23;
	vm0 =	vgt.s32 v5, v6  }
0x245: {  	s25 =	sand.u32 $0xC00, s25;
	v5 =	vsel vm0, v5, v6  }
0x246: {  	s24 =	sor.u32 s25, s24;
	[tilespmem:$0x6480] =	vst v5  }
0x247: {  	v5 =	vld [tilespmem:s24+$0x3080]  }
0x248: {  	v6 =	vld [tilespmem:s24+$0x1080];
	_ =	sdelay $0x1  }
0x249: {  	v7 =	vld [tilespmem:s24+$0x5080];
	_ =	sdelay $0x2  }
0x24a: {  	v5 =	vmul.f32 $5.870000120e-01, v5;
	v6 =	vmul.f32 $2.989999950e-01, v6  }
0x24b: {  	v8 =	vld [tilespmem:$0x0]  }
0x24c: {  	v7 =	vmul.f32 $1.140000000e-01, v7;
	v5 =	vadd.f32 v5, v6  }
0x24d: {  	v6 =	vld [tilespmem:s23+$0x0]  }
0x24e: {  	v5 =	vadd.f32 v7, v5;
	_ =	sdelay $0x1  }
0x24f: {  	vm0 =	vlt.f32 v5, v8  }
0x250: {  	v5 =	vsel vm0, $0x1, v0  }
0x251: {  	vm1 =	vgt.s32 v6, v5  }
0x252: {  	v5 =	vsel vm1, v6, v5  }
0x253: {  	[tilespmem:s23+$0x0] =	vst v5  }
0x254: {  	v5 =	vld [tilespmem:$0x6480];
	_ =	sdelay $0x3  }
0x255: {  	v4 =	vnsel vm0, $0xFFFFFFFF, v4  }
0x256: {  	s28 =	simm.s32 $0x0;
	vm0 =	vgt.s32 v5, v4  }
0x257: {  	s30 =	sand.u32 $0x70, s28;
	s24 =	sand.u32 $0xC00, s28;
	v4 =	vsel vm0, v5, v4  }
0x258: {  	s24 =	sor.u32 s24, s30;
	[tilespmem:$0x6480] =	vst v4  }
0x259: {  	v5 =	vld [tilespmem:s24+$0x3100]  }
0x25a: {  	v6 =	vld [tilespmem:s24+$0x1100];
	_ =	sdelay $0x1  }
0x25b: {  	v7 =	vld [tilespmem:s24+$0x5100];
	_ =	sdelay $0x2  }
0x25c: {  	v5 =	vmul.f32 $5.870000120e-01, v5;
	v6 =	vmul.f32 $2.989999950e-01, v6  }
0x25d: {  	v8 =	vld [tilespmem:$0x0]  }
0x25e: {  	s29 =	simm.s32 $0x6280;
	v7 =	vmul.f32 $1.140000000e-01, v7;
	v5 =	vadd.f32 v5, v6  }
0x25f: {  	v6 =	vld [tilespmem:s29+$0x0]  }
0x260: {  	v5 =	vadd.f32 v7, v5;
	_ =	sdelay $0x1  }
0x261: {  	vm0 =	vlt.f32 v5, v8  }
0x262: {  	v5 =	vsel vm0, $0x1, v0  }
0x263: {  	vm1 =	vgt.s32 v6, v5  }
0x264: {  	v5 =	vsel vm1, v6, v5  }
0x265: {  	[tilespmem:s29+$0x0] =	vst v5  }
0x266: {  	v5 =	vld [tilespmem:$0x6480];
	_ =	sdelay $0x1  }
0x267: {  	s26 =	sor.u32 $0x9, s22  }
0x268: {  	v4 =	vmov s26  }
0x269: {  	s31 =	simm.s32 $0x10;
	s25 =	simm.s32 $0x80;
	v6 =	vnsel vm0, $0xFFFFFFFF, v4  }
0x26a: {  	s23 =	simm.s32 $0x6290;
	s26 =	simm.s32 $0x20;
	s24 =	sand.u32 $0x70, s31;
	vm0 =	vgt.s32 v5, v6  }
.LBB2_22:
0x26b: {  	s30 =	smov.u32 s26  }
0x26c: {  	s28 =	sand.u32 $0x70, s26;
	s29 =	sand.u32 $0xC00, s25;
	v5 =	vsel vm0, v5, v6;
	s30 =	sadd.s32 $0x10, s26  }
0x26d: {  	p0 =	seq.s32 s26, $0x1F0;
	s26 =	sor.u32 s29, s24;
	s24 =	smov.u32 s28;
	[tilespmem:$0x6480] =	vst v5  }
0x26e: {  	v5 =	vld [tilespmem:s26+$0x3100]  }
0x26f: {  	v6 =	vld [tilespmem:s26+$0x1100]  }
0x270: {  	v7 =	vld [tilespmem:s26+$0x5100];
	_ =	sdelay $0x2  }
0x271: {  	v5 =	vmul.f32 $5.870000120e-01, v5  }
0x272: {  	v6 =	vmul.f32 $2.989999950e-01, v6;
	v8 =	vld [tilespmem:$0x0]  }
0x273: {  	v7 =	vmul.f32 $1.140000000e-01, v7  }
0x274: {  	v5 =	vadd.f32 v5, v6;
	v6 =	vld [tilespmem:s23+$0x0];
	_ =	sdelay $0x1  }
0x275: {  	v5 =	vadd.f32 v7, v5;
	_ =	sdelay $0x1  }
0x276: {  	vm0 =	vlt.f32 v5, v8  }
0x277: {  	v5 =	vsel vm0, $0x1, v0  }
0x278: {  	vm1 =	vgt.s32 v6, v5  }
0x279: {  	v5 =	vsel vm1, v6, v5  }
0x27a: {  	[tilespmem:s23+$0x0] =	vst v5  }
0x27b: {  	v5 =	vld [tilespmem:$0x6480]  }
.Ltmp10:
0x27c: {  	(pc) =	sbr.rel @!p0 .LBB2_22-.Ltmp10, $3  }
0x27d: {  	_ = 	snop  }
0x27e: {  	v6 =	vnsel vm0, $0xFFFFFFFF, v4;
	_ =	sdelay $0x1  }
0x27f: {  	s25 =	sadd.s32 $0x80, s25;
	s26 =	smov.u32 s30;
	s23 =	sadd.s32 $0x10, s23;
	vm0 =	vgt.s32 v5, v6  }
0x280: {  	s25 =	sand.u32 $0xC00, s25;
	v5 =	vsel vm0, v5, v6  }
0x281: {  	s24 =	sor.u32 s25, s24;
	[tilespmem:$0x6480] =	vst v5  }
0x282: {  	v5 =	vld [tilespmem:s24+$0x3100]  }
0x283: {  	v6 =	vld [tilespmem:s24+$0x1100];
	_ =	sdelay $0x1  }
0x284: {  	v7 =	vld [tilespmem:s24+$0x5100];
	_ =	sdelay $0x2  }
0x285: {  	v5 =	vmul.f32 $5.870000120e-01, v5;
	v6 =	vmul.f32 $2.989999950e-01, v6  }
0x286: {  	v8 =	vld [tilespmem:$0x0]  }
0x287: {  	v7 =	vmul.f32 $1.140000000e-01, v7;
	v5 =	vadd.f32 v5, v6  }
0x288: {  	v6 =	vld [tilespmem:s23+$0x0]  }
0x289: {  	v5 =	vadd.f32 v7, v5;
	_ =	sdelay $0x1  }
0x28a: {  	vm0 =	vlt.f32 v5, v8  }
0x28b: {  	v5 =	vsel vm0, $0x1, v0  }
0x28c: {  	vm1 =	vgt.s32 v6, v5  }
0x28d: {  	v5 =	vsel vm1, v6, v5  }
0x28e: {  	[tilespmem:s23+$0x0] =	vst v5  }
0x28f: {  	v5 =	vld [tilespmem:$0x6480];
	_ =	sdelay $0x3  }
0x290: {  	v4 =	vnsel vm0, $0xFFFFFFFF, v4  }
0x291: {  	s28 =	simm.s32 $0x0;
	vm0 =	vgt.s32 v5, v4  }
0x292: {  	s30 =	sand.u32 $0x70, s28;
	s24 =	sand.u32 $0xC00, s28;
	v4 =	vsel vm0, v5, v4  }
0x293: {  	s24 =	sor.u32 s24, s30;
	[tilespmem:$0x6480] =	vst v4  }
0x294: {  	v5 =	vld [tilespmem:s24+$0x3180]  }
0x295: {  	v6 =	vld [tilespmem:s24+$0x1180];
	_ =	sdelay $0x1  }
0x296: {  	v7 =	vld [tilespmem:s24+$0x5180];
	_ =	sdelay $0x2  }
0x297: {  	v5 =	vmul.f32 $5.870000120e-01, v5;
	v6 =	vmul.f32 $2.989999950e-01, v6  }
0x298: {  	v8 =	vld [tilespmem:$0x0]  }
0x299: {  	s29 =	simm.s32 $0x6280;
	v7 =	vmul.f32 $1.140000000e-01, v7;
	v5 =	vadd.f32 v5, v6  }
0x29a: {  	v6 =	vld [tilespmem:s29+$0x0]  }
0x29b: {  	v5 =	vadd.f32 v7, v5;
	_ =	sdelay $0x1  }
0x29c: {  	vm0 =	vlt.f32 v5, v8  }
0x29d: {  	v5 =	vsel vm0, $0x1, v0  }
0x29e: {  	vm1 =	vgt.s32 v6, v5  }
0x29f: {  	v5 =	vsel vm1, v6, v5  }
0x2a0: {  	[tilespmem:s29+$0x0] =	vst v5  }
0x2a1: {  	v5 =	vld [tilespmem:$0x6480];
	_ =	sdelay $0x1  }
0x2a2: {  	s26 =	sor.u32 $0xA, s22  }
0x2a3: {  	v4 =	vmov s26  }
0x2a4: {  	s31 =	simm.s32 $0x10;
	s25 =	simm.s32 $0x80;
	v6 =	vnsel vm0, $0xFFFFFFFF, v4  }
0x2a5: {  	s23 =	simm.s32 $0x6290;
	s26 =	simm.s32 $0x20;
	s24 =	sand.u32 $0x70, s31;
	vm0 =	vgt.s32 v5, v6  }
.LBB2_24:
0x2a6: {  	s30 =	smov.u32 s26  }
0x2a7: {  	s28 =	sand.u32 $0x70, s26;
	s29 =	sand.u32 $0xC00, s25;
	v5 =	vsel vm0, v5, v6;
	s30 =	sadd.s32 $0x10, s26  }
0x2a8: {  	p0 =	seq.s32 s26, $0x1F0;
	s26 =	sor.u32 s29, s24;
	s24 =	smov.u32 s28;
	[tilespmem:$0x6480] =	vst v5  }
0x2a9: {  	v5 =	vld [tilespmem:s26+$0x3180]  }
0x2aa: {  	v6 =	vld [tilespmem:s26+$0x1180]  }
0x2ab: {  	v7 =	vld [tilespmem:s26+$0x5180];
	_ =	sdelay $0x2  }
0x2ac: {  	v5 =	vmul.f32 $5.870000120e-01, v5  }
0x2ad: {  	v6 =	vmul.f32 $2.989999950e-01, v6;
	v8 =	vld [tilespmem:$0x0]  }
0x2ae: {  	v7 =	vmul.f32 $1.140000000e-01, v7  }
0x2af: {  	v5 =	vadd.f32 v5, v6;
	v6 =	vld [tilespmem:s23+$0x0];
	_ =	sdelay $0x1  }
0x2b0: {  	v5 =	vadd.f32 v7, v5;
	_ =	sdelay $0x1  }
0x2b1: {  	vm0 =	vlt.f32 v5, v8  }
0x2b2: {  	v5 =	vsel vm0, $0x1, v0  }
0x2b3: {  	vm1 =	vgt.s32 v6, v5  }
0x2b4: {  	v5 =	vsel vm1, v6, v5  }
0x2b5: {  	[tilespmem:s23+$0x0] =	vst v5  }
0x2b6: {  	v5 =	vld [tilespmem:$0x6480]  }
.Ltmp11:
0x2b7: {  	(pc) =	sbr.rel @!p0 .LBB2_24-.Ltmp11, $3  }
0x2b8: {  	_ = 	snop  }
0x2b9: {  	v6 =	vnsel vm0, $0xFFFFFFFF, v4;
	_ =	sdelay $0x1  }
0x2ba: {  	s25 =	sadd.s32 $0x80, s25;
	s26 =	smov.u32 s30;
	s23 =	sadd.s32 $0x10, s23;
	vm0 =	vgt.s32 v5, v6  }
0x2bb: {  	s25 =	sand.u32 $0xC00, s25;
	v5 =	vsel vm0, v5, v6  }
0x2bc: {  	s24 =	sor.u32 s25, s24;
	[tilespmem:$0x6480] =	vst v5  }
0x2bd: {  	v5 =	vld [tilespmem:s24+$0x3180]  }
0x2be: {  	v6 =	vld [tilespmem:s24+$0x1180];
	_ =	sdelay $0x1  }
0x2bf: {  	v7 =	vld [tilespmem:s24+$0x5180];
	_ =	sdelay $0x2  }
0x2c0: {  	v5 =	vmul.f32 $5.870000120e-01, v5;
	v6 =	vmul.f32 $2.989999950e-01, v6  }
0x2c1: {  	v8 =	vld [tilespmem:$0x0]  }
0x2c2: {  	v7 =	vmul.f32 $1.140000000e-01, v7;
	v5 =	vadd.f32 v5, v6  }
0x2c3: {  	v6 =	vld [tilespmem:s23+$0x0]  }
0x2c4: {  	v5 =	vadd.f32 v7, v5;
	_ =	sdelay $0x1  }
0x2c5: {  	vm0 =	vlt.f32 v5, v8  }
0x2c6: {  	v5 =	vsel vm0, $0x1, v0  }
0x2c7: {  	vm1 =	vgt.s32 v6, v5  }
0x2c8: {  	v5 =	vsel vm1, v6, v5  }
0x2c9: {  	[tilespmem:s23+$0x0] =	vst v5  }
0x2ca: {  	v5 =	vld [tilespmem:$0x6480];
	_ =	sdelay $0x3  }
0x2cb: {  	s30 =	simm.s32 $0x0;
	v4 =	vnsel vm0, $0xFFFFFFFF, v4  }
0x2cc: {  	s31 =	sand.u32 $0xC00, s30;
	vm0 =	vgt.s32 v5, v4  }
0x2cd: {  	s24 =	sor.u32 s31, s30;
	v4 =	vsel vm0, v5, v4  }
0x2ce: {  	s24 =	sor.u32 $0x1180, s24;
	[tilespmem:$0x6480] =	vst v4  }
0x2cf: {  	v5 =	vld [tilespmem:s24+$0x80]  }
0x2d0: {  	v6 =	vld [tilespmem:s24+$0x2080];
	_ =	sdelay $0x1  }
0x2d1: {  	v7 =	vld [tilespmem:s24+$0x4080];
	_ =	sdelay $0x2  }
0x2d2: {  	v5 =	vmul.f32 $2.989999950e-01, v5;
	v6 =	vmul.f32 $5.870000120e-01, v6  }
0x2d3: {  	v8 =	vld [tilespmem:$0x0]  }
0x2d4: {  	s23 =	simm.s32 $0x6280;
	v7 =	vmul.f32 $1.140000000e-01, v7;
	v5 =	vadd.f32 v6, v5  }
0x2d5: {  	v6 =	vld [tilespmem:s23+$0x0]  }
0x2d6: {  	v5 =	vadd.f32 v7, v5;
	_ =	sdelay $0x1  }
0x2d7: {  	vm0 =	vlt.f32 v5, v8  }
0x2d8: {  	v5 =	vsel vm0, $0x1, v0  }
0x2d9: {  	vm1 =	vgt.s32 v6, v5  }
0x2da: {  	v5 =	vsel vm1, v6, v5  }
0x2db: {  	[tilespmem:s23+$0x0] =	vst v5  }
0x2dc: {  	v5 =	vld [tilespmem:$0x6480];
	_ =	sdelay $0x1  }
0x2dd: {  	s29 =	sor.u32 $0xB, s22  }
0x2de: {  	v4 =	vmov s29  }
0x2df: {  	s24 =	simm.s32 $0x80;
	v6 =	vnsel vm0, $0xFFFFFFFF, v4  }
0x2e0: {  	s26 =	simm.s32 $0x20;
	s25 =	simm.s32 $0x10;
	s28 =	sand.u32 $0xC00, s24;
	vm0 =	vgt.s32 v5, v6  }
.LBB2_26:
0x2e1: {  	s28 =	sor.u32 s28, s25  }
0x2e2: {  	v5 =	vsel vm0, v5, v6;
	s23 =	sadd.s32 $0x10, s23;
	s25 =	smov.u32 s26;
	s29 =	sadd.s32 $0x10, s26  }
0x2e3: {  	p0 =	seq.s32 s26, $0x1F0;
	s26 =	sor.u32 $0x1180, s28;
	[tilespmem:$0x6480] =	vst v5  }
0x2e4: {  	v5 =	vld [tilespmem:s26+$0x80]  }
0x2e5: {  	v6 =	vld [tilespmem:s26+$0x2080]  }
0x2e6: {  	v7 =	vld [tilespmem:s26+$0x4080];
	_ =	sdelay $0x2  }
0x2e7: {  	v5 =	vmul.f32 $2.989999950e-01, v5  }
0x2e8: {  	v6 =	vmul.f32 $5.870000120e-01, v6;
	v8 =	vld [tilespmem:$0x0]  }
0x2e9: {  	v7 =	vmul.f32 $1.140000000e-01, v7  }
0x2ea: {  	v5 =	vadd.f32 v6, v5;
	v6 =	vld [tilespmem:s23+$0x0];
	_ =	sdelay $0x1  }
0x2eb: {  	v5 =	vadd.f32 v7, v5;
	_ =	sdelay $0x1  }
0x2ec: {  	vm0 =	vlt.f32 v5, v8  }
0x2ed: {  	v5 =	vsel vm0, $0x1, v0  }
0x2ee: {  	vm1 =	vgt.s32 v6, v5  }
0x2ef: {  	v5 =	vsel vm1, v6, v5  }
0x2f0: {  	[tilespmem:s23+$0x0] =	vst v5  }
0x2f1: {  	v5 =	vld [tilespmem:$0x6480]  }
.Ltmp12:
0x2f2: {  	(pc) =	sbr.rel @!p0 .LBB2_26-.Ltmp12, $4  }
0x2f3: {  	_ = 	snop  }
0x2f4: {  	v6 =	vnsel vm0, $0xFFFFFFFF, v4  }
0x2f5: {  	s24 =	sadd.s32 $0x80, s24  }
0x2f6: {  	s28 =	sand.u32 $0xC00, s24;
	s26 =	smov.u32 s29;
	vm0 =	vgt.s32 v5, v6  }
0x2f7: {  	s24 =	sor.u32 s28, s25;
	v5 =	vsel vm0, v5, v6  }
0x2f8: {  	s24 =	sor.u32 $0x1180, s24;
	[tilespmem:$0x6480] =	vst v5  }
0x2f9: {  	v5 =	vld [tilespmem:s24+$0x80]  }
0x2fa: {  	v6 =	vld [tilespmem:s24+$0x2080];
	_ =	sdelay $0x1  }
0x2fb: {  	v7 =	vld [tilespmem:s24+$0x4080];
	_ =	sdelay $0x2  }
0x2fc: {  	v5 =	vmul.f32 $2.989999950e-01, v5;
	v6 =	vmul.f32 $5.870000120e-01, v6  }
0x2fd: {  	v8 =	vld [tilespmem:$0x0]  }
0x2fe: {  	s23 =	sadd.s32 $0x10, s23;
	v7 =	vmul.f32 $1.140000000e-01, v7;
	v5 =	vadd.f32 v6, v5  }
0x2ff: {  	v6 =	vld [tilespmem:s23+$0x0]  }
0x300: {  	v5 =	vadd.f32 v7, v5;
	_ =	sdelay $0x1  }
0x301: {  	vm0 =	vlt.f32 v5, v8  }
0x302: {  	v5 =	vsel vm0, $0x1, v0  }
0x303: {  	vm1 =	vgt.s32 v6, v5  }
0x304: {  	v5 =	vsel vm1, v6, v5  }
0x305: {  	[tilespmem:s23+$0x0] =	vst v5  }
0x306: {  	v5 =	vld [tilespmem:$0x6480];
	_ =	sdelay $0x3  }
0x307: {  	v4 =	vnsel vm0, $0xFFFFFFFF, v4  }
0x308: {  	s28 =	simm.s32 $0x0;
	vm0 =	vgt.s32 v5, v4  }
0x309: {  	s30 =	sand.u32 $0x70, s28;
	s24 =	sand.u32 $0xC00, s28;
	v4 =	vsel vm0, v5, v4  }
0x30a: {  	s24 =	sor.u32 s24, s30;
	[tilespmem:$0x6480] =	vst v4  }
0x30b: {  	v5 =	vld [tilespmem:s24+$0x3280]  }
0x30c: {  	v6 =	vld [tilespmem:s24+$0x1280];
	_ =	sdelay $0x1  }
0x30d: {  	v7 =	vld [tilespmem:s24+$0x5280];
	_ =	sdelay $0x2  }
0x30e: {  	v5 =	vmul.f32 $5.870000120e-01, v5;
	v6 =	vmul.f32 $2.989999950e-01, v6  }
0x30f: {  	v8 =	vld [tilespmem:$0x0]  }
0x310: {  	s29 =	simm.s32 $0x6280;
	v7 =	vmul.f32 $1.140000000e-01, v7;
	v5 =	vadd.f32 v5, v6  }
0x311: {  	v6 =	vld [tilespmem:s29+$0x0]  }
0x312: {  	v5 =	vadd.f32 v7, v5;
	_ =	sdelay $0x1  }
0x313: {  	vm0 =	vlt.f32 v5, v8  }
0x314: {  	v5 =	vsel vm0, $0x1, v0  }
0x315: {  	vm1 =	vgt.s32 v6, v5  }
0x316: {  	v5 =	vsel vm1, v6, v5  }
0x317: {  	[tilespmem:s29+$0x0] =	vst v5  }
0x318: {  	v5 =	vld [tilespmem:$0x6480];
	_ =	sdelay $0x1  }
0x319: {  	s26 =	sor.u32 $0xC, s22  }
0x31a: {  	v4 =	vmov s26  }
0x31b: {  	s31 =	simm.s32 $0x10;
	s25 =	simm.s32 $0x80;
	v6 =	vnsel vm0, $0xFFFFFFFF, v4  }
0x31c: {  	s23 =	simm.s32 $0x6290;
	s26 =	simm.s32 $0x20;
	s24 =	sand.u32 $0x70, s31;
	vm0 =	vgt.s32 v5, v6  }
.LBB2_28:
0x31d: {  	s30 =	smov.u32 s26  }
0x31e: {  	s28 =	sand.u32 $0x70, s26;
	s29 =	sand.u32 $0xC00, s25;
	v5 =	vsel vm0, v5, v6;
	s30 =	sadd.s32 $0x10, s26  }
0x31f: {  	p0 =	seq.s32 s26, $0x1F0;
	s26 =	sor.u32 s29, s24;
	s24 =	smov.u32 s28;
	[tilespmem:$0x6480] =	vst v5  }
0x320: {  	v5 =	vld [tilespmem:s26+$0x3280]  }
0x321: {  	v6 =	vld [tilespmem:s26+$0x1280]  }
0x322: {  	v7 =	vld [tilespmem:s26+$0x5280];
	_ =	sdelay $0x2  }
0x323: {  	v5 =	vmul.f32 $5.870000120e-01, v5  }
0x324: {  	v6 =	vmul.f32 $2.989999950e-01, v6;
	v8 =	vld [tilespmem:$0x0]  }
0x325: {  	v7 =	vmul.f32 $1.140000000e-01, v7  }
0x326: {  	v5 =	vadd.f32 v5, v6;
	v6 =	vld [tilespmem:s23+$0x0];
	_ =	sdelay $0x1  }
0x327: {  	v5 =	vadd.f32 v7, v5;
	_ =	sdelay $0x1  }
0x328: {  	vm0 =	vlt.f32 v5, v8  }
0x329: {  	v5 =	vsel vm0, $0x1, v0  }
0x32a: {  	vm1 =	vgt.s32 v6, v5  }
0x32b: {  	v5 =	vsel vm1, v6, v5  }
0x32c: {  	[tilespmem:s23+$0x0] =	vst v5  }
0x32d: {  	v5 =	vld [tilespmem:$0x6480]  }
.Ltmp13:
0x32e: {  	(pc) =	sbr.rel @!p0 .LBB2_28-.Ltmp13, $3  }
0x32f: {  	_ = 	snop  }
0x330: {  	v6 =	vnsel vm0, $0xFFFFFFFF, v4;
	_ =	sdelay $0x1  }
0x331: {  	s25 =	sadd.s32 $0x80, s25;
	s26 =	smov.u32 s30;
	s23 =	sadd.s32 $0x10, s23;
	vm0 =	vgt.s32 v5, v6  }
0x332: {  	s25 =	sand.u32 $0xC00, s25;
	v5 =	vsel vm0, v5, v6  }
0x333: {  	s24 =	sor.u32 s25, s24;
	[tilespmem:$0x6480] =	vst v5  }
0x334: {  	v5 =	vld [tilespmem:s24+$0x3280]  }
0x335: {  	v6 =	vld [tilespmem:s24+$0x1280];
	_ =	sdelay $0x1  }
0x336: {  	v7 =	vld [tilespmem:s24+$0x5280];
	_ =	sdelay $0x2  }
0x337: {  	v5 =	vmul.f32 $5.870000120e-01, v5;
	v6 =	vmul.f32 $2.989999950e-01, v6  }
0x338: {  	v8 =	vld [tilespmem:$0x0]  }
0x339: {  	v7 =	vmul.f32 $1.140000000e-01, v7;
	v5 =	vadd.f32 v5, v6  }
0x33a: {  	v6 =	vld [tilespmem:s23+$0x0]  }
0x33b: {  	v5 =	vadd.f32 v7, v5;
	_ =	sdelay $0x1  }
0x33c: {  	vm0 =	vlt.f32 v5, v8  }
0x33d: {  	v5 =	vsel vm0, $0x1, v0  }
0x33e: {  	vm1 =	vgt.s32 v6, v5  }
0x33f: {  	v5 =	vsel vm1, v6, v5  }
0x340: {  	[tilespmem:s23+$0x0] =	vst v5  }
0x341: {  	v5 =	vld [tilespmem:$0x6480];
	_ =	sdelay $0x3  }
0x342: {  	v4 =	vnsel vm0, $0xFFFFFFFF, v4  }
0x343: {  	s28 =	simm.s32 $0x0;
	vm0 =	vgt.s32 v5, v4  }
0x344: {  	s30 =	sand.u32 $0x70, s28;
	s24 =	sand.u32 $0xC00, s28;
	v4 =	vsel vm0, v5, v4  }
0x345: {  	s24 =	sor.u32 s24, s30;
	[tilespmem:$0x6480] =	vst v4  }
0x346: {  	v5 =	vld [tilespmem:s24+$0x3300]  }
0x347: {  	v6 =	vld [tilespmem:s24+$0x1300];
	_ =	sdelay $0x1  }
0x348: {  	v7 =	vld [tilespmem:s24+$0x5300];
	_ =	sdelay $0x2  }
0x349: {  	v5 =	vmul.f32 $5.870000120e-01, v5;
	v6 =	vmul.f32 $2.989999950e-01, v6  }
0x34a: {  	v8 =	vld [tilespmem:$0x0]  }
0x34b: {  	s29 =	simm.s32 $0x6280;
	v7 =	vmul.f32 $1.140000000e-01, v7;
	v5 =	vadd.f32 v5, v6  }
0x34c: {  	v6 =	vld [tilespmem:s29+$0x0]  }
0x34d: {  	v5 =	vadd.f32 v7, v5;
	_ =	sdelay $0x1  }
0x34e: {  	vm0 =	vlt.f32 v5, v8  }
0x34f: {  	v5 =	vsel vm0, $0x1, v0  }
0x350: {  	vm1 =	vgt.s32 v6, v5  }
0x351: {  	v5 =	vsel vm1, v6, v5  }
0x352: {  	[tilespmem:s29+$0x0] =	vst v5  }
0x353: {  	v5 =	vld [tilespmem:$0x6480];
	_ =	sdelay $0x1  }
0x354: {  	s26 =	sor.u32 $0xD, s22  }
0x355: {  	v4 =	vmov s26  }
0x356: {  	s31 =	simm.s32 $0x10;
	s25 =	simm.s32 $0x80;
	v6 =	vnsel vm0, $0xFFFFFFFF, v4  }
0x357: {  	s23 =	simm.s32 $0x6290;
	s26 =	simm.s32 $0x20;
	s24 =	sand.u32 $0x70, s31;
	vm0 =	vgt.s32 v5, v6  }
.LBB2_30:
0x358: {  	s30 =	smov.u32 s26  }
0x359: {  	s28 =	sand.u32 $0x70, s26;
	s29 =	sand.u32 $0xC00, s25;
	v5 =	vsel vm0, v5, v6;
	s30 =	sadd.s32 $0x10, s26  }
0x35a: {  	p0 =	seq.s32 s26, $0x1F0;
	s26 =	sor.u32 s29, s24;
	s24 =	smov.u32 s28;
	[tilespmem:$0x6480] =	vst v5  }
0x35b: {  	v5 =	vld [tilespmem:s26+$0x3300]  }
0x35c: {  	v6 =	vld [tilespmem:s26+$0x1300]  }
0x35d: {  	v7 =	vld [tilespmem:s26+$0x5300];
	_ =	sdelay $0x2  }
0x35e: {  	v5 =	vmul.f32 $5.870000120e-01, v5  }
0x35f: {  	v6 =	vmul.f32 $2.989999950e-01, v6;
	v8 =	vld [tilespmem:$0x0]  }
0x360: {  	v7 =	vmul.f32 $1.140000000e-01, v7  }
0x361: {  	v5 =	vadd.f32 v5, v6;
	v6 =	vld [tilespmem:s23+$0x0];
	_ =	sdelay $0x1  }
0x362: {  	v5 =	vadd.f32 v7, v5;
	_ =	sdelay $0x1  }
0x363: {  	vm0 =	vlt.f32 v5, v8  }
0x364: {  	v5 =	vsel vm0, $0x1, v0  }
0x365: {  	vm1 =	vgt.s32 v6, v5  }
0x366: {  	v5 =	vsel vm1, v6, v5  }
0x367: {  	[tilespmem:s23+$0x0] =	vst v5  }
0x368: {  	v5 =	vld [tilespmem:$0x6480]  }
.Ltmp14:
0x369: {  	(pc) =	sbr.rel @!p0 .LBB2_30-.Ltmp14, $3  }
0x36a: {  	_ = 	snop  }
0x36b: {  	v6 =	vnsel vm0, $0xFFFFFFFF, v4;
	_ =	sdelay $0x1  }
0x36c: {  	s25 =	sadd.s32 $0x80, s25;
	s26 =	smov.u32 s30;
	s23 =	sadd.s32 $0x10, s23;
	vm0 =	vgt.s32 v5, v6  }
0x36d: {  	s25 =	sand.u32 $0xC00, s25;
	v5 =	vsel vm0, v5, v6  }
0x36e: {  	s24 =	sor.u32 s25, s24;
	[tilespmem:$0x6480] =	vst v5  }
0x36f: {  	v5 =	vld [tilespmem:s24+$0x3300]  }
0x370: {  	v6 =	vld [tilespmem:s24+$0x1300];
	_ =	sdelay $0x1  }
0x371: {  	v7 =	vld [tilespmem:s24+$0x5300];
	_ =	sdelay $0x2  }
0x372: {  	v5 =	vmul.f32 $5.870000120e-01, v5;
	v6 =	vmul.f32 $2.989999950e-01, v6  }
0x373: {  	v8 =	vld [tilespmem:$0x0]  }
0x374: {  	v7 =	vmul.f32 $1.140000000e-01, v7;
	v5 =	vadd.f32 v5, v6  }
0x375: {  	v6 =	vld [tilespmem:s23+$0x0]  }
0x376: {  	v5 =	vadd.f32 v7, v5;
	_ =	sdelay $0x1  }
0x377: {  	vm0 =	vlt.f32 v5, v8  }
0x378: {  	v5 =	vsel vm0, $0x1, v0  }
0x379: {  	vm1 =	vgt.s32 v6, v5  }
0x37a: {  	v5 =	vsel vm1, v6, v5  }
0x37b: {  	[tilespmem:s23+$0x0] =	vst v5  }
0x37c: {  	v5 =	vld [tilespmem:$0x6480];
	_ =	sdelay $0x3  }
0x37d: {  	v4 =	vnsel vm0, $0xFFFFFFFF, v4  }
0x37e: {  	s28 =	simm.s32 $0x0;
	vm0 =	vgt.s32 v5, v4  }
0x37f: {  	s30 =	sand.u32 $0x70, s28;
	s24 =	sand.u32 $0xC00, s28;
	v4 =	vsel vm0, v5, v4  }
0x380: {  	s24 =	sor.u32 s24, s30;
	[tilespmem:$0x6480] =	vst v4  }
0x381: {  	v5 =	vld [tilespmem:s24+$0x3380]  }
0x382: {  	v6 =	vld [tilespmem:s24+$0x1380];
	_ =	sdelay $0x1  }
0x383: {  	v7 =	vld [tilespmem:s24+$0x5380];
	_ =	sdelay $0x2  }
0x384: {  	v5 =	vmul.f32 $5.870000120e-01, v5;
	v6 =	vmul.f32 $2.989999950e-01, v6  }
0x385: {  	v8 =	vld [tilespmem:$0x0]  }
0x386: {  	s29 =	simm.s32 $0x6280;
	v7 =	vmul.f32 $1.140000000e-01, v7;
	v5 =	vadd.f32 v5, v6  }
0x387: {  	v6 =	vld [tilespmem:s29+$0x0]  }
0x388: {  	v5 =	vadd.f32 v7, v5;
	_ =	sdelay $0x1  }
0x389: {  	vm0 =	vlt.f32 v5, v8  }
0x38a: {  	v5 =	vsel vm0, $0x1, v0  }
0x38b: {  	vm1 =	vgt.s32 v6, v5  }
0x38c: {  	v5 =	vsel vm1, v6, v5  }
0x38d: {  	[tilespmem:s29+$0x0] =	vst v5  }
0x38e: {  	v5 =	vld [tilespmem:$0x6480];
	_ =	sdelay $0x1  }
0x38f: {  	s26 =	sor.u32 $0xE, s22  }
0x390: {  	v4 =	vmov s26  }
0x391: {  	s31 =	simm.s32 $0x10;
	s25 =	simm.s32 $0x80;
	v6 =	vnsel vm0, $0xFFFFFFFF, v4  }
0x392: {  	s23 =	simm.s32 $0x6290;
	s26 =	simm.s32 $0x20;
	s24 =	sand.u32 $0x70, s31;
	vm0 =	vgt.s32 v5, v6  }
.LBB2_32:
0x393: {  	s30 =	smov.u32 s26  }
0x394: {  	s28 =	sand.u32 $0x70, s26;
	s29 =	sand.u32 $0xC00, s25;
	v5 =	vsel vm0, v5, v6;
	s30 =	sadd.s32 $0x10, s26  }
0x395: {  	p0 =	seq.s32 s26, $0x1F0;
	s26 =	sor.u32 s29, s24;
	s24 =	smov.u32 s28;
	[tilespmem:$0x6480] =	vst v5  }
0x396: {  	v5 =	vld [tilespmem:s26+$0x3380]  }
0x397: {  	v6 =	vld [tilespmem:s26+$0x1380]  }
0x398: {  	v7 =	vld [tilespmem:s26+$0x5380];
	_ =	sdelay $0x2  }
0x399: {  	v5 =	vmul.f32 $5.870000120e-01, v5  }
0x39a: {  	v6 =	vmul.f32 $2.989999950e-01, v6;
	v8 =	vld [tilespmem:$0x0]  }
0x39b: {  	v7 =	vmul.f32 $1.140000000e-01, v7  }
0x39c: {  	v5 =	vadd.f32 v5, v6;
	v6 =	vld [tilespmem:s23+$0x0];
	_ =	sdelay $0x1  }
0x39d: {  	v5 =	vadd.f32 v7, v5;
	_ =	sdelay $0x1  }
0x39e: {  	vm0 =	vlt.f32 v5, v8  }
0x39f: {  	v5 =	vsel vm0, $0x1, v0  }
0x3a0: {  	vm1 =	vgt.s32 v6, v5  }
0x3a1: {  	v5 =	vsel vm1, v6, v5  }
0x3a2: {  	[tilespmem:s23+$0x0] =	vst v5  }
0x3a3: {  	v5 =	vld [tilespmem:$0x6480]  }
.Ltmp15:
0x3a4: {  	(pc) =	sbr.rel @!p0 .LBB2_32-.Ltmp15, $3  }
0x3a5: {  	_ = 	snop  }
0x3a6: {  	v6 =	vnsel vm0, $0xFFFFFFFF, v4;
	_ =	sdelay $0x1  }
0x3a7: {  	s25 =	sadd.s32 $0x80, s25;
	s26 =	smov.u32 s30;
	s23 =	sadd.s32 $0x10, s23;
	vm0 =	vgt.s32 v5, v6  }
0x3a8: {  	s25 =	sand.u32 $0xC00, s25;
	v5 =	vsel vm0, v5, v6  }
0x3a9: {  	s24 =	sor.u32 s25, s24;
	[tilespmem:$0x6480] =	vst v5  }
0x3aa: {  	v5 =	vld [tilespmem:s24+$0x3380]  }
0x3ab: {  	v6 =	vld [tilespmem:s24+$0x1380];
	_ =	sdelay $0x1  }
0x3ac: {  	v7 =	vld [tilespmem:s24+$0x5380];
	_ =	sdelay $0x2  }
0x3ad: {  	v5 =	vmul.f32 $5.870000120e-01, v5;
	v6 =	vmul.f32 $2.989999950e-01, v6  }
0x3ae: {  	v8 =	vld [tilespmem:$0x0]  }
0x3af: {  	v7 =	vmul.f32 $1.140000000e-01, v7;
	v5 =	vadd.f32 v5, v6  }
0x3b0: {  	v6 =	vld [tilespmem:s23+$0x0]  }
0x3b1: {  	v5 =	vadd.f32 v7, v5;
	_ =	sdelay $0x1  }
0x3b2: {  	vm0 =	vlt.f32 v5, v8  }
0x3b3: {  	v5 =	vsel vm0, $0x1, v0  }
0x3b4: {  	vm1 =	vgt.s32 v6, v5  }
0x3b5: {  	v5 =	vsel vm1, v6, v5  }
0x3b6: {  	[tilespmem:s23+$0x0] =	vst v5  }
0x3b7: {  	v5 =	vld [tilespmem:$0x6480];
	_ =	sdelay $0x3  }
0x3b8: {  	v4 =	vnsel vm0, $0xFFFFFFFF, v4  }
0x3b9: {  	s31 =	simm.s32 $0x0;
	vm0 =	vgt.s32 v5, v4  }
0x3ba: {  	s23 =	sor.u32 s31, s31;
	v4 =	vsel vm0, v5, v4  }
0x3bb: {  	s23 =	sor.u32 $0x1380, s23;
	[tilespmem:$0x6480] =	vst v4  }
0x3bc: {  	v5 =	vld [tilespmem:s23+$0x80]  }
0x3bd: {  	v6 =	vld [tilespmem:s23+$0x2080];
	_ =	sdelay $0x1  }
0x3be: {  	v7 =	vld [tilespmem:s23+$0x4080];
	_ =	sdelay $0x2  }
0x3bf: {  	v5 =	vmul.f32 $2.989999950e-01, v5;
	v6 =	vmul.f32 $5.870000120e-01, v6  }
0x3c0: {  	s22 =	sor.u32 $0xF, s22;
	v8 =	vld [tilespmem:$0x0]  }
0x3c1: {  	v4 =	vmov s22;
	s22 =	simm.s32 $0x6280;
	v7 =	vmul.f32 $1.140000000e-01, v7;
	v5 =	vadd.f32 v6, v5  }
0x3c2: {  	v6 =	vld [tilespmem:s22+$0x0]  }
0x3c3: {  	v5 =	vadd.f32 v7, v5;
	_ =	sdelay $0x1  }
0x3c4: {  	vm0 =	vlt.f32 v5, v8  }
0x3c5: {  	v5 =	vsel vm0, $0x1, v0  }
0x3c6: {  	vm1 =	vgt.s32 v6, v5  }
0x3c7: {  	v5 =	vsel vm1, v6, v5  }
0x3c8: {  	[tilespmem:s22+$0x0] =	vst v5  }
0x3c9: {  	v5 =	vld [tilespmem:$0x6480];
	_ =	sdelay $0x3  }
0x3ca: {  	v6 =	vnsel vm0, $0xFFFFFFFF, v4  }
0x3cb: {  	s25 =	simm.s32 $0x20;
	s24 =	simm.s32 $0x80;
	s23 =	simm.s32 $0x10;
	vm0 =	vgt.s32 v5, v6  }
.LBB2_34:
0x3cc: {  	s26 =	sor.u32 s24, s23  }
0x3cd: {  	v5 =	vsel vm0, v5, v6;
	s22 =	sadd.s32 $0x10, s22;
	s23 =	smov.u32 s25;
	s28 =	sadd.s32 $0x10, s25  }
0x3ce: {  	p0 =	sne.s32 s25, $0x1F0;
	s25 =	sor.u32 $0x1380, s26;
	[tilespmem:$0x6480] =	vst v5  }
0x3cf: {  	v5 =	vld [tilespmem:s25+$0x80]  }
0x3d0: {  	v6 =	vld [tilespmem:s25+$0x2080]  }
0x3d1: {  	v7 =	vld [tilespmem:s25+$0x4080];
	_ =	sdelay $0x2  }
0x3d2: {  	v5 =	vmul.f32 $2.989999950e-01, v5  }
0x3d3: {  	v6 =	vmul.f32 $5.870000120e-01, v6;
	v8 =	vld [tilespmem:$0x0]  }
0x3d4: {  	v7 =	vmul.f32 $1.140000000e-01, v7  }
0x3d5: {  	v5 =	vadd.f32 v6, v5;
	v6 =	vld [tilespmem:s22+$0x0];
	_ =	sdelay $0x1  }
0x3d6: {  	v5 =	vadd.f32 v7, v5;
	_ =	sdelay $0x1  }
0x3d7: {  	vm0 =	vlt.f32 v5, v8  }
0x3d8: {  	v5 =	vsel vm0, $0x1, v0  }
0x3d9: {  	vm1 =	vgt.s32 v6, v5  }
0x3da: {  	v5 =	vsel vm1, v6, v5  }
0x3db: {  	[tilespmem:s22+$0x0] =	vst v5  }
0x3dc: {  	v5 =	vld [tilespmem:$0x6480]  }
.Ltmp16:
0x3dd: {  	(pc) =	sbr.rel @p0 .LBB2_34-.Ltmp16, $3  }
0x3de: {  	_ = 	snop  }
0x3df: {  	v6 =	vnsel vm0, $0xFFFFFFFF, v4;
	_ =	sdelay $0x1  }
0x3e0: {  	s24 =	sadd.s32 $0x80, s24;
	s25 =	smov.u32 s28;
	vm0 =	vgt.s32 v5, v6  }
0x3e1: {  	s23 =	sor.u32 s24, s23;
	v5 =	vsel vm0, v5, v6  }
0x3e2: {  	s23 =	sor.u32 $0x1380, s23;
	[tilespmem:$0x6480] =	vst v5  }
0x3e3: {  	v5 =	vld [tilespmem:s23+$0x80]  }
0x3e4: {  	v62 =	vld [tilespmem:s23+$0x2080];
	_ =	sdelay $0x1  }
0x3e5: {  	v7 =	vld [tilespmem:s23+$0x4080];
	_ =	sdelay $0x2  }
0x3e6: {  	v5 =	vmul.f32 $2.989999950e-01, v5;
	v6 =	vmul.f32 $5.870000120e-01, v62  }
0x3e7: {  	v8 =	vld [tilespmem:$0x0]  }
0x3e8: {  	s22 =	sadd.s32 $0x10, s22;
	v7 =	vmul.f32 $1.140000000e-01, v7;
	v5 =	vadd.f32 v6, v5  }
0x3e9: {  	v63 =	vld [tilespmem:s22+$0x0]  }
0x3ea: {  	v5 =	vadd.f32 v7, v5;
	_ =	sdelay $0x1  }
0x3eb: {  	vm15 =	vlt.f32 v5, v8  }
0x3ec: {  	v5 =	vsel vm15, $0x1, v0  }
0x3ed: {  	vm1 =	vgt.s32 v63, v5  }
0x3ee: {  	v5 =	vsel vm1, v63, v5  }
0x3ef: {  	[tilespmem:s22+$0x0] =	vst v5  }
0x3f0: {  	v5 =	vld [tilespmem:$0x6480];
	_ =	sdelay $0x3  }
0x3f1: {  	v4 =	vnsel vm15, $0xFFFFFFFF, v4  }
0x3f2: {  	vm0 =	vgt.s32 v5, v4  }
0x3f3: {  	v4 =	vsel vm0, v5, v4  }
0x3f4: {  	s19 =	sadd.s32 s3, s19;
	[tilespmem:$0x6480] =	vst v4  }
0x3f5: {  	[hbm4b:s19+s4] =	stream.linear.scatter [tilespmem:s11], [sflag:$0x1], $0x2000, $0x38;
	[tilespmem:$0x6500] =	vst v63  }
0x3f6: {  	_ =	swait.ge [sflag:s10], $0x2000  }
0x3f7: {  	[sflag:s10] =	ssyncset.done $0x0  }
0x3f8: {  	s30 =	sadd.s32 s3, s20;
	[sflag:s10] =	ssyncadd.s32 $0xFFFFE000  }
0x3f9: {  	[hbm4b:s30+s4] =	stream.linear.scatter [tilespmem:s12], [sflag:$0x1], $0x2000, $0x38;
	[tilespmem:$0x6500] =	vst v63  }
0x3fa: {  	s18 =	sadd.s32 $0x1, s18;
	_ =	swait.ge [sflag:s10], $0x2000  }
0x3fb: {  	p0 =	sne.s32 s18, $0x20;
	[sflag:s10] =	ssyncset.done $0x0  }
.Ltmp17:
0x3fc: {  	s31 =	sadd.s32 s3, s21;
	[sflag:s10] =	ssyncadd.s32 $0xFFFFE000;
	(pc) =	sbr.rel @p0 .LBB2_3-.Ltmp17, $4  }
0x3fd: {  	[hbm4b:s31+s4] =	stream.linear.scatter [tilespmem:s13], [sflag:$0x1], $0x2000, $0x38;
	[tilespmem:$0x6500] =	vst v63  }
0x3fe: {  	_ =	swait.ge [sflag:s10], $0x2000  }
0x3ff: {  	[sflag:s10] =	ssyncset.done $0x0  }
0x400: {  	[sflag:s10] =	ssyncadd.s32 $0xFFFFE000  }
0x401: {  	v4 =	vld [tilespmem:$0x6290]  }
0x402: {  	v5 =	vld [tilespmem:$0x6280]  }
0x403: {  	v6 =	vld [tilespmem:$0x62A0]  }
0x404: {  	v7 =	vld [tilespmem:$0x62B0]  }
0x405: {  	v9 =	vld [tilespmem:$0x62C0]  }
0x406: {  	v11 =	vld [tilespmem:$0x62D0]  }
0x407: {  	v12 =	vld [tilespmem:$0x62E0]  }
0x408: {  	v13 =	vld [tilespmem:$0x62F0]  }
0x409: {  	v21 =	vimm.s32 $0x0;
	v23 =	vimm.s32 $0x0;
	v14 =	vld [tilespmem:$0x6300]  }
0x40a: {  	v26 =	vimm.s32 $0x0;
	v27 =	vimm.s32 $0x0;
	v15 =	vld [tilespmem:$0x6310];
	v28 =	vimm.s32 $0x0  }
0x40b: {  	v16 =	vld [tilespmem:$0x6320];
	v29 =	vimm.s32 $0x0;
	v30 =	vimm.s32 $0x0;
	v31 =	vimm.s32 $0x0  }
0x40c: {  	v17 =	vld [tilespmem:$0x6330];
	v32 =	vimm.s32 $0x0;
	v35 =	vimm.s32 $0x0;
	v37 =	vimm.s32 $0x0  }
0x40d: {  	v18 =	vld [tilespmem:$0x6340];
	v39 =	vimm.s32 $0x0;
	v41 =	vimm.s32 $0x0;
	v53 =	vimm.s32 $0x0  }
0x40e: {  	v19 =	vld [tilespmem:$0x6350];
	v58 =	vor.u32 $0x1A0, v2;
	v59 =	vor.u32 $0x190, v2;
	v60 =	vor.u32 $0x180, v2  }
0x40f: {  	v54 =	vld [tilespmem:$0x6410];
	v61 =	vor.u32 $0x170, v2;
	v62 =	vor.u32 $0x160, v2;
	vm0 =	vgt.s32 v4, $0x0  }
0x410: {  	v55 =	vld [tilespmem:$0x6400];
	v4 =	vimm.s32 $0x0;
	vm1 =	vgt.s32 v5, $0x0;
	v5 =	vimm.s32 $0x0  }
0x411: {  	vm6 =	vgt.s32 v6, $0x0;
	vm7 =	vgt.s32 v7, $0x0;
	vm8 =	vgt.s32 v9, $0x0  }
0x412: {  	vm9 =	vgt.s32 v11, $0x0;
	vm10 =	vgt.s32 v12, $0x0;
	vm11 =	vgt.s32 v13, $0x0  }
0x413: {  	vm12 =	vgt.s32 v14, $0x0;
	vm13 =	vgt.s32 v15, $0x0;
	vm14 =	vgt.s32 v16, $0x0  }
0x414: {  	vm15 =	vgt.s32 v17, $0x0;
	vm4 =	vgt.s32 v18, $0x0;
	vm5 =	vgt.s32 v19, $0x0  }
0x415: {  	vm3 =	vgt.s32 v54, $0x0;
	vm2 =	vgt.s32 v55, $0x0;
	v4 =	vsel vm0, $0xFFFFFFFF, v4  }
0x416: {  	v5 =	vsel vm1, $0xFFFFFFFF, v5;
	v6 =	vsel vm7, $0xFFFFFFFF, v21;
	v7 =	vsel vm8, $0xFFFFFFFF, v23  }
0x417: {  	v9 =	vsel vm10, $0xFFFFFFFF, v27;
	v18 =	vsel vm4, $0xFFFFFFFF, v35;
	v19 =	vsel vm5, $0xFFFFFFFF, v37;
	[tilespmem:$0x1FFD0] =	vst v4  }
0x418: {  	v23 =	vor.u32 $0xF0, v2;
	v27 =	vor.u32 $0x130, v2;
	v4 =	vor.u32 $0x10, v2;
	[tilespmem:$0x1FFF0] =	vst v5  }
0x419: {  	v35 =	vor.u32 $0x1E0, v2;
	v5 =	vimm.s32 $0x0;
	[tilespmem:$0x1FFB0] =	vst v6;
	v8 =	vnsel vm0, $0xFFFFFFFF, v4  }
0x41a: {  	v37 =	vor.u32 $0x1D0, v2;
	[tilespmem:$0x1FFA0] =	vst v7;
	v5 =	vsel vm6, $0xFFFFFFFF, v5;
	vm0 =	vgt.s32 v8, v2  }
0x41b: {  	v6 =	vor.u32 $0x30, v2;
	[tilespmem:$0x1FFC0] =	vst v5;
	v5 =	vor.u32 $0x20, v2;
	v10 =	vsel vm0, v8, v2  }
0x41c: {  	v34 =	vld [tilespmem:$0x6360];
	v7 =	vor.u32 $0x40, v2;
	[tilespmem:$0x1FF80] =	vst v9;
	v20 =	vnsel vm6, $0xFFFFFFFF, v5;
	v8 =	vsel vm1, v10, v8  }
0x41d: {  	v43 =	vld [tilespmem:$0x63A0];
	v9 =	vor.u32 $0x60, v2;
	[tilespmem:$0x1FF20] =	vst v18;
	v18 =	vor.u32 $0xC0, v2;
	vm0 =	vgt.s32 v8, v20  }
0x41e: {  	v49 =	vld [tilespmem:$0x63D0];
	[tilespmem:$0x1FF10] =	vst v19;
	v19 =	vor.u32 $0xD0, v2;
	v22 =	vnsel vm7, $0xFFFFFFFF, v6;
	v8 =	vsel vm0, v8, v20  }
0x41f: {  	v25 =	vnsel vm8, $0xFFFFFFFF, v7;
	v12 =	vnsel vm10, $0xFFFFFFFF, v9;
	vm0 =	vgt.s32 v8, v22  }
0x420: {  	v36 =	vnsel vm4, $0xFFFFFFFF, v18;
	v24 =	vsel vm0, v8, v22;
	v8 =	vsel vm9, $0xFFFFFFFF, v26  }
0x421: {  	v38 =	vnsel vm5, $0xFFFFFFFF, v19;
	vm0 =	vgt.s32 v24, v25;
	[tilespmem:$0x1FF90] =	vst v8;
	v8 =	vor.u32 $0x50, v2  }
0x422: {  	vm10 =	vgt.s32 v43, $0x0;
	v10 =	vsel vm0, v24, v25;
	v11 =	vnsel vm9, $0xFFFFFFFF, v8  }
0x423: {  	vm4 =	vgt.s32 v49, $0x0;
	vm6 =	vgt.s32 v34, $0x0;
	vm0 =	vgt.s32 v10, v11  }
0x424: {  	v56 =	vld [tilespmem:$0x63F0];
	v34 =	vor.u32 $0x1F0, v2;
	v11 =	vsel vm0, v10, v11;
	v10 =	vsel vm11, $0xFFFFFFFF, v28  }
0x425: {  	v17 =	vsel vm6, $0xFFFFFFFF, v39;
	vm0 =	vgt.s32 v11, v12;
	[tilespmem:$0x1FF70] =	vst v10;
	v10 =	vor.u32 $0x70, v2  }
0x426: {  	v12 =	vsel vm0, v11, v12;
	v13 =	vnsel vm11, $0xFFFFFFFF, v10;
	v11 =	vsel vm12, $0xFFFFFFFF, v29  }
0x427: {  	v39 =	vor.u32 $0x1B0, v2;
	vm0 =	vgt.s32 v12, v13;
	[tilespmem:$0x1FF60] =	vst v11;
	v11 =	vor.u32 $0x80, v2  }
0x428: {  	v13 =	vsel vm0, v12, v13;
	v14 =	vnsel vm12, $0xFFFFFFFF, v11;
	v12 =	vsel vm13, $0xFFFFFFFF, v30  }
0x429: {  	vm1 =	vgt.s32 v56, $0x0;
	vm0 =	vgt.s32 v13, v14;
	[tilespmem:$0x1FF50] =	vst v12;
	v12 =	vor.u32 $0x90, v2  }
0x42a: {  	v45 =	vld [tilespmem:$0x63B0];
	[tilespmem:$0x1FF00] =	vst v17;
	v14 =	vsel vm0, v13, v14;
	v15 =	vnsel vm13, $0xFFFFFFFF, v12;
	v13 =	vsel vm14, $0xFFFFFFFF, v31  }
0x42b: {  	v17 =	vor.u32 $0xE0, v2;
	v20 =	vld [tilespmem:$0x6370];
	vm0 =	vgt.s32 v14, v15;
	[tilespmem:$0x1FF40] =	vst v13;
	v13 =	vor.u32 $0xA0, v2  }
0x42c: {  	v14 =	vsel vm0, v14, v15;
	v16 =	vnsel vm14, $0xFFFFFFFF, v13;
	v15 =	vsel vm15, $0xFFFFFFFF, v32  }
0x42d: {  	v40 =	vnsel vm6, $0xFFFFFFFF, v17;
	vm0 =	vgt.s32 v14, v16;
	[tilespmem:$0x1FF30] =	vst v15;
	v15 =	vor.u32 $0xB0, v2  }
0x42e: {  	v47 =	vld [tilespmem:$0x63C0];
	v26 =	vor.u32 $0x120, v2;
	v14 =	vsel vm0, v14, v16;
	v33 =	vnsel vm15, $0xFFFFFFFF, v15  }
0x42f: {  	v22 =	vld [tilespmem:$0x6390];
	v24 =	vor.u32 $0x100, v2;
	v25 =	vor.u32 $0x110, v2;
	vm0 =	vgt.s32 v14, v33  }
0x430: {  	v51 =	vld [tilespmem:$0x6460];
	vm9 =	vgt.s32 v45, $0x0;
	vm7 =	vgt.s32 v20, $0x0;
	v14 =	vsel vm0, v14, v33  }
0x431: {  	v48 =	vnsel vm9, $0xFFFFFFFF, v27;
	v20 =	vsel vm7, $0xFFFFFFFF, v41;
	v29 =	vld [tilespmem:$0x6470];
	vm0 =	vgt.s32 v14, v36  }
0x432: {  	v21 =	vld [tilespmem:$0x6380];
	v42 =	vnsel vm7, $0xFFFFFFFF, v23;
	v28 =	vor.u32 $0x140, v2;
	v14 =	vsel vm0, v14, v36  }
0x433: {  	vm7 =	vgt.s32 v47, $0x0;
	[tilespmem:$0x1FEF0] =	vst v20;
	v20 =	vnsel vm10, $0xFFFFFFFF, v26;
	vm0 =	vgt.s32 v14, v38  }
0x434: {  	v50 =	vnsel vm7, $0xFFFFFFFF, v28;
	vm12 =	vgt.s32 v22, $0x0;
	v30 =	vld [tilespmem:$0x6450];
	v14 =	vsel vm0, v14, v38  }
0x435: {  	v52 =	vld [tilespmem:$0x6440];
	v46 =	vnsel vm12, $0xFFFFFFFF, v25;
	v31 =	vor.u32 $0x150, v2;
	vm0 =	vgt.s32 v14, v40  }
0x436: {  	vm13 =	vgt.s32 v51, $0x0;
	vm8 =	vgt.s32 v29, $0x0;
	v14 =	vsel vm0, v14, v40  }
0x437: {  	vm14 =	vgt.s32 v21, $0x0;
	v32 =	vld [tilespmem:$0x6430];
	v21 =	vnsel vm4, $0xFFFFFFFF, v31;
	vm0 =	vgt.s32 v14, v42  }
0x438: {  	v29 =	vsel vm8, $0xFFFFFFFF, v53;
	v44 =	vnsel vm14, $0xFFFFFFFF, v24;
	v33 =	vld [tilespmem:$0x6420];
	v14 =	vsel vm0, v14, v42  }
0x439: {  	vm11 =	vgt.s32 v30, $0x0;
	v36 =	vnsel vm8, $0x200, v34;
	vm0 =	vgt.s32 v14, v44  }
0x43a: {  	vm8 =	vgt.s32 v52, $0x0;
	v36 =	vsel vm13, v35, v36;
	v14 =	vsel vm0, v14, v44  }
0x43b: {  	v38 =	vor.u32 $0x1C0, v2;
	v36 =	vsel vm11, v37, v36;
	vm0 =	vgt.s32 v14, v46  }
0x43c: {  	v57 =	vld [tilespmem:$0x63E0];
	vm6 =	vgt.s32 v32, $0x0;
	v36 =	vsel vm8, v38, v36;
	v16 =	vsel vm0, v14, v46  }
0x43d: {  	vm5 =	vgt.s32 v33, $0x0;
	v36 =	vsel vm6, v39, v36;
	v14 =	vld [tilespmem:$0x6480];
	vm0 =	vgt.s32 v16, v20  }
0x43e: {  	v30 =	vnsel vm1, $0xFFFFFFFF, v61;
	v36 =	vsel vm5, v58, v36;
	v16 =	vsel vm0, v16, v20  }
0x43f: {  	v52 =	vnsel vm11, $0xFFFFFFFF, v37;
	v36 =	vsel vm3, v59, v36;
	vm0 =	vgt.s32 v16, v48  }
0x440: {  	v33 =	vnsel vm3, $0xFFFFFFFF, v59;
	v36 =	vsel vm2, v60, v36;
	v16 =	vsel vm0, v16, v48  }
0x441: {  	v43 =	vld [tilespmem:$0x1FF20];
	v41 =	vnsel vm5, $0xFFFFFFFF, v58;
	v36 =	vsel vm1, v61, v36;
	vm0 =	vgt.s32 v16, v50  }
0x442: {  	v42 =	vld [tilespmem:$0x1FF10];
	(v2sf) =	vpush v14, $0x0;
	v16 =	vsel vm0, v16, v50;
	vm0 =	vgt.s32 v57, $0x0  }
0x443: {  	v45 =	vld [tilespmem:$0x1FF30];
	v44 =	vnsel vm6, $0xFFFFFFFF, v39;
	(v2sf) =	vpush v14, $0x1;
	v20 =	vsel vm0, v62, v36  }
0x444: {  	(v2sf) =	vpush v14, $0x2;
	vm15 =	vgt.s32 v16, v21;
	v36 =	vld [tilespmem:$0x1FEF0];
	v20 =	vsel vm4, v31, v20  }
0x445: {  	v40 =	vld [tilespmem:$0x1FF00];
	v63 =	vnsel vm0, $0xFFFFFFFF, v62;
	(v2sf) =	vpush v14, $0x3;
	v20 =	vsel vm7, v28, v20  }
0x446: {  	v16 =	vsel vm15, v16, v21;
	v31 =	vnsel vm2, $0xFFFFFFFF, v60;
	v20 =	vsel vm9, v27, v20  }
0x447: {  	v46 =	vld [tilespmem:$0x1FF40];
	vm15 =	vnez.u8 v42;
	vm4 =	vnez.u8 v43;
	v20 =	vsel vm10, v26, v20  }
0x448: {  	(v2sf) =	vpush v14, $0x4;
	vm0 =	vgt.s32 v16, v63;
	v20 =	vsel vm12, v25, v20  }
0x449: {  	vm7 =	vnez.u8 v45;
	vm10 =	vnez.u8 v36;
	v20 =	vsel vm14, v24, v20  }
0x44a: {  	v49 =	vld [tilespmem:$0x1FF50];
	v16 =	vsel vm0, v16, v63;
	vm12 =	vnez.u8 v40;
	v20 =	vsel vm10, v23, v20  }
0x44b: {  	v50 =	vld [tilespmem:$0x1FF60];
	(v2sf) =	vpush v14, $0x5;
	vm0 =	vgt.s32 v16, v30;
	v17 =	vsel vm12, v17, v20  }
0x44c: {  	v53 =	vld [tilespmem:$0x1FF70];
	vm9 =	vnez.u8 v46;
	v16 =	vsel vm0, v16, v30;
	v17 =	vsel vm15, v19, v17  }
0x44d: {  	v54 =	vld [tilespmem:$0x1FF80];
	(v2sf) =	vpush v14, $0x6;
	vm0 =	vgt.s32 v16, v31;
	v17 =	vsel vm4, v18, v17  }
0x44e: {  	v56 =	vld [tilespmem:$0x1FF90];
	(v2sf) =	vpush v14, $0x7;
	v16 =	vsel vm0, v16, v31;
	v15 =	vsel vm7, v15, v17  }
0x44f: {  	v58 =	vld [tilespmem:$0x1FFA0];
	vm14 =	vgt.s32 v16, v33;
	vm12 =	vnez.u8 v49;
	v13 =	vsel vm9, v13, v15  }
0x450: {  	v59 =	vld [tilespmem:$0x1FFB0];
	v16 =	vsel vm14, v16, v33;
	vm14 =	vnez.u8 v50;
	v12 =	vsel vm12, v12, v13  }
0x451: {  	v61 =	vld [tilespmem:$0x1FFC0];
	vm5 =	vgt.s32 v16, v41;
	vm4 =	vnez.u8 v53;
	v11 =	vsel vm14, v11, v12  }
0x452: {  	v62 =	vld [tilespmem:$0x1FFD0];
	v16 =	vsel vm5, v16, v41;
	vm5 =	vnez.u8 v54;
	v10 =	vsel vm4, v10, v11  }
0x453: {  	(v2sf) =	vpush v14, $0x8;
	vm7 =	vnez.u8 v56;
	s17 =	spop (v2sf);
	v9 =	vsel vm5, v9, v10  }
0x454: {  	v48 =	vnsel vm8, $0xFFFFFFFF, v38;
	vm8 =	vnez.u8 v58;
	s18 =	spop (v2sf);
	v8 =	vsel vm7, v8, v9  }
0x455: {  	(v2sf) =	vpush v14, $0x9;
	vm9 =	vnez.u8 v59;
	p0 =	sgt.s32 s17, s18;
	v7 =	vsel vm8, v7, v8  }
0x456: {  	vm11 =	vnez.u8 v61;
	(v2sf) =	vpush v14, $0xA;
	s18 =	smov.u32 @p0 s17;
	s17 =	spop (v2sf);
	v6 =	vsel vm9, v6, v7  }
0x457: {  	[tilespmem:$0x1FFE0] =	vst v29;
	v63 =	vld [tilespmem:$0x1FFF0];
	vm10 =	vgt.s32 v16, v44;
	vm12 =	vnez.u8 v62;
	p0 =	sgt.s32 s18, s17;
	v5 =	vsel vm11, v5, v6  }
0x458: {  	v47 =	vsel vm10, v16, v44;
	s17 =	smov.u32 @p0 s18;
	s18 =	spop (v2sf);
	v4 =	vsel vm12, v4, v5;
	v5 =	vld [tilespmem:$0x1FFE0]  }
0x459: {  	(v2sf) =	vpush v14, $0xB;
	vm15 =	vgt.s32 v47, v48;
	p0 =	sgt.s32 s17, s18  }
0x45a: {  	v51 =	vsel vm15, v47, v48;
	s18 =	smov.u32 @p0 s17;
	s17 =	spop (v2sf)  }
0x45b: {  	(v2sf) =	vpush v14, $0xC;
	vm6 =	vgt.s32 v51, v52;
	p0 =	sgt.s32 s18, s17  }
0x45c: {  	v57 =	vnsel vm13, $0xFFFFFFFF, v35;
	vm14 =	vnez.u8 v63;
	v55 =	vsel vm6, v51, v52;
	s17 =	smov.u32 @p0 s18;
	s18 =	spop (v2sf)  }
0x45d: {  	vm10 =	vgt.s32 v55, v57;
	(v2sf) =	vpush v14, $0xD;
	p0 =	sgt.s32 s17, s18;
	vm13 =	vnez.u8 v5  }
0x45e: {  	v60 =	vsel vm10, v55, v57;
	s18 =	smov.u32 @p0 s17;
	s17 =	spop (v2sf);
	(v2sf) =	vpush v14, $0xE;
	v5 =	vnsel vm13, $0xFFFFFFFF, v34  }
0x45f: {  	v4 =	vsel vm14, v2, v4;
	p0 =	sgt.s32 s18, s17;
	(v2sf) =	vpush v14, $0xF;
	vm15 =	vgt.s32 v60, v5  }
0x460: {  	s17 =	smov.u32 @p0 s18;
	s18 =	spop (v2sf);
	(v2sf) =	vpush v4, $0x0;
	v5 =	vsel vm15, v60, v5  }
0x461: {  	p0 =	sgt.s32 s17, s18;
	(v2sf) =	vpush v5, $0x0  }
0x462: {  	s18 =	smov.u32 @p0 s17;
	s17 =	spop (v2sf);
	(v2sf) =	vpush v4, $0x1  }
0x463: {  	p0 =	sgt.s32 s18, s17;
	(v2sf) =	vpush v5, $0x1  }
0x464: {  	s17 =	smov.u32 @p0 s18;
	s18 =	spop (v2sf);
	(v2sf) =	vpush v4, $0x2  }
0x465: {  	p0 =	sgt.s32 s17, s18;
	(v2sf) =	vpush v5, $0x2  }
0x466: {  	s18 =	smov.u32 @p0 s17;
	s17 =	spop (v2sf);
	(v2sf) =	vpush v4, $0x3  }
0x467: {  	p0 =	sgt.s32 s18, s17;
	(v2sf) =	vpush v5, $0x3  }
0x468: {  	s17 =	smov.u32 @p0 s18;
	s18 =	spop (v2sf);
	(v2sf) =	vpush v4, $0x4  }
0x469: {  	p0 =	sgt.s32 s17, s18;
	(v2sf) =	vpush v5, $0x4  }
0x46a: {  	s18 =	smov.u32 @p0 s17;
	s17 =	spop (v2sf);
	(v2sf) =	vpush v4, $0x5  }
0x46b: {  	p0 =	sgt.s32 s18, s17;
	(v2sf) =	vpush v5, $0x5  }
0x46c: {  	s17 =	smov.u32 @p0 s18;
	s18 =	spop (v2sf);
	(v2sf) =	vpush v4, $0x6  }
0x46d: {  	p0 =	sgt.s32 s17, s18;
	s19 =	spop (v2sf);
	(v2sf) =	vpush v5, $0x6  }
0x46e: {  	s18 =	smov.u32 @p0 s17;
	s17 =	spop (v2sf);
	(v2sf) =	vpush v4, $0x7  }
0x46f: {  	p0 =	sgt.s32 s18, s19;
	s20 =	spop (v2sf);
	(v2sf) =	vpush v5, $0x7  }
0x470: {  	s19 =	smov.u32 @p0 s18;
	s18 =	spop (v2sf);
	(v2sf) =	vpush v4, $0x8  }
0x471: {  	p0 =	sgt.s32 s19, s17;
	s21 =	spop (v2sf);
	(v2sf) =	vpush v5, $0x8  }
0x472: {  	s17 =	smov.u32 @p0 s19;
	p0 =	slt.s32 s20, s21;
	s19 =	spop (v2sf);
	(v2sf) =	vpush v4, $0x9  }
0x473: {  	s21 =	smov.u32 @p0 s20;
	p0 =	sgt.s32 s18, s19;
	s20 =	spop (v2sf);
	(v2sf) =	vpush v5, $0x9  }
0x474: {  	s19 =	smov.u32 @p0 s18;
	p0 =	slt.s32 s21, s20;
	s18 =	spop (v2sf);
	(v2sf) =	vpush v4, $0xA  }
0x475: {  	s20 =	smov.u32 @p0 s21;
	p0 =	sgt.s32 s19, s18;
	s21 =	spop (v2sf);
	(v2sf) =	vpush v5, $0xA  }
0x476: {  	s18 =	smov.u32 @p0 s19;
	p0 =	slt.s32 s20, s21;
	s19 =	spop (v2sf);
	(v2sf) =	vpush v4, $0xB  }
0x477: {  	s21 =	smov.u32 @p0 s20;
	p0 =	sgt.s32 s18, s19;
	s20 =	spop (v2sf);
	(v2sf) =	vpush v5, $0xB  }
0x478: {  	s19 =	smov.u32 @p0 s18;
	p0 =	slt.s32 s21, s20;
	s18 =	spop (v2sf);
	(v2sf) =	vpush v4, $0xC  }
0x479: {  	s20 =	smov.u32 @p0 s21;
	p0 =	sgt.s32 s19, s18;
	s21 =	spop (v2sf);
	(v2sf) =	vpush v5, $0xC  }
0x47a: {  	s18 =	smov.u32 @p0 s19;
	p0 =	slt.s32 s20, s21;
	s19 =	spop (v2sf);
	(v2sf) =	vpush v4, $0xD  }
0x47b: {  	s21 =	smov.u32 @p0 s20;
	p0 =	sgt.s32 s18, s19;
	s20 =	spop (v2sf);
	(v2sf) =	vpush v5, $0xD  }
0x47c: {  	s19 =	smov.u32 @p0 s18;
	p0 =	slt.s32 s21, s20;
	s18 =	spop (v2sf)  }
0x47d: {  	(v2sf) =	vpush v4, $0xE;
	s20 =	smov.u32 @p0 s21;
	p0 =	sgt.s32 s19, s18;
	s21 =	spop (v2sf)  }
0x47e: {  	(v2sf) =	vpush v5, $0xE;
	s18 =	smov.u32 @p0 s19;
	p0 =	slt.s32 s20, s21;
	s19 =	spop (v2sf)  }
0x47f: {  	(v2sf) =	vpush v4, $0xF;
	s21 =	smov.u32 @p0 s20;
	p0 =	sgt.s32 s18, s19;
	s20 =	spop (v2sf)  }
0x480: {  	(v2sf) =	vpush v5, $0xF;
	s19 =	smov.u32 @p0 s18;
	s18 =	spop (v2sf);
	p0 =	slt.s32 s21, s20  }
0x481: {  	s20 =	smov.u32 @p0 s21;
	s21 =	spop (v2sf);
	p0 =	sgt.s32 s19, s18  }
0x482: {  	s18 =	smov.u32 @p0 s19;
	s19 =	spop (v2sf);
	p0 =	slt.s32 s20, s21  }
0x483: {  	s21 =	smov.u32 @p0 s20;
	s20 =	spop (v2sf);
	p0 =	sgt.s32 s18, s19  }
0x484: {  	s19 =	smov.u32 @p0 s18;
	s18 =	spop (v2sf);
	p0 =	slt.s32 s21, s20  }
0x485: {  	s20 =	smov.u32 @p0 s21;
	s21 =	spop (v2sf);
	p0 =	sgt.s32 s19, s18  }
0x486: {  	s18 =	smov.u32 @p0 s19;
	s19 =	spop (v2sf);
	p0 =	slt.s32 s20, s21  }
0x487: {  	s21 =	smov.u32 @p0 s20;
	s20 =	spop (v2sf);
	p0 =	sgt.s32 s18, s19  }
0x488: {  	s19 =	smov.u32 @p0 s18;
	s18 =	spop (v2sf);
	p0 =	slt.s32 s21, s20  }
0x489: {  	s20 =	smov.u32 @p0 s21;
	s21 =	spop (v2sf);
	p0 =	sgt.s32 s19, s18  }
0x48a: {  	s18 =	smov.u32 @p0 s19;
	s19 =	spop (v2sf);
	p0 =	slt.s32 s20, s21  }
0x48b: {  	s21 =	smov.u32 @p0 s20;
	p0 =	sgt.s32 s18, s19  }
0x48c: {  	p2 =	slt.s32 s17, $0x2;
	s20 =	spop (v2sf);
	s19 =	smov.u32 @p0 s18  }
.Ltmp18:
0x48d: {  	s22 =	spop (v2sf);
	p0 =	slt.s32 s21, s20;
	(pc) =	sbr.rel @p2 .LBB2_44-.Ltmp18, $4  }
0x48e: {  	s20 =	smov.u32 @p0 s21;
	s18 =	spop (v2sf);
	p0 =	sgt.s32 s19, s22  }
0x48f: {  	s22 =	smov.u32 @p0 s19;
	s19 =	spop (v2sf)  }
0x490: {  	p0 =	slt.s32 s20, s18;
	p1 =	sgt.s32 s22, s19  }
0x491: {  	s18 =	smov.u32 @p0 s20;
	s19 =	smov.u32 @p1 s22  }
0x492: {  	s21 =	sadd.s32 $0xFFFFFFFE, s17  }
0x493: {  	s20 =	sshll.u32 s21, $0x9  }
0x494: {  	s21 =	sshll.u32 s21, $0x7;
	s20 =	sand.u32 $0xFFFFF000, s20  }
0x495: {  	s21 =	sand.u32 $0x380, s21;
	s22 =	sadd.s32 s5, s20  }
0x496: {  	s22 =	sor.u32 s21, s22  }
0x497: {  	s22 =	sshrl.u32 s22, $0x3  }
0x498: {  	s23 =	simm.s32 $0x6080;
	s24 =	sadd.s32 s2, s22  }
0x499: {  	[tilespmem:s23], [sflag:$0x1] =	stream.strided.gather [hbm4b:s24+s11], $0x200, s14, s11, $0x38;
	[tilespmem:$0x6500] =	vst v63  }
0x49a: {  	_ =	swait.ge [sflag:s10], $0x200  }
0x49b: {  	[sflag:s10] =	ssyncset.done $0x0  }
0x49c: {  	[sflag:s10] =	ssyncadd.s32 $0xFFFFFE00  }
0x49d: {  	v4 =	vmov s18;
	v5 =	vmov s19;
	s25 =	simm.s32 $0x10;
	s24 =	simm.s32 $0x0;
	v6 =	vld [tilespmem:s23+$0x0]  }
.LBB2_38:
0x49e: {  	p0 =	sne.s32 s25, $0x1F0;
	v7 =	vor.u32 s24, v2;
	s24 =	smov.u32 s25  }
0x49f: {  	vm0 =	vge.s32 v7, v4;
	vm1 =	vlt.s32 v7, v5  }
0x4a0: {  	vm0 =	vmand vm0, vm1  }
.Ltmp19:
0x4a1: {  	v7 =	vsel vm0, $0x0, v3;
	(pc) =	sbr.rel @p0 .LBB2_38-.Ltmp19, $3  }
0x4a2: {  	v6 =	vmul.f32 v6, v7;
	_ =	sdelay $0x1  }
0x4a3: {  	[tilespmem:s23+$0x0] =	vst v6;
	s23 =	sadd.s32 $0x10, s23  }
0x4a4: {  	s25 =	sadd.s32 $0x10, s25;
	v6 =	vld [tilespmem:s23+$0x0]  }
0x4a5: {  	v7 =	vor.u32 s24, v2  }
0x4a6: {  	vm0 =	vge.s32 v7, v4;
	vm1 =	vlt.s32 v7, v5  }
0x4a7: {  	vm0 =	vmand vm0, vm1  }
0x4a8: {  	v7 =	vsel vm0, $0x0, v3  }
0x4a9: {  	v6 =	vmul.f32 v6, v7;
	_ =	sdelay $0x1  }
0x4aa: {  	s29 =	sadd.s32 s3, s22;
	s22 =	simm.s32 $0x6080;
	s30 =	sadd.s32 s7, s20;
	[tilespmem:s23+$0x0] =	vst v6  }
0x4ab: {  	[hbm4b:s29+s11] =	stream.strided.scatter [tilespmem:s22], [sflag:$0x1], $0x200, s14, s11, $0x38;
	[tilespmem:$0x6500] =	vst v63  }
0x4ac: {  	s23 =	sor.u32 s21, s30;
	_ =	swait.ge [sflag:s10], $0x200  }
0x4ad: {  	s23 =	sshrl.u32 s23, $0x3;
	[sflag:s10] =	ssyncset.done $0x0  }
0x4ae: {  	s31 =	sadd.s32 s2, s23;
	[sflag:s10] =	ssyncadd.s32 $0xFFFFFE00  }
0x4af: {  	[tilespmem:s22], [sflag:$0x1] =	stream.strided.gather [hbm4b:s31+s11], $0x200, s14, s11, $0x38;
	[tilespmem:$0x6500] =	vst v63  }
0x4b0: {  	_ =	swait.ge [sflag:s10], $0x200  }
0x4b1: {  	[sflag:s10] =	ssyncset.done $0x0  }
0x4b2: {  	[sflag:s10] =	ssyncadd.s32 $0xFFFFFE00  }
0x4b3: {  	s24 =	simm.s32 $0x0;
	s25 =	simm.s32 $0x10;
	v6 =	vld [tilespmem:s22+$0x0]  }
.LBB2_40:
0x4b4: {  	p0 =	sne.s32 s25, $0x1F0;
	v7 =	vor.u32 s24, v2;
	s24 =	smov.u32 s25  }
0x4b5: {  	vm0 =	vge.s32 v7, v4;
	vm1 =	vlt.s32 v7, v5  }
0x4b6: {  	vm0 =	vmand vm0, vm1  }
.Ltmp20:
0x4b7: {  	v7 =	vsel vm0, $0x0, v3;
	(pc) =	sbr.rel @p0 .LBB2_40-.Ltmp20, $3  }
0x4b8: {  	v6 =	vmul.f32 v6, v7;
	_ =	sdelay $0x1  }
0x4b9: {  	[tilespmem:s22+$0x0] =	vst v6;
	s22 =	sadd.s32 $0x10, s22  }
0x4ba: {  	s25 =	sadd.s32 $0x10, s25;
	v6 =	vld [tilespmem:s22+$0x0]  }
0x4bb: {  	v7 =	vor.u32 s24, v2  }
0x4bc: {  	vm0 =	vge.s32 v7, v4;
	vm1 =	vlt.s32 v7, v5  }
0x4bd: {  	vm0 =	vmand vm0, vm1  }
0x4be: {  	v7 =	vsel vm0, $0x0, v3  }
0x4bf: {  	v6 =	vmul.f32 v6, v7;
	_ =	sdelay $0x1  }
0x4c0: {  	s23 =	sadd.s32 s3, s23;
	s20 =	sadd.s32 s8, s20;
	[tilespmem:s22+$0x0] =	vst v6;
	s22 =	simm.s32 $0x6080  }
0x4c1: {  	[hbm4b:s23+s11] =	stream.strided.scatter [tilespmem:s22], [sflag:$0x1], $0x200, s14, s11, $0x38;
	[tilespmem:$0x6500] =	vst v63  }
0x4c2: {  	s20 =	sor.u32 s21, s20;
	_ =	swait.ge [sflag:s10], $0x200  }
0x4c3: {  	s20 =	sshrl.u32 s20, $0x3;
	[sflag:s10] =	ssyncset.done $0x0  }
0x4c4: {  	s31 =	sadd.s32 s2, s20;
	[sflag:s10] =	ssyncadd.s32 $0xFFFFFE00  }
0x4c5: {  	[tilespmem:s22], [sflag:$0x1] =	stream.strided.gather [hbm4b:s31+s11], $0x200, s14, s11, $0x38;
	[tilespmem:$0x6500] =	vst v63  }
0x4c6: {  	_ =	swait.ge [sflag:s10], $0x200  }
0x4c7: {  	[sflag:s10] =	ssyncset.done $0x0  }
0x4c8: {  	[sflag:s10] =	ssyncadd.s32 $0xFFFFFE00  }
0x4c9: {  	s21 =	simm.s32 $0x0;
	s23 =	simm.s32 $0x10;
	v6 =	vld [tilespmem:s22+$0x0]  }
.LBB2_42:
0x4ca: {  	p0 =	sne.s32 s23, $0x1F0;
	v7 =	vor.u32 s21, v2;
	s21 =	smov.u32 s23  }
0x4cb: {  	vm0 =	vge.s32 v7, v4;
	vm1 =	vlt.s32 v7, v5  }
0x4cc: {  	vm0 =	vmand vm0, vm1  }
.Ltmp21:
0x4cd: {  	v7 =	vsel vm0, $0x0, v3;
	(pc) =	sbr.rel @p0 .LBB2_42-.Ltmp21, $3  }
0x4ce: {  	v6 =	vmul.f32 v6, v7;
	_ =	sdelay $0x1  }
0x4cf: {  	[tilespmem:s22+$0x0] =	vst v6;
	s22 =	sadd.s32 $0x10, s22  }
0x4d0: {  	s23 =	sadd.s32 $0x10, s23;
	v6 =	vld [tilespmem:s22+$0x0]  }
0x4d1: {  	v7 =	vor.u32 s21, v2  }
0x4d2: {  	vm0 =	vge.s32 v7, v4;
	vm1 =	vlt.s32 v7, v5  }
0x4d3: {  	vm0 =	vmand vm0, vm1  }
0x4d4: {  	v4 =	vsel vm0, $0x0, v3  }
0x4d5: {  	v4 =	vmul.f32 v6, v4;
	_ =	sdelay $0x1  }
.Ltmp22:
0x4d6: {  	s20 =	sadd.s32 s3, s20;
	[tilespmem:s22+$0x0] =	vst v4;
	(pc) =	sbr.rel .LBB2_45-.Ltmp22, $4  }
0x4d7: {  	[hbm4b:s20+s11] =	stream.strided.scatter [tilespmem:s15], [sflag:$0x1], $0x200, s14, s11, $0x38;
	[tilespmem:$0x6500] =	vst v63  }
0x4d8: {  	_ =	swait.ge [sflag:s10], $0x200  }
0x4d9: {  	[sflag:s10] =	ssyncset.done $0x0  }
0x4da: {  	[sflag:s10] =	ssyncadd.s32 $0xFFFFFE00  }
.LBB2_44:
0x4db: {  	p0 =	sne.s32 s17, $0x1  }
.Ltmp23:
0x4dc: {  	_ = 	snop;
	(pc) =	sbr.rel @p0 .LBB2_52-.Ltmp23, $1  }
0x4dd: {  	_ =	sdelay $0x3  }
.LBB2_45:
0x4de: {  	s21 =	sadd.s32 $0xFFFFFFFF, s17  }
0x4df: {  	s20 =	sshll.u32 s21, $0x9  }
0x4e0: {  	s21 =	sshll.u32 s21, $0x7;
	s20 =	sand.u32 $0xFFFFF000, s20  }
0x4e1: {  	s21 =	sand.u32 $0x380, s21;
	s22 =	sadd.s32 s5, s20  }
0x4e2: {  	s22 =	sor.u32 s21, s22  }
0x4e3: {  	s22 =	sshrl.u32 s22, $0x3  }
0x4e4: {  	s23 =	simm.s32 $0x6080;
	s24 =	sadd.s32 s2, s22  }
0x4e5: {  	[tilespmem:s23], [sflag:$0x1] =	stream.strided.gather [hbm4b:s24+s11], $0x200, s14, s11, $0x38;
	[tilespmem:$0x6500] =	vst v63  }
0x4e6: {  	_ =	swait.ge [sflag:s10], $0x200  }
0x4e7: {  	[sflag:s10] =	ssyncset.done $0x0  }
0x4e8: {  	[sflag:s10] =	ssyncadd.s32 $0xFFFFFE00  }
0x4e9: {  	v4 =	vmov s18;
	v5 =	vmov s19;
	s25 =	simm.s32 $0x10;
	s24 =	simm.s32 $0x0;
	v6 =	vld [tilespmem:s23+$0x0]  }
.LBB2_46:
0x4ea: {  	p0 =	sne.s32 s25, $0x1F0;
	v7 =	vor.u32 s24, v2;
	s24 =	smov.u32 s25  }
0x4eb: {  	vm0 =	vge.s32 v7, v4;
	vm1 =	vlt.s32 v7, v5  }
0x4ec: {  	vm0 =	vmand vm0, vm1  }
.Ltmp24:
0x4ed: {  	v7 =	vsel vm0, $0x0, v3;
	(pc) =	sbr.rel @p0 .LBB2_46-.Ltmp24, $3  }
0x4ee: {  	v6 =	vmul.f32 v6, v7;
	_ =	sdelay $0x1  }
0x4ef: {  	[tilespmem:s23+$0x0] =	vst v6;
	s23 =	sadd.s32 $0x10, s23  }
0x4f0: {  	s25 =	sadd.s32 $0x10, s25;
	v6 =	vld [tilespmem:s23+$0x0]  }
0x4f1: {  	v7 =	vor.u32 s24, v2  }
0x4f2: {  	vm0 =	vge.s32 v7, v4;
	vm1 =	vlt.s32 v7, v5  }
0x4f3: {  	vm0 =	vmand vm0, vm1  }
0x4f4: {  	v7 =	vsel vm0, $0x0, v3  }
0x4f5: {  	v6 =	vmul.f32 v6, v7;
	_ =	sdelay $0x1  }
0x4f6: {  	s29 =	sadd.s32 s3, s22;
	s22 =	simm.s32 $0x6080;
	s30 =	sadd.s32 s7, s20;
	[tilespmem:s23+$0x0] =	vst v6  }
0x4f7: {  	[hbm4b:s29+s11] =	stream.strided.scatter [tilespmem:s22], [sflag:$0x1], $0x200, s14, s11, $0x38;
	[tilespmem:$0x6500] =	vst v63  }
0x4f8: {  	s23 =	sor.u32 s21, s30;
	_ =	swait.ge [sflag:s10], $0x200  }
0x4f9: {  	s23 =	sshrl.u32 s23, $0x3;
	[sflag:s10] =	ssyncset.done $0x0  }
0x4fa: {  	s31 =	sadd.s32 s2, s23;
	[sflag:s10] =	ssyncadd.s32 $0xFFFFFE00  }
0x4fb: {  	[tilespmem:s22], [sflag:$0x1] =	stream.strided.gather [hbm4b:s31+s11], $0x200, s14, s11, $0x38;
	[tilespmem:$0x6500] =	vst v63  }
0x4fc: {  	_ =	swait.ge [sflag:s10], $0x200  }
0x4fd: {  	[sflag:s10] =	ssyncset.done $0x0  }
0x4fe: {  	[sflag:s10] =	ssyncadd.s32 $0xFFFFFE00  }
0x4ff: {  	s24 =	simm.s32 $0x0;
	s25 =	simm.s32 $0x10;
	v6 =	vld [tilespmem:s22+$0x0]  }
.LBB2_48:
0x500: {  	p0 =	sne.s32 s25, $0x1F0;
	v7 =	vor.u32 s24, v2;
	s24 =	smov.u32 s25  }
0x501: {  	vm0 =	vge.s32 v7, v4;
	vm1 =	vlt.s32 v7, v5  }
0x502: {  	vm0 =	vmand vm0, vm1  }
.Ltmp25:
0x503: {  	v7 =	vsel vm0, $0x0, v3;
	(pc) =	sbr.rel @p0 .LBB2_48-.Ltmp25, $3  }
0x504: {  	v6 =	vmul.f32 v6, v7;
	_ =	sdelay $0x1  }
0x505: {  	[tilespmem:s22+$0x0] =	vst v6;
	s22 =	sadd.s32 $0x10, s22  }
0x506: {  	s25 =	sadd.s32 $0x10, s25;
	v6 =	vld [tilespmem:s22+$0x0]  }
0x507: {  	v7 =	vor.u32 s24, v2  }
0x508: {  	vm0 =	vge.s32 v7, v4;
	vm1 =	vlt.s32 v7, v5  }
0x509: {  	vm0 =	vmand vm0, vm1  }
0x50a: {  	v7 =	vsel vm0, $0x0, v3  }
0x50b: {  	v6 =	vmul.f32 v6, v7;
	_ =	sdelay $0x1  }
0x50c: {  	s23 =	sadd.s32 s3, s23;
	s20 =	sadd.s32 s8, s20;
	[tilespmem:s22+$0x0] =	vst v6;
	s22 =	simm.s32 $0x6080  }
0x50d: {  	[hbm4b:s23+s11] =	stream.strided.scatter [tilespmem:s22], [sflag:$0x1], $0x200, s14, s11, $0x38;
	[tilespmem:$0x6500] =	vst v63  }
0x50e: {  	s20 =	sor.u32 s21, s20;
	_ =	swait.ge [sflag:s10], $0x200  }
0x50f: {  	s20 =	sshrl.u32 s20, $0x3;
	[sflag:s10] =	ssyncset.done $0x0  }
0x510: {  	s31 =	sadd.s32 s2, s20;
	[sflag:s10] =	ssyncadd.s32 $0xFFFFFE00  }
0x511: {  	[tilespmem:s22], [sflag:$0x1] =	stream.strided.gather [hbm4b:s31+s11], $0x200, s14, s11, $0x38;
	[tilespmem:$0x6500] =	vst v63  }
0x512: {  	_ =	swait.ge [sflag:s10], $0x200  }
0x513: {  	[sflag:s10] =	ssyncset.done $0x0  }
0x514: {  	[sflag:s10] =	ssyncadd.s32 $0xFFFFFE00  }
0x515: {  	s21 =	simm.s32 $0x0;
	s23 =	simm.s32 $0x10;
	v6 =	vld [tilespmem:s22+$0x0]  }
.LBB2_50:
0x516: {  	p0 =	sne.s32 s23, $0x1F0;
	v7 =	vor.u32 s21, v2;
	s21 =	smov.u32 s23  }
0x517: {  	vm0 =	vge.s32 v7, v4;
	vm1 =	vlt.s32 v7, v5  }
0x518: {  	vm0 =	vmand vm0, vm1  }
.Ltmp26:
0x519: {  	v7 =	vsel vm0, $0x0, v3;
	(pc) =	sbr.rel @p0 .LBB2_50-.Ltmp26, $3  }
0x51a: {  	v6 =	vmul.f32 v6, v7;
	_ =	sdelay $0x1  }
0x51b: {  	[tilespmem:s22+$0x0] =	vst v6;
	s22 =	sadd.s32 $0x10, s22  }
0x51c: {  	s23 =	sadd.s32 $0x10, s23;
	v6 =	vld [tilespmem:s22+$0x0]  }
0x51d: {  	v7 =	vor.u32 s21, v2  }
0x51e: {  	vm0 =	vge.s32 v7, v4;
	vm1 =	vlt.s32 v7, v5  }
0x51f: {  	vm0 =	vmand vm0, vm1  }
0x520: {  	v4 =	vsel vm0, $0x0, v3  }
0x521: {  	v4 =	vmul.f32 v6, v4;
	_ =	sdelay $0x1  }
0x522: {  	s20 =	sadd.s32 s3, s20;
	[tilespmem:s22+$0x0] =	vst v4  }
0x523: {  	[hbm4b:s20+s11] =	stream.strided.scatter [tilespmem:s15], [sflag:$0x1], $0x200, s14, s11, $0x38;
	[tilespmem:$0x6500] =	vst v63  }
0x524: {  	_ =	swait.ge [sflag:s10], $0x200  }
0x525: {  	[sflag:s10] =	ssyncset.done $0x0  }
0x526: {  	[sflag:s10] =	ssyncadd.s32 $0xFFFFFE00  }
.LBB2_53:
0x527: {  	s20 =	sshll.u32 s17, $0x9  }
0x528: {  	s31 =	sshll.u32 s17, $0x7;
	s20 =	sand.u32 $0xFFFFF000, s20  }
0x529: {  	s17 =	sand.u32 $0x380, s31;
	s21 =	sadd.s32 s5, s20  }
0x52a: {  	s21 =	sor.u32 s17, s21  }
0x52b: {  	s21 =	sshrl.u32 s21, $0x3  }
0x52c: {  	s22 =	simm.s32 $0x6080;
	s23 =	sadd.s32 s2, s21  }
0x52d: {  	[tilespmem:s22], [sflag:$0x1] =	stream.strided.gather [hbm4b:s23+s11], $0x200, s14, s11, $0x38;
	[tilespmem:$0x6500] =	vst v63  }
0x52e: {  	_ =	swait.ge [sflag:s10], $0x200  }
0x52f: {  	[sflag:s10] =	ssyncset.done $0x0  }
0x530: {  	[sflag:s10] =	ssyncadd.s32 $0xFFFFFE00  }
0x531: {  	v4 =	vmov s18;
	v5 =	vmov s19;
	s18 =	simm.s32 $0x0;
	s19 =	simm.s32 $0x10;
	v6 =	vld [tilespmem:s22+$0x0]  }
.LBB2_54:
0x532: {  	p0 =	sne.s32 s19, $0x1F0;
	v7 =	vor.u32 s18, v2;
	s18 =	smov.u32 s19  }
0x533: {  	vm0 =	vge.s32 v7, v4;
	vm1 =	vlt.s32 v7, v5  }
0x534: {  	vm0 =	vmand vm0, vm1  }
.Ltmp27:
0x535: {  	v7 =	vsel vm0, $0x0, v3;
	(pc) =	sbr.rel @p0 .LBB2_54-.Ltmp27, $3  }
0x536: {  	v6 =	vmul.f32 v6, v7;
	_ =	sdelay $0x1  }
0x537: {  	[tilespmem:s22+$0x0] =	vst v6;
	s22 =	sadd.s32 $0x10, s22  }
0x538: {  	s19 =	sadd.s32 $0x10, s19;
	v6 =	vld [tilespmem:s22+$0x0]  }
0x539: {  	v7 =	vor.u32 s18, v2  }
0x53a: {  	vm0 =	vge.s32 v7, v4;
	vm1 =	vlt.s32 v7, v5  }
0x53b: {  	vm0 =	vmand vm0, vm1  }
0x53c: {  	v7 =	vsel vm0, $0x0, v3  }
0x53d: {  	v6 =	vmul.f32 v6, v7;
	_ =	sdelay $0x1  }
0x53e: {  	s19 =	sadd.s32 s3, s21;
	s18 =	simm.s32 $0x6080;
	s30 =	sadd.s32 s7, s20;
	[tilespmem:s22+$0x0] =	vst v6  }
0x53f: {  	[hbm4b:s19+s11] =	stream.strided.scatter [tilespmem:s18], [sflag:$0x1], $0x200, s14, s11, $0x38;
	[tilespmem:$0x6500] =	vst v63  }
0x540: {  	s19 =	sor.u32 s17, s30;
	_ =	swait.ge [sflag:s10], $0x200  }
0x541: {  	s19 =	sshrl.u32 s19, $0x3;
	[sflag:s10] =	ssyncset.done $0x0  }
0x542: {  	s31 =	sadd.s32 s2, s19;
	[sflag:s10] =	ssyncadd.s32 $0xFFFFFE00  }
0x543: {  	[tilespmem:s18], [sflag:$0x1] =	stream.strided.gather [hbm4b:s31+s11], $0x200, s14, s11, $0x38;
	[tilespmem:$0x6500] =	vst v63  }
0x544: {  	_ =	swait.ge [sflag:s10], $0x200  }
0x545: {  	[sflag:s10] =	ssyncset.done $0x0  }
0x546: {  	[sflag:s10] =	ssyncadd.s32 $0xFFFFFE00  }
0x547: {  	s21 =	simm.s32 $0x0;
	s22 =	simm.s32 $0x10;
	v6 =	vld [tilespmem:s18+$0x0]  }
.LBB2_56:
0x548: {  	p0 =	sne.s32 s22, $0x1F0;
	v7 =	vor.u32 s21, v2;
	s21 =	smov.u32 s22  }
0x549: {  	vm0 =	vge.s32 v7, v4;
	vm1 =	vlt.s32 v7, v5  }
0x54a: {  	vm0 =	vmand vm0, vm1  }
.Ltmp28:
0x54b: {  	v7 =	vsel vm0, $0x0, v3;
	(pc) =	sbr.rel @p0 .LBB2_56-.Ltmp28, $3  }
0x54c: {  	v6 =	vmul.f32 v6, v7;
	_ =	sdelay $0x1  }
0x54d: {  	[tilespmem:s18+$0x0] =	vst v6;
	s18 =	sadd.s32 $0x10, s18  }
0x54e: {  	s22 =	sadd.s32 $0x10, s22;
	v6 =	vld [tilespmem:s18+$0x0]  }
0x54f: {  	v7 =	vor.u32 s21, v2  }
0x550: {  	vm0 =	vge.s32 v7, v4;
	vm1 =	vlt.s32 v7, v5  }
0x551: {  	vm0 =	vmand vm0, vm1  }
0x552: {  	v7 =	vsel vm0, $0x0, v3  }
0x553: {  	v6 =	vmul.f32 v6, v7;
	_ =	sdelay $0x1  }
0x554: {  	s19 =	sadd.s32 s3, s19;
	s30 =	sadd.s32 s8, s20;
	[tilespmem:s18+$0x0] =	vst v6;
	s18 =	simm.s32 $0x6080  }
0x555: {  	[hbm4b:s19+s11] =	stream.strided.scatter [tilespmem:s18], [sflag:$0x1], $0x200, s14, s11, $0x38;
	[tilespmem:$0x6500] =	vst v63  }
0x556: {  	s17 =	sor.u32 s17, s30;
	_ =	swait.ge [sflag:s10], $0x200  }
0x557: {  	s17 =	sshrl.u32 s17, $0x3;
	[sflag:s10] =	ssyncset.done $0x0  }
0x558: {  	s31 =	sadd.s32 s2, s17;
	[sflag:s10] =	ssyncadd.s32 $0xFFFFFE00  }
0x559: {  	[tilespmem:s18], [sflag:$0x1] =	stream.strided.gather [hbm4b:s31+s11], $0x200, s14, s11, $0x38;
	[tilespmem:$0x6500] =	vst v63  }
0x55a: {  	_ =	swait.ge [sflag:s10], $0x200  }
0x55b: {  	[sflag:s10] =	ssyncset.done $0x0  }
0x55c: {  	[sflag:s10] =	ssyncadd.s32 $0xFFFFFE00  }
0x55d: {  	s20 =	simm.s32 $0x10;
	s19 =	simm.s32 $0x0;
	v6 =	vld [tilespmem:s18+$0x0]  }
.LBB2_58:
0x55e: {  	p0 =	sne.s32 s20, $0x1F0;
	v7 =	vor.u32 s19, v2;
	s19 =	smov.u32 s20  }
0x55f: {  	vm0 =	vge.s32 v7, v4;
	vm1 =	vlt.s32 v7, v5  }
0x560: {  	vm0 =	vmand vm0, vm1  }
.Ltmp29:
0x561: {  	v7 =	vsel vm0, $0x0, v3;
	(pc) =	sbr.rel @p0 .LBB2_58-.Ltmp29, $3  }
0x562: {  	v6 =	vmul.f32 v6, v7;
	_ =	sdelay $0x1  }
0x563: {  	[tilespmem:s18+$0x0] =	vst v6;
	s18 =	sadd.s32 $0x10, s18  }
0x564: {  	s20 =	sadd.s32 $0x10, s20;
	v6 =	vld [tilespmem:s18+$0x0]  }
0x565: {  	v7 =	vor.u32 s19, v2  }
0x566: {  	vm0 =	vge.s32 v7, v4;
	vm1 =	vlt.s32 v7, v5  }
0x567: {  	vm0 =	vmand vm0, vm1  }
0x568: {  	v4 =	vsel vm0, $0x0, v3  }
0x569: {  	v4 =	vmul.f32 v6, v4;
	_ =	sdelay $0x1  }
0x56a: {  	s17 =	sadd.s32 s3, s17;
	[tilespmem:s18+$0x0] =	vst v4  }
0x56b: {  	[hbm4b:s17+s11] =	stream.strided.scatter [tilespmem:s15], [sflag:$0x1], $0x200, s14, s11, $0x38;
	[tilespmem:$0x6500] =	vst v63  }
0x56c: {  	_ =	swait.ge [sflag:s10], $0x200  }
0x56d: {  	[sflag:s10] =	ssyncset.done $0x0  }
0x56e: {  	[sflag:s10] =	ssyncadd.s32 $0xFFFFFE00  }
.LBB2_60:
0x56f: {  	s16 =	sadd.s32 $0x1, s16  }
0x570: {  	p0 =	sne.s32 s16, s9  }
.Ltmp30:
0x571: {  	_ = 	snop;
	(pc) =	sbr.rel @p0 .LBB2_2-.Ltmp30, $4  }
.Ltmp31:
0x572: {  	_ = 	snop;
	(pc) =	sbr.rel @!p0 .LBB2_61-.Ltmp31, $4  }
0x573: {  	_ = 	snop  }
0x574: {  	_ = 	snop  }
0x575: {  	_ = 	snop  }
0x576: {  	_ = 	snop  }
.LBB2_52:
0x577: {  	p0 =	slt.s32 s17, $0x0  }
.Ltmp32:
0x578: {  	_ = 	snop;
	(pc) =	sbr.rel @!p0 .LBB2_53-.Ltmp32, $4  }
.Ltmp33:
0x579: {  	_ = 	snop;
	(pc) =	sbr.rel @p0 .LBB2_60-.Ltmp33, $4  }
0x57a: {  	_ = 	snop  }
0x57b: {  	_ = 	snop  }
0x57c: {  	_ = 	snop  }
0x57d: {  	_ = 	snop  }
.LBB2_61:
0x57e: {  	_ =	sfence.sel $0x180000  }
0x57f: {  	[bflag:$0x0] =	sbarrier.arrive $0xFFFF  }
0x580: {  	p0 =	sne.s32 s1, $0x0;
	_ =	strace $0x90000047  }
0x581: {  	s0 =	sadd.s32 @!p0 $0x100000, s0;
	[bflag:$0x2] =	sbarrier.arrive $0xFFFF  }
0x582: {  	[sflag:s0] =	ssyncadd.tile.s32 @!p0 $0x1;
	_ =	shalt  }
.Lfunc_end2:
_tile_overlayer_lowered:
.L_overlay_start_2:
0x583: {  	(tag) =	ssettag $0x2  }
0x584: {  	s0 =	rddreg [dreg:$0x0];
	s2 =	stileid.u32  }
0x585: {  	s1 =	rddreg [dreg:$0x1];
	p0 =	sne.s32 s2, $0x0  }
0x586: {  	s3 =	rddreg [dreg:$0x2];
	[bflag:$0x3] =	sbarrier.arrive $0xFFFF;
	s2 =	simm.s32 @!p0 $0x1C01  }
0x587: {  	[timem:s3], [sflag:s2] =	dma.local @!p0 [hbm:s0], s1  }
0x588: {  	s0 =	simm.s32 @!p0 $0x1  }
0x589: {  	_ =	swait.ge @!p0 [sflag:s0], s1  }
0x58a: {  	s1 =	ssub.s32 @!p0 $0x0, s1;
	[sflag:s0] =	ssyncset.done @!p0 $0x0  }
0x58b: {  	[sflag:s0] =	ssyncadd.s32 @!p0 s1  }
0x58c: {  	[bflag:$0x3] =	sbarrier.arrive $0xFFFF  }
0x58d: {  	_ =	shalt  }

</sc_bundles>
